<compile_context>
chip_gen: v7x
topology: tpu7x:2x2x1
jax: 0.10.2.dev20260603
libtpu: 0.0.44.dev20260713+nightly
codegen_flags: <defaults>
</compile_context>

<pallas_src>
import functools

import jax
import jax.numpy as jnp
from jax import lax
from jax.experimental import pallas as pl
from jax.experimental.pallas import tpu as pltpu
from jax.experimental.pallas import tpu_sc as plsc

N = 10000
E = 320000
D = 128
NREL = 1000
NQ = 64000
B = 4096
TPAD = 368

NC = 2
NS = 16
NW = NC * NS
L = 16
VPR = D // L

EK = 40
E_PER_W = E // NW
E_CHUNKS = E_PER_W // EK
Q_PER_W = NQ // NW
Q_CHUNKS = Q_PER_W // EK
B_PER_W = B // NW
BK = 64
B_CHUNKS = B_PER_W // BK
NPAD = 10240
N_PER_S = NPAD // NS
ZK = 40
Z_CHUNKS = N_PER_S // ZK

def _mesh():
    return plsc.VectorSubcoreMesh(core_axis_name="c", subcore_axis_name="s",
                                  num_cores=NC, num_subcores=NS)


def _rows_op(dst_ref, k, body):
    def step(i, _):
        for jj in range(VPR):
            dst_ref[i, pl.ds(jj * L, L)] = body(i, jj * L)
        return 0
    lax.fori_loop(0, k, step, 0)


def _sc_agg_body(x0_hbm, rel_hbm, tt_hbm, src_hbm, dst_hbm, et_hbm, etime_hbm,
                 qr_hbm, qe_hbm, qedge_hbm,
                 p0_hbm, p1_hbm,
                 ib0, ib1, ib2,
                 abuf0, bbuf0, tbuf0, abuf1, bbuf1, tbuf1, abuf2, bbuf2, tbuf2,
                 aggS, semI0, semI1, semI2, semR0, semR1, semR2,
                 semQ0, semQ1):
    c = lax.axis_index("c")
    s = lax.axis_index("s")
    w = c * NS + s

    set0 = (ib0.at[0], ib0.at[1], ib0.at[2], ib0.at[3], abuf0, bbuf0, tbuf0,
            abuf0, semI0, semR0, ib0.at[4], semQ0)
    set1 = (ib1.at[0], ib1.at[1], ib1.at[2], ib1.at[3], abuf1, bbuf1, tbuf1,
            abuf1, semI1, semR1, ib1.at[4], semQ1)
    set2 = (ib2.at[0], ib2.at[1], ib2.at[2], ib2.at[3], abuf2, bbuf2, tbuf2,
            abuf2, semI2, semR2, ib2.at[4], semQ0)

    zero16 = jnp.zeros((L,), jnp.float32)
    _rows_op(abuf0, ZK, lambda i, j: zero16)
    r0 = s * N_PER_S

    def _zc(k, _):
        pltpu.sync_copy(abuf0, aggS.at[pl.ds(r0 + k * ZK, ZK)])
        return 0
    lax.fori_loop(0, Z_CHUNKS, _zc, 0)
    plsc.subcore_barrier()

    e0 = w * E_PER_W

    def _issue_idx(ci, st):
        i0, i1, i2, i3 = st[0], st[1], st[2], st[3]
        base = e0 + ci * EK
        pltpu.async_copy(src_hbm.at[pl.ds(base, EK)], i0, st[8])
        pltpu.async_copy(et_hbm.at[pl.ds(base, EK)], i1, st[8])
        pltpu.async_copy(etime_hbm.at[pl.ds(base, EK)], i2, st[8])
        pltpu.async_copy(dst_hbm.at[pl.ds(base, EK)], i3, st[8])

    def _wait_idx(st):
        pltpu.make_async_copy(src_hbm.at[pl.ds(0, EK)], st[0], st[8]).wait()
        pltpu.make_async_copy(et_hbm.at[pl.ds(0, EK)], st[1], st[8]).wait()
        pltpu.make_async_copy(etime_hbm.at[pl.ds(0, EK)], st[2], st[8]).wait()
        pltpu.make_async_copy(dst_hbm.at[pl.ds(0, EK)], st[3], st[8]).wait()

    def _issue_rows(st):
        pltpu.async_copy(x0_hbm.at[st[0]], st[4], st[9])
        pltpu.async_copy(rel_hbm.at[st[1]], st[5], st[9])
        pltpu.async_copy(tt_hbm.at[st[2]], st[6], st[9])

    def _wait_rows(st):
        pltpu.make_async_copy(x0_hbm.at[st[0]], st[4], st[9]).wait()
        pltpu.make_async_copy(rel_hbm.at[st[1]], st[5], st[9]).wait()
        pltpu.make_async_copy(tt_hbm.at[st[2]], st[6], st[9]).wait()

    def _estep(cur, stS, stT2):
        @pl.when(cur + 2 < E_CHUNKS)
        def _():
            _wait_idx(stT2)
            _issue_rows(stT2)
        _wait_rows(stS)
        a, b, t = stS[4], stS[5], stS[6]
        _rows_op(a, EK, lambda i, j:
                 (a[i, pl.ds(j, L)] - b[i, pl.ds(j, L)]) * t[i, pl.ds(j, L)])
        pltpu.sync_copy(a, aggS.at[stS[3]], add=True)

        @pl.when(cur + 3 < E_CHUNKS)
        def _():
            _issue_idx(cur + 3, stS)

    _issue_idx(0, set0)
    _issue_idx(1, set1)
    _wait_idx(set0)
    _issue_rows(set0)
    _wait_idx(set1)
    _issue_rows(set1)
    _issue_idx(2, set2)

    def _etriple(p, _):
        _estep(3 * p, set0, set2)
        _estep(3 * p + 1, set1, set0)
        _estep(3 * p + 2, set2, set1)
        return 0
    lax.fori_loop(0, E_CHUNKS // 3, _etriple, 0)
    _estep(E_CHUNKS - 1, set0, set2)

    q0 = w * Q_PER_W
    qseta = set0
    qsetb = set1

    def _q_issue_qidx(ci, st):
        base = q0 + ci * EK
        pltpu.async_copy(qedge_hbm.at[pl.ds(base, EK)], st[0], st[11])
        pltpu.async_copy(qr_hbm.at[pl.ds(base, EK)], st[1], st[11])
        pltpu.async_copy(qe_hbm.at[pl.ds(base, EK)], st[10], st[11])

    def _q_wait_qidx(st):
        pltpu.make_async_copy(qedge_hbm.at[pl.ds(0, EK)], st[0], st[11]).wait()
        pltpu.make_async_copy(qr_hbm.at[pl.ds(0, EK)], st[1], st[11]).wait()
        pltpu.make_async_copy(qe_hbm.at[pl.ds(0, EK)], st[10], st[11]).wait()

    def _q_issue_scal(st):
        pltpu.async_copy(dst_hbm.at[st[0]], st[3], st[8])
        pltpu.async_copy(etime_hbm.at[st[0]], st[2], st[8])

    def _q_wait_scal(st):
        pltpu.make_async_copy(dst_hbm.at[st[0]], st[3], st[8]).wait()
        pltpu.make_async_copy(etime_hbm.at[st[0]], st[2], st[8]).wait()

    def _q_issue_rows(st):
        pltpu.async_copy(x0_hbm.at[st[10]], st[4], st[9])
        pltpu.async_copy(rel_hbm.at[st[1]], st[5], st[9])
        pltpu.async_copy(tt_hbm.at[st[2]], st[6], st[9])

    def _q_wait_rows(st):
        pltpu.make_async_copy(x0_hbm.at[st[10]], st[4], st[9]).wait()
        pltpu.make_async_copy(rel_hbm.at[st[1]], st[5], st[9]).wait()
        pltpu.make_async_copy(tt_hbm.at[st[2]], st[6], st[9]).wait()

    def _qstep(cur, stS, stT):
        @pl.when(cur + 1 < Q_CHUNKS)
        def _():
            _q_wait_qidx(stT)
            _q_issue_scal(stT)
        _q_wait_rows(stS)

        @pl.when(cur + 1 < Q_CHUNKS)
        def _():
            _q_wait_scal(stT)
            _q_issue_rows(stT)
        a, b, t, m = stS[4], stS[5], stS[6], stS[7]
        _rows_op(m, EK, lambda i, j:
                 -(a[i, pl.ds(j, L)] * b[i, pl.ds(j, L)]) * t[i, pl.ds(j, L)])
        pltpu.sync_copy(m, aggS.at[stS[3]], add=True)

        @pl.when(cur + 2 < Q_CHUNKS)
        def _():
            _q_issue_qidx(cur + 2, stS)

    _q_issue_qidx(0, qseta)
    _q_wait_qidx(qseta)
    _q_issue_scal(qseta)
    _q_wait_scal(qseta)
    _q_issue_rows(qseta)
    _q_issue_qidx(1, qsetb)

    def _qpair(p, _):
        _qstep(2 * p, qseta, qsetb)
        _qstep(2 * p + 1, qsetb, qseta)
        return 0
    lax.fori_loop(0, Q_CHUNKS // 2, _qpair, 0)

    plsc.subcore_barrier()

    def _oc(k, _):
        r = r0 + k * ZK
        pltpu.sync_copy(aggS.at[pl.ds(r, ZK)], abuf0)

        @pl.when(c == 0)
        def _():
            pltpu.sync_copy(abuf0, p0_hbm.at[pl.ds(r, ZK)])

        @pl.when(c == 1)
        def _():
            pltpu.sync_copy(abuf0, p1_hbm.at[pl.ds(r, ZK)])
        return 0
    lax.fori_loop(0, Z_CHUNKS, _oc, 0)


def _sc_agg():
  return pl.kernel(
    _sc_agg_body,
    out_type=(jax.ShapeDtypeStruct((NPAD, D), jnp.float32),
              jax.ShapeDtypeStruct((NPAD, D), jnp.float32)),
    mesh=_mesh(),
    scratch_types=[
        pltpu.VMEM((5, EK), jnp.int32), pltpu.VMEM((5, EK), jnp.int32),
        pltpu.VMEM((5, EK), jnp.int32),
        pltpu.VMEM((EK, D), jnp.float32), pltpu.VMEM((EK, D), jnp.float32),
        pltpu.VMEM((EK, D), jnp.float32), pltpu.VMEM((EK, D), jnp.float32),
        pltpu.VMEM((EK, D), jnp.float32), pltpu.VMEM((EK, D), jnp.float32),
        pltpu.VMEM((EK, D), jnp.float32), pltpu.VMEM((EK, D), jnp.float32),
        pltpu.VMEM((EK, D), jnp.float32),
        pltpu.VMEM_SHARED((NPAD, D), jnp.float32),
        pltpu.SemaphoreType.DMA, pltpu.SemaphoreType.DMA,
        pltpu.SemaphoreType.DMA, pltpu.SemaphoreType.DMA,
        pltpu.SemaphoreType.DMA, pltpu.SemaphoreType.DMA,
        pltpu.SemaphoreType.DMA, pltpu.SemaphoreType.DMA,
    ],
  )


def _sc_query_body(p0_hbm, p1_hbm, reltab_hbm, sub_hbm, rel_hbm,
                   subrows_hbm, relrows_hbm,
                   iS, iR, abuf, bbuf, mbuf, sem0, sem1):
    c = lax.axis_index("c")
    s = lax.axis_index("s")
    w = c * NS + s
    b0 = w * B_PER_W

    def _chunk(ci, _):
        base = b0 + ci * BK
        pltpu.sync_copy(sub_hbm.at[pl.ds(base, BK)], iS)
        pltpu.sync_copy(rel_hbm.at[pl.ds(base, BK)], iR)
        cp1 = pltpu.async_copy(p0_hbm.at[iS], abuf, sem0)
        cp2 = pltpu.async_copy(p1_hbm.at[iS], bbuf, sem1)
        cp1.wait()
        cp2.wait()
        _rows_op(mbuf, BK, lambda i, j:
                 abuf[i, pl.ds(j, L)] + bbuf[i, pl.ds(j, L)])
        pltpu.sync_copy(mbuf, subrows_hbm.at[pl.ds(base, BK)])
        cp3 = pltpu.async_copy(reltab_hbm.at[iR], abuf, sem0)
        cp3.wait()
        pltpu.sync_copy(abuf, relrows_hbm.at[pl.ds(base, BK)])
        return 0
    lax.fori_loop(0, B_CHUNKS, _chunk, 0)


def _sc_query():
  return pl.kernel(
    _sc_query_body,
    out_type=(jax.ShapeDtypeStruct((B, D), jnp.float32),
              jax.ShapeDtypeStruct((B, D), jnp.float32)),
    mesh=_mesh(),
    scratch_types=[
        pltpu.VMEM((BK,), jnp.int32), pltpu.VMEM((BK,), jnp.int32),
        pltpu.VMEM((BK, D), jnp.float32), pltpu.VMEM((BK, D), jnp.float32),
        pltpu.VMEM((BK, D), jnp.float32),
        pltpu.SemaphoreType.DMA, pltpu.SemaphoreType.DMA,
    ],
  )


def _tc_time_body(trange_ref, timef_ref, w_ref, phi_ref, tt_ref, temb_ref):
    tt_ref[...] = jnp.cos(trange_ref[...] * w_ref[...] + phi_ref[...])
    temb_ref[...] = jnp.cos(timef_ref[...] * w_ref[...] + phi_ref[...])


def _tc_x_body(p0_ref, p1_ref, w_ref, x_ref):
    acc = p0_ref[...] + p1_ref[...]
    x_ref[...] = jnp.tanh(
        jnp.dot(acc, w_ref[...], preferred_element_type=jnp.float32))


def _tc_q_body(subrows_ref, temb_ref, relrows_ref, w_ref, wpt_ref, wpb_ref,
               bproj_ref, wrel_ref, sub_emb_ref, rel_emb_ref):
    sx = jnp.tanh(jnp.dot(subrows_ref[...], w_ref[...],
                          preferred_element_type=jnp.float32))
    sub_emb_ref[...] = (
        jnp.dot(sx, wpt_ref[...], preferred_element_type=jnp.float32)
        + jnp.dot(temb_ref[...], wpb_ref[...],
                  preferred_element_type=jnp.float32)
        + bproj_ref[...])
    rel_emb_ref[...] = jnp.dot(relrows_ref[...], wrel_ref[...],
                               preferred_element_type=jnp.float32)


def kernel(x0, init_rel, W, w_rel, basis_freq, phase, W_proj, b_proj,
           edge_index, edge_type, edge_time, quals, sub, rel, time):
    src = edge_index[0]
    dst = edge_index[1]
    qr, qe, qedge = quals[0], quals[1], quals[2]

    trange = jnp.arange(TPAD, dtype=jnp.float32)[:, None]
    timef = time.astype(jnp.float32)[:, None]
    wrow = basis_freq[None, :]
    phirow = phase[None, :]

    tt, temb = pl.pallas_call(
        _tc_time_body,
        out_shape=(jax.ShapeDtypeStruct((TPAD, D), jnp.float32),
                   jax.ShapeDtypeStruct((B, D), jnp.float32)),
    )(trange, timef, wrow, phirow)

    p0, p1 = _sc_agg()(x0, init_rel, tt, src, dst, edge_type, edge_time,
                       qr, qe, qedge)

    subrows, relrows = _sc_query()(p0, p1, init_rel, sub, rel)

    bs = 1024
    x = pl.pallas_call(
        _tc_x_body,
        grid=(pl.cdiv(N, bs),),
        in_specs=[pl.BlockSpec((bs, D), lambda i: (i, 0)),
                  pl.BlockSpec((bs, D), lambda i: (i, 0)),
                  pl.BlockSpec((D, D), lambda i: (0, 0))],
        out_specs=pl.BlockSpec((bs, D), lambda i: (i, 0)),
        out_shape=jax.ShapeDtypeStruct((N, D), jnp.float32),
    )(p0, p1, W)

    sub_emb, rel_emb = pl.pallas_call(
        _tc_q_body,
        out_shape=(jax.ShapeDtypeStruct((B, D), jnp.float32),
                   jax.ShapeDtypeStruct((B, D), jnp.float32)),
    )(subrows, temb, relrows, W, W_proj[:D], W_proj[D:], b_proj[None, :],
      w_rel)

    return sub_emb, rel_emb, x, temb

# --- scband reference (transcript-rebuilt; emitter-appended) ---
"""Pipeline reference for scband-hype-tkgencoder-51823075393725 (READ-ONLY COPY).

The authoritative reference and input builder live on the scoring server;
editing this copy changes nothing except your own understanding.
"""

import jax, jax.numpy as jnp
import numpy as np

N = 10000      # num entities
E = 320000     # num edges
D = 128        # emb_dim == gcn_dim (n_layer=1)
R = 500        # num relations (2R directed)
NQ = 64000     # sparse qualifier triples
B = 4096       # query batch
T = 366        # timestamps


def time_encode(t, basis_freq, phase):
    # TimeEncode (Bochner / TGAT-style): cos(t * w + phi)
    return jnp.cos(t[:, None].astype(jnp.float32) * basis_freq[None, :] + phase[None, :])


def setup_inputs(seed: int = 0) -> dict:
    key = jax.random.key(seed)
    ks = jax.random.split(key, 16)
    x0 = jax.random.normal(ks[0], (N, D), dtype=jnp.float32) * 0.02
    x0 = x0.at[0].set(0.0)
    init_rel = jax.random.normal(ks[1], (2 * R, D), dtype=jnp.float32) * 0.02
    init_rel = init_rel.at[0].set(0.0)
    W = jax.random.normal(ks[2], (D, D), dtype=jnp.float32) * 0.05
    w_rel = jax.random.normal(ks[3], (D, D), dtype=jnp.float32) * 0.05
    basis_freq = (1.0 / (10.0 ** jnp.linspace(0.0, 9.0, D))).astype(jnp.float32)
    phase = jnp.zeros((D,), dtype=jnp.float32)
    W_proj = jax.random.normal(ks[4], (2 * D, D), dtype=jnp.float32) * 0.05
    b_proj = jnp.zeros((D,), dtype=jnp.float32)
    edge_index = jax.random.randint(ks[5], (2, E), 0, N)
    edge_type = jax.random.randint(ks[6], (E,), 0, 2 * R)
    edge_time = jax.random.randint(ks[7], (E,), 0, T)
    quals = jnp.stack([
        jax.random.randint(ks[8], (NQ,), 0, 2 * R),   # qualifier relation ids
        jax.random.randint(ks[9], (NQ,), 0, N),       # qualifier entity ids
        jax.random.randint(ks[10], (NQ,), 0, E),      # owning edge id
    ])
    sub = jax.random.randint(ks[11], (B,), 0, N)
    rel = jax.random.randint(ks[12], (B,), 0, 2 * R)
    time = jax.random.randint(ks[13], (B,), 0, T)
    return {"x0": x0, "init_rel": init_rel, "W": W, "w_rel": w_rel,
            "basis_freq": basis_freq, "phase": phase, "W_proj": W_proj, "b_proj": b_proj,
            "edge_index": edge_index, "edge_type": edge_type, "edge_time": edge_time,
            "quals": quals, "sub": sub, "rel": rel, "time": time}


def reference(x0, init_rel, W, w_rel, basis_freq, phase, W_proj, b_proj,
              edge_index, edge_type, edge_time, quals, sub, rel, time):
    # HypeTKGConvLayer (1 layer, OPN='sub', sparse qualifier mode)
    src, dst = edge_index[0], edge_index[1]
    # qualifier composition: gather qual rel/ent embeds, scatter-add onto owning edge
    q = init_rel[quals[0]] * x0[quals[1]]
    qual_per_edge = jax.ops.segment_sum(q, quals[2], num_segments=E)
    rel_e = init_rel[edge_type] + qual_per_edge
    t_e = time_encode(edge_time, basis_freq, phase)
    msg = (x0[src] - rel_e) * t_e                       # composed, time-modulated message
    agg = jax.ops.segment_sum(msg, dst, num_segments=N) # scatter-add to dst nodes
    x = jnp.tanh(agg @ W)
    r = init_rel @ w_rel
    # forward_base query lookups
    sub_emb = x[sub]
    t_emb = time_encode(time, basis_freq, phase)
    sub_emb = jnp.concatenate([sub_emb, t_emb], axis=1) @ W_proj + b_proj  # proj(cat(ent, time))
    rel_emb = r[rel]
    return sub_emb, rel_emb, x, t_emb


if False:  # reference __main__ guard neutralized (emitter)
    out = reference(**setup_inputs())
    print([o.shape for o in out])

if __name__ == "__main__":
    import jax
    _d = setup_inputs()
    print(jax.jit(kernel)(*tuple(_d.values())))

</pallas_src>

<mosaic_0001>
#map = affine_map<(d0, d1) -> (0, 0)>
#map1 = affine_map<(d0, d1) -> (0)>
module attributes {stable_mosaic.version = 14 : i64} {
  func.func @_sc_query_body(%arg0: i32, %arg1: i32, %arg2: memref<10240x128xf32, #tpu.memory_space<hbm>>, %arg3: memref<10240x128xf32, #tpu.memory_space<hbm>>, %arg4: memref<1000x128xf32, #tpu.memory_space<hbm>>, %arg5: memref<4096xi32, #tpu.memory_space<hbm>>, %arg6: memref<4096xi32, #tpu.memory_space<hbm>>, %arg7: memref<4096x128xf32, #tpu.memory_space<hbm>>, %arg8: memref<4096x128xf32, #tpu.memory_space<hbm>>, %arg9: memref<64xi32, #tpu.memory_space<vmem>>, %arg10: memref<64xi32, #tpu.memory_space<vmem>>, %arg11: memref<64x128xf32, #tpu.memory_space<vmem>>, %arg12: memref<64x128xf32, #tpu.memory_space<vmem>>, %arg13: memref<64x128xf32, #tpu.memory_space<vmem>>, %arg14: memref<!tpu.dma_semaphore, #tpu.memory_space<semaphore_mem>>, %arg15: memref<!tpu.dma_semaphore, #tpu.memory_space<semaphore_mem>>) attributes {dimension_semantics = [#tpu.dimension_semantics<core_parallel>, #tpu.dimension_semantics<subcore_parallel>], iteration_bounds = array<i64: 2, 16>, scalar_prefetch = 0 : i64, scratch_operands = 7 : i64, tpu.core_type = #tpu.core_type<sc_vector_subcore>, window_params = [{transform_indices = #map}, {transform_indices = #map}, {transform_indices = #map}, {transform_indices = #map1}, {transform_indices = #map1}, {transform_indices = #map}, {transform_indices = #map}]} {
    %mul3A = arith.constant 16 : i32
    %mul3A_0 = arith.muli %arg0, %mul3A : i32
    %add3A = arith.addi %mul3A_0, %arg1 : i32
    %mul3A_1 = arith.constant 128 : i32
    %mul3A_2 = arith.muli %add3A, %mul3A_1 : i32
    %scan3A = arith.constant 0 : i32
    %scan3A_3 = arith.constant 0 : i32
    %scan3A_4 = arith.constant 2 : i32
    %scan3A_5 = arith.addi %scan3A_3, %scan3A_4 : i32
    %scan3A_6 = arith.constant 1 : i32
    %scan3A_7 = scf.for %scan3A_9 = %scan3A_3 to %scan3A_5 step %scan3A_6 iter_args(%scan3A_10 = %scan3A) -> (i32)  : i32 {
      %mul3A_11 = arith.constant 64 : i32
      %mul3A_12 = arith.muli %scan3A_9, %mul3A_11 : i32
      %add3A_13 = arith.addi %mul3A_2, %mul3A_12 : i32
      "tpu.region"() ({
        %run_scoped3A = tpu.sem_alloc : memref<!tpu.dma_semaphore, #tpu.memory_space<semaphore_mem>>
        %dma_start3A_38 = tpu.memref_slice %arg5[%add3A_13] : memref<4096xi32, #tpu.memory_space<hbm>> -> memref<64xi32, #tpu.memory_space<hbm>>
        %dma_start3A_39 = tpu.memref_slice %arg5[%add3A_13] : memref<4096xi32, #tpu.memory_space<hbm>> -> memref<64xi32, #tpu.memory_space<hbm>>
        tpu.enqueue_dma source(%dma_start3A_39 : memref<64xi32, #tpu.memory_space<hbm>>) target(%arg9 : memref<64xi32, #tpu.memory_space<vmem>>) target_semaphore(%run_scoped3A : memref<!tpu.dma_semaphore, #tpu.memory_space<semaphore_mem>>)
        %dma_wait3A_40 = tpu.memref_slice %arg5[%add3A_13] : memref<4096xi32, #tpu.memory_space<hbm>> -> memref<64xi32, #tpu.memory_space<hbm>>
        %dma_wait3A_41 = tpu.memref_slice %arg5[%add3A_13] : memref<4096xi32, #tpu.memory_space<hbm>> -> memref<64xi32, #tpu.memory_space<hbm>>
        tpu.wait_dma2 semaphore(%run_scoped3A : memref<!tpu.dma_semaphore, #tpu.memory_space<semaphore_mem>>) src(%dma_wait3A_41 : memref<64xi32, #tpu.memory_space<hbm>>) dst(%arg9 : memref<64xi32, #tpu.memory_space<vmem>>)
        tpu.yield
      }) : () -> ()
      "tpu.region"() ({
        %run_scoped3A = tpu.sem_alloc : memref<!tpu.dma_semaphore, #tpu.memory_space<semaphore_mem>>
        %dma_start3A_38 = tpu.memref_slice %arg6[%add3A_13] : memref<4096xi32, #tpu.memory_space<hbm>> -> memref<64xi32, #tpu.memory_space<hbm>>
        %dma_start3A_39 = tpu.memref_slice %arg6[%add3A_13] : memref<4096xi32, #tpu.memory_space<hbm>> -> memref<64xi32, #tpu.memory_space<hbm>>
        tpu.enqueue_dma source(%dma_start3A_39 : memref<64xi32, #tpu.memory_space<hbm>>) target(%arg10 : memref<64xi32, #tpu.memory_space<vmem>>) target_semaphore(%run_scoped3A : memref<!tpu.dma_semaphore, #tpu.memory_space<semaphore_mem>>)
        %dma_wait3A_40 = tpu.memref_slice %arg6[%add3A_13] : memref<4096xi32, #tpu.memory_space<hbm>> -> memref<64xi32, #tpu.memory_space<hbm>>
        %dma_wait3A_41 = tpu.memref_slice %arg6[%add3A_13] : memref<4096xi32, #tpu.memory_space<hbm>> -> memref<64xi32, #tpu.memory_space<hbm>>
        tpu.wait_dma2 semaphore(%run_scoped3A : memref<!tpu.dma_semaphore, #tpu.memory_space<semaphore_mem>>) src(%dma_wait3A_41 : memref<64xi32, #tpu.memory_space<hbm>>) dst(%arg10 : memref<64xi32, #tpu.memory_space<vmem>>)
        tpu.yield
      }) : () -> ()
      %dma_start3A = arith.constant 0 : i32
      %dma_start3A_14 = arith.constant 0 : i32
      %dma_start3A_15 = tpu.memref_slice %arg2[%dma_start3A, %dma_start3A_14] : memref<10240x128xf32, #tpu.memory_space<hbm>> -> memref<10240x128xf32, #tpu.memory_space<hbm>>
      tpu.enqueue_indirect_dma source(%dma_start3A_15 : memref<10240x128xf32, #tpu.memory_space<hbm>>) target(%arg11 : memref<64x128xf32, #tpu.memory_space<vmem>>) offsets(%arg9 : memref<64xi32, #tpu.memory_space<vmem>>) semaphore(%arg14 : memref<!tpu.dma_semaphore, #tpu.memory_space<semaphore_mem>>)
      %dma_start3A_16 = arith.constant 0 : i32
      %dma_start3A_17 = arith.constant 0 : i32
      %dma_start3A_18 = tpu.memref_slice %arg3[%dma_start3A_16, %dma_start3A_17] : memref<10240x128xf32, #tpu.memory_space<hbm>> -> memref<10240x128xf32, #tpu.memory_space<hbm>>
      tpu.enqueue_indirect_dma source(%dma_start3A_18 : memref<10240x128xf32, #tpu.memory_space<hbm>>) target(%arg12 : memref<64x128xf32, #tpu.memory_space<vmem>>) offsets(%arg9 : memref<64xi32, #tpu.memory_space<vmem>>) semaphore(%arg15 : memref<!tpu.dma_semaphore, #tpu.memory_space<semaphore_mem>>)
      %dma_wait3A = arith.constant 0 : i32
      %dma_wait3A_19 = arith.constant 0 : i32
      %dma_wait3A_20 = tpu.memref_slice %arg2[%dma_wait3A, %dma_wait3A_19] : memref<10240x128xf32, #tpu.memory_space<hbm>> -> memref<10240x128xf32, #tpu.memory_space<hbm>>
      tpu.wait_indirect_dma semaphore(%arg14 : memref<!tpu.dma_semaphore, #tpu.memory_space<semaphore_mem>>) src(%dma_wait3A_20 : memref<10240x128xf32, #tpu.memory_space<hbm>>) dst(%arg11 : memref<64x128xf32, #tpu.memory_space<vmem>>)
      %dma_wait3A_21 = arith.constant 0 : i32
      %dma_wait3A_22 = arith.constant 0 : i32
      %dma_wait3A_23 = tpu.memref_slice %arg3[%dma_wait3A_21, %dma_wait3A_22] : memref<10240x128xf32, #tpu.memory_space<hbm>> -> memref<10240x128xf32, #tpu.memory_space<hbm>>
      tpu.wait_indirect_dma semaphore(%arg15 : memref<!tpu.dma_semaphore, #tpu.memory_space<semaphore_mem>>) src(%dma_wait3A_23 : memref<10240x128xf32, #tpu.memory_space<hbm>>) dst(%arg12 : memref<64x128xf32, #tpu.memory_space<vmem>>)
      %scan3A_24 = arith.constant 0 : i32
      %scan3A_25 = arith.constant 0 : i32
      %scan3A_26 = arith.constant 64 : i32
      %scan3A_27 = arith.addi %scan3A_25, %scan3A_26 : i32
      %scan3A_28 = arith.constant 1 : i32
      %scan3A_29 = scf.for %scan3A_38 = %scan3A_25 to %scan3A_27 step %scan3A_28 iter_args(%scan3A_39 = %scan3A_24) -> (i32)  : i32 {
        %get3A = arith.index_cast %scan3A_38 : i32 to index
        %get3A_40 = arith.constant 0 : index
        %get3A_41 = tpu.vector_load %arg11[%get3A, %get3A_40] {strides = array<i32>} : memref<64x128xf32, #tpu.memory_space<vmem>>, vector<1x16xf32>,
        %get3A_42 = vector.shape_cast %get3A_41 : vector<1x16xf32> to vector<16xf32>
        %get3A_43 = arith.index_cast %scan3A_38 : i32 to index
        %get3A_44 = arith.constant 0 : index
        %get3A_45 = tpu.vector_load %arg12[%get3A_43, %get3A_44] {strides = array<i32>} : memref<64x128xf32, #tpu.memory_space<vmem>>, vector<1x16xf32>,
        %get3A_46 = vector.shape_cast %get3A_45 : vector<1x16xf32> to vector<16xf32>
        %add3A_47 = arith.addf %get3A_42, %get3A_46 : vector<16xf32>
        %swap3A = arith.index_cast %scan3A_38 : i32 to index
        %swap3A_48 = arith.constant 0 : index
        %swap3A_49 = tpu.vector_load %arg13[%swap3A, %swap3A_48] {strides = array<i32>} : memref<64x128xf32, #tpu.memory_space<vmem>>, vector<1x16xf32>,
        %swap3A_50 = vector.shape_cast %swap3A_49 : vector<1x16xf32> to vector<16xf32>
        %swap3A_51 = vector.shape_cast %add3A_47 : vector<16xf32> to vector<1x16xf32>
        tpu.vector_store %arg13[%swap3A, %swap3A_48], %swap3A_51 {strides = array<i32>} : memref<64x128xf32, #tpu.memory_space<vmem>>, vector<1x16xf32>,
        %get3A_52 = arith.index_cast %scan3A_38 : i32 to index
        %get3A_53 = arith.constant 16 : index
        %get3A_54 = tpu.vector_load %arg11[%get3A_52, %get3A_53] {strides = array<i32>} : memref<64x128xf32, #tpu.memory_space<vmem>>, vector<1x16xf32>,
        %get3A_55 = vector.shape_cast %get3A_54 : vector<1x16xf32> to vector<16xf32>
        %get3A_56 = arith.index_cast %scan3A_38 : i32 to index
        %get3A_57 = arith.constant 16 : index
        %get3A_58 = tpu.vector_load %arg12[%get3A_56, %get3A_57] {strides = array<i32>} : memref<64x128xf32, #tpu.memory_space<vmem>>, vector<1x16xf32>,
        %get3A_59 = vector.shape_cast %get3A_58 : vector<1x16xf32> to vector<16xf32>
        %add3A_60 = arith.addf %get3A_55, %get3A_59 : vector<16xf32>
        %swap3A_61 = arith.index_cast %scan3A_38 : i32 to index
        %swap3A_62 = arith.constant 16 : index
        %swap3A_63 = tpu.vector_load %arg13[%swap3A_61, %swap3A_62] {strides = array<i32>} : memref<64x128xf32, #tpu.memory_space<vmem>>, vector<1x16xf32>,
        %swap3A_64 = vector.shape_cast %swap3A_63 : vector<1x16xf32> to vector<16xf32>
        %swap3A_65 = vector.shape_cast %add3A_60 : vector<16xf32> to vector<1x16xf32>
        tpu.vector_store %arg13[%swap3A_61, %swap3A_62], %swap3A_65 {strides = array<i32>} : memref<64x128xf32, #tpu.memory_space<vmem>>, vector<1x16xf32>,
        %get3A_66 = arith.index_cast %scan3A_38 : i32 to index
        %get3A_67 = arith.constant 32 : index
        %get3A_68 = tpu.vector_load %arg11[%get3A_66, %get3A_67] {strides = array<i32>} : memref<64x128xf32, #tpu.memory_space<vmem>>, vector<1x16xf32>,
        %get3A_69 = vector.shape_cast %get3A_68 : vector<1x16xf32> to vector<16xf32>
        %get3A_70 = arith.index_cast %scan3A_38 : i32 to index
        %get3A_71 = arith.constant 32 : index
        %get3A_72 = tpu.vector_load %arg12[%get3A_70, %get3A_71] {strides = array<i32>} : memref<64x128xf32, #tpu.memory_space<vmem>>, vector<1x16xf32>,
        %get3A_73 = vector.shape_cast %get3A_72 : vector<1x16xf32> to vector<16xf32>
        %add3A_74 = arith.addf %get3A_69, %get3A_73 : vector<16xf32>
        %swap3A_75 = arith.index_cast %scan3A_38 : i32 to index
        %swap3A_76 = arith.constant 32 : index
        %swap3A_77 = tpu.vector_load %arg13[%swap3A_75, %swap3A_76] {strides = array<i32>} : memref<64x128xf32, #tpu.memory_space<vmem>>, vector<1x16xf32>,
        %swap3A_78 = vector.shape_cast %swap3A_77 : vector<1x16xf32> to vector<16xf32>
        %swap3A_79 = vector.shape_cast %add3A_74 : vector<16xf32> to vector<1x16xf32>
        tpu.vector_store %arg13[%swap3A_75, %swap3A_76], %swap3A_79 {strides = array<i32>} : memref<64x128xf32, #tpu.memory_space<vmem>>, vector<1x16xf32>,
        %get3A_80 = arith.index_cast %scan3A_38 : i32 to index
        %get3A_81 = arith.constant 48 : index
        %get3A_82 = tpu.vector_load %arg11[%get3A_80, %get3A_81] {strides = array<i32>} : memref<64x128xf32, #tpu.memory_space<vmem>>, vector<1x16xf32>,
        %get3A_83 = vector.shape_cast %get3A_82 : vector<1x16xf32> to vector<16xf32>
        %get3A_84 = arith.index_cast %scan3A_38 : i32 to index
        %get3A_85 = arith.constant 48 : index
        %get3A_86 = tpu.vector_load %arg12[%get3A_84, %get3A_85] {strides = array<i32>} : memref<64x128xf32, #tpu.memory_space<vmem>>, vector<1x16xf32>,
        %get3A_87 = vector.shape_cast %get3A_86 : vector<1x16xf32> to vector<16xf32>
        %add3A_88 = arith.addf %get3A_83, %get3A_87 : vector<16xf32>
        %swap3A_89 = arith.index_cast %scan3A_38 : i32 to index
        %swap3A_90 = arith.constant 48 : index
        %swap3A_91 = tpu.vector_load %arg13[%swap3A_89, %swap3A_90] {strides = array<i32>} : memref<64x128xf32, #tpu.memory_space<vmem>>, vector<1x16xf32>,
        %swap3A_92 = vector.shape_cast %swap3A_91 : vector<1x16xf32> to vector<16xf32>
        %swap3A_93 = vector.shape_cast %add3A_88 : vector<16xf32> to vector<1x16xf32>
        tpu.vector_store %arg13[%swap3A_89, %swap3A_90], %swap3A_93 {strides = array<i32>} : memref<64x128xf32, #tpu.memory_space<vmem>>, vector<1x16xf32>,
        %get3A_94 = arith.index_cast %scan3A_38 : i32 to index
        %get3A_95 = arith.constant 64 : index
        %get3A_96 = tpu.vector_load %arg11[%get3A_94, %get3A_95] {strides = array<i32>} : memref<64x128xf32, #tpu.memory_space<vmem>>, vector<1x16xf32>,
        %get3A_97 = vector.shape_cast %get3A_96 : vector<1x16xf32> to vector<16xf32>
        %get3A_98 = arith.index_cast %scan3A_38 : i32 to index
        %get3A_99 = arith.constant 64 : index
        %get3A_100 = tpu.vector_load %arg12[%get3A_98, %get3A_99] {strides = array<i32>} : memref<64x128xf32, #tpu.memory_space<vmem>>, vector<1x16xf32>,
        %get3A_101 = vector.shape_cast %get3A_100 : vector<1x16xf32> to vector<16xf32>
        %add3A_102 = arith.addf %get3A_97, %get3A_101 : vector<16xf32>
        %swap3A_103 = arith.index_cast %scan3A_38 : i32 to index
        %swap3A_104 = arith.constant 64 : index
        %swap3A_105 = tpu.vector_load %arg13[%swap3A_103, %swap3A_104] {strides = array<i32>} : memref<64x128xf32, #tpu.memory_space<vmem>>, vector<1x16xf32>,
        %swap3A_106 = vector.shape_cast %swap3A_105 : vector<1x16xf32> to vector<16xf32>
        %swap3A_107 = vector.shape_cast %add3A_102 : vector<16xf32> to vector<1x16xf32>
        tpu.vector_store %arg13[%swap3A_103, %swap3A_104], %swap3A_107 {strides = array<i32>} : memref<64x128xf32, #tpu.memory_space<vmem>>, vector<1x16xf32>,
        %get3A_108 = arith.index_cast %scan3A_38 : i32 to index
        %get3A_109 = arith.constant 80 : index
        %get3A_110 = tpu.vector_load %arg11[%get3A_108, %get3A_109] {strides = array<i32>} : memref<64x128xf32, #tpu.memory_space<vmem>>, vector<1x16xf32>,
        %get3A_111 = vector.shape_cast %get3A_110 : vector<1x16xf32> to vector<16xf32>
        %get3A_112 = arith.index_cast %scan3A_38 : i32 to index
        %get3A_113 = arith.constant 80 : index
        %get3A_114 = tpu.vector_load %arg12[%get3A_112, %get3A_113] {strides = array<i32>} : memref<64x128xf32, #tpu.memory_space<vmem>>, vector<1x16xf32>,
        %get3A_115 = vector.shape_cast %get3A_114 : vector<1x16xf32> to vector<16xf32>
        %add3A_116 = arith.addf %get3A_111, %get3A_115 : vector<16xf32>
        %swap3A_117 = arith.index_cast %scan3A_38 : i32 to index
        %swap3A_118 = arith.constant 80 : index
        %swap3A_119 = tpu.vector_load %arg13[%swap3A_117, %swap3A_118] {strides = array<i32>} : memref<64x128xf32, #tpu.memory_space<vmem>>, vector<1x16xf32>,
        %swap3A_120 = vector.shape_cast %swap3A_119 : vector<1x16xf32> to vector<16xf32>
        %swap3A_121 = vector.shape_cast %add3A_116 : vector<16xf32> to vector<1x16xf32>
        tpu.vector_store %arg13[%swap3A_117, %swap3A_118], %swap3A_121 {strides = array<i32>} : memref<64x128xf32, #tpu.memory_space<vmem>>, vector<1x16xf32>,
        %get3A_122 = arith.index_cast %scan3A_38 : i32 to index
        %get3A_123 = arith.constant 96 : index
        %get3A_124 = tpu.vector_load %arg11[%get3A_122, %get3A_123] {strides = array<i32>} : memref<64x128xf32, #tpu.memory_space<vmem>>, vector<1x16xf32>,
        %get3A_125 = vector.shape_cast %get3A_124 : vector<1x16xf32> to vector<16xf32>
        %get3A_126 = arith.index_cast %scan3A_38 : i32 to index
        %get3A_127 = arith.constant 96 : index
        %get3A_128 = tpu.vector_load %arg12[%get3A_126, %get3A_127] {strides = array<i32>} : memref<64x128xf32, #tpu.memory_space<vmem>>, vector<1x16xf32>,
        %get3A_129 = vector.shape_cast %get3A_128 : vector<1x16xf32> to vector<16xf32>
        %add3A_130 = arith.addf %get3A_125, %get3A_129 : vector<16xf32>
        %swap3A_131 = arith.index_cast %scan3A_38 : i32 to index
        %swap3A_132 = arith.constant 96 : index
        %swap3A_133 = tpu.vector_load %arg13[%swap3A_131, %swap3A_132] {strides = array<i32>} : memref<64x128xf32, #tpu.memory_space<vmem>>, vector<1x16xf32>,
        %swap3A_134 = vector.shape_cast %swap3A_133 : vector<1x16xf32> to vector<16xf32>
        %swap3A_135 = vector.shape_cast %add3A_130 : vector<16xf32> to vector<1x16xf32>
        tpu.vector_store %arg13[%swap3A_131, %swap3A_132], %swap3A_135 {strides = array<i32>} : memref<64x128xf32, #tpu.memory_space<vmem>>, vector<1x16xf32>,
        %get3A_136 = arith.index_cast %scan3A_38 : i32 to index
        %get3A_137 = arith.constant 112 : index
        %get3A_138 = tpu.vector_load %arg11[%get3A_136, %get3A_137] {strides = array<i32>} : memref<64x128xf32, #tpu.memory_space<vmem>>, vector<1x16xf32>,
        %get3A_139 = vector.shape_cast %get3A_138 : vector<1x16xf32> to vector<16xf32>
        %get3A_140 = arith.index_cast %scan3A_38 : i32 to index
        %get3A_141 = arith.constant 112 : index
        %get3A_142 = tpu.vector_load %arg12[%get3A_140, %get3A_141] {strides = array<i32>} : memref<64x128xf32, #tpu.memory_space<vmem>>, vector<1x16xf32>,
        %get3A_143 = vector.shape_cast %get3A_142 : vector<1x16xf32> to vector<16xf32>
        %add3A_144 = arith.addf %get3A_139, %get3A_143 : vector<16xf32>
        %swap3A_145 = arith.index_cast %scan3A_38 : i32 to index
        %swap3A_146 = arith.constant 112 : index
        %swap3A_147 = tpu.vector_load %arg13[%swap3A_145, %swap3A_146] {strides = array<i32>} : memref<64x128xf32, #tpu.memory_space<vmem>>, vector<1x16xf32>,
        %swap3A_148 = vector.shape_cast %swap3A_147 : vector<1x16xf32> to vector<16xf32>
        %swap3A_149 = vector.shape_cast %add3A_144 : vector<16xf32> to vector<1x16xf32>
        tpu.vector_store %arg13[%swap3A_145, %swap3A_146], %swap3A_149 {strides = array<i32>} : memref<64x128xf32, #tpu.memory_space<vmem>>, vector<1x16xf32>,
        %scan3A_150 = arith.constant 0 : i32
        scf.yield %scan3A_150 : i32
      }
      %scan3A_30 = arith.constant 64 : i32
      "tpu.region"() ({
        %run_scoped3A = tpu.sem_alloc : memref<!tpu.dma_semaphore, #tpu.memory_space<semaphore_mem>>
        %dma_start3A_38 = arith.constant 0 : i32
        %dma_start3A_39 = tpu.memref_slice %arg7[%add3A_13, %dma_start3A_38] : memref<4096x128xf32, #tpu.memory_space<hbm>> -> memref<64x128xf32, #tpu.memory_space<hbm>>
        %dma_start3A_40 = arith.constant 0 : i32
        %dma_start3A_41 = tpu.memref_slice %arg7[%add3A_13, %dma_start3A_40] : memref<4096x128xf32, #tpu.memory_space<hbm>> -> memref<64x128xf32, #tpu.memory_space<hbm>>
        tpu.enqueue_dma source(%arg13 : memref<64x128xf32, #tpu.memory_space<vmem>>) target(%dma_start3A_41 : memref<64x128xf32, #tpu.memory_space<hbm>>) target_semaphore(%run_scoped3A : memref<!tpu.dma_semaphore, #tpu.memory_space<semaphore_mem>>)
        %dma_wait3A_42 = arith.constant 0 : i32
        %dma_wait3A_43 = tpu.memref_slice %arg7[%add3A_13, %dma_wait3A_42] : memref<4096x128xf32, #tpu.memory_space<hbm>> -> memref<64x128xf32, #tpu.memory_space<hbm>>
        %dma_wait3A_44 = arith.constant 0 : i32
        %dma_wait3A_45 = tpu.memref_slice %arg7[%add3A_13, %dma_wait3A_44] : memref<4096x128xf32, #tpu.memory_space<hbm>> -> memref<64x128xf32, #tpu.memory_space<hbm>>
        tpu.wait_dma2 semaphore(%run_scoped3A : memref<!tpu.dma_semaphore, #tpu.memory_space<semaphore_mem>>) src(%arg13 : memref<64x128xf32, #tpu.memory_space<vmem>>) dst(%dma_wait3A_45 : memref<64x128xf32, #tpu.memory_space<hbm>>)
        tpu.yield
      }) : () -> ()
      %dma_start3A_31 = arith.constant 0 : i32
      %dma_start3A_32 = arith.constant 0 : i32
      %dma_start3A_33 = tpu.memref_slice %arg4[%dma_start3A_31, %dma_start3A_32] : memref<1000x128xf32, #tpu.memory_space<hbm>> -> memref<1000x128xf32, #tpu.memory_space<hbm>>
      tpu.enqueue_indirect_dma source(%dma_start3A_33 : memref<1000x128xf32, #tpu.memory_space<hbm>>) target(%arg11 : memref<64x128xf32, #tpu.memory_space<vmem>>) offsets(%arg10 : memref<64xi32, #tpu.memory_space<vmem>>) semaphore(%arg14 : memref<!tpu.dma_semaphore, #tpu.memory_space<semaphore_mem>>)
      %dma_wait3A_34 = arith.constant 0 : i32
      %dma_wait3A_35 = arith.constant 0 : i32
      %dma_wait3A_36 = tpu.memref_slice %arg4[%dma_wait3A_34, %dma_wait3A_35] : memref<1000x128xf32, #tpu.memory_space<hbm>> -> memref<1000x128xf32, #tpu.memory_space<hbm>>
      tpu.wait_indirect_dma semaphore(%arg14 : memref<!tpu.dma_semaphore, #tpu.memory_space<semaphore_mem>>) src(%dma_wait3A_36 : memref<1000x128xf32, #tpu.memory_space<hbm>>) dst(%arg11 : memref<64x128xf32, #tpu.memory_space<vmem>>)
      "tpu.region"() ({
        %run_scoped3A = tpu.sem_alloc : memref<!tpu.dma_semaphore, #tpu.memory_space<semaphore_mem>>
        %dma_start3A_38 = arith.constant 0 : i32
        %dma_start3A_39 = tpu.memref_slice %arg8[%add3A_13, %dma_start3A_38] : memref<4096x128xf32, #tpu.memory_space<hbm>> -> memref<64x128xf32, #tpu.memory_space<hbm>>
        %dma_start3A_40 = arith.constant 0 : i32
        %dma_start3A_41 = tpu.memref_slice %arg8[%add3A_13, %dma_start3A_40] : memref<4096x128xf32, #tpu.memory_space<hbm>> -> memref<64x128xf32, #tpu.memory_space<hbm>>
        tpu.enqueue_dma source(%arg11 : memref<64x128xf32, #tpu.memory_space<vmem>>) target(%dma_start3A_41 : memref<64x128xf32, #tpu.memory_space<hbm>>) target_semaphore(%run_scoped3A : memref<!tpu.dma_semaphore, #tpu.memory_space<semaphore_mem>>)
        %dma_wait3A_42 = arith.constant 0 : i32
        %dma_wait3A_43 = tpu.memref_slice %arg8[%add3A_13, %dma_wait3A_42] : memref<4096x128xf32, #tpu.memory_space<hbm>> -> memref<64x128xf32, #tpu.memory_space<hbm>>
        %dma_wait3A_44 = arith.constant 0 : i32
        %dma_wait3A_45 = tpu.memref_slice %arg8[%add3A_13, %dma_wait3A_44] : memref<4096x128xf32, #tpu.memory_space<hbm>> -> memref<64x128xf32, #tpu.memory_space<hbm>>
        tpu.wait_dma2 semaphore(%run_scoped3A : memref<!tpu.dma_semaphore, #tpu.memory_space<semaphore_mem>>) src(%arg11 : memref<64x128xf32, #tpu.memory_space<vmem>>) dst(%dma_wait3A_45 : memref<64x128xf32, #tpu.memory_space<hbm>>)
        tpu.yield
      }) : () -> ()
      %scan3A_37 = arith.constant 0 : i32
      scf.yield %scan3A_37 : i32
    }
    %scan3A_8 = arith.constant 2 : i32
    return
  }
}

#map = affine_map<(d0, d1) -> (0, 0)>
#map1 = affine_map<(d0, d1) -> (0)>
module attributes {stable_mosaic.version = 14 : i64} {
  func.func @_sc_agg_body(%arg0: i32, %arg1: i32, %arg2: memref<10000x128xf32, #tpu.memory_space<hbm>>, %arg3: memref<1000x128xf32, #tpu.memory_space<hbm>>, %arg4: memref<368x128xf32, #tpu.memory_space<hbm>>, %arg5: memref<320000xi32, #tpu.memory_space<hbm>>, %arg6: memref<320000xi32, #tpu.memory_space<hbm>>, %arg7: memref<320000xi32, #tpu.memory_space<hbm>>, %arg8: memref<320000xi32, #tpu.memory_space<hbm>>, %arg9: memref<64000xi32, #tpu.memory_space<hbm>>, %arg10: memref<64000xi32, #tpu.memory_space<hbm>>, %arg11: memref<64000xi32, #tpu.memory_space<hbm>>, %arg12: memref<10240x128xf32, #tpu.memory_space<hbm>>, %arg13: memref<10240x128xf32, #tpu.memory_space<hbm>>, %arg14: memref<5x40xi32, #tpu.memory_space<vmem>>, %arg15: memref<5x40xi32, #tpu.memory_space<vmem>>, %arg16: memref<5x40xi32, #tpu.memory_space<vmem>>, %arg17: memref<40x128xf32, #tpu.memory_space<vmem>>, %arg18: memref<40x128xf32, #tpu.memory_space<vmem>>, %arg19: memref<40x128xf32, #tpu.memory_space<vmem>>, %arg20: memref<40x128xf32, #tpu.memory_space<vmem>>, %arg21: memref<40x128xf32, #tpu.memory_space<vmem>>, %arg22: memref<40x128xf32, #tpu.memory_space<vmem>>, %arg23: memref<40x128xf32, #tpu.memory_space<vmem>>, %arg24: memref<40x128xf32, #tpu.memory_space<vmem>>, %arg25: memref<40x128xf32, #tpu.memory_space<vmem>>, %arg26: memref<10240x128xf32, #tpu.memory_space<vmem_shared>>, %arg27: memref<!tpu.dma_semaphore, #tpu.memory_space<semaphore_mem>>, %arg28: memref<!tpu.dma_semaphore, #tpu.memory_space<semaphore_mem>>, %arg29: memref<!tpu.dma_semaphore, #tpu.memory_space<semaphore_mem>>, %arg30: memref<!tpu.dma_semaphore, #tpu.memory_space<semaphore_mem>>, %arg31: memref<!tpu.dma_semaphore, #tpu.memory_space<semaphore_mem>>, %arg32: memref<!tpu.dma_semaphore, #tpu.memory_space<semaphore_mem>>, %arg33: memref<!tpu.dma_semaphore, #tpu.memory_space<semaphore_mem>>, %arg34: memref<!tpu.dma_semaphore, #tpu.memory_space<semaphore_mem>>) attributes {dimension_semantics = [#tpu.dimension_semantics<core_parallel>, #tpu.dimension_semantics<subcore_parallel>], iteration_bounds = array<i64: 2, 16>, scalar_prefetch = 0 : i64, scratch_operands = 21 : i64, tpu.core_type = #tpu.core_type<sc_vector_subcore>, window_params = [{transform_indices = #map}, {transform_indices = #map}, {transform_indices = #map}, {transform_indices = #map1}, {transform_indices = #map1}, {transform_indices = #map1}, {transform_indices = #map1}, {transform_indices = #map1}, {transform_indices = #map1}, {transform_indices = #map1}, {transform_indices = #map}, {transform_indices = #map}]} {
    %mul3A = arith.constant 16 : i32
    %mul3A_0 = arith.muli %arg0, %mul3A : i32
    %add3A = arith.addi %mul3A_0, %arg1 : i32
    %broadcast_in_dim3A = arith.constant 0.000000e+00 : f32
    %broadcast_in_dim3A_1 = vector.broadcast %broadcast_in_dim3A : f32 to vector<16xf32>
    %scan3A = arith.constant 0 : i32
    %scan3A_2 = arith.constant 0 : i32
    %scan3A_3 = arith.constant 40 : i32
    %scan3A_4 = arith.addi %scan3A_2, %scan3A_3 : i32
    %scan3A_5 = arith.constant 1 : i32
    %scan3A_6 = scf.for %scan3A_487 = %scan3A_2 to %scan3A_4 step %scan3A_5 iter_args(%scan3A_488 = %scan3A) -> (i32)  : i32 {
      %swap3A = arith.index_cast %scan3A_487 : i32 to index
      %swap3A_489 = arith.constant 0 : index
      %swap3A_490 = tpu.vector_load %arg17[%swap3A, %swap3A_489] {strides = array<i32>} : memref<40x128xf32, #tpu.memory_space<vmem>>, vector<1x16xf32>,
      %swap3A_491 = vector.shape_cast %swap3A_490 : vector<1x16xf32> to vector<16xf32>
      %swap3A_492 = vector.shape_cast %broadcast_in_dim3A_1 : vector<16xf32> to vector<1x16xf32>
      tpu.vector_store %arg17[%swap3A, %swap3A_489], %swap3A_492 {strides = array<i32>} : memref<40x128xf32, #tpu.memory_space<vmem>>, vector<1x16xf32>,
      %swap3A_493 = arith.index_cast %scan3A_487 : i32 to index
      %swap3A_494 = arith.constant 16 : index
      %swap3A_495 = tpu.vector_load %arg17[%swap3A_493, %swap3A_494] {strides = array<i32>} : memref<40x128xf32, #tpu.memory_space<vmem>>, vector<1x16xf32>,
      %swap3A_496 = vector.shape_cast %swap3A_495 : vector<1x16xf32> to vector<16xf32>
      %swap3A_497 = vector.shape_cast %broadcast_in_dim3A_1 : vector<16xf32> to vector<1x16xf32>
      tpu.vector_store %arg17[%swap3A_493, %swap3A_494], %swap3A_497 {strides = array<i32>} : memref<40x128xf32, #tpu.memory_space<vmem>>, vector<1x16xf32>,
      %swap3A_498 = arith.index_cast %scan3A_487 : i32 to index
      %swap3A_499 = arith.constant 32 : index
      %swap3A_500 = tpu.vector_load %arg17[%swap3A_498, %swap3A_499] {strides = array<i32>} : memref<40x128xf32, #tpu.memory_space<vmem>>, vector<1x16xf32>,
      %swap3A_501 = vector.shape_cast %swap3A_500 : vector<1x16xf32> to vector<16xf32>
      %swap3A_502 = vector.shape_cast %broadcast_in_dim3A_1 : vector<16xf32> to vector<1x16xf32>
      tpu.vector_store %arg17[%swap3A_498, %swap3A_499], %swap3A_502 {strides = array<i32>} : memref<40x128xf32, #tpu.memory_space<vmem>>, vector<1x16xf32>,
      %swap3A_503 = arith.index_cast %scan3A_487 : i32 to index
      %swap3A_504 = arith.constant 48 : index
      %swap3A_505 = tpu.vector_load %arg17[%swap3A_503, %swap3A_504] {strides = array<i32>} : memref<40x128xf32, #tpu.memory_space<vmem>>, vector<1x16xf32>,
      %swap3A_506 = vector.shape_cast %swap3A_505 : vector<1x16xf32> to vector<16xf32>
      %swap3A_507 = vector.shape_cast %broadcast_in_dim3A_1 : vector<16xf32> to vector<1x16xf32>
      tpu.vector_store %arg17[%swap3A_503, %swap3A_504], %swap3A_507 {strides = array<i32>} : memref<40x128xf32, #tpu.memory_space<vmem>>, vector<1x16xf32>,
      %swap3A_508 = arith.index_cast %scan3A_487 : i32 to index
      %swap3A_509 = arith.constant 64 : index
      %swap3A_510 = tpu.vector_load %arg17[%swap3A_508, %swap3A_509] {strides = array<i32>} : memref<40x128xf32, #tpu.memory_space<vmem>>, vector<1x16xf32>,
      %swap3A_511 = vector.shape_cast %swap3A_510 : vector<1x16xf32> to vector<16xf32>
      %swap3A_512 = vector.shape_cast %broadcast_in_dim3A_1 : vector<16xf32> to vector<1x16xf32>
      tpu.vector_store %arg17[%swap3A_508, %swap3A_509], %swap3A_512 {strides = array<i32>} : memref<40x128xf32, #tpu.memory_space<vmem>>, vector<1x16xf32>,
      %swap3A_513 = arith.index_cast %scan3A_487 : i32 to index
      %swap3A_514 = arith.constant 80 : index
      %swap3A_515 = tpu.vector_load %arg17[%swap3A_513, %swap3A_514] {strides = array<i32>} : memref<40x128xf32, #tpu.memory_space<vmem>>, vector<1x16xf32>,
      %swap3A_516 = vector.shape_cast %swap3A_515 : vector<1x16xf32> to vector<16xf32>
      %swap3A_517 = vector.shape_cast %broadcast_in_dim3A_1 : vector<16xf32> to vector<1x16xf32>
      tpu.vector_store %arg17[%swap3A_513, %swap3A_514], %swap3A_517 {strides = array<i32>} : memref<40x128xf32, #tpu.memory_space<vmem>>, vector<1x16xf32>,
      %swap3A_518 = arith.index_cast %scan3A_487 : i32 to index
      %swap3A_519 = arith.constant 96 : index
      %swap3A_520 = tpu.vector_load %arg17[%swap3A_518, %swap3A_519] {strides = array<i32>} : memref<40x128xf32, #tpu.memory_space<vmem>>, vector<1x16xf32>,
      %swap3A_521 = vector.shape_cast %swap3A_520 : vector<1x16xf32> to vector<16xf32>
      %swap3A_522 = vector.shape_cast %broadcast_in_dim3A_1 : vector<16xf32> to vector<1x16xf32>
      tpu.vector_store %arg17[%swap3A_518, %swap3A_519], %swap3A_522 {strides = array<i32>} : memref<40x128xf32, #tpu.memory_space<vmem>>, vector<1x16xf32>,
      %swap3A_523 = arith.index_cast %scan3A_487 : i32 to index
      %swap3A_524 = arith.constant 112 : index
      %swap3A_525 = tpu.vector_load %arg17[%swap3A_523, %swap3A_524] {strides = array<i32>} : memref<40x128xf32, #tpu.memory_space<vmem>>, vector<1x16xf32>,
      %swap3A_526 = vector.shape_cast %swap3A_525 : vector<1x16xf32> to vector<16xf32>
      %swap3A_527 = vector.shape_cast %broadcast_in_dim3A_1 : vector<16xf32> to vector<1x16xf32>
      tpu.vector_store %arg17[%swap3A_523, %swap3A_524], %swap3A_527 {strides = array<i32>} : memref<40x128xf32, #tpu.memory_space<vmem>>, vector<1x16xf32>,
      %scan3A_528 = arith.constant 0 : i32
      scf.yield %scan3A_528 : i32
    }
    %scan3A_7 = arith.constant 40 : i32
    %mul3A_8 = arith.constant 640 : i32
    %mul3A_9 = arith.muli %arg1, %mul3A_8 : i32
    %scan3A_10 = arith.constant 0 : i32
    %scan3A_11 = arith.constant 0 : i32
    %scan3A_12 = arith.constant 16 : i32
    %scan3A_13 = arith.addi %scan3A_11, %scan3A_12 : i32
    %scan3A_14 = arith.constant 1 : i32
    %scan3A_15 = scf.for %scan3A_487 = %scan3A_11 to %scan3A_13 step %scan3A_14 iter_args(%scan3A_488 = %scan3A_10) -> (i32)  : i32 {
      %mul3A_489 = arith.constant 40 : i32
      %mul3A_490 = arith.muli %scan3A_487, %mul3A_489 : i32
      %add3A_491 = arith.addi %mul3A_9, %mul3A_490 : i32
      "tpu.region"() ({
        %run_scoped3A_493 = tpu.sem_alloc : memref<!tpu.dma_semaphore, #tpu.memory_space<semaphore_mem>>
        %dma_start3A_494 = arith.constant 0 : i32
        %dma_start3A_495 = tpu.memref_slice %arg26[%add3A_491, %dma_start3A_494] : memref<10240x128xf32, #tpu.memory_space<vmem_shared>> -> memref<40x128xf32, #tpu.memory_space<vmem_shared>>
        %dma_start3A_496 = arith.constant 0 : i32
        %dma_start3A_497 = tpu.memref_slice %arg26[%add3A_491, %dma_start3A_496] : memref<10240x128xf32, #tpu.memory_space<vmem_shared>> -> memref<40x128xf32, #tpu.memory_space<vmem_shared>>
        tpu.enqueue_dma source(%arg17 : memref<40x128xf32, #tpu.memory_space<vmem>>) target(%dma_start3A_497 : memref<40x128xf32, #tpu.memory_space<vmem_shared>>) target_semaphore(%run_scoped3A_493 : memref<!tpu.dma_semaphore, #tpu.memory_space<semaphore_mem>>)
        %dma_wait3A_498 = arith.constant 0 : i32
        %dma_wait3A_499 = tpu.memref_slice %arg26[%add3A_491, %dma_wait3A_498] : memref<10240x128xf32, #tpu.memory_space<vmem_shared>> -> memref<40x128xf32, #tpu.memory_space<vmem_shared>>
        %dma_wait3A_500 = arith.constant 0 : i32
        %dma_wait3A_501 = tpu.memref_slice %arg26[%add3A_491, %dma_wait3A_500] : memref<10240x128xf32, #tpu.memory_space<vmem_shared>> -> memref<40x128xf32, #tpu.memory_space<vmem_shared>>
        tpu.wait_dma2 semaphore(%run_scoped3A_493 : memref<!tpu.dma_semaphore, #tpu.memory_space<semaphore_mem>>) src(%arg17 : memref<40x128xf32, #tpu.memory_space<vmem>>) dst(%dma_wait3A_501 : memref<40x128xf32, #tpu.memory_space<vmem_shared>>)
        tpu.yield
      }) : () -> ()
      %scan3A_492 = arith.constant 0 : i32
      scf.yield %scan3A_492 : i32
    }
    %scan3A_16 = arith.constant 16 : i32
    %barrier3A = arith.constant 0 : index
    tpu.barrier barrier_id(%barrier3A)
    %mul3A_17 = arith.constant 10000 : i32
    %mul3A_18 = arith.muli %add3A, %mul3A_17 : i32
    %add3A_19 = arith.constant 0 : i32
    %add3A_20 = arith.addi %mul3A_18, %add3A_19 : i32
    %dma_start3A = arith.constant 0 : i32
    %dma_start3A_21 = arith.constant 0 : i32
    %dma_start3A_22 = tpu.memref_slice %arg14[%dma_start3A, %dma_start3A_21] : memref<5x40xi32, #tpu.memory_space<vmem>> -> memref<1x40xi32, #tpu.memory_space<vmem>>
    %dma_start3A_23 = tpu.memref_squeeze %dma_start3A_22 : memref<1x40xi32, #tpu.memory_space<vmem>> -> memref<40xi32, #tpu.memory_space<vmem>>
    %dma_start3A_24 = tpu.memref_slice %arg5[%add3A_20] : memref<320000xi32, #tpu.memory_space<hbm>> -> memref<40xi32, #tpu.memory_space<hbm>>
    %dma_start3A_25 = arith.constant 0 : i32
    %dma_start3A_26 = tpu.memref_slice %arg14[%dma_start3A, %dma_start3A_25] : memref<5x40xi32, #tpu.memory_space<vmem>> -> memref<1x40xi32, #tpu.memory_space<vmem>>
    %dma_start3A_27 = tpu.memref_squeeze %dma_start3A_26 : memref<1x40xi32, #tpu.memory_space<vmem>> -> memref<40xi32, #tpu.memory_space<vmem>>
    %dma_start3A_28 = tpu.memref_slice %arg5[%add3A_20] : memref<320000xi32, #tpu.memory_space<hbm>> -> memref<40xi32, #tpu.memory_space<hbm>>
    tpu.enqueue_dma source(%dma_start3A_28 : memref<40xi32, #tpu.memory_space<hbm>>) target(%dma_start3A_27 : memref<40xi32, #tpu.memory_space<vmem>>) target_semaphore(%arg27 : memref<!tpu.dma_semaphore, #tpu.memory_space<semaphore_mem>>)
    %dma_start3A_29 = arith.constant 1 : i32
    %dma_start3A_30 = arith.constant 0 : i32
    %dma_start3A_31 = tpu.memref_slice %arg14[%dma_start3A_29, %dma_start3A_30] : memref<5x40xi32, #tpu.memory_space<vmem>> -> memref<1x40xi32, #tpu.memory_space<vmem>>
    %dma_start3A_32 = tpu.memref_squeeze %dma_start3A_31 : memref<1x40xi32, #tpu.memory_space<vmem>> -> memref<40xi32, #tpu.memory_space<vmem>>
    %dma_start3A_33 = tpu.memref_slice %arg7[%add3A_20] : memref<320000xi32, #tpu.memory_space<hbm>> -> memref<40xi32, #tpu.memory_space<hbm>>
    %dma_start3A_34 = arith.constant 0 : i32
    %dma_start3A_35 = tpu.memref_slice %arg14[%dma_start3A_29, %dma_start3A_34] : memref<5x40xi32, #tpu.memory_space<vmem>> -> memref<1x40xi32, #tpu.memory_space<vmem>>
    %dma_start3A_36 = tpu.memref_squeeze %dma_start3A_35 : memref<1x40xi32, #tpu.memory_space<vmem>> -> memref<40xi32, #tpu.memory_space<vmem>>
    %dma_start3A_37 = tpu.memref_slice %arg7[%add3A_20] : memref<320000xi32, #tpu.memory_space<hbm>> -> memref<40xi32, #tpu.memory_space<hbm>>
    tpu.enqueue_dma source(%dma_start3A_37 : memref<40xi32, #tpu.memory_space<hbm>>) target(%dma_start3A_36 : memref<40xi32, #tpu.memory_space<vmem>>) target_semaphore(%arg27 : memref<!tpu.dma_semaphore, #tpu.memory_space<semaphore_mem>>)
    %dma_start3A_38 = arith.constant 2 : i32
    %dma_start3A_39 = arith.constant 0 : i32
    %dma_start3A_40 = tpu.memref_slice %arg14[%dma_start3A_38, %dma_start3A_39] : memref<5x40xi32, #tpu.memory_space<vmem>> -> memref<1x40xi32, #tpu.memory_space<vmem>>
    %dma_start3A_41 = tpu.memref_squeeze %dma_start3A_40 : memref<1x40xi32, #tpu.memory_space<vmem>> -> memref<40xi32, #tpu.memory_space<vmem>>
    %dma_start3A_42 = tpu.memref_slice %arg8[%add3A_20] : memref<320000xi32, #tpu.memory_space<hbm>> -> memref<40xi32, #tpu.memory_space<hbm>>
    %dma_start3A_43 = arith.constant 0 : i32
    %dma_start3A_44 = tpu.memref_slice %arg14[%dma_start3A_38, %dma_start3A_43] : memref<5x40xi32, #tpu.memory_space<vmem>> -> memref<1x40xi32, #tpu.memory_space<vmem>>
    %dma_start3A_45 = tpu.memref_squeeze %dma_start3A_44 : memref<1x40xi32, #tpu.memory_space<vmem>> -> memref<40xi32, #tpu.memory_space<vmem>>
    %dma_start3A_46 = tpu.memref_slice %arg8[%add3A_20] : memref<320000xi32, #tpu.memory_space<hbm>> -> memref<40xi32, #tpu.memory_space<hbm>>
    tpu.enqueue_dma source(%dma_start3A_46 : memref<40xi32, #tpu.memory_space<hbm>>) target(%dma_start3A_45 : memref<40xi32, #tpu.memory_space<vmem>>) target_semaphore(%arg27 : memref<!tpu.dma_semaphore, #tpu.memory_space<semaphore_mem>>)
    %dma_start3A_47 = arith.constant 3 : i32
    %dma_start3A_48 = arith.constant 0 : i32
    %dma_start3A_49 = tpu.memref_slice %arg14[%dma_start3A_47, %dma_start3A_48] : memref<5x40xi32, #tpu.memory_space<vmem>> -> memref<1x40xi32, #tpu.memory_space<vmem>>
    %dma_start3A_50 = tpu.memref_squeeze %dma_start3A_49 : memref<1x40xi32, #tpu.memory_space<vmem>> -> memref<40xi32, #tpu.memory_space<vmem>>
    %dma_start3A_51 = tpu.memref_slice %arg6[%add3A_20] : memref<320000xi32, #tpu.memory_space<hbm>> -> memref<40xi32, #tpu.memory_space<hbm>>
    %dma_start3A_52 = arith.constant 0 : i32
    %dma_start3A_53 = tpu.memref_slice %arg14[%dma_start3A_47, %dma_start3A_52] : memref<5x40xi32, #tpu.memory_space<vmem>> -> memref<1x40xi32, #tpu.memory_space<vmem>>
    %dma_start3A_54 = tpu.memref_squeeze %dma_start3A_53 : memref<1x40xi32, #tpu.memory_space<vmem>> -> memref<40xi32, #tpu.memory_space<vmem>>
    %dma_start3A_55 = tpu.memref_slice %arg6[%add3A_20] : memref<320000xi32, #tpu.memory_space<hbm>> -> memref<40xi32, #tpu.memory_space<hbm>>
    tpu.enqueue_dma source(%dma_start3A_55 : memref<40xi32, #tpu.memory_space<hbm>>) target(%dma_start3A_54 : memref<40xi32, #tpu.memory_space<vmem>>) target_semaphore(%arg27 : memref<!tpu.dma_semaphore, #tpu.memory_space<semaphore_mem>>)
    %add3A_56 = arith.constant 40 : i32
    %add3A_57 = arith.addi %mul3A_18, %add3A_56 : i32
    %dma_start3A_58 = arith.constant 0 : i32
    %dma_start3A_59 = arith.constant 0 : i32
    %dma_start3A_60 = tpu.memref_slice %arg15[%dma_start3A_58, %dma_start3A_59] : memref<5x40xi32, #tpu.memory_space<vmem>> -> memref<1x40xi32, #tpu.memory_space<vmem>>
    %dma_start3A_61 = tpu.memref_squeeze %dma_start3A_60 : memref<1x40xi32, #tpu.memory_space<vmem>> -> memref<40xi32, #tpu.memory_space<vmem>>
    %dma_start3A_62 = tpu.memref_slice %arg5[%add3A_57] : memref<320000xi32, #tpu.memory_space<hbm>> -> memref<40xi32, #tpu.memory_space<hbm>>
    %dma_start3A_63 = arith.constant 0 : i32
    %dma_start3A_64 = tpu.memref_slice %arg15[%dma_start3A_58, %dma_start3A_63] : memref<5x40xi32, #tpu.memory_space<vmem>> -> memref<1x40xi32, #tpu.memory_space<vmem>>
    %dma_start3A_65 = tpu.memref_squeeze %dma_start3A_64 : memref<1x40xi32, #tpu.memory_space<vmem>> -> memref<40xi32, #tpu.memory_space<vmem>>
    %dma_start3A_66 = tpu.memref_slice %arg5[%add3A_57] : memref<320000xi32, #tpu.memory_space<hbm>> -> memref<40xi32, #tpu.memory_space<hbm>>
    tpu.enqueue_dma source(%dma_start3A_66 : memref<40xi32, #tpu.memory_space<hbm>>) target(%dma_start3A_65 : memref<40xi32, #tpu.memory_space<vmem>>) target_semaphore(%arg28 : memref<!tpu.dma_semaphore, #tpu.memory_space<semaphore_mem>>)
    %dma_start3A_67 = arith.constant 1 : i32
    %dma_start3A_68 = arith.constant 0 : i32
    %dma_start3A_69 = tpu.memref_slice %arg15[%dma_start3A_67, %dma_start3A_68] : memref<5x40xi32, #tpu.memory_space<vmem>> -> memref<1x40xi32, #tpu.memory_space<vmem>>
    %dma_start3A_70 = tpu.memref_squeeze %dma_start3A_69 : memref<1x40xi32, #tpu.memory_space<vmem>> -> memref<40xi32, #tpu.memory_space<vmem>>
    %dma_start3A_71 = tpu.memref_slice %arg7[%add3A_57] : memref<320000xi32, #tpu.memory_space<hbm>> -> memref<40xi32, #tpu.memory_space<hbm>>
    %dma_start3A_72 = arith.constant 0 : i32
    %dma_start3A_73 = tpu.memref_slice %arg15[%dma_start3A_67, %dma_start3A_72] : memref<5x40xi32, #tpu.memory_space<vmem>> -> memref<1x40xi32, #tpu.memory_space<vmem>>
    %dma_start3A_74 = tpu.memref_squeeze %dma_start3A_73 : memref<1x40xi32, #tpu.memory_space<vmem>> -> memref<40xi32, #tpu.memory_space<vmem>>
    %dma_start3A_75 = tpu.memref_slice %arg7[%add3A_57] : memref<320000xi32, #tpu.memory_space<hbm>> -> memref<40xi32, #tpu.memory_space<hbm>>
    tpu.enqueue_dma source(%dma_start3A_75 : memref<40xi32, #tpu.memory_space<hbm>>) target(%dma_start3A_74 : memref<40xi32, #tpu.memory_space<vmem>>) target_semaphore(%arg28 : memref<!tpu.dma_semaphore, #tpu.memory_space<semaphore_mem>>)
    %dma_start3A_76 = arith.constant 2 : i32
    %dma_start3A_77 = arith.constant 0 : i32
    %dma_start3A_78 = tpu.memref_slice %arg15[%dma_start3A_76, %dma_start3A_77] : memref<5x40xi32, #tpu.memory_space<vmem>> -> memref<1x40xi32, #tpu.memory_space<vmem>>
    %dma_start3A_79 = tpu.memref_squeeze %dma_start3A_78 : memref<1x40xi32, #tpu.memory_space<vmem>> -> memref<40xi32, #tpu.memory_space<vmem>>
    %dma_start3A_80 = tpu.memref_slice %arg8[%add3A_57] : memref<320000xi32, #tpu.memory_space<hbm>> -> memref<40xi32, #tpu.memory_space<hbm>>
    %dma_start3A_81 = arith.constant 0 : i32
    %dma_start3A_82 = tpu.memref_slice %arg15[%dma_start3A_76, %dma_start3A_81] : memref<5x40xi32, #tpu.memory_space<vmem>> -> memref<1x40xi32, #tpu.memory_space<vmem>>
    %dma_start3A_83 = tpu.memref_squeeze %dma_start3A_82 : memref<1x40xi32, #tpu.memory_space<vmem>> -> memref<40xi32, #tpu.memory_space<vmem>>
    %dma_start3A_84 = tpu.memref_slice %arg8[%add3A_57] : memref<320000xi32, #tpu.memory_space<hbm>> -> memref<40xi32, #tpu.memory_space<hbm>>
    tpu.enqueue_dma source(%dma_start3A_84 : memref<40xi32, #tpu.memory_space<hbm>>) target(%dma_start3A_83 : memref<40xi32, #tpu.memory_space<vmem>>) target_semaphore(%arg28 : memref<!tpu.dma_semaphore, #tpu.memory_space<semaphore_mem>>)
    %dma_start3A_85 = arith.constant 3 : i32
    %dma_start3A_86 = arith.constant 0 : i32
    %dma_start3A_87 = tpu.memref_slice %arg15[%dma_start3A_85, %dma_start3A_86] : memref<5x40xi32, #tpu.memory_space<vmem>> -> memref<1x40xi32, #tpu.memory_space<vmem>>
    %dma_start3A_88 = tpu.memref_squeeze %dma_start3A_87 : memref<1x40xi32, #tpu.memory_space<vmem>> -> memref<40xi32, #tpu.memory_space<vmem>>
    %dma_start3A_89 = tpu.memref_slice %arg6[%add3A_57] : memref<320000xi32, #tpu.memory_space<hbm>> -> memref<40xi32, #tpu.memory_space<hbm>>
    %dma_start3A_90 = arith.constant 0 : i32
    %dma_start3A_91 = tpu.memref_slice %arg15[%dma_start3A_85, %dma_start3A_90] : memref<5x40xi32, #tpu.memory_space<vmem>> -> memref<1x40xi32, #tpu.memory_space<vmem>>
    %dma_start3A_92 = tpu.memref_squeeze %dma_start3A_91 : memref<1x40xi32, #tpu.memory_space<vmem>> -> memref<40xi32, #tpu.memory_space<vmem>>
    %dma_start3A_93 = tpu.memref_slice %arg6[%add3A_57] : memref<320000xi32, #tpu.memory_space<hbm>> -> memref<40xi32, #tpu.memory_space<hbm>>
    tpu.enqueue_dma source(%dma_start3A_93 : memref<40xi32, #tpu.memory_space<hbm>>) target(%dma_start3A_92 : memref<40xi32, #tpu.memory_space<vmem>>) target_semaphore(%arg28 : memref<!tpu.dma_semaphore, #tpu.memory_space<semaphore_mem>>)
    %dma_wait3A = arith.constant 0 : i32
    %dma_wait3A_94 = arith.constant 0 : i32
    %dma_wait3A_95 = tpu.memref_slice %arg14[%dma_wait3A, %dma_wait3A_94] : memref<5x40xi32, #tpu.memory_space<vmem>> -> memref<1x40xi32, #tpu.memory_space<vmem>>
    %dma_wait3A_96 = tpu.memref_squeeze %dma_wait3A_95 : memref<1x40xi32, #tpu.memory_space<vmem>> -> memref<40xi32, #tpu.memory_space<vmem>>
    %dma_wait3A_97 = arith.constant 0 : i32
    %dma_wait3A_98 = tpu.memref_slice %arg5[%dma_wait3A_97] : memref<320000xi32, #tpu.memory_space<hbm>> -> memref<40xi32, #tpu.memory_space<hbm>>
    %dma_wait3A_99 = arith.constant 0 : i32
    %dma_wait3A_100 = tpu.memref_slice %arg14[%dma_wait3A, %dma_wait3A_99] : memref<5x40xi32, #tpu.memory_space<vmem>> -> memref<1x40xi32, #tpu.memory_space<vmem>>
    %dma_wait3A_101 = tpu.memref_squeeze %dma_wait3A_100 : memref<1x40xi32, #tpu.memory_space<vmem>> -> memref<40xi32, #tpu.memory_space<vmem>>
    %dma_wait3A_102 = arith.constant 0 : i32
    %dma_wait3A_103 = tpu.memref_slice %arg5[%dma_wait3A_102] : memref<320000xi32, #tpu.memory_space<hbm>> -> memref<40xi32, #tpu.memory_space<hbm>>
    tpu.wait_dma2 semaphore(%arg27 : memref<!tpu.dma_semaphore, #tpu.memory_space<semaphore_mem>>) src(%dma_wait3A_103 : memref<40xi32, #tpu.memory_space<hbm>>) dst(%dma_wait3A_101 : memref<40xi32, #tpu.memory_space<vmem>>)
    %dma_wait3A_104 = arith.constant 1 : i32
    %dma_wait3A_105 = arith.constant 0 : i32
    %dma_wait3A_106 = tpu.memref_slice %arg14[%dma_wait3A_104, %dma_wait3A_105] : memref<5x40xi32, #tpu.memory_space<vmem>> -> memref<1x40xi32, #tpu.memory_space<vmem>>
    %dma_wait3A_107 = tpu.memref_squeeze %dma_wait3A_106 : memref<1x40xi32, #tpu.memory_space<vmem>> -> memref<40xi32, #tpu.memory_space<vmem>>
    %dma_wait3A_108 = arith.constant 0 : i32
    %dma_wait3A_109 = tpu.memref_slice %arg7[%dma_wait3A_108] : memref<320000xi32, #tpu.memory_space<hbm>> -> memref<40xi32, #tpu.memory_space<hbm>>
    %dma_wait3A_110 = arith.constant 0 : i32
    %dma_wait3A_111 = tpu.memref_slice %arg14[%dma_wait3A_104, %dma_wait3A_110] : memref<5x40xi32, #tpu.memory_space<vmem>> -> memref<1x40xi32, #tpu.memory_space<vmem>>
    %dma_wait3A_112 = tpu.memref_squeeze %dma_wait3A_111 : memref<1x40xi32, #tpu.memory_space<vmem>> -> memref<40xi32, #tpu.memory_space<vmem>>
    %dma_wait3A_113 = arith.constant 0 : i32
    %dma_wait3A_114 = tpu.memref_slice %arg7[%dma_wait3A_113] : memref<320000xi32, #tpu.memory_space<hbm>> -> memref<40xi32, #tpu.memory_space<hbm>>
    tpu.wait_dma2 semaphore(%arg27 : memref<!tpu.dma_semaphore, #tpu.memory_space<semaphore_mem>>) src(%dma_wait3A_114 : memref<40xi32, #tpu.memory_space<hbm>>) dst(%dma_wait3A_112 : memref<40xi32, #tpu.memory_space<vmem>>)
    %dma_wait3A_115 = arith.constant 2 : i32
    %dma_wait3A_116 = arith.constant 0 : i32
    %dma_wait3A_117 = tpu.memref_slice %arg14[%dma_wait3A_115, %dma_wait3A_116] : memref<5x40xi32, #tpu.memory_space<vmem>> -> memref<1x40xi32, #tpu.memory_space<vmem>>
    %dma_wait3A_118 = tpu.memref_squeeze %dma_wait3A_117 : memref<1x40xi32, #tpu.memory_space<vmem>> -> memref<40xi32, #tpu.memory_space<vmem>>
    %dma_wait3A_119 = arith.constant 0 : i32
    %dma_wait3A_120 = tpu.memref_slice %arg8[%dma_wait3A_119] : memref<320000xi32, #tpu.memory_space<hbm>> -> memref<40xi32, #tpu.memory_space<hbm>>
    %dma_wait3A_121 = arith.constant 0 : i32
    %dma_wait3A_122 = tpu.memref_slice %arg14[%dma_wait3A_115, %dma_wait3A_121] : memref<5x40xi32, #tpu.memory_space<vmem>> -> memref<1x40xi32, #tpu.memory_space<vmem>>
    %dma_wait3A_123 = tpu.memref_squeeze %dma_wait3A_122 : memref<1x40xi32, #tpu.memory_space<vmem>> -> memref<40xi32, #tpu.memory_space<vmem>>
    %dma_wait3A_124 = arith.constant 0 : i32
    %dma_wait3A_125 = tpu.memref_slice %arg8[%dma_wait3A_124] : memref<320000xi32, #tpu.memory_space<hbm>> -> memref<40xi32, #tpu.memory_space<hbm>>
    tpu.wait_dma2 semaphore(%arg27 : memref<!tpu.dma_semaphore, #tpu.memory_space<semaphore_mem>>) src(%dma_wait3A_125 : memref<40xi32, #tpu.memory_space<hbm>>) dst(%dma_wait3A_123 : memref<40xi32, #tpu.memory_space<vmem>>)
    %dma_wait3A_126 = arith.constant 3 : i32
    %dma_wait3A_127 = arith.constant 0 : i32
    %dma_wait3A_128 = tpu.memref_slice %arg14[%dma_wait3A_126, %dma_wait3A_127] : memref<5x40xi32, #tpu.memory_space<vmem>> -> memref<1x40xi32, #tpu.memory_space<vmem>>
    %dma_wait3A_129 = tpu.memref_squeeze %dma_wait3A_128 : memref<1x40xi32, #tpu.memory_space<vmem>> -> memref<40xi32, #tpu.memory_space<vmem>>
    %dma_wait3A_130 = arith.constant 0 : i32
    %dma_wait3A_131 = tpu.memref_slice %arg6[%dma_wait3A_130] : memref<320000xi32, #tpu.memory_space<hbm>> -> memref<40xi32, #tpu.memory_space<hbm>>
    %dma_wait3A_132 = arith.constant 0 : i32
    %dma_wait3A_133 = tpu.memref_slice %arg14[%dma_wait3A_126, %dma_wait3A_132] : memref<5x40xi32, #tpu.memory_space<vmem>> -> memref<1x40xi32, #tpu.memory_space<vmem>>
    %dma_wait3A_134 = tpu.memref_squeeze %dma_wait3A_133 : memref<1x40xi32, #tpu.memory_space<vmem>> -> memref<40xi32, #tpu.memory_space<vmem>>
    %dma_wait3A_135 = arith.constant 0 : i32
    %dma_wait3A_136 = tpu.memref_slice %arg6[%dma_wait3A_135] : memref<320000xi32, #tpu.memory_space<hbm>> -> memref<40xi32, #tpu.memory_space<hbm>>
    tpu.wait_dma2 semaphore(%arg27 : memref<!tpu.dma_semaphore, #tpu.memory_space<semaphore_mem>>) src(%dma_wait3A_136 : memref<40xi32, #tpu.memory_space<hbm>>) dst(%dma_wait3A_134 : memref<40xi32, #tpu.memory_space<vmem>>)
    %dma_start3A_137 = arith.constant 0 : i32
    %dma_start3A_138 = arith.constant 0 : i32
    %dma_start3A_139 = tpu.memref_slice %arg14[%dma_start3A_137, %dma_start3A_138] : memref<5x40xi32, #tpu.memory_space<vmem>> -> memref<1x40xi32, #tpu.memory_space<vmem>>
    %dma_start3A_140 = tpu.memref_squeeze %dma_start3A_139 : memref<1x40xi32, #tpu.memory_space<vmem>> -> memref<40xi32, #tpu.memory_space<vmem>>
    %dma_start3A_141 = arith.constant 0 : i32
    %dma_start3A_142 = arith.constant 0 : i32
    %dma_start3A_143 = tpu.memref_slice %arg2[%dma_start3A_141, %dma_start3A_142] : memref<10000x128xf32, #tpu.memory_space<hbm>> -> memref<10000x128xf32, #tpu.memory_space<hbm>>
    tpu.enqueue_indirect_dma source(%dma_start3A_143 : memref<10000x128xf32, #tpu.memory_space<hbm>>) target(%arg17 : memref<40x128xf32, #tpu.memory_space<vmem>>) offsets(%dma_start3A_140 : memref<40xi32, #tpu.memory_space<vmem>>) semaphore(%arg30 : memref<!tpu.dma_semaphore, #tpu.memory_space<semaphore_mem>>)
    %dma_start3A_144 = arith.constant 1 : i32
    %dma_start3A_145 = arith.constant 0 : i32
    %dma_start3A_146 = tpu.memref_slice %arg14[%dma_start3A_144, %dma_start3A_145] : memref<5x40xi32, #tpu.memory_space<vmem>> -> memref<1x40xi32, #tpu.memory_space<vmem>>
    %dma_start3A_147 = tpu.memref_squeeze %dma_start3A_146 : memref<1x40xi32, #tpu.memory_space<vmem>> -> memref<40xi32, #tpu.memory_space<vmem>>
    %dma_start3A_148 = arith.constant 0 : i32
    %dma_start3A_149 = arith.constant 0 : i32
    %dma_start3A_150 = tpu.memref_slice %arg3[%dma_start3A_148, %dma_start3A_149] : memref<1000x128xf32, #tpu.memory_space<hbm>> -> memref<1000x128xf32, #tpu.memory_space<hbm>>
    tpu.enqueue_indirect_dma source(%dma_start3A_150 : memref<1000x128xf32, #tpu.memory_space<hbm>>) target(%arg18 : memref<40x128xf32, #tpu.memory_space<vmem>>) offsets(%dma_start3A_147 : memref<40xi32, #tpu.memory_space<vmem>>) semaphore(%arg30 : memref<!tpu.dma_semaphore, #tpu.memory_space<semaphore_mem>>)
    %dma_start3A_151 = arith.constant 2 : i32
    %dma_start3A_152 = arith.constant 0 : i32
    %dma_start3A_153 = tpu.memref_slice %arg14[%dma_start3A_151, %dma_start3A_152] : memref<5x40xi32, #tpu.memory_space<vmem>> -> memref<1x40xi32, #tpu.memory_space<vmem>>
    %dma_start3A_154 = tpu.memref_squeeze %dma_start3A_153 : memref<1x40xi32, #tpu.memory_space<vmem>> -> memref<40xi32, #tpu.memory_space<vmem>>
    %dma_start3A_155 = arith.constant 0 : i32
    %dma_start3A_156 = arith.constant 0 : i32
    %dma_start3A_157 = tpu.memref_slice %arg4[%dma_start3A_155, %dma_start3A_156] : memref<368x128xf32, #tpu.memory_space<hbm>> -> memref<368x128xf32, #tpu.memory_space<hbm>>
    tpu.enqueue_indirect_dma source(%dma_start3A_157 : memref<368x128xf32, #tpu.memory_space<hbm>>) target(%arg19 : memref<40x128xf32, #tpu.memory_space<vmem>>) offsets(%dma_start3A_154 : memref<40xi32, #tpu.memory_space<vmem>>) semaphore(%arg30 : memref<!tpu.dma_semaphore, #tpu.memory_space<semaphore_mem>>)
    %dma_wait3A_158 = arith.constant 0 : i32
    %dma_wait3A_159 = arith.constant 0 : i32
    %dma_wait3A_160 = tpu.memref_slice %arg15[%dma_wait3A_158, %dma_wait3A_159] : memref<5x40xi32, #tpu.memory_space<vmem>> -> memref<1x40xi32, #tpu.memory_space<vmem>>
    %dma_wait3A_161 = tpu.memref_squeeze %dma_wait3A_160 : memref<1x40xi32, #tpu.memory_space<vmem>> -> memref<40xi32, #tpu.memory_space<vmem>>
    %dma_wait3A_162 = arith.constant 0 : i32
    %dma_wait3A_163 = tpu.memref_slice %arg5[%dma_wait3A_162] : memref<320000xi32, #tpu.memory_space<hbm>> -> memref<40xi32, #tpu.memory_space<hbm>>
    %dma_wait3A_164 = arith.constant 0 : i32
    %dma_wait3A_165 = tpu.memref_slice %arg15[%dma_wait3A_158, %dma_wait3A_164] : memref<5x40xi32, #tpu.memory_space<vmem>> -> memref<1x40xi32, #tpu.memory_space<vmem>>
    %dma_wait3A_166 = tpu.memref_squeeze %dma_wait3A_165 : memref<1x40xi32, #tpu.memory_space<vmem>> -> memref<40xi32, #tpu.memory_space<vmem>>
    %dma_wait3A_167 = arith.constant 0 : i32
    %dma_wait3A_168 = tpu.memref_slice %arg5[%dma_wait3A_167] : memref<320000xi32, #tpu.memory_space<hbm>> -> memref<40xi32, #tpu.memory_space<hbm>>
    tpu.wait_dma2 semaphore(%arg28 : memref<!tpu.dma_semaphore, #tpu.memory_space<semaphore_mem>>) src(%dma_wait3A_168 : memref<40xi32, #tpu.memory_space<hbm>>) dst(%dma_wait3A_166 : memref<40xi32, #tpu.memory_space<vmem>>)
    %dma_wait3A_169 = arith.constant 1 : i32
    %dma_wait3A_170 = arith.constant 0 : i32
    %dma_wait3A_171 = tpu.memref_slice %arg15[%dma_wait3A_169, %dma_wait3A_170] : memref<5x40xi32, #tpu.memory_space<vmem>> -> memref<1x40xi32, #tpu.memory_space<vmem>>
    %dma_wait3A_172 = tpu.memref_squeeze %dma_wait3A_171 : memref<1x40xi32, #tpu.memory_space<vmem>> -> memref<40xi32, #tpu.memory_space<vmem>>
    %dma_wait3A_173 = arith.constant 0 : i32
    %dma_wait3A_174 = tpu.memref_slice %arg7[%dma_wait3A_173] : memref<320000xi32, #tpu.memory_space<hbm>> -> memref<40xi32, #tpu.memory_space<hbm>>
    %dma_wait3A_175 = arith.constant 0 : i32
    %dma_wait3A_176 = tpu.memref_slice %arg15[%dma_wait3A_169, %dma_wait3A_175] : memref<5x40xi32, #tpu.memory_space<vmem>> -> memref<1x40xi32, #tpu.memory_space<vmem>>
    %dma_wait3A_177 = tpu.memref_squeeze %dma_wait3A_176 : memref<1x40xi32, #tpu.memory_space<vmem>> -> memref<40xi32, #tpu.memory_space<vmem>>
    %dma_wait3A_178 = arith.constant 0 : i32
    %dma_wait3A_179 = tpu.memref_slice %arg7[%dma_wait3A_178] : memref<320000xi32, #tpu.memory_space<hbm>> -> memref<40xi32, #tpu.memory_space<hbm>>
    tpu.wait_dma2 semaphore(%arg28 : memref<!tpu.dma_semaphore, #tpu.memory_space<semaphore_mem>>) src(%dma_wait3A_179 : memref<40xi32, #tpu.memory_space<hbm>>) dst(%dma_wait3A_177 : memref<40xi32, #tpu.memory_space<vmem>>)
    %dma_wait3A_180 = arith.constant 2 : i32
    %dma_wait3A_181 = arith.constant 0 : i32
    %dma_wait3A_182 = tpu.memref_slice %arg15[%dma_wait3A_180, %dma_wait3A_181] : memref<5x40xi32, #tpu.memory_space<vmem>> -> memref<1x40xi32, #tpu.memory_space<vmem>>
    %dma_wait3A_183 = tpu.memref_squeeze %dma_wait3A_182 : memref<1x40xi32, #tpu.memory_space<vmem>> -> memref<40xi32, #tpu.memory_space<vmem>>
    %dma_wait3A_184 = arith.constant 0 : i32
    %dma_wait3A_185 = tpu.memref_slice %arg8[%dma_wait3A_184] : memref<320000xi32, #tpu.memory_space<hbm>> -> memref<40xi32, #tpu.memory_space<hbm>>
    %dma_wait3A_186 = arith.constant 0 : i32
    %dma_wait3A_187 = tpu.memref_slice %arg15[%dma_wait3A_180, %dma_wait3A_186] : memref<5x40xi32, #tpu.memory_space<vmem>> -> memref<1x40xi32, #tpu.memory_space<vmem>>
    %dma_wait3A_188 = tpu.memref_squeeze %dma_wait3A_187 : memref<1x40xi32, #tpu.memory_space<vmem>> -> memref<40xi32, #tpu.memory_space<vmem>>
    %dma_wait3A_189 = arith.constant 0 : i32
    %dma_wait3A_190 = tpu.memref_slice %arg8[%dma_wait3A_189] : memref<320000xi32, #tpu.memory_space<hbm>> -> memref<40xi32, #tpu.memory_space<hbm>>
    tpu.wait_dma2 semaphore(%arg28 : memref<!tpu.dma_semaphore, #tpu.memory_space<semaphore_mem>>) src(%dma_wait3A_190 : memref<40xi32, #tpu.memory_space<hbm>>) dst(%dma_wait3A_188 : memref<40xi32, #tpu.memory_space<vmem>>)
    %dma_wait3A_191 = arith.constant 3 : i32
    %dma_wait3A_192 = arith.constant 0 : i32
    %dma_wait3A_193 = tpu.memref_slice %arg15[%dma_wait3A_191, %dma_wait3A_192] : memref<5x40xi32, #tpu.memory_space<vmem>> -> memref<1x40xi32, #tpu.memory_space<vmem>>
    %dma_wait3A_194 = tpu.memref_squeeze %dma_wait3A_193 : memref<1x40xi32, #tpu.memory_space<vmem>> -> memref<40xi32, #tpu.memory_space<vmem>>
    %dma_wait3A_195 = arith.constant 0 : i32
    %dma_wait3A_196 = tpu.memref_slice %arg6[%dma_wait3A_195] : memref<320000xi32, #tpu.memory_space<hbm>> -> memref<40xi32, #tpu.memory_space<hbm>>
    %dma_wait3A_197 = arith.constant 0 : i32
    %dma_wait3A_198 = tpu.memref_slice %arg15[%dma_wait3A_191, %dma_wait3A_197] : memref<5x40xi32, #tpu.memory_space<vmem>> -> memref<1x40xi32, #tpu.memory_space<vmem>>
    %dma_wait3A_199 = tpu.memref_squeeze %dma_wait3A_198 : memref<1x40xi32, #tpu.memory_space<vmem>> -> memref<40xi32, #tpu.memory_space<vmem>>
    %dma_wait3A_200 = arith.constant 0 : i32
    %dma_wait3A_201 = tpu.memref_slice %arg6[%dma_wait3A_200] : memref<320000xi32, #tpu.memory_space<hbm>> -> memref<40xi32, #tpu.memory_space<hbm>>
    tpu.wait_dma2 semaphore(%arg28 : memref<!tpu.dma_semaphore, #tpu.memory_space<semaphore_mem>>) src(%dma_wait3A_201 : memref<40xi32, #tpu.memory_space<hbm>>) dst(%dma_wait3A_199 : memref<40xi32, #tpu.memory_space<vmem>>)
    %dma_start3A_202 = arith.constant 0 : i32
    %dma_start3A_203 = arith.constant 0 : i32
    %dma_start3A_204 = tpu.memref_slice %arg15[%dma_start3A_202, %dma_start3A_203] : memref<5x40xi32, #tpu.memory_space<vmem>> -> memref<1x40xi32, #tpu.memory_space<vmem>>
    %dma_start3A_205 = tpu.memref_squeeze %dma_start3A_204 : memref<1x40xi32, #tpu.memory_space<vmem>> -> memref<40xi32, #tpu.memory_space<vmem>>
    %dma_start3A_206 = arith.constant 0 : i32
    %dma_start3A_207 = arith.constant 0 : i32
    %dma_start3A_208 = tpu.memref_slice %arg2[%dma_start3A_206, %dma_start3A_207] : memref<10000x128xf32, #tpu.memory_space<hbm>> -> memref<10000x128xf32, #tpu.memory_space<hbm>>
    tpu.enqueue_indirect_dma source(%dma_start3A_208 : memref<10000x128xf32, #tpu.memory_space<hbm>>) target(%arg20 : memref<40x128xf32, #tpu.memory_space<vmem>>) offsets(%dma_start3A_205 : memref<40xi32, #tpu.memory_space<vmem>>) semaphore(%arg31 : memref<!tpu.dma_semaphore, #tpu.memory_space<semaphore_mem>>)
    %dma_start3A_209 = arith.constant 1 : i32
    %dma_start3A_210 = arith.constant 0 : i32
    %dma_start3A_211 = tpu.memref_slice %arg15[%dma_start3A_209, %dma_start3A_210] : memref<5x40xi32, #tpu.memory_space<vmem>> -> memref<1x40xi32, #tpu.memory_space<vmem>>
    %dma_start3A_212 = tpu.memref_squeeze %dma_start3A_211 : memref<1x40xi32, #tpu.memory_space<vmem>> -> memref<40xi32, #tpu.memory_space<vmem>>
    %dma_start3A_213 = arith.constant 0 : i32
    %dma_start3A_214 = arith.constant 0 : i32
    %dma_start3A_215 = tpu.memref_slice %arg3[%dma_start3A_213, %dma_start3A_214] : memref<1000x128xf32, #tpu.memory_space<hbm>> -> memref<1000x128xf32, #tpu.memory_space<hbm>>
    tpu.enqueue_indirect_dma source(%dma_start3A_215 : memref<1000x128xf32, #tpu.memory_space<hbm>>) target(%arg21 : memref<40x128xf32, #tpu.memory_space<vmem>>) offsets(%dma_start3A_212 : memref<40xi32, #tpu.memory_space<vmem>>) semaphore(%arg31 : memref<!tpu.dma_semaphore, #tpu.memory_space<semaphore_mem>>)
    %dma_start3A_216 = arith.constant 2 : i32
    %dma_start3A_217 = arith.constant 0 : i32
    %dma_start3A_218 = tpu.memref_slice %arg15[%dma_start3A_216, %dma_start3A_217] : memref<5x40xi32, #tpu.memory_space<vmem>> -> memref<1x40xi32, #tpu.memory_space<vmem>>
    %dma_start3A_219 = tpu.memref_squeeze %dma_start3A_218 : memref<1x40xi32, #tpu.memory_space<vmem>> -> memref<40xi32, #tpu.memory_space<vmem>>
    %dma_start3A_220 = arith.constant 0 : i32
    %dma_start3A_221 = arith.constant 0 : i32
    %dma_start3A_222 = tpu.memref_slice %arg4[%dma_start3A_220, %dma_start3A_221] : memref<368x128xf32, #tpu.memory_space<hbm>> -> memref<368x128xf32, #tpu.memory_space<hbm>>
    tpu.enqueue_indirect_dma source(%dma_start3A_222 : memref<368x128xf32, #tpu.memory_space<hbm>>) target(%arg22 : memref<40x128xf32, #tpu.memory_space<vmem>>) offsets(%dma_start3A_219 : memref<40xi32, #tpu.memory_space<vmem>>) semaphore(%arg31 : memref<!tpu.dma_semaphore, #tpu.memory_space<semaphore_mem>>)
    %add3A_223 = arith.constant 80 : i32
    %add3A_224 = arith.addi %mul3A_18, %add3A_223 : i32
    %dma_start3A_225 = arith.constant 0 : i32
    %dma_start3A_226 = arith.constant 0 : i32
    %dma_start3A_227 = tpu.memref_slice %arg16[%dma_start3A_225, %dma_start3A_226] : memref<5x40xi32, #tpu.memory_space<vmem>> -> memref<1x40xi32, #tpu.memory_space<vmem>>
    %dma_start3A_228 = tpu.memref_squeeze %dma_start3A_227 : memref<1x40xi32, #tpu.memory_space<vmem>> -> memref<40xi32, #tpu.memory_space<vmem>>
    %dma_start3A_229 = tpu.memref_slice %arg5[%add3A_224] : memref<320000xi32, #tpu.memory_space<hbm>> -> memref<40xi32, #tpu.memory_space<hbm>>
    %dma_start3A_230 = arith.constant 0 : i32
    %dma_start3A_231 = tpu.memref_slice %arg16[%dma_start3A_225, %dma_start3A_230] : memref<5x40xi32, #tpu.memory_space<vmem>> -> memref<1x40xi32, #tpu.memory_space<vmem>>
    %dma_start3A_232 = tpu.memref_squeeze %dma_start3A_231 : memref<1x40xi32, #tpu.memory_space<vmem>> -> memref<40xi32, #tpu.memory_space<vmem>>
    %dma_start3A_233 = tpu.memref_slice %arg5[%add3A_224] : memref<320000xi32, #tpu.memory_space<hbm>> -> memref<40xi32, #tpu.memory_space<hbm>>
    tpu.enqueue_dma source(%dma_start3A_233 : memref<40xi32, #tpu.memory_space<hbm>>) target(%dma_start3A_232 : memref<40xi32, #tpu.memory_space<vmem>>) target_semaphore(%arg29 : memref<!tpu.dma_semaphore, #tpu.memory_space<semaphore_mem>>)
    %dma_start3A_234 = arith.constant 1 : i32
    %dma_start3A_235 = arith.constant 0 : i32
    %dma_start3A_236 = tpu.memref_slice %arg16[%dma_start3A_234, %dma_start3A_235] : memref<5x40xi32, #tpu.memory_space<vmem>> -> memref<1x40xi32, #tpu.memory_space<vmem>>
    %dma_start3A_237 = tpu.memref_squeeze %dma_start3A_236 : memref<1x40xi32, #tpu.memory_space<vmem>> -> memref<40xi32, #tpu.memory_space<vmem>>
    %dma_start3A_238 = tpu.memref_slice %arg7[%add3A_224] : memref<320000xi32, #tpu.memory_space<hbm>> -> memref<40xi32, #tpu.memory_space<hbm>>
    %dma_start3A_239 = arith.constant 0 : i32
    %dma_start3A_240 = tpu.memref_slice %arg16[%dma_start3A_234, %dma_start3A_239] : memref<5x40xi32, #tpu.memory_space<vmem>> -> memref<1x40xi32, #tpu.memory_space<vmem>>
    %dma_start3A_241 = tpu.memref_squeeze %dma_start3A_240 : memref<1x40xi32, #tpu.memory_space<vmem>> -> memref<40xi32, #tpu.memory_space<vmem>>
    %dma_start3A_242 = tpu.memref_slice %arg7[%add3A_224] : memref<320000xi32, #tpu.memory_space<hbm>> -> memref<40xi32, #tpu.memory_space<hbm>>
    tpu.enqueue_dma source(%dma_start3A_242 : memref<40xi32, #tpu.memory_space<hbm>>) target(%dma_start3A_241 : memref<40xi32, #tpu.memory_space<vmem>>) target_semaphore(%arg29 : memref<!tpu.dma_semaphore, #tpu.memory_space<semaphore_mem>>)
    %dma_start3A_243 = arith.constant 2 : i32
    %dma_start3A_244 = arith.constant 0 : i32
    %dma_start3A_245 = tpu.memref_slice %arg16[%dma_start3A_243, %dma_start3A_244] : memref<5x40xi32, #tpu.memory_space<vmem>> -> memref<1x40xi32, #tpu.memory_space<vmem>>
    %dma_start3A_246 = tpu.memref_squeeze %dma_start3A_245 : memref<1x40xi32, #tpu.memory_space<vmem>> -> memref<40xi32, #tpu.memory_space<vmem>>
    %dma_start3A_247 = tpu.memref_slice %arg8[%add3A_224] : memref<320000xi32, #tpu.memory_space<hbm>> -> memref<40xi32, #tpu.memory_space<hbm>>
    %dma_start3A_248 = arith.constant 0 : i32
    %dma_start3A_249 = tpu.memref_slice %arg16[%dma_start3A_243, %dma_start3A_248] : memref<5x40xi32, #tpu.memory_space<vmem>> -> memref<1x40xi32, #tpu.memory_space<vmem>>
    %dma_start3A_250 = tpu.memref_squeeze %dma_start3A_249 : memref<1x40xi32, #tpu.memory_space<vmem>> -> memref<40xi32, #tpu.memory_space<vmem>>
    %dma_start3A_251 = tpu.memref_slice %arg8[%add3A_224] : memref<320000xi32, #tpu.memory_space<hbm>> -> memref<40xi32, #tpu.memory_space<hbm>>
    tpu.enqueue_dma source(%dma_start3A_251 : memref<40xi32, #tpu.memory_space<hbm>>) target(%dma_start3A_250 : memref<40xi32, #tpu.memory_space<vmem>>) target_semaphore(%arg29 : memref<!tpu.dma_semaphore, #tpu.memory_space<semaphore_mem>>)
    %dma_start3A_252 = arith.constant 3 : i32
    %dma_start3A_253 = arith.constant 0 : i32
    %dma_start3A_254 = tpu.memref_slice %arg16[%dma_start3A_252, %dma_start3A_253] : memref<5x40xi32, #tpu.memory_space<vmem>> -> memref<1x40xi32, #tpu.memory_space<vmem>>
    %dma_start3A_255 = tpu.memref_squeeze %dma_start3A_254 : memref<1x40xi32, #tpu.memory_space<vmem>> -> memref<40xi32, #tpu.memory_space<vmem>>
    %dma_start3A_256 = tpu.memref_slice %arg6[%add3A_224] : memref<320000xi32, #tpu.memory_space<hbm>> -> memref<40xi32, #tpu.memory_space<hbm>>
    %dma_start3A_257 = arith.constant 0 : i32
    %dma_start3A_258 = tpu.memref_slice %arg16[%dma_start3A_252, %dma_start3A_257] : memref<5x40xi32, #tpu.memory_space<vmem>> -> memref<1x40xi32, #tpu.memory_space<vmem>>
    %dma_start3A_259 = tpu.memref_squeeze %dma_start3A_258 : memref<1x40xi32, #tpu.memory_space<vmem>> -> memref<40xi32, #tpu.memory_space<vmem>>
    %dma_start3A_260 = tpu.memref_slice %arg6[%add3A_224] : memref<320000xi32, #tpu.memory_space<hbm>> -> memref<40xi32, #tpu.memory_space<hbm>>
    tpu.enqueue_dma source(%dma_start3A_260 : memref<40xi32, #tpu.memory_space<hbm>>) target(%dma_start3A_259 : memref<40xi32, #tpu.memory_space<vmem>>) target_semaphore(%arg29 : memref<!tpu.dma_semaphore, #tpu.memory_space<semaphore_mem>>)
    %scan3A_261 = arith.constant 0 : i32
    %scan3A_262 = arith.constant 1 : i32
    %scan3A_263 = arith.constant 2 : i32
    %scan3A_264 = arith.constant 3 : i32
    %scan3A_265 = arith.constant 0 : i32
    %scan3A_266 = arith.constant 1 : i32
    %scan3A_267 = arith.constant 2 : i32
    %scan3A_268 = arith.constant 3 : i32
    %scan3A_269 = arith.constant 0 : i32
    %scan3A_270 = arith.constant 1 : i32
    %scan3A_271 = arith.constant 2 : i32
    %scan3A_272 = arith.constant 3 : i32
    %scan3A_273 = arith.constant 0 : i32
    %scan3A_274 = arith.constant 0 : i32
    %scan3A_275 = arith.constant 83 : i32
    %scan3A_276 = arith.addi %scan3A_274, %scan3A_275 : i32
    %scan3A_277 = arith.constant 1 : i32
    %scan3A_278 = scf.for %scan3A_487 = %scan3A_274 to %scan3A_276 step %scan3A_277 iter_args(%scan3A_488 = %scan3A_273) -> (i32)  : i32 {
      %mul3A_489 = arith.constant 3 : i32
      %mul3A_490 = arith.muli %mul3A_489, %scan3A_487 : i32
      %add3A_491 = arith.constant 2 : i32
      %add3A_492 = arith.addi %mul3A_490, %add3A_491 : i32
      %lt3A = arith.constant 250 : i32
      %lt3A_493 = arith.cmpi slt, %add3A_492, %lt3A : i32
      %convert_element_type3A = arith.extui %lt3A_493 : i1 to i32
      %cond3A = arith.constant 0 : i32
      %cond3A_494 = arith.cmpi ne, %convert_element_type3A, %cond3A : i32
      scf.if %cond3A_494 {
        %dma_wait3A_614 = arith.constant 0 : i32
        %dma_wait3A_615 = tpu.memref_slice %arg16[%scan3A_261, %dma_wait3A_614] : memref<5x40xi32, #tpu.memory_space<vmem>> -> memref<1x40xi32, #tpu.memory_space<vmem>>
        %dma_wait3A_616 = tpu.memref_squeeze %dma_wait3A_615 : memref<1x40xi32, #tpu.memory_space<vmem>> -> memref<40xi32, #tpu.memory_space<vmem>>
        %dma_wait3A_617 = arith.constant 0 : i32
        %dma_wait3A_618 = tpu.memref_slice %arg5[%dma_wait3A_617] : memref<320000xi32, #tpu.memory_space<hbm>> -> memref<40xi32, #tpu.memory_space<hbm>>
        %dma_wait3A_619 = arith.constant 0 : i32
        %dma_wait3A_620 = tpu.memref_slice %arg16[%scan3A_261, %dma_wait3A_619] : memref<5x40xi32, #tpu.memory_space<vmem>> -> memref<1x40xi32, #tpu.memory_space<vmem>>
        %dma_wait3A_621 = tpu.memref_squeeze %dma_wait3A_620 : memref<1x40xi32, #tpu.memory_space<vmem>> -> memref<40xi32, #tpu.memory_space<vmem>>
        %dma_wait3A_622 = arith.constant 0 : i32
        %dma_wait3A_623 = tpu.memref_slice %arg5[%dma_wait3A_622] : memref<320000xi32, #tpu.memory_space<hbm>> -> memref<40xi32, #tpu.memory_space<hbm>>
        tpu.wait_dma2 semaphore(%arg29 : memref<!tpu.dma_semaphore, #tpu.memory_space<semaphore_mem>>) src(%dma_wait3A_623 : memref<40xi32, #tpu.memory_space<hbm>>) dst(%dma_wait3A_621 : memref<40xi32, #tpu.memory_space<vmem>>)
        %dma_wait3A_624 = arith.constant 0 : i32
        %dma_wait3A_625 = tpu.memref_slice %arg16[%scan3A_262, %dma_wait3A_624] : memref<5x40xi32, #tpu.memory_space<vmem>> -> memref<1x40xi32, #tpu.memory_space<vmem>>
        %dma_wait3A_626 = tpu.memref_squeeze %dma_wait3A_625 : memref<1x40xi32, #tpu.memory_space<vmem>> -> memref<40xi32, #tpu.memory_space<vmem>>
        %dma_wait3A_627 = arith.constant 0 : i32
        %dma_wait3A_628 = tpu.memref_slice %arg7[%dma_wait3A_627] : memref<320000xi32, #tpu.memory_space<hbm>> -> memref<40xi32, #tpu.memory_space<hbm>>
        %dma_wait3A_629 = arith.constant 0 : i32
        %dma_wait3A_630 = tpu.memref_slice %arg16[%scan3A_262, %dma_wait3A_629] : memref<5x40xi32, #tpu.memory_space<vmem>> -> memref<1x40xi32, #tpu.memory_space<vmem>>
        %dma_wait3A_631 = tpu.memref_squeeze %dma_wait3A_630 : memref<1x40xi32, #tpu.memory_space<vmem>> -> memref<40xi32, #tpu.memory_space<vmem>>
        %dma_wait3A_632 = arith.constant 0 : i32
        %dma_wait3A_633 = tpu.memref_slice %arg7[%dma_wait3A_632] : memref<320000xi32, #tpu.memory_space<hbm>> -> memref<40xi32, #tpu.memory_space<hbm>>
        tpu.wait_dma2 semaphore(%arg29 : memref<!tpu.dma_semaphore, #tpu.memory_space<semaphore_mem>>) src(%dma_wait3A_633 : memref<40xi32, #tpu.memory_space<hbm>>) dst(%dma_wait3A_631 : memref<40xi32, #tpu.memory_space<vmem>>)
        %dma_wait3A_634 = arith.constant 0 : i32
        %dma_wait3A_635 = tpu.memref_slice %arg16[%scan3A_263, %dma_wait3A_634] : memref<5x40xi32, #tpu.memory_space<vmem>> -> memref<1x40xi32, #tpu.memory_space<vmem>>
        %dma_wait3A_636 = tpu.memref_squeeze %dma_wait3A_635 : memref<1x40xi32, #tpu.memory_space<vmem>> -> memref<40xi32, #tpu.memory_space<vmem>>
        %dma_wait3A_637 = arith.constant 0 : i32
        %dma_wait3A_638 = tpu.memref_slice %arg8[%dma_wait3A_637] : memref<320000xi32, #tpu.memory_space<hbm>> -> memref<40xi32, #tpu.memory_space<hbm>>
        %dma_wait3A_639 = arith.constant 0 : i32
        %dma_wait3A_640 = tpu.memref_slice %arg16[%scan3A_263, %dma_wait3A_639] : memref<5x40xi32, #tpu.memory_space<vmem>> -> memref<1x40xi32, #tpu.memory_space<vmem>>
        %dma_wait3A_641 = tpu.memref_squeeze %dma_wait3A_640 : memref<1x40xi32, #tpu.memory_space<vmem>> -> memref<40xi32, #tpu.memory_space<vmem>>
        %dma_wait3A_642 = arith.constant 0 : i32
        %dma_wait3A_643 = tpu.memref_slice %arg8[%dma_wait3A_642] : memref<320000xi32, #tpu.memory_space<hbm>> -> memref<40xi32, #tpu.memory_space<hbm>>
        tpu.wait_dma2 semaphore(%arg29 : memref<!tpu.dma_semaphore, #tpu.memory_space<semaphore_mem>>) src(%dma_wait3A_643 : memref<40xi32, #tpu.memory_space<hbm>>) dst(%dma_wait3A_641 : memref<40xi32, #tpu.memory_space<vmem>>)
        %dma_wait3A_644 = arith.constant 0 : i32
        %dma_wait3A_645 = tpu.memref_slice %arg16[%scan3A_264, %dma_wait3A_644] : memref<5x40xi32, #tpu.memory_space<vmem>> -> memref<1x40xi32, #tpu.memory_space<vmem>>
        %dma_wait3A_646 = tpu.memref_squeeze %dma_wait3A_645 : memref<1x40xi32, #tpu.memory_space<vmem>> -> memref<40xi32, #tpu.memory_space<vmem>>
        %dma_wait3A_647 = arith.constant 0 : i32
        %dma_wait3A_648 = tpu.memref_slice %arg6[%dma_wait3A_647] : memref<320000xi32, #tpu.memory_space<hbm>> -> memref<40xi32, #tpu.memory_space<hbm>>
        %dma_wait3A_649 = arith.constant 0 : i32
        %dma_wait3A_650 = tpu.memref_slice %arg16[%scan3A_264, %dma_wait3A_649] : memref<5x40xi32, #tpu.memory_space<vmem>> -> memref<1x40xi32, #tpu.memory_space<vmem>>
        %dma_wait3A_651 = tpu.memref_squeeze %dma_wait3A_650 : memref<1x40xi32, #tpu.memory_space<vmem>> -> memref<40xi32, #tpu.memory_space<vmem>>
        %dma_wait3A_652 = arith.constant 0 : i32
        %dma_wait3A_653 = tpu.memref_slice %arg6[%dma_wait3A_652] : memref<320000xi32, #tpu.memory_space<hbm>> -> memref<40xi32, #tpu.memory_space<hbm>>
        tpu.wait_dma2 semaphore(%arg29 : memref<!tpu.dma_semaphore, #tpu.memory_space<semaphore_mem>>) src(%dma_wait3A_653 : memref<40xi32, #tpu.memory_space<hbm>>) dst(%dma_wait3A_651 : memref<40xi32, #tpu.memory_space<vmem>>)
        %dma_start3A_654 = arith.constant 0 : i32
        %dma_start3A_655 = tpu.memref_slice %arg16[%scan3A_261, %dma_start3A_654] : memref<5x40xi32, #tpu.memory_space<vmem>> -> memref<1x40xi32, #tpu.memory_space<vmem>>
        %dma_start3A_656 = tpu.memref_squeeze %dma_start3A_655 : memref<1x40xi32, #tpu.memory_space<vmem>> -> memref<40xi32, #tpu.memory_space<vmem>>
        %dma_start3A_657 = arith.constant 0 : i32
        %dma_start3A_658 = arith.constant 0 : i32
        %dma_start3A_659 = tpu.memref_slice %arg2[%dma_start3A_657, %dma_start3A_658] : memref<10000x128xf32, #tpu.memory_space<hbm>> -> memref<10000x128xf32, #tpu.memory_space<hbm>>
        tpu.enqueue_indirect_dma source(%dma_start3A_659 : memref<10000x128xf32, #tpu.memory_space<hbm>>) target(%arg23 : memref<40x128xf32, #tpu.memory_space<vmem>>) offsets(%dma_start3A_656 : memref<40xi32, #tpu.memory_space<vmem>>) semaphore(%arg32 : memref<!tpu.dma_semaphore, #tpu.memory_space<semaphore_mem>>)
        %dma_start3A_660 = arith.constant 0 : i32
        %dma_start3A_661 = tpu.memref_slice %arg16[%scan3A_262, %dma_start3A_660] : memref<5x40xi32, #tpu.memory_space<vmem>> -> memref<1x40xi32, #tpu.memory_space<vmem>>
        %dma_start3A_662 = tpu.memref_squeeze %dma_start3A_661 : memref<1x40xi32, #tpu.memory_space<vmem>> -> memref<40xi32, #tpu.memory_space<vmem>>
        %dma_start3A_663 = arith.constant 0 : i32
        %dma_start3A_664 = arith.constant 0 : i32
        %dma_start3A_665 = tpu.memref_slice %arg3[%dma_start3A_663, %dma_start3A_664] : memref<1000x128xf32, #tpu.memory_space<hbm>> -> memref<1000x128xf32, #tpu.memory_space<hbm>>
        tpu.enqueue_indirect_dma source(%dma_start3A_665 : memref<1000x128xf32, #tpu.memory_space<hbm>>) target(%arg24 : memref<40x128xf32, #tpu.memory_space<vmem>>) offsets(%dma_start3A_662 : memref<40xi32, #tpu.memory_space<vmem>>) semaphore(%arg32 : memref<!tpu.dma_semaphore, #tpu.memory_space<semaphore_mem>>)
        %dma_start3A_666 = arith.constant 0 : i32
        %dma_start3A_667 = tpu.memref_slice %arg16[%scan3A_263, %dma_start3A_666] : memref<5x40xi32, #tpu.memory_space<vmem>> -> memref<1x40xi32, #tpu.memory_space<vmem>>
        %dma_start3A_668 = tpu.memref_squeeze %dma_start3A_667 : memref<1x40xi32, #tpu.memory_space<vmem>> -> memref<40xi32, #tpu.memory_space<vmem>>
        %dma_start3A_669 = arith.constant 0 : i32
        %dma_start3A_670 = arith.constant 0 : i32
        %dma_start3A_671 = tpu.memref_slice %arg4[%dma_start3A_669, %dma_start3A_670] : memref<368x128xf32, #tpu.memory_space<hbm>> -> memref<368x128xf32, #tpu.memory_space<hbm>>
        tpu.enqueue_indirect_dma source(%dma_start3A_671 : memref<368x128xf32, #tpu.memory_space<hbm>>) target(%arg25 : memref<40x128xf32, #tpu.memory_space<vmem>>) offsets(%dma_start3A_668 : memref<40xi32, #tpu.memory_space<vmem>>) semaphore(%arg32 : memref<!tpu.dma_semaphore, #tpu.memory_space<semaphore_mem>>)
      } else {
      }
      %dma_wait3A_495 = arith.constant 0 : i32
      %dma_wait3A_496 = tpu.memref_slice %arg14[%scan3A_265, %dma_wait3A_495] : memref<5x40xi32, #tpu.memory_space<vmem>> -> memref<1x40xi32, #tpu.memory_space<vmem>>
      %dma_wait3A_497 = tpu.memref_squeeze %dma_wait3A_496 : memref<1x40xi32, #tpu.memory_space<vmem>> -> memref<40xi32, #tpu.memory_space<vmem>>
      %dma_wait3A_498 = arith.constant 0 : i32
      %dma_wait3A_499 = arith.constant 0 : i32
      %dma_wait3A_500 = tpu.memref_slice %arg2[%dma_wait3A_498, %dma_wait3A_499] : memref<10000x128xf32, #tpu.memory_space<hbm>> -> memref<10000x128xf32, #tpu.memory_space<hbm>>
      tpu.wait_indirect_dma semaphore(%arg30 : memref<!tpu.dma_semaphore, #tpu.memory_space<semaphore_mem>>) src(%dma_wait3A_500 : memref<10000x128xf32, #tpu.memory_space<hbm>>) dst(%arg17 : memref<40x128xf32, #tpu.memory_space<vmem>>)
      %dma_wait3A_501 = arith.constant 0 : i32
      %dma_wait3A_502 = tpu.memref_slice %arg14[%scan3A_266, %dma_wait3A_501] : memref<5x40xi32, #tpu.memory_space<vmem>> -> memref<1x40xi32, #tpu.memory_space<vmem>>
      %dma_wait3A_503 = tpu.memref_squeeze %dma_wait3A_502 : memref<1x40xi32, #tpu.memory_space<vmem>> -> memref<40xi32, #tpu.memory_space<vmem>>
      %dma_wait3A_504 = arith.constant 0 : i32
      %dma_wait3A_505 = arith.constant 0 : i32
      %dma_wait3A_506 = tpu.memref_slice %arg3[%dma_wait3A_504, %dma_wait3A_505] : memref<1000x128xf32, #tpu.memory_space<hbm>> -> memref<1000x128xf32, #tpu.memory_space<hbm>>
      tpu.wait_indirect_dma semaphore(%arg30 : memref<!tpu.dma_semaphore, #tpu.memory_space<semaphore_mem>>) src(%dma_wait3A_506 : memref<1000x128xf32, #tpu.memory_space<hbm>>) dst(%arg18 : memref<40x128xf32, #tpu.memory_space<vmem>>)
      %dma_wait3A_507 = arith.constant 0 : i32
      %dma_wait3A_508 = tpu.memref_slice %arg14[%scan3A_267, %dma_wait3A_507] : memref<5x40xi32, #tpu.memory_space<vmem>> -> memref<1x40xi32, #tpu.memory_space<vmem>>
      %dma_wait3A_509 = tpu.memref_squeeze %dma_wait3A_508 : memref<1x40xi32, #tpu.memory_space<vmem>> -> memref<40xi32, #tpu.memory_space<vmem>>
      %dma_wait3A_510 = arith.constant 0 : i32
      %dma_wait3A_511 = arith.constant 0 : i32
      %dma_wait3A_512 = tpu.memref_slice %arg4[%dma_wait3A_510, %dma_wait3A_511] : memref<368x128xf32, #tpu.memory_space<hbm>> -> memref<368x128xf32, #tpu.memory_space<hbm>>
      tpu.wait_indirect_dma semaphore(%arg30 : memref<!tpu.dma_semaphore, #tpu.memory_space<semaphore_mem>>) src(%dma_wait3A_512 : memref<368x128xf32, #tpu.memory_space<hbm>>) dst(%arg19 : memref<40x128xf32, #tpu.memory_space<vmem>>)
      %scan3A_513 = arith.constant 0 : i32
      %scan3A_514 = arith.constant 0 : i32
      %scan3A_515 = arith.constant 40 : i32
      %scan3A_516 = arith.addi %scan3A_514, %scan3A_515 : i32
      %scan3A_517 = arith.constant 1 : i32
      %scan3A_518 = scf.for %scan3A_614 = %scan3A_514 to %scan3A_516 step %scan3A_517 iter_args(%scan3A_615 = %scan3A_513) -> (i32)  : i32 {
        %get3A = arith.index_cast %scan3A_614 : i32 to index
        %get3A_616 = arith.constant 0 : index
        %get3A_617 = tpu.vector_load %arg17[%get3A, %get3A_616] {strides = array<i32>} : memref<40x128xf32, #tpu.memory_space<vmem>>, vector<1x16xf32>,
        %get3A_618 = vector.shape_cast %get3A_617 : vector<1x16xf32> to vector<16xf32>
        %get3A_619 = arith.index_cast %scan3A_614 : i32 to index
        %get3A_620 = arith.constant 0 : index
        %get3A_621 = tpu.vector_load %arg18[%get3A_619, %get3A_620] {strides = array<i32>} : memref<40x128xf32, #tpu.memory_space<vmem>>, vector<1x16xf32>,
        %get3A_622 = vector.shape_cast %get3A_621 : vector<1x16xf32> to vector<16xf32>
        %sub3A = arith.subf %get3A_618, %get3A_622 : vector<16xf32>
        %get3A_623 = arith.index_cast %scan3A_614 : i32 to index
        %get3A_624 = arith.constant 0 : index
        %get3A_625 = tpu.vector_load %arg19[%get3A_623, %get3A_624] {strides = array<i32>} : memref<40x128xf32, #tpu.memory_space<vmem>>, vector<1x16xf32>,
        %get3A_626 = vector.shape_cast %get3A_625 : vector<1x16xf32> to vector<16xf32>
        %mul3A_627 = arith.mulf %sub3A, %get3A_626 : vector<16xf32>
        %swap3A = arith.index_cast %scan3A_614 : i32 to index
        %swap3A_628 = arith.constant 0 : index
        %swap3A_629 = tpu.vector_load %arg17[%swap3A, %swap3A_628] {strides = array<i32>} : memref<40x128xf32, #tpu.memory_space<vmem>>, vector<1x16xf32>,
        %swap3A_630 = vector.shape_cast %swap3A_629 : vector<1x16xf32> to vector<16xf32>
        %swap3A_631 = vector.shape_cast %mul3A_627 : vector<16xf32> to vector<1x16xf32>
        tpu.vector_store %arg17[%swap3A, %swap3A_628], %swap3A_631 {strides = array<i32>} : memref<40x128xf32, #tpu.memory_space<vmem>>, vector<1x16xf32>,
        %get3A_632 = arith.index_cast %scan3A_614 : i32 to index
        %get3A_633 = arith.constant 16 : index
        %get3A_634 = tpu.vector_load %arg17[%get3A_632, %get3A_633] {strides = array<i32>} : memref<40x128xf32, #tpu.memory_space<vmem>>, vector<1x16xf32>,
        %get3A_635 = vector.shape_cast %get3A_634 : vector<1x16xf32> to vector<16xf32>
        %get3A_636 = arith.index_cast %scan3A_614 : i32 to index
        %get3A_637 = arith.constant 16 : index
        %get3A_638 = tpu.vector_load %arg18[%get3A_636, %get3A_637] {strides = array<i32>} : memref<40x128xf32, #tpu.memory_space<vmem>>, vector<1x16xf32>,
        %get3A_639 = vector.shape_cast %get3A_638 : vector<1x16xf32> to vector<16xf32>
        %sub3A_640 = arith.subf %get3A_635, %get3A_639 : vector<16xf32>
        %get3A_641 = arith.index_cast %scan3A_614 : i32 to index
        %get3A_642 = arith.constant 16 : index
        %get3A_643 = tpu.vector_load %arg19[%get3A_641, %get3A_642] {strides = array<i32>} : memref<40x128xf32, #tpu.memory_space<vmem>>, vector<1x16xf32>,
        %get3A_644 = vector.shape_cast %get3A_643 : vector<1x16xf32> to vector<16xf32>
        %mul3A_645 = arith.mulf %sub3A_640, %get3A_644 : vector<16xf32>
        %swap3A_646 = arith.index_cast %scan3A_614 : i32 to index
        %swap3A_647 = arith.constant 16 : index
        %swap3A_648 = tpu.vector_load %arg17[%swap3A_646, %swap3A_647] {strides = array<i32>} : memref<40x128xf32, #tpu.memory_space<vmem>>, vector<1x16xf32>,
        %swap3A_649 = vector.shape_cast %swap3A_648 : vector<1x16xf32> to vector<16xf32>
        %swap3A_650 = vector.shape_cast %mul3A_645 : vector<16xf32> to vector<1x16xf32>
        tpu.vector_store %arg17[%swap3A_646, %swap3A_647], %swap3A_650 {strides = array<i32>} : memref<40x128xf32, #tpu.memory_space<vmem>>, vector<1x16xf32>,
        %get3A_651 = arith.index_cast %scan3A_614 : i32 to index
        %get3A_652 = arith.constant 32 : index
        %get3A_653 = tpu.vector_load %arg17[%get3A_651, %get3A_652] {strides = array<i32>} : memref<40x128xf32, #tpu.memory_space<vmem>>, vector<1x16xf32>,
        %get3A_654 = vector.shape_cast %get3A_653 : vector<1x16xf32> to vector<16xf32>
        %get3A_655 = arith.index_cast %scan3A_614 : i32 to index
        %get3A_656 = arith.constant 32 : index
        %get3A_657 = tpu.vector_load %arg18[%get3A_655, %get3A_656] {strides = array<i32>} : memref<40x128xf32, #tpu.memory_space<vmem>>, vector<1x16xf32>,
        %get3A_658 = vector.shape_cast %get3A_657 : vector<1x16xf32> to vector<16xf32>
        %sub3A_659 = arith.subf %get3A_654, %get3A_658 : vector<16xf32>
        %get3A_660 = arith.index_cast %scan3A_614 : i32 to index
        %get3A_661 = arith.constant 32 : index
        %get3A_662 = tpu.vector_load %arg19[%get3A_660, %get3A_661] {strides = array<i32>} : memref<40x128xf32, #tpu.memory_space<vmem>>, vector<1x16xf32>,
        %get3A_663 = vector.shape_cast %get3A_662 : vector<1x16xf32> to vector<16xf32>
        %mul3A_664 = arith.mulf %sub3A_659, %get3A_663 : vector<16xf32>
        %swap3A_665 = arith.index_cast %scan3A_614 : i32 to index
        %swap3A_666 = arith.constant 32 : index
        %swap3A_667 = tpu.vector_load %arg17[%swap3A_665, %swap3A_666] {strides = array<i32>} : memref<40x128xf32, #tpu.memory_space<vmem>>, vector<1x16xf32>,
        %swap3A_668 = vector.shape_cast %swap3A_667 : vector<1x16xf32> to vector<16xf32>
        %swap3A_669 = vector.shape_cast %mul3A_664 : vector<16xf32> to vector<1x16xf32>
        tpu.vector_store %arg17[%swap3A_665, %swap3A_666], %swap3A_669 {strides = array<i32>} : memref<40x128xf32, #tpu.memory_space<vmem>>, vector<1x16xf32>,
        %get3A_670 = arith.index_cast %scan3A_614 : i32 to index
        %get3A_671 = arith.constant 48 : index
        %get3A_672 = tpu.vector_load %arg17[%get3A_670, %get3A_671] {strides = array<i32>} : memref<40x128xf32, #tpu.memory_space<vmem>>, vector<1x16xf32>,
        %get3A_673 = vector.shape_cast %get3A_672 : vector<1x16xf32> to vector<16xf32>
        %get3A_674 = arith.index_cast %scan3A_614 : i32 to index
        %get3A_675 = arith.constant 48 : index
        %get3A_676 = tpu.vector_load %arg18[%get3A_674, %get3A_675] {strides = array<i32>} : memref<40x128xf32, #tpu.memory_space<vmem>>, vector<1x16xf32>,
        %get3A_677 = vector.shape_cast %get3A_676 : vector<1x16xf32> to vector<16xf32>
        %sub3A_678 = arith.subf %get3A_673, %get3A_677 : vector<16xf32>
        %get3A_679 = arith.index_cast %scan3A_614 : i32 to index
        %get3A_680 = arith.constant 48 : index
        %get3A_681 = tpu.vector_load %arg19[%get3A_679, %get3A_680] {strides = array<i32>} : memref<40x128xf32, #tpu.memory_space<vmem>>, vector<1x16xf32>,
        %get3A_682 = vector.shape_cast %get3A_681 : vector<1x16xf32> to vector<16xf32>
        %mul3A_683 = arith.mulf %sub3A_678, %get3A_682 : vector<16xf32>
        %swap3A_684 = arith.index_cast %scan3A_614 : i32 to index
        %swap3A_685 = arith.constant 48 : index
        %swap3A_686 = tpu.vector_load %arg17[%swap3A_684, %swap3A_685] {strides = array<i32>} : memref<40x128xf32, #tpu.memory_space<vmem>>, vector<1x16xf32>,
        %swap3A_687 = vector.shape_cast %swap3A_686 : vector<1x16xf32> to vector<16xf32>
        %swap3A_688 = vector.shape_cast %mul3A_683 : vector<16xf32> to vector<1x16xf32>
        tpu.vector_store %arg17[%swap3A_684, %swap3A_685], %swap3A_688 {strides = array<i32>} : memref<40x128xf32, #tpu.memory_space<vmem>>, vector<1x16xf32>,
        %get3A_689 = arith.index_cast %scan3A_614 : i32 to index
        %get3A_690 = arith.constant 64 : index
        %get3A_691 = tpu.vector_load %arg17[%get3A_689, %get3A_690] {strides = array<i32>} : memref<40x128xf32, #tpu.memory_space<vmem>>, vector<1x16xf32>,
        %get3A_692 = vector.shape_cast %get3A_691 : vector<1x16xf32> to vector<16xf32>
        %get3A_693 = arith.index_cast %scan3A_614 : i32 to index
        %get3A_694 = arith.constant 64 : index
        %get3A_695 = tpu.vector_load %arg18[%get3A_693, %get3A_694] {strides = array<i32>} : memref<40x128xf32, #tpu.memory_space<vmem>>, vector<1x16xf32>,
        %get3A_696 = vector.shape_cast %get3A_695 : vector<1x16xf32> to vector<16xf32>
        %sub3A_697 = arith.subf %get3A_692, %get3A_696 : vector<16xf32>
        %get3A_698 = arith.index_cast %scan3A_614 : i32 to index
        %get3A_699 = arith.constant 64 : index
        %get3A_700 = tpu.vector_load %arg19[%get3A_698, %get3A_699] {strides = array<i32>} : memref<40x128xf32, #tpu.memory_space<vmem>>, vector<1x16xf32>,
        %get3A_701 = vector.shape_cast %get3A_700 : vector<1x16xf32> to vector<16xf32>
        %mul3A_702 = arith.mulf %sub3A_697, %get3A_701 : vector<16xf32>
        %swap3A_703 = arith.index_cast %scan3A_614 : i32 to index
        %swap3A_704 = arith.constant 64 : index
        %swap3A_705 = tpu.vector_load %arg17[%swap3A_703, %swap3A_704] {strides = array<i32>} : memref<40x128xf32, #tpu.memory_space<vmem>>, vector<1x16xf32>,
        %swap3A_706 = vector.shape_cast %swap3A_705 : vector<1x16xf32> to vector<16xf32>
        %swap3A_707 = vector.shape_cast %mul3A_702 : vector<16xf32> to vector<1x16xf32>
        tpu.vector_store %arg17[%swap3A_703, %swap3A_704], %swap3A_707 {strides = array<i32>} : memref<40x128xf32, #tpu.memory_space<vmem>>, vector<1x16xf32>,
        %get3A_708 = arith.index_cast %scan3A_614 : i32 to index
        %get3A_709 = arith.constant 80 : index
        %get3A_710 = tpu.vector_load %arg17[%get3A_708, %get3A_709] {strides = array<i32>} : memref<40x128xf32, #tpu.memory_space<vmem>>, vector<1x16xf32>,
        %get3A_711 = vector.shape_cast %get3A_710 : vector<1x16xf32> to vector<16xf32>
        %get3A_712 = arith.index_cast %scan3A_614 : i32 to index
        %get3A_713 = arith.constant 80 : index
        %get3A_714 = tpu.vector_load %arg18[%get3A_712, %get3A_713] {strides = array<i32>} : memref<40x128xf32, #tpu.memory_space<vmem>>, vector<1x16xf32>,
        %get3A_715 = vector.shape_cast %get3A_714 : vector<1x16xf32> to vector<16xf32>
        %sub3A_716 = arith.subf %get3A_711, %get3A_715 : vector<16xf32>
        %get3A_717 = arith.index_cast %scan3A_614 : i32 to index
        %get3A_718 = arith.constant 80 : index
        %get3A_719 = tpu.vector_load %arg19[%get3A_717, %get3A_718] {strides = array<i32>} : memref<40x128xf32, #tpu.memory_space<vmem>>, vector<1x16xf32>,
        %get3A_720 = vector.shape_cast %get3A_719 : vector<1x16xf32> to vector<16xf32>
        %mul3A_721 = arith.mulf %sub3A_716, %get3A_720 : vector<16xf32>
        %swap3A_722 = arith.index_cast %scan3A_614 : i32 to index
        %swap3A_723 = arith.constant 80 : index
        %swap3A_724 = tpu.vector_load %arg17[%swap3A_722, %swap3A_723] {strides = array<i32>} : memref<40x128xf32, #tpu.memory_space<vmem>>, vector<1x16xf32>,
        %swap3A_725 = vector.shape_cast %swap3A_724 : vector<1x16xf32> to vector<16xf32>
        %swap3A_726 = vector.shape_cast %mul3A_721 : vector<16xf32> to vector<1x16xf32>
        tpu.vector_store %arg17[%swap3A_722, %swap3A_723], %swap3A_726 {strides = array<i32>} : memref<40x128xf32, #tpu.memory_space<vmem>>, vector<1x16xf32>,
        %get3A_727 = arith.index_cast %scan3A_614 : i32 to index
        %get3A_728 = arith.constant 96 : index
        %get3A_729 = tpu.vector_load %arg17[%get3A_727, %get3A_728] {strides = array<i32>} : memref<40x128xf32, #tpu.memory_space<vmem>>, vector<1x16xf32>,
        %get3A_730 = vector.shape_cast %get3A_729 : vector<1x16xf32> to vector<16xf32>
        %get3A_731 = arith.index_cast %scan3A_614 : i32 to index
        %get3A_732 = arith.constant 96 : index
        %get3A_733 = tpu.vector_load %arg18[%get3A_731, %get3A_732] {strides = array<i32>} : memref<40x128xf32, #tpu.memory_space<vmem>>, vector<1x16xf32>,
        %get3A_734 = vector.shape_cast %get3A_733 : vector<1x16xf32> to vector<16xf32>
        %sub3A_735 = arith.subf %get3A_730, %get3A_734 : vector<16xf32>
        %get3A_736 = arith.index_cast %scan3A_614 : i32 to index
        %get3A_737 = arith.constant 96 : index
        %get3A_738 = tpu.vector_load %arg19[%get3A_736, %get3A_737] {strides = array<i32>} : memref<40x128xf32, #tpu.memory_space<vmem>>, vector<1x16xf32>,
        %get3A_739 = vector.shape_cast %get3A_738 : vector<1x16xf32> to vector<16xf32>
        %mul3A_740 = arith.mulf %sub3A_735, %get3A_739 : vector<16xf32>
        %swap3A_741 = arith.index_cast %scan3A_614 : i32 to index
        %swap3A_742 = arith.constant 96 : index
        %swap3A_743 = tpu.vector_load %arg17[%swap3A_741, %swap3A_742] {strides = array<i32>} : memref<40x128xf32, #tpu.memory_space<vmem>>, vector<1x16xf32>,
        %swap3A_744 = vector.shape_cast %swap3A_743 : vector<1x16xf32> to vector<16xf32>
        %swap3A_745 = vector.shape_cast %mul3A_740 : vector<16xf32> to vector<1x16xf32>
        tpu.vector_store %arg17[%swap3A_741, %swap3A_742], %swap3A_745 {strides = array<i32>} : memref<40x128xf32, #tpu.memory_space<vmem>>, vector<1x16xf32>,
        %get3A_746 = arith.index_cast %scan3A_614 : i32 to index
        %get3A_747 = arith.constant 112 : index
        %get3A_748 = tpu.vector_load %arg17[%get3A_746, %get3A_747] {strides = array<i32>} : memref<40x128xf32, #tpu.memory_space<vmem>>, vector<1x16xf32>,
        %get3A_749 = vector.shape_cast %get3A_748 : vector<1x16xf32> to vector<16xf32>
        %get3A_750 = arith.index_cast %scan3A_614 : i32 to index
        %get3A_751 = arith.constant 112 : index
        %get3A_752 = tpu.vector_load %arg18[%get3A_750, %get3A_751] {strides = array<i32>} : memref<40x128xf32, #tpu.memory_space<vmem>>, vector<1x16xf32>,
        %get3A_753 = vector.shape_cast %get3A_752 : vector<1x16xf32> to vector<16xf32>
        %sub3A_754 = arith.subf %get3A_749, %get3A_753 : vector<16xf32>
        %get3A_755 = arith.index_cast %scan3A_614 : i32 to index
        %get3A_756 = arith.constant 112 : index
        %get3A_757 = tpu.vector_load %arg19[%get3A_755, %get3A_756] {strides = array<i32>} : memref<40x128xf32, #tpu.memory_space<vmem>>, vector<1x16xf32>,
        %get3A_758 = vector.shape_cast %get3A_757 : vector<1x16xf32> to vector<16xf32>
        %mul3A_759 = arith.mulf %sub3A_754, %get3A_758 : vector<16xf32>
        %swap3A_760 = arith.index_cast %scan3A_614 : i32 to index
        %swap3A_761 = arith.constant 112 : index
        %swap3A_762 = tpu.vector_load %arg17[%swap3A_760, %swap3A_761] {strides = array<i32>} : memref<40x128xf32, #tpu.memory_space<vmem>>, vector<1x16xf32>,
        %swap3A_763 = vector.shape_cast %swap3A_762 : vector<1x16xf32> to vector<16xf32>
        %swap3A_764 = vector.shape_cast %mul3A_759 : vector<16xf32> to vector<1x16xf32>
        tpu.vector_store %arg17[%swap3A_760, %swap3A_761], %swap3A_764 {strides = array<i32>} : memref<40x128xf32, #tpu.memory_space<vmem>>, vector<1x16xf32>,
        %scan3A_765 = arith.constant 0 : i32
        scf.yield %scan3A_765 : i32
      }
      %scan3A_519 = arith.constant 40 : i32
      "tpu.region"() ({
        %run_scoped3A_614 = tpu.sem_alloc : memref<!tpu.dma_semaphore, #tpu.memory_space<semaphore_mem>>
        %dma_start3A_615 = arith.constant 0 : i32
        %dma_start3A_616 = tpu.memref_slice %arg14[%scan3A_268, %dma_start3A_615] : memref<5x40xi32, #tpu.memory_space<vmem>> -> memref<1x40xi32, #tpu.memory_space<vmem>>
        %dma_start3A_617 = tpu.memref_squeeze %dma_start3A_616 : memref<1x40xi32, #tpu.memory_space<vmem>> -> memref<40xi32, #tpu.memory_space<vmem>>
        %dma_start3A_618 = arith.constant 0 : i32
        %dma_start3A_619 = arith.constant 0 : i32
        %dma_start3A_620 = tpu.memref_slice %arg26[%dma_start3A_618, %dma_start3A_619] : memref<10240x128xf32, #tpu.memory_space<vmem_shared>> -> memref<10240x128xf32, #tpu.memory_space<vmem_shared>>
        tpu.enqueue_indirect_dma source(%arg17 : memref<40x128xf32, #tpu.memory_space<vmem>>) target(%dma_start3A_620 : memref<10240x128xf32, #tpu.memory_space<vmem_shared>>) offsets(%dma_start3A_617 : memref<40xi32, #tpu.memory_space<vmem>>) semaphore(%run_scoped3A_614 : memref<!tpu.dma_semaphore, #tpu.memory_space<semaphore_mem>>) {add = true}
        %dma_wait3A_621 = arith.constant 0 : i32
        %dma_wait3A_622 = tpu.memref_slice %arg14[%scan3A_268, %dma_wait3A_621] : memref<5x40xi32, #tpu.memory_space<vmem>> -> memref<1x40xi32, #tpu.memory_space<vmem>>
        %dma_wait3A_623 = tpu.memref_squeeze %dma_wait3A_622 : memref<1x40xi32, #tpu.memory_space<vmem>> -> memref<40xi32, #tpu.memory_space<vmem>>
        %dma_wait3A_624 = arith.constant 0 : i32
        %dma_wait3A_625 = arith.constant 0 : i32
        %dma_wait3A_626 = tpu.memref_slice %arg26[%dma_wait3A_624, %dma_wait3A_625] : memref<10240x128xf32, #tpu.memory_space<vmem_shared>> -> memref<10240x128xf32, #tpu.memory_space<vmem_shared>>
        tpu.wait_indirect_dma semaphore(%run_scoped3A_614 : memref<!tpu.dma_semaphore, #tpu.memory_space<semaphore_mem>>) src(%arg17 : memref<40x128xf32, #tpu.memory_space<vmem>>) dst(%dma_wait3A_626 : memref<10240x128xf32, #tpu.memory_space<vmem_shared>>)
        tpu.yield
      }) : () -> ()
      %add3A_520 = arith.constant 3 : i32
      %add3A_521 = arith.addi %mul3A_490, %add3A_520 : i32
      %lt3A_522 = arith.constant 250 : i32
      %lt3A_523 = arith.cmpi slt, %add3A_521, %lt3A_522 : i32
      %convert_element_type3A_524 = arith.extui %lt3A_523 : i1 to i32
      %cond3A_525 = arith.constant 0 : i32
      %cond3A_526 = arith.cmpi ne, %convert_element_type3A_524, %cond3A_525 : i32
      scf.if %cond3A_526 {
        %add3A_614 = arith.constant 3 : i32
        %add3A_615 = arith.addi %mul3A_490, %add3A_614 : i32
        %mul3A_616 = arith.constant 40 : i32
        %mul3A_617 = arith.muli %add3A_615, %mul3A_616 : i32
        %add3A_618 = arith.addi %mul3A_18, %mul3A_617 : i32
        %dma_start3A_619 = arith.constant 0 : i32
        %dma_start3A_620 = tpu.memref_slice %arg14[%scan3A_265, %dma_start3A_619] : memref<5x40xi32, #tpu.memory_space<vmem>> -> memref<1x40xi32, #tpu.memory_space<vmem>>
        %dma_start3A_621 = tpu.memref_squeeze %dma_start3A_620 : memref<1x40xi32, #tpu.memory_space<vmem>> -> memref<40xi32, #tpu.memory_space<vmem>>
        %dma_start3A_622 = tpu.memref_slice %arg5[%add3A_618] : memref<320000xi32, #tpu.memory_space<hbm>> -> memref<40xi32, #tpu.memory_space<hbm>>
        %dma_start3A_623 = arith.constant 0 : i32
        %dma_start3A_624 = tpu.memref_slice %arg14[%scan3A_265, %dma_start3A_623] : memref<5x40xi32, #tpu.memory_space<vmem>> -> memref<1x40xi32, #tpu.memory_space<vmem>>
        %dma_start3A_625 = tpu.memref_squeeze %dma_start3A_624 : memref<1x40xi32, #tpu.memory_space<vmem>> -> memref<40xi32, #tpu.memory_space<vmem>>
        %dma_start3A_626 = tpu.memref_slice %arg5[%add3A_618] : memref<320000xi32, #tpu.memory_space<hbm>> -> memref<40xi32, #tpu.memory_space<hbm>>
        tpu.enqueue_dma source(%dma_start3A_626 : memref<40xi32, #tpu.memory_space<hbm>>) target(%dma_start3A_625 : memref<40xi32, #tpu.memory_space<vmem>>) target_semaphore(%arg27 : memref<!tpu.dma_semaphore, #tpu.memory_space<semaphore_mem>>)
        %dma_start3A_627 = arith.constant 0 : i32
        %dma_start3A_628 = tpu.memref_slice %arg14[%scan3A_266, %dma_start3A_627] : memref<5x40xi32, #tpu.memory_space<vmem>> -> memref<1x40xi32, #tpu.memory_space<vmem>>
        %dma_start3A_629 = tpu.memref_squeeze %dma_start3A_628 : memref<1x40xi32, #tpu.memory_space<vmem>> -> memref<40xi32, #tpu.memory_space<vmem>>
        %dma_start3A_630 = tpu.memref_slice %arg7[%add3A_618] : memref<320000xi32, #tpu.memory_space<hbm>> -> memref<40xi32, #tpu.memory_space<hbm>>
        %dma_start3A_631 = arith.constant 0 : i32
        %dma_start3A_632 = tpu.memref_slice %arg14[%scan3A_266, %dma_start3A_631] : memref<5x40xi32, #tpu.memory_space<vmem>> -> memref<1x40xi32, #tpu.memory_space<vmem>>
        %dma_start3A_633 = tpu.memref_squeeze %dma_start3A_632 : memref<1x40xi32, #tpu.memory_space<vmem>> -> memref<40xi32, #tpu.memory_space<vmem>>
        %dma_start3A_634 = tpu.memref_slice %arg7[%add3A_618] : memref<320000xi32, #tpu.memory_space<hbm>> -> memref<40xi32, #tpu.memory_space<hbm>>
        tpu.enqueue_dma source(%dma_start3A_634 : memref<40xi32, #tpu.memory_space<hbm>>) target(%dma_start3A_633 : memref<40xi32, #tpu.memory_space<vmem>>) target_semaphore(%arg27 : memref<!tpu.dma_semaphore, #tpu.memory_space<semaphore_mem>>)
        %dma_start3A_635 = arith.constant 0 : i32
        %dma_start3A_636 = tpu.memref_slice %arg14[%scan3A_267, %dma_start3A_635] : memref<5x40xi32, #tpu.memory_space<vmem>> -> memref<1x40xi32, #tpu.memory_space<vmem>>
        %dma_start3A_637 = tpu.memref_squeeze %dma_start3A_636 : memref<1x40xi32, #tpu.memory_space<vmem>> -> memref<40xi32, #tpu.memory_space<vmem>>
        %dma_start3A_638 = tpu.memref_slice %arg8[%add3A_618] : memref<320000xi32, #tpu.memory_space<hbm>> -> memref<40xi32, #tpu.memory_space<hbm>>
        %dma_start3A_639 = arith.constant 0 : i32
        %dma_start3A_640 = tpu.memref_slice %arg14[%scan3A_267, %dma_start3A_639] : memref<5x40xi32, #tpu.memory_space<vmem>> -> memref<1x40xi32, #tpu.memory_space<vmem>>
        %dma_start3A_641 = tpu.memref_squeeze %dma_start3A_640 : memref<1x40xi32, #tpu.memory_space<vmem>> -> memref<40xi32, #tpu.memory_space<vmem>>
        %dma_start3A_642 = tpu.memref_slice %arg8[%add3A_618] : memref<320000xi32, #tpu.memory_space<hbm>> -> memref<40xi32, #tpu.memory_space<hbm>>
        tpu.enqueue_dma source(%dma_start3A_642 : memref<40xi32, #tpu.memory_space<hbm>>) target(%dma_start3A_641 : memref<40xi32, #tpu.memory_space<vmem>>) target_semaphore(%arg27 : memref<!tpu.dma_semaphore, #tpu.memory_space<semaphore_mem>>)
        %dma_start3A_643 = arith.constant 0 : i32
        %dma_start3A_644 = tpu.memref_slice %arg14[%scan3A_268, %dma_start3A_643] : memref<5x40xi32, #tpu.memory_space<vmem>> -> memref<1x40xi32, #tpu.memory_space<vmem>>
        %dma_start3A_645 = tpu.memref_squeeze %dma_start3A_644 : memref<1x40xi32, #tpu.memory_space<vmem>> -> memref<40xi32, #tpu.memory_space<vmem>>
        %dma_start3A_646 = tpu.memref_slice %arg6[%add3A_618] : memref<320000xi32, #tpu.memory_space<hbm>> -> memref<40xi32, #tpu.memory_space<hbm>>
        %dma_start3A_647 = arith.constant 0 : i32
        %dma_start3A_648 = tpu.memref_slice %arg14[%scan3A_268, %dma_start3A_647] : memref<5x40xi32, #tpu.memory_space<vmem>> -> memref<1x40xi32, #tpu.memory_space<vmem>>
        %dma_start3A_649 = tpu.memref_squeeze %dma_start3A_648 : memref<1x40xi32, #tpu.memory_space<vmem>> -> memref<40xi32, #tpu.memory_space<vmem>>
        %dma_start3A_650 = tpu.memref_slice %arg6[%add3A_618] : memref<320000xi32, #tpu.memory_space<hbm>> -> memref<40xi32, #tpu.memory_space<hbm>>
        tpu.enqueue_dma source(%dma_start3A_650 : memref<40xi32, #tpu.memory_space<hbm>>) target(%dma_start3A_649 : memref<40xi32, #tpu.memory_space<vmem>>) target_semaphore(%arg27 : memref<!tpu.dma_semaphore, #tpu.memory_space<semaphore_mem>>)
      } else {
      }
      %mul3A_527 = arith.constant 3 : i32
      %mul3A_528 = arith.muli %mul3A_527, %scan3A_487 : i32
      %add3A_529 = arith.constant 1 : i32
      %add3A_530 = arith.addi %mul3A_528, %add3A_529 : i32
      %add3A_531 = arith.constant 2 : i32
      %add3A_532 = arith.addi %add3A_530, %add3A_531 : i32
      %lt3A_533 = arith.constant 250 : i32
      %lt3A_534 = arith.cmpi slt, %add3A_532, %lt3A_533 : i32
      %convert_element_type3A_535 = arith.extui %lt3A_534 : i1 to i32
      %cond3A_536 = arith.constant 0 : i32
      %cond3A_537 = arith.cmpi ne, %convert_element_type3A_535, %cond3A_536 : i32
      scf.if %cond3A_537 {
        %dma_wait3A_614 = arith.constant 0 : i32
        %dma_wait3A_615 = tpu.memref_slice %arg14[%scan3A_265, %dma_wait3A_614] : memref<5x40xi32, #tpu.memory_space<vmem>> -> memref<1x40xi32, #tpu.memory_space<vmem>>
        %dma_wait3A_616 = tpu.memref_squeeze %dma_wait3A_615 : memref<1x40xi32, #tpu.memory_space<vmem>> -> memref<40xi32, #tpu.memory_space<vmem>>
        %dma_wait3A_617 = arith.constant 0 : i32
        %dma_wait3A_618 = tpu.memref_slice %arg5[%dma_wait3A_617] : memref<320000xi32, #tpu.memory_space<hbm>> -> memref<40xi32, #tpu.memory_space<hbm>>
        %dma_wait3A_619 = arith.constant 0 : i32
        %dma_wait3A_620 = tpu.memref_slice %arg14[%scan3A_265, %dma_wait3A_619] : memref<5x40xi32, #tpu.memory_space<vmem>> -> memref<1x40xi32, #tpu.memory_space<vmem>>
        %dma_wait3A_621 = tpu.memref_squeeze %dma_wait3A_620 : memref<1x40xi32, #tpu.memory_space<vmem>> -> memref<40xi32, #tpu.memory_space<vmem>>
        %dma_wait3A_622 = arith.constant 0 : i32
        %dma_wait3A_623 = tpu.memref_slice %arg5[%dma_wait3A_622] : memref<320000xi32, #tpu.memory_space<hbm>> -> memref<40xi32, #tpu.memory_space<hbm>>
        tpu.wait_dma2 semaphore(%arg27 : memref<!tpu.dma_semaphore, #tpu.memory_space<semaphore_mem>>) src(%dma_wait3A_623 : memref<40xi32, #tpu.memory_space<hbm>>) dst(%dma_wait3A_621 : memref<40xi32, #tpu.memory_space<vmem>>)
        %dma_wait3A_624 = arith.constant 0 : i32
        %dma_wait3A_625 = tpu.memref_slice %arg14[%scan3A_266, %dma_wait3A_624] : memref<5x40xi32, #tpu.memory_space<vmem>> -> memref<1x40xi32, #tpu.memory_space<vmem>>
        %dma_wait3A_626 = tpu.memref_squeeze %dma_wait3A_625 : memref<1x40xi32, #tpu.memory_space<vmem>> -> memref<40xi32, #tpu.memory_space<vmem>>
        %dma_wait3A_627 = arith.constant 0 : i32
        %dma_wait3A_628 = tpu.memref_slice %arg7[%dma_wait3A_627] : memref<320000xi32, #tpu.memory_space<hbm>> -> memref<40xi32, #tpu.memory_space<hbm>>
        %dma_wait3A_629 = arith.constant 0 : i32
        %dma_wait3A_630 = tpu.memref_slice %arg14[%scan3A_266, %dma_wait3A_629] : memref<5x40xi32, #tpu.memory_space<vmem>> -> memref<1x40xi32, #tpu.memory_space<vmem>>
        %dma_wait3A_631 = tpu.memref_squeeze %dma_wait3A_630 : memref<1x40xi32, #tpu.memory_space<vmem>> -> memref<40xi32, #tpu.memory_space<vmem>>
        %dma_wait3A_632 = arith.constant 0 : i32
        %dma_wait3A_633 = tpu.memref_slice %arg7[%dma_wait3A_632] : memref<320000xi32, #tpu.memory_space<hbm>> -> memref<40xi32, #tpu.memory_space<hbm>>
        tpu.wait_dma2 semaphore(%arg27 : memref<!tpu.dma_semaphore, #tpu.memory_space<semaphore_mem>>) src(%dma_wait3A_633 : memref<40xi32, #tpu.memory_space<hbm>>) dst(%dma_wait3A_631 : memref<40xi32, #tpu.memory_space<vmem>>)
        %dma_wait3A_634 = arith.constant 0 : i32
        %dma_wait3A_635 = tpu.memref_slice %arg14[%scan3A_267, %dma_wait3A_634] : memref<5x40xi32, #tpu.memory_space<vmem>> -> memref<1x40xi32, #tpu.memory_space<vmem>>
        %dma_wait3A_636 = tpu.memref_squeeze %dma_wait3A_635 : memref<1x40xi32, #tpu.memory_space<vmem>> -> memref<40xi32, #tpu.memory_space<vmem>>
        %dma_wait3A_637 = arith.constant 0 : i32
        %dma_wait3A_638 = tpu.memref_slice %arg8[%dma_wait3A_637] : memref<320000xi32, #tpu.memory_space<hbm>> -> memref<40xi32, #tpu.memory_space<hbm>>
        %dma_wait3A_639 = arith.constant 0 : i32
        %dma_wait3A_640 = tpu.memref_slice %arg14[%scan3A_267, %dma_wait3A_639] : memref<5x40xi32, #tpu.memory_space<vmem>> -> memref<1x40xi32, #tpu.memory_space<vmem>>
        %dma_wait3A_641 = tpu.memref_squeeze %dma_wait3A_640 : memref<1x40xi32, #tpu.memory_space<vmem>> -> memref<40xi32, #tpu.memory_space<vmem>>
        %dma_wait3A_642 = arith.constant 0 : i32
        %dma_wait3A_643 = tpu.memref_slice %arg8[%dma_wait3A_642] : memref<320000xi32, #tpu.memory_space<hbm>> -> memref<40xi32, #tpu.memory_space<hbm>>
        tpu.wait_dma2 semaphore(%arg27 : memref<!tpu.dma_semaphore, #tpu.memory_space<semaphore_mem>>) src(%dma_wait3A_643 : memref<40xi32, #tpu.memory_space<hbm>>) dst(%dma_wait3A_641 : memref<40xi32, #tpu.memory_space<vmem>>)
        %dma_wait3A_644 = arith.constant 0 : i32
        %dma_wait3A_645 = tpu.memref_slice %arg14[%scan3A_268, %dma_wait3A_644] : memref<5x40xi32, #tpu.memory_space<vmem>> -> memref<1x40xi32, #tpu.memory_space<vmem>>
        %dma_wait3A_646 = tpu.memref_squeeze %dma_wait3A_645 : memref<1x40xi32, #tpu.memory_space<vmem>> -> memref<40xi32, #tpu.memory_space<vmem>>
        %dma_wait3A_647 = arith.constant 0 : i32
        %dma_wait3A_648 = tpu.memref_slice %arg6[%dma_wait3A_647] : memref<320000xi32, #tpu.memory_space<hbm>> -> memref<40xi32, #tpu.memory_space<hbm>>
        %dma_wait3A_649 = arith.constant 0 : i32
        %dma_wait3A_650 = tpu.memref_slice %arg14[%scan3A_268, %dma_wait3A_649] : memref<5x40xi32, #tpu.memory_space<vmem>> -> memref<1x40xi32, #tpu.memory_space<vmem>>
        %dma_wait3A_651 = tpu.memref_squeeze %dma_wait3A_650 : memref<1x40xi32, #tpu.memory_space<vmem>> -> memref<40xi32, #tpu.memory_space<vmem>>
        %dma_wait3A_652 = arith.constant 0 : i32
        %dma_wait3A_653 = tpu.memref_slice %arg6[%dma_wait3A_652] : memref<320000xi32, #tpu.memory_space<hbm>> -> memref<40xi32, #tpu.memory_space<hbm>>
        tpu.wait_dma2 semaphore(%arg27 : memref<!tpu.dma_semaphore, #tpu.memory_space<semaphore_mem>>) src(%dma_wait3A_653 : memref<40xi32, #tpu.memory_space<hbm>>) dst(%dma_wait3A_651 : memref<40xi32, #tpu.memory_space<vmem>>)
        %dma_start3A_654 = arith.constant 0 : i32
        %dma_start3A_655 = tpu.memref_slice %arg14[%scan3A_265, %dma_start3A_654] : memref<5x40xi32, #tpu.memory_space<vmem>> -> memref<1x40xi32, #tpu.memory_space<vmem>>
        %dma_start3A_656 = tpu.memref_squeeze %dma_start3A_655 : memref<1x40xi32, #tpu.memory_space<vmem>> -> memref<40xi32, #tpu.memory_space<vmem>>
        %dma_start3A_657 = arith.constant 0 : i32
        %dma_start3A_658 = arith.constant 0 : i32
        %dma_start3A_659 = tpu.memref_slice %arg2[%dma_start3A_657, %dma_start3A_658] : memref<10000x128xf32, #tpu.memory_space<hbm>> -> memref<10000x128xf32, #tpu.memory_space<hbm>>
        tpu.enqueue_indirect_dma source(%dma_start3A_659 : memref<10000x128xf32, #tpu.memory_space<hbm>>) target(%arg17 : memref<40x128xf32, #tpu.memory_space<vmem>>) offsets(%dma_start3A_656 : memref<40xi32, #tpu.memory_space<vmem>>) semaphore(%arg30 : memref<!tpu.dma_semaphore, #tpu.memory_space<semaphore_mem>>)
        %dma_start3A_660 = arith.constant 0 : i32
        %dma_start3A_661 = tpu.memref_slice %arg14[%scan3A_266, %dma_start3A_660] : memref<5x40xi32, #tpu.memory_space<vmem>> -> memref<1x40xi32, #tpu.memory_space<vmem>>
        %dma_start3A_662 = tpu.memref_squeeze %dma_start3A_661 : memref<1x40xi32, #tpu.memory_space<vmem>> -> memref<40xi32, #tpu.memory_space<vmem>>
        %dma_start3A_663 = arith.constant 0 : i32
        %dma_start3A_664 = arith.constant 0 : i32
        %dma_start3A_665 = tpu.memref_slice %arg3[%dma_start3A_663, %dma_start3A_664] : memref<1000x128xf32, #tpu.memory_space<hbm>> -> memref<1000x128xf32, #tpu.memory_space<hbm>>
        tpu.enqueue_indirect_dma source(%dma_start3A_665 : memref<1000x128xf32, #tpu.memory_space<hbm>>) target(%arg18 : memref<40x128xf32, #tpu.memory_space<vmem>>) offsets(%dma_start3A_662 : memref<40xi32, #tpu.memory_space<vmem>>) semaphore(%arg30 : memref<!tpu.dma_semaphore, #tpu.memory_space<semaphore_mem>>)
        %dma_start3A_666 = arith.constant 0 : i32
        %dma_start3A_667 = tpu.memref_slice %arg14[%scan3A_267, %dma_start3A_666] : memref<5x40xi32, #tpu.memory_space<vmem>> -> memref<1x40xi32, #tpu.memory_space<vmem>>
        %dma_start3A_668 = tpu.memref_squeeze %dma_start3A_667 : memref<1x40xi32, #tpu.memory_space<vmem>> -> memref<40xi32, #tpu.memory_space<vmem>>
        %dma_start3A_669 = arith.constant 0 : i32
        %dma_start3A_670 = arith.constant 0 : i32
        %dma_start3A_671 = tpu.memref_slice %arg4[%dma_start3A_669, %dma_start3A_670] : memref<368x128xf32, #tpu.memory_space<hbm>> -> memref<368x128xf32, #tpu.memory_space<hbm>>
        tpu.enqueue_indirect_dma source(%dma_start3A_671 : memref<368x128xf32, #tpu.memory_space<hbm>>) target(%arg19 : memref<40x128xf32, #tpu.memory_space<vmem>>) offsets(%dma_start3A_668 : memref<40xi32, #tpu.memory_space<vmem>>) semaphore(%arg30 : memref<!tpu.dma_semaphore, #tpu.memory_space<semaphore_mem>>)
      } else {
      }
      %dma_wait3A_538 = arith.constant 0 : i32
      %dma_wait3A_539 = tpu.memref_slice %arg15[%scan3A_269, %dma_wait3A_538] : memref<5x40xi32, #tpu.memory_space<vmem>> -> memref<1x40xi32, #tpu.memory_space<vmem>>
      %dma_wait3A_540 = tpu.memref_squeeze %dma_wait3A_539 : memref<1x40xi32, #tpu.memory_space<vmem>> -> memref<40xi32, #tpu.memory_space<vmem>>
      %dma_wait3A_541 = arith.constant 0 : i32
      %dma_wait3A_542 = arith.constant 0 : i32
      %dma_wait3A_543 = tpu.memref_slice %arg2[%dma_wait3A_541, %dma_wait3A_542] : memref<10000x128xf32, #tpu.memory_space<hbm>> -> memref<10000x128xf32, #tpu.memory_space<hbm>>
      tpu.wait_indirect_dma semaphore(%arg31 : memref<!tpu.dma_semaphore, #tpu.memory_space<semaphore_mem>>) src(%dma_wait3A_543 : memref<10000x128xf32, #tpu.memory_space<hbm>>) dst(%arg20 : memref<40x128xf32, #tpu.memory_space<vmem>>)
      %dma_wait3A_544 = arith.constant 0 : i32
      %dma_wait3A_545 = tpu.memref_slice %arg15[%scan3A_270, %dma_wait3A_544] : memref<5x40xi32, #tpu.memory_space<vmem>> -> memref<1x40xi32, #tpu.memory_space<vmem>>
      %dma_wait3A_546 = tpu.memref_squeeze %dma_wait3A_545 : memref<1x40xi32, #tpu.memory_space<vmem>> -> memref<40xi32, #tpu.memory_space<vmem>>
      %dma_wait3A_547 = arith.constant 0 : i32
      %dma_wait3A_548 = arith.constant 0 : i32
      %dma_wait3A_549 = tpu.memref_slice %arg3[%dma_wait3A_547, %dma_wait3A_548] : memref<1000x128xf32, #tpu.memory_space<hbm>> -> memref<1000x128xf32, #tpu.memory_space<hbm>>
      tpu.wait_indirect_dma semaphore(%arg31 : memref<!tpu.dma_semaphore, #tpu.memory_space<semaphore_mem>>) src(%dma_wait3A_549 : memref<1000x128xf32, #tpu.memory_space<hbm>>) dst(%arg21 : memref<40x128xf32, #tpu.memory_space<vmem>>)
      %dma_wait3A_550 = arith.constant 0 : i32
      %dma_wait3A_551 = tpu.memref_slice %arg15[%scan3A_271, %dma_wait3A_550] : memref<5x40xi32, #tpu.memory_space<vmem>> -> memref<1x40xi32, #tpu.memory_space<vmem>>
      %dma_wait3A_552 = tpu.memref_squeeze %dma_wait3A_551 : memref<1x40xi32, #tpu.memory_space<vmem>> -> memref<40xi32, #tpu.memory_space<vmem>>
      %dma_wait3A_553 = arith.constant 0 : i32
      %dma_wait3A_554 = arith.constant 0 : i32
      %dma_wait3A_555 = tpu.memref_slice %arg4[%dma_wait3A_553, %dma_wait3A_554] : memref<368x128xf32, #tpu.memory_space<hbm>> -> memref<368x128xf32, #tpu.memory_space<hbm>>
      tpu.wait_indirect_dma semaphore(%arg31 : memref<!tpu.dma_semaphore, #tpu.memory_space<semaphore_mem>>) src(%dma_wait3A_555 : memref<368x128xf32, #tpu.memory_space<hbm>>) dst(%arg22 : memref<40x128xf32, #tpu.memory_space<vmem>>)
      %scan3A_556 = arith.constant 0 : i32
      %scan3A_557 = arith.constant 0 : i32
      %scan3A_558 = arith.constant 40 : i32
      %scan3A_559 = arith.addi %scan3A_557, %scan3A_558 : i32
      %scan3A_560 = arith.constant 1 : i32
      %scan3A_561 = scf.for %scan3A_614 = %scan3A_557 to %scan3A_559 step %scan3A_560 iter_args(%scan3A_615 = %scan3A_556) -> (i32)  : i32 {
        %get3A = arith.index_cast %scan3A_614 : i32 to index
        %get3A_616 = arith.constant 0 : index
        %get3A_617 = tpu.vector_load %arg20[%get3A, %get3A_616] {strides = array<i32>} : memref<40x128xf32, #tpu.memory_space<vmem>>, vector<1x16xf32>,
        %get3A_618 = vector.shape_cast %get3A_617 : vector<1x16xf32> to vector<16xf32>
        %get3A_619 = arith.index_cast %scan3A_614 : i32 to index
        %get3A_620 = arith.constant 0 : index
        %get3A_621 = tpu.vector_load %arg21[%get3A_619, %get3A_620] {strides = array<i32>} : memref<40x128xf32, #tpu.memory_space<vmem>>, vector<1x16xf32>,
        %get3A_622 = vector.shape_cast %get3A_621 : vector<1x16xf32> to vector<16xf32>
        %sub3A = arith.subf %get3A_618, %get3A_622 : vector<16xf32>
        %get3A_623 = arith.index_cast %scan3A_614 : i32 to index
        %get3A_624 = arith.constant 0 : index
        %get3A_625 = tpu.vector_load %arg22[%get3A_623, %get3A_624] {strides = array<i32>} : memref<40x128xf32, #tpu.memory_space<vmem>>, vector<1x16xf32>,
        %get3A_626 = vector.shape_cast %get3A_625 : vector<1x16xf32> to vector<16xf32>
        %mul3A_627 = arith.mulf %sub3A, %get3A_626 : vector<16xf32>
        %swap3A = arith.index_cast %scan3A_614 : i32 to index
        %swap3A_628 = arith.constant 0 : index
        %swap3A_629 = tpu.vector_load %arg20[%swap3A, %swap3A_628] {strides = array<i32>} : memref<40x128xf32, #tpu.memory_space<vmem>>, vector<1x16xf32>,
        %swap3A_630 = vector.shape_cast %swap3A_629 : vector<1x16xf32> to vector<16xf32>
        %swap3A_631 = vector.shape_cast %mul3A_627 : vector<16xf32> to vector<1x16xf32>
        tpu.vector_store %arg20[%swap3A, %swap3A_628], %swap3A_631 {strides = array<i32>} : memref<40x128xf32, #tpu.memory_space<vmem>>, vector<1x16xf32>,
        %get3A_632 = arith.index_cast %scan3A_614 : i32 to index
        %get3A_633 = arith.constant 16 : index
        %get3A_634 = tpu.vector_load %arg20[%get3A_632, %get3A_633] {strides = array<i32>} : memref<40x128xf32, #tpu.memory_space<vmem>>, vector<1x16xf32>,
        %get3A_635 = vector.shape_cast %get3A_634 : vector<1x16xf32> to vector<16xf32>
        %get3A_636 = arith.index_cast %scan3A_614 : i32 to index
        %get3A_637 = arith.constant 16 : index
        %get3A_638 = tpu.vector_load %arg21[%get3A_636, %get3A_637] {strides = array<i32>} : memref<40x128xf32, #tpu.memory_space<vmem>>, vector<1x16xf32>,
        %get3A_639 = vector.shape_cast %get3A_638 : vector<1x16xf32> to vector<16xf32>
        %sub3A_640 = arith.subf %get3A_635, %get3A_639 : vector<16xf32>
        %get3A_641 = arith.index_cast %scan3A_614 : i32 to index
        %get3A_642 = arith.constant 16 : index
        %get3A_643 = tpu.vector_load %arg22[%get3A_641, %get3A_642] {strides = array<i32>} : memref<40x128xf32, #tpu.memory_space<vmem>>, vector<1x16xf32>,
        %get3A_644 = vector.shape_cast %get3A_643 : vector<1x16xf32> to vector<16xf32>
        %mul3A_645 = arith.mulf %sub3A_640, %get3A_644 : vector<16xf32>
        %swap3A_646 = arith.index_cast %scan3A_614 : i32 to index
        %swap3A_647 = arith.constant 16 : index
        %swap3A_648 = tpu.vector_load %arg20[%swap3A_646, %swap3A_647] {strides = array<i32>} : memref<40x128xf32, #tpu.memory_space<vmem>>, vector<1x16xf32>,
        %swap3A_649 = vector.shape_cast %swap3A_648 : vector<1x16xf32> to vector<16xf32>
        %swap3A_650 = vector.shape_cast %mul3A_645 : vector<16xf32> to vector<1x16xf32>
        tpu.vector_store %arg20[%swap3A_646, %swap3A_647], %swap3A_650 {strides = array<i32>} : memref<40x128xf32, #tpu.memory_space<vmem>>, vector<1x16xf32>,
        %get3A_651 = arith.index_cast %scan3A_614 : i32 to index
        %get3A_652 = arith.constant 32 : index
        %get3A_653 = tpu.vector_load %arg20[%get3A_651, %get3A_652] {strides = array<i32>} : memref<40x128xf32, #tpu.memory_space<vmem>>, vector<1x16xf32>,
        %get3A_654 = vector.shape_cast %get3A_653 : vector<1x16xf32> to vector<16xf32>
        %get3A_655 = arith.index_cast %scan3A_614 : i32 to index
        %get3A_656 = arith.constant 32 : index
        %get3A_657 = tpu.vector_load %arg21[%get3A_655, %get3A_656] {strides = array<i32>} : memref<40x128xf32, #tpu.memory_space<vmem>>, vector<1x16xf32>,
        %get3A_658 = vector.shape_cast %get3A_657 : vector<1x16xf32> to vector<16xf32>
        %sub3A_659 = arith.subf %get3A_654, %get3A_658 : vector<16xf32>
        %get3A_660 = arith.index_cast %scan3A_614 : i32 to index
        %get3A_661 = arith.constant 32 : index
        %get3A_662 = tpu.vector_load %arg22[%get3A_660, %get3A_661] {strides = array<i32>} : memref<40x128xf32, #tpu.memory_space<vmem>>, vector<1x16xf32>,
        %get3A_663 = vector.shape_cast %get3A_662 : vector<1x16xf32> to vector<16xf32>
        %mul3A_664 = arith.mulf %sub3A_659, %get3A_663 : vector<16xf32>
        %swap3A_665 = arith.index_cast %scan3A_614 : i32 to index
        %swap3A_666 = arith.constant 32 : index
        %swap3A_667 = tpu.vector_load %arg20[%swap3A_665, %swap3A_666] {strides = array<i32>} : memref<40x128xf32, #tpu.memory_space<vmem>>, vector<1x16xf32>,
        %swap3A_668 = vector.shape_cast %swap3A_667 : vector<1x16xf32> to vector<16xf32>
        %swap3A_669 = vector.shape_cast %mul3A_664 : vector<16xf32> to vector<1x16xf32>
        tpu.vector_store %arg20[%swap3A_665, %swap3A_666], %swap3A_669 {strides = array<i32>} : memref<40x128xf32, #tpu.memory_space<vmem>>, vector<1x16xf32>,
        %get3A_670 = arith.index_cast %scan3A_614 : i32 to index
        %get3A_671 = arith.constant 48 : index
        %get3A_672 = tpu.vector_load %arg20[%get3A_670, %get3A_671] {strides = array<i32>} : memref<40x128xf32, #tpu.memory_space<vmem>>, vector<1x16xf32>,
        %get3A_673 = vector.shape_cast %get3A_672 : vector<1x16xf32> to vector<16xf32>
        %get3A_674 = arith.index_cast %scan3A_614 : i32 to index
        %get3A_675 = arith.constant 48 : index
        %get3A_676 = tpu.vector_load %arg21[%get3A_674, %get3A_675] {strides = array<i32>} : memref<40x128xf32, #tpu.memory_space<vmem>>, vector<1x16xf32>,
        %get3A_677 = vector.shape_cast %get3A_676 : vector<1x16xf32> to vector<16xf32>
        %sub3A_678 = arith.subf %get3A_673, %get3A_677 : vector<16xf32>
        %get3A_679 = arith.index_cast %scan3A_614 : i32 to index
        %get3A_680 = arith.constant 48 : index
        %get3A_681 = tpu.vector_load %arg22[%get3A_679, %get3A_680] {strides = array<i32>} : memref<40x128xf32, #tpu.memory_space<vmem>>, vector<1x16xf32>,
        %get3A_682 = vector.shape_cast %get3A_681 : vector<1x16xf32> to vector<16xf32>
        %mul3A_683 = arith.mulf %sub3A_678, %get3A_682 : vector<16xf32>
        %swap3A_684 = arith.index_cast %scan3A_614 : i32 to index
        %swap3A_685 = arith.constant 48 : index
        %swap3A_686 = tpu.vector_load %arg20[%swap3A_684, %swap3A_685] {strides = array<i32>} : memref<40x128xf32, #tpu.memory_space<vmem>>, vector<1x16xf32>,
        %swap3A_687 = vector.shape_cast %swap3A_686 : vector<1x16xf32> to vector<16xf32>
        %swap3A_688 = vector.shape_cast %mul3A_683 : vector<16xf32> to vector<1x16xf32>
        tpu.vector_store %arg20[%swap3A_684, %swap3A_685], %swap3A_688 {strides = array<i32>} : memref<40x128xf32, #tpu.memory_space<vmem>>, vector<1x16xf32>,
        %get3A_689 = arith.index_cast %scan3A_614 : i32 to index
        %get3A_690 = arith.constant 64 : index
        %get3A_691 = tpu.vector_load %arg20[%get3A_689, %get3A_690] {strides = array<i32>} : memref<40x128xf32, #tpu.memory_space<vmem>>, vector<1x16xf32>,
        %get3A_692 = vector.shape_cast %get3A_691 : vector<1x16xf32> to vector<16xf32>
        %get3A_693 = arith.index_cast %scan3A_614 : i32 to index
        %get3A_694 = arith.constant 64 : index
        %get3A_695 = tpu.vector_load %arg21[%get3A_693, %get3A_694] {strides = array<i32>} : memref<40x128xf32, #tpu.memory_space<vmem>>, vector<1x16xf32>,
        %get3A_696 = vector.shape_cast %get3A_695 : vector<1x16xf32> to vector<16xf32>
        %sub3A_697 = arith.subf %get3A_692, %get3A_696 : vector<16xf32>
        %get3A_698 = arith.index_cast %scan3A_614 : i32 to index
        %get3A_699 = arith.constant 64 : index
        %get3A_700 = tpu.vector_load %arg22[%get3A_698, %get3A_699] {strides = array<i32>} : memref<40x128xf32, #tpu.memory_space<vmem>>, vector<1x16xf32>,
        %get3A_701 = vector.shape_cast %get3A_700 : vector<1x16xf32> to vector<16xf32>
        %mul3A_702 = arith.mulf %sub3A_697, %get3A_701 : vector<16xf32>
        %swap3A_703 = arith.index_cast %scan3A_614 : i32 to index
        %swap3A_704 = arith.constant 64 : index
        %swap3A_705 = tpu.vector_load %arg20[%swap3A_703, %swap3A_704] {strides = array<i32>} : memref<40x128xf32, #tpu.memory_space<vmem>>, vector<1x16xf32>,
        %swap3A_706 = vector.shape_cast %swap3A_705 : vector<1x16xf32> to vector<16xf32>
        %swap3A_707 = vector.shape_cast %mul3A_702 : vector<16xf32> to vector<1x16xf32>
        tpu.vector_store %arg20[%swap3A_703, %swap3A_704], %swap3A_707 {strides = array<i32>} : memref<40x128xf32, #tpu.memory_space<vmem>>, vector<1x16xf32>,
        %get3A_708 = arith.index_cast %scan3A_614 : i32 to index
        %get3A_709 = arith.constant 80 : index
        %get3A_710 = tpu.vector_load %arg20[%get3A_708, %get3A_709] {strides = array<i32>} : memref<40x128xf32, #tpu.memory_space<vmem>>, vector<1x16xf32>,
        %get3A_711 = vector.shape_cast %get3A_710 : vector<1x16xf32> to vector<16xf32>
        %get3A_712 = arith.index_cast %scan3A_614 : i32 to index
        %get3A_713 = arith.constant 80 : index
        %get3A_714 = tpu.vector_load %arg21[%get3A_712, %get3A_713] {strides = array<i32>} : memref<40x128xf32, #tpu.memory_space<vmem>>, vector<1x16xf32>,
        %get3A_715 = vector.shape_cast %get3A_714 : vector<1x16xf32> to vector<16xf32>
        %sub3A_716 = arith.subf %get3A_711, %get3A_715 : vector<16xf32>
        %get3A_717 = arith.index_cast %scan3A_614 : i32 to index
        %get3A_718 = arith.constant 80 : index
        %get3A_719 = tpu.vector_load %arg22[%get3A_717, %get3A_718] {strides = array<i32>} : memref<40x128xf32, #tpu.memory_space<vmem>>, vector<1x16xf32>,
        %get3A_720 = vector.shape_cast %get3A_719 : vector<1x16xf32> to vector<16xf32>
        %mul3A_721 = arith.mulf %sub3A_716, %get3A_720 : vector<16xf32>
        %swap3A_722 = arith.index_cast %scan3A_614 : i32 to index
        %swap3A_723 = arith.constant 80 : index
        %swap3A_724 = tpu.vector_load %arg20[%swap3A_722, %swap3A_723] {strides = array<i32>} : memref<40x128xf32, #tpu.memory_space<vmem>>, vector<1x16xf32>,
        %swap3A_725 = vector.shape_cast %swap3A_724 : vector<1x16xf32> to vector<16xf32>
        %swap3A_726 = vector.shape_cast %mul3A_721 : vector<16xf32> to vector<1x16xf32>
        tpu.vector_store %arg20[%swap3A_722, %swap3A_723], %swap3A_726 {strides = array<i32>} : memref<40x128xf32, #tpu.memory_space<vmem>>, vector<1x16xf32>,
        %get3A_727 = arith.index_cast %scan3A_614 : i32 to index
        %get3A_728 = arith.constant 96 : index
        %get3A_729 = tpu.vector_load %arg20[%get3A_727, %get3A_728] {strides = array<i32>} : memref<40x128xf32, #tpu.memory_space<vmem>>, vector<1x16xf32>,
        %get3A_730 = vector.shape_cast %get3A_729 : vector<1x16xf32> to vector<16xf32>
        %get3A_731 = arith.index_cast %scan3A_614 : i32 to index
        %get3A_732 = arith.constant 96 : index
        %get3A_733 = tpu.vector_load %arg21[%get3A_731, %get3A_732] {strides = array<i32>} : memref<40x128xf32, #tpu.memory_space<vmem>>, vector<1x16xf32>,
        %get3A_734 = vector.shape_cast %get3A_733 : vector<1x16xf32> to vector<16xf32>
        %sub3A_735 = arith.subf %get3A_730, %get3A_734 : vector<16xf32>
        %get3A_736 = arith.index_cast %scan3A_614 : i32 to index
        %get3A_737 = arith.constant 96 : index
        %get3A_738 = tpu.vector_load %arg22[%get3A_736, %get3A_737] {strides = array<i32>} : memref<40x128xf32, #tpu.memory_space<vmem>>, vector<1x16xf32>,
        %get3A_739 = vector.shape_cast %get3A_738 : vector<1x16xf32> to vector<16xf32>
        %mul3A_740 = arith.mulf %sub3A_735, %get3A_739 : vector<16xf32>
        %swap3A_741 = arith.index_cast %scan3A_614 : i32 to index
        %swap3A_742 = arith.constant 96 : index
        %swap3A_743 = tpu.vector_load %arg20[%swap3A_741, %swap3A_742] {strides = array<i32>} : memref<40x128xf32, #tpu.memory_space<vmem>>, vector<1x16xf32>,
        %swap3A_744 = vector.shape_cast %swap3A_743 : vector<1x16xf32> to vector<16xf32>
        %swap3A_745 = vector.shape_cast %mul3A_740 : vector<16xf32> to vector<1x16xf32>
        tpu.vector_store %arg20[%swap3A_741, %swap3A_742], %swap3A_745 {strides = array<i32>} : memref<40x128xf32, #tpu.memory_space<vmem>>, vector<1x16xf32>,
        %get3A_746 = arith.index_cast %scan3A_614 : i32 to index
        %get3A_747 = arith.constant 112 : index
        %get3A_748 = tpu.vector_load %arg20[%get3A_746, %get3A_747] {strides = array<i32>} : memref<40x128xf32, #tpu.memory_space<vmem>>, vector<1x16xf32>,
        %get3A_749 = vector.shape_cast %get3A_748 : vector<1x16xf32> to vector<16xf32>
        %get3A_750 = arith.index_cast %scan3A_614 : i32 to index
        %get3A_751 = arith.constant 112 : index
        %get3A_752 = tpu.vector_load %arg21[%get3A_750, %get3A_751] {strides = array<i32>} : memref<40x128xf32, #tpu.memory_space<vmem>>, vector<1x16xf32>,
        %get3A_753 = vector.shape_cast %get3A_752 : vector<1x16xf32> to vector<16xf32>
        %sub3A_754 = arith.subf %get3A_749, %get3A_753 : vector<16xf32>
        %get3A_755 = arith.index_cast %scan3A_614 : i32 to index
        %get3A_756 = arith.constant 112 : index
        %get3A_757 = tpu.vector_load %arg22[%get3A_755, %get3A_756] {strides = array<i32>} : memref<40x128xf32, #tpu.memory_space<vmem>>, vector<1x16xf32>,
        %get3A_758 = vector.shape_cast %get3A_757 : vector<1x16xf32> to vector<16xf32>
        %mul3A_759 = arith.mulf %sub3A_754, %get3A_758 : vector<16xf32>
        %swap3A_760 = arith.index_cast %scan3A_614 : i32 to index
        %swap3A_761 = arith.constant 112 : index
        %swap3A_762 = tpu.vector_load %arg20[%swap3A_760, %swap3A_761] {strides = array<i32>} : memref<40x128xf32, #tpu.memory_space<vmem>>, vector<1x16xf32>,
        %swap3A_763 = vector.shape_cast %swap3A_762 : vector<1x16xf32> to vector<16xf32>
        %swap3A_764 = vector.shape_cast %mul3A_759 : vector<16xf32> to vector<1x16xf32>
        tpu.vector_store %arg20[%swap3A_760, %swap3A_761], %swap3A_764 {strides = array<i32>} : memref<40x128xf32, #tpu.memory_space<vmem>>, vector<1x16xf32>,
        %scan3A_765 = arith.constant 0 : i32
        scf.yield %scan3A_765 : i32
      }
      %scan3A_562 = arith.constant 40 : i32
      "tpu.region"() ({
        %run_scoped3A_614 = tpu.sem_alloc : memref<!tpu.dma_semaphore, #tpu.memory_space<semaphore_mem>>
        %dma_start3A_615 = arith.constant 0 : i32
        %dma_start3A_616 = tpu.memref_slice %arg15[%scan3A_272, %dma_start3A_615] : memref<5x40xi32, #tpu.memory_space<vmem>> -> memref<1x40xi32, #tpu.memory_space<vmem>>
        %dma_start3A_617 = tpu.memref_squeeze %dma_start3A_616 : memref<1x40xi32, #tpu.memory_space<vmem>> -> memref<40xi32, #tpu.memory_space<vmem>>
        %dma_start3A_618 = arith.constant 0 : i32
        %dma_start3A_619 = arith.constant 0 : i32
        %dma_start3A_620 = tpu.memref_slice %arg26[%dma_start3A_618, %dma_start3A_619] : memref<10240x128xf32, #tpu.memory_space<vmem_shared>> -> memref<10240x128xf32, #tpu.memory_space<vmem_shared>>
        tpu.enqueue_indirect_dma source(%arg20 : memref<40x128xf32, #tpu.memory_space<vmem>>) target(%dma_start3A_620 : memref<10240x128xf32, #tpu.memory_space<vmem_shared>>) offsets(%dma_start3A_617 : memref<40xi32, #tpu.memory_space<vmem>>) semaphore(%run_scoped3A_614 : memref<!tpu.dma_semaphore, #tpu.memory_space<semaphore_mem>>) {add = true}
        %dma_wait3A_621 = arith.constant 0 : i32
        %dma_wait3A_622 = tpu.memref_slice %arg15[%scan3A_272, %dma_wait3A_621] : memref<5x40xi32, #tpu.memory_space<vmem>> -> memref<1x40xi32, #tpu.memory_space<vmem>>
        %dma_wait3A_623 = tpu.memref_squeeze %dma_wait3A_622 : memref<1x40xi32, #tpu.memory_space<vmem>> -> memref<40xi32, #tpu.memory_space<vmem>>
        %dma_wait3A_624 = arith.constant 0 : i32
        %dma_wait3A_625 = arith.constant 0 : i32
        %dma_wait3A_626 = tpu.memref_slice %arg26[%dma_wait3A_624, %dma_wait3A_625] : memref<10240x128xf32, #tpu.memory_space<vmem_shared>> -> memref<10240x128xf32, #tpu.memory_space<vmem_shared>>
        tpu.wait_indirect_dma semaphore(%run_scoped3A_614 : memref<!tpu.dma_semaphore, #tpu.memory_space<semaphore_mem>>) src(%arg20 : memref<40x128xf32, #tpu.memory_space<vmem>>) dst(%dma_wait3A_626 : memref<10240x128xf32, #tpu.memory_space<vmem_shared>>)
        tpu.yield
      }) : () -> ()
      %add3A_563 = arith.constant 3 : i32
      %add3A_564 = arith.addi %add3A_530, %add3A_563 : i32
      %lt3A_565 = arith.constant 250 : i32
      %lt3A_566 = arith.cmpi slt, %add3A_564, %lt3A_565 : i32
      %convert_element_type3A_567 = arith.extui %lt3A_566 : i1 to i32
      %cond3A_568 = arith.constant 0 : i32
      %cond3A_569 = arith.cmpi ne, %convert_element_type3A_567, %cond3A_568 : i32
      scf.if %cond3A_569 {
        %add3A_614 = arith.constant 3 : i32
        %add3A_615 = arith.addi %add3A_530, %add3A_614 : i32
        %mul3A_616 = arith.constant 40 : i32
        %mul3A_617 = arith.muli %add3A_615, %mul3A_616 : i32
        %add3A_618 = arith.addi %mul3A_18, %mul3A_617 : i32
        %dma_start3A_619 = arith.constant 0 : i32
        %dma_start3A_620 = tpu.memref_slice %arg15[%scan3A_269, %dma_start3A_619] : memref<5x40xi32, #tpu.memory_space<vmem>> -> memref<1x40xi32, #tpu.memory_space<vmem>>
        %dma_start3A_621 = tpu.memref_squeeze %dma_start3A_620 : memref<1x40xi32, #tpu.memory_space<vmem>> -> memref<40xi32, #tpu.memory_space<vmem>>
        %dma_start3A_622 = tpu.memref_slice %arg5[%add3A_618] : memref<320000xi32, #tpu.memory_space<hbm>> -> memref<40xi32, #tpu.memory_space<hbm>>
        %dma_start3A_623 = arith.constant 0 : i32
        %dma_start3A_624 = tpu.memref_slice %arg15[%scan3A_269, %dma_start3A_623] : memref<5x40xi32, #tpu.memory_space<vmem>> -> memref<1x40xi32, #tpu.memory_space<vmem>>
        %dma_start3A_625 = tpu.memref_squeeze %dma_start3A_624 : memref<1x40xi32, #tpu.memory_space<vmem>> -> memref<40xi32, #tpu.memory_space<vmem>>
        %dma_start3A_626 = tpu.memref_slice %arg5[%add3A_618] : memref<320000xi32, #tpu.memory_space<hbm>> -> memref<40xi32, #tpu.memory_space<hbm>>
        tpu.enqueue_dma source(%dma_start3A_626 : memref<40xi32, #tpu.memory_space<hbm>>) target(%dma_start3A_625 : memref<40xi32, #tpu.memory_space<vmem>>) target_semaphore(%arg28 : memref<!tpu.dma_semaphore, #tpu.memory_space<semaphore_mem>>)
        %dma_start3A_627 = arith.constant 0 : i32
        %dma_start3A_628 = tpu.memref_slice %arg15[%scan3A_270, %dma_start3A_627] : memref<5x40xi32, #tpu.memory_space<vmem>> -> memref<1x40xi32, #tpu.memory_space<vmem>>
        %dma_start3A_629 = tpu.memref_squeeze %dma_start3A_628 : memref<1x40xi32, #tpu.memory_space<vmem>> -> memref<40xi32, #tpu.memory_space<vmem>>
        %dma_start3A_630 = tpu.memref_slice %arg7[%add3A_618] : memref<320000xi32, #tpu.memory_space<hbm>> -> memref<40xi32, #tpu.memory_space<hbm>>
        %dma_start3A_631 = arith.constant 0 : i32
        %dma_start3A_632 = tpu.memref_slice %arg15[%scan3A_270, %dma_start3A_631] : memref<5x40xi32, #tpu.memory_space<vmem>> -> memref<1x40xi32, #tpu.memory_space<vmem>>
        %dma_start3A_633 = tpu.memref_squeeze %dma_start3A_632 : memref<1x40xi32, #tpu.memory_space<vmem>> -> memref<40xi32, #tpu.memory_space<vmem>>
        %dma_start3A_634 = tpu.memref_slice %arg7[%add3A_618] : memref<320000xi32, #tpu.memory_space<hbm>> -> memref<40xi32, #tpu.memory_space<hbm>>
        tpu.enqueue_dma source(%dma_start3A_634 : memref<40xi32, #tpu.memory_space<hbm>>) target(%dma_start3A_633 : memref<40xi32, #tpu.memory_space<vmem>>) target_semaphore(%arg28 : memref<!tpu.dma_semaphore, #tpu.memory_space<semaphore_mem>>)
        %dma_start3A_635 = arith.constant 0 : i32
        %dma_start3A_636 = tpu.memref_slice %arg15[%scan3A_271, %dma_start3A_635] : memref<5x40xi32, #tpu.memory_space<vmem>> -> memref<1x40xi32, #tpu.memory_space<vmem>>
        %dma_start3A_637 = tpu.memref_squeeze %dma_start3A_636 : memref<1x40xi32, #tpu.memory_space<vmem>> -> memref<40xi32, #tpu.memory_space<vmem>>
        %dma_start3A_638 = tpu.memref_slice %arg8[%add3A_618] : memref<320000xi32, #tpu.memory_space<hbm>> -> memref<40xi32, #tpu.memory_space<hbm>>
        %dma_start3A_639 = arith.constant 0 : i32
        %dma_start3A_640 = tpu.memref_slice %arg15[%scan3A_271, %dma_start3A_639] : memref<5x40xi32, #tpu.memory_space<vmem>> -> memref<1x40xi32, #tpu.memory_space<vmem>>
        %dma_start3A_641 = tpu.memref_squeeze %dma_start3A_640 : memref<1x40xi32, #tpu.memory_space<vmem>> -> memref<40xi32, #tpu.memory_space<vmem>>
        %dma_start3A_642 = tpu.memref_slice %arg8[%add3A_618] : memref<320000xi32, #tpu.memory_space<hbm>> -> memref<40xi32, #tpu.memory_space<hbm>>
        tpu.enqueue_dma source(%dma_start3A_642 : memref<40xi32, #tpu.memory_space<hbm>>) target(%dma_start3A_641 : memref<40xi32, #tpu.memory_space<vmem>>) target_semaphore(%arg28 : memref<!tpu.dma_semaphore, #tpu.memory_space<semaphore_mem>>)
        %dma_start3A_643 = arith.constant 0 : i32
        %dma_start3A_644 = tpu.memref_slice %arg15[%scan3A_272, %dma_start3A_643] : memref<5x40xi32, #tpu.memory_space<vmem>> -> memref<1x40xi32, #tpu.memory_space<vmem>>
        %dma_start3A_645 = tpu.memref_squeeze %dma_start3A_644 : memref<1x40xi32, #tpu.memory_space<vmem>> -> memref<40xi32, #tpu.memory_space<vmem>>
        %dma_start3A_646 = tpu.memref_slice %arg6[%add3A_618] : memref<320000xi32, #tpu.memory_space<hbm>> -> memref<40xi32, #tpu.memory_space<hbm>>
        %dma_start3A_647 = arith.constant 0 : i32
        %dma_start3A_648 = tpu.memref_slice %arg15[%scan3A_272, %dma_start3A_647] : memref<5x40xi32, #tpu.memory_space<vmem>> -> memref<1x40xi32, #tpu.memory_space<vmem>>
        %dma_start3A_649 = tpu.memref_squeeze %dma_start3A_648 : memref<1x40xi32, #tpu.memory_space<vmem>> -> memref<40xi32, #tpu.memory_space<vmem>>
        %dma_start3A_650 = tpu.memref_slice %arg6[%add3A_618] : memref<320000xi32, #tpu.memory_space<hbm>> -> memref<40xi32, #tpu.memory_space<hbm>>
        tpu.enqueue_dma source(%dma_start3A_650 : memref<40xi32, #tpu.memory_space<hbm>>) target(%dma_start3A_649 : memref<40xi32, #tpu.memory_space<vmem>>) target_semaphore(%arg28 : memref<!tpu.dma_semaphore, #tpu.memory_space<semaphore_mem>>)
      } else {
      }
      %mul3A_570 = arith.constant 3 : i32
      %mul3A_571 = arith.muli %mul3A_570, %scan3A_487 : i32
      %add3A_572 = arith.constant 2 : i32
      %add3A_573 = arith.addi %mul3A_571, %add3A_572 : i32
      %add3A_574 = arith.constant 2 : i32
      %add3A_575 = arith.addi %add3A_573, %add3A_574 : i32
      %lt3A_576 = arith.constant 250 : i32
      %lt3A_577 = arith.cmpi slt, %add3A_575, %lt3A_576 : i32
      %convert_element_type3A_578 = arith.extui %lt3A_577 : i1 to i32
      %cond3A_579 = arith.constant 0 : i32
      %cond3A_580 = arith.cmpi ne, %convert_element_type3A_578, %cond3A_579 : i32
      scf.if %cond3A_580 {
        %dma_wait3A_614 = arith.constant 0 : i32
        %dma_wait3A_615 = tpu.memref_slice %arg15[%scan3A_269, %dma_wait3A_614] : memref<5x40xi32, #tpu.memory_space<vmem>> -> memref<1x40xi32, #tpu.memory_space<vmem>>
        %dma_wait3A_616 = tpu.memref_squeeze %dma_wait3A_615 : memref<1x40xi32, #tpu.memory_space<vmem>> -> memref<40xi32, #tpu.memory_space<vmem>>
        %dma_wait3A_617 = arith.constant 0 : i32
        %dma_wait3A_618 = tpu.memref_slice %arg5[%dma_wait3A_617] : memref<320000xi32, #tpu.memory_space<hbm>> -> memref<40xi32, #tpu.memory_space<hbm>>
        %dma_wait3A_619 = arith.constant 0 : i32
        %dma_wait3A_620 = tpu.memref_slice %arg15[%scan3A_269, %dma_wait3A_619] : memref<5x40xi32, #tpu.memory_space<vmem>> -> memref<1x40xi32, #tpu.memory_space<vmem>>
        %dma_wait3A_621 = tpu.memref_squeeze %dma_wait3A_620 : memref<1x40xi32, #tpu.memory_space<vmem>> -> memref<40xi32, #tpu.memory_space<vmem>>
        %dma_wait3A_622 = arith.constant 0 : i32
        %dma_wait3A_623 = tpu.memref_slice %arg5[%dma_wait3A_622] : memref<320000xi32, #tpu.memory_space<hbm>> -> memref<40xi32, #tpu.memory_space<hbm>>
        tpu.wait_dma2 semaphore(%arg28 : memref<!tpu.dma_semaphore, #tpu.memory_space<semaphore_mem>>) src(%dma_wait3A_623 : memref<40xi32, #tpu.memory_space<hbm>>) dst(%dma_wait3A_621 : memref<40xi32, #tpu.memory_space<vmem>>)
        %dma_wait3A_624 = arith.constant 0 : i32
        %dma_wait3A_625 = tpu.memref_slice %arg15[%scan3A_270, %dma_wait3A_624] : memref<5x40xi32, #tpu.memory_space<vmem>> -> memref<1x40xi32, #tpu.memory_space<vmem>>
        %dma_wait3A_626 = tpu.memref_squeeze %dma_wait3A_625 : memref<1x40xi32, #tpu.memory_space<vmem>> -> memref<40xi32, #tpu.memory_space<vmem>>
        %dma_wait3A_627 = arith.constant 0 : i32
        %dma_wait3A_628 = tpu.memref_slice %arg7[%dma_wait3A_627] : memref<320000xi32, #tpu.memory_space<hbm>> -> memref<40xi32, #tpu.memory_space<hbm>>
        %dma_wait3A_629 = arith.constant 0 : i32
        %dma_wait3A_630 = tpu.memref_slice %arg15[%scan3A_270, %dma_wait3A_629] : memref<5x40xi32, #tpu.memory_space<vmem>> -> memref<1x40xi32, #tpu.memory_space<vmem>>
        %dma_wait3A_631 = tpu.memref_squeeze %dma_wait3A_630 : memref<1x40xi32, #tpu.memory_space<vmem>> -> memref<40xi32, #tpu.memory_space<vmem>>
        %dma_wait3A_632 = arith.constant 0 : i32
        %dma_wait3A_633 = tpu.memref_slice %arg7[%dma_wait3A_632] : memref<320000xi32, #tpu.memory_space<hbm>> -> memref<40xi32, #tpu.memory_space<hbm>>
        tpu.wait_dma2 semaphore(%arg28 : memref<!tpu.dma_semaphore, #tpu.memory_space<semaphore_mem>>) src(%dma_wait3A_633 : memref<40xi32, #tpu.memory_space<hbm>>) dst(%dma_wait3A_631 : memref<40xi32, #tpu.memory_space<vmem>>)
        %dma_wait3A_634 = arith.constant 0 : i32
        %dma_wait3A_635 = tpu.memref_slice %arg15[%scan3A_271, %dma_wait3A_634] : memref<5x40xi32, #tpu.memory_space<vmem>> -> memref<1x40xi32, #tpu.memory_space<vmem>>
        %dma_wait3A_636 = tpu.memref_squeeze %dma_wait3A_635 : memref<1x40xi32, #tpu.memory_space<vmem>> -> memref<40xi32, #tpu.memory_space<vmem>>
        %dma_wait3A_637 = arith.constant 0 : i32
        %dma_wait3A_638 = tpu.memref_slice %arg8[%dma_wait3A_637] : memref<320000xi32, #tpu.memory_space<hbm>> -> memref<40xi32, #tpu.memory_space<hbm>>
        %dma_wait3A_639 = arith.constant 0 : i32
        %dma_wait3A_640 = tpu.memref_slice %arg15[%scan3A_271, %dma_wait3A_639] : memref<5x40xi32, #tpu.memory_space<vmem>> -> memref<1x40xi32, #tpu.memory_space<vmem>>
        %dma_wait3A_641 = tpu.memref_squeeze %dma_wait3A_640 : memref<1x40xi32, #tpu.memory_space<vmem>> -> memref<40xi32, #tpu.memory_space<vmem>>
        %dma_wait3A_642 = arith.constant 0 : i32
        %dma_wait3A_643 = tpu.memref_slice %arg8[%dma_wait3A_642] : memref<320000xi32, #tpu.memory_space<hbm>> -> memref<40xi32, #tpu.memory_space<hbm>>
        tpu.wait_dma2 semaphore(%arg28 : memref<!tpu.dma_semaphore, #tpu.memory_space<semaphore_mem>>) src(%dma_wait3A_643 : memref<40xi32, #tpu.memory_space<hbm>>) dst(%dma_wait3A_641 : memref<40xi32, #tpu.memory_space<vmem>>)
        %dma_wait3A_644 = arith.constant 0 : i32
        %dma_wait3A_645 = tpu.memref_slice %arg15[%scan3A_272, %dma_wait3A_644] : memref<5x40xi32, #tpu.memory_space<vmem>> -> memref<1x40xi32, #tpu.memory_space<vmem>>
        %dma_wait3A_646 = tpu.memref_squeeze %dma_wait3A_645 : memref<1x40xi32, #tpu.memory_space<vmem>> -> memref<40xi32, #tpu.memory_space<vmem>>
        %dma_wait3A_647 = arith.constant 0 : i32
        %dma_wait3A_648 = tpu.memref_slice %arg6[%dma_wait3A_647] : memref<320000xi32, #tpu.memory_space<hbm>> -> memref<40xi32, #tpu.memory_space<hbm>>
        %dma_wait3A_649 = arith.constant 0 : i32
        %dma_wait3A_650 = tpu.memref_slice %arg15[%scan3A_272, %dma_wait3A_649] : memref<5x40xi32, #tpu.memory_space<vmem>> -> memref<1x40xi32, #tpu.memory_space<vmem>>
        %dma_wait3A_651 = tpu.memref_squeeze %dma_wait3A_650 : memref<1x40xi32, #tpu.memory_space<vmem>> -> memref<40xi32, #tpu.memory_space<vmem>>
        %dma_wait3A_652 = arith.constant 0 : i32
        %dma_wait3A_653 = tpu.memref_slice %arg6[%dma_wait3A_652] : memref<320000xi32, #tpu.memory_space<hbm>> -> memref<40xi32, #tpu.memory_space<hbm>>
        tpu.wait_dma2 semaphore(%arg28 : memref<!tpu.dma_semaphore, #tpu.memory_space<semaphore_mem>>) src(%dma_wait3A_653 : memref<40xi32, #tpu.memory_space<hbm>>) dst(%dma_wait3A_651 : memref<40xi32, #tpu.memory_space<vmem>>)
        %dma_start3A_654 = arith.constant 0 : i32
        %dma_start3A_655 = tpu.memref_slice %arg15[%scan3A_269, %dma_start3A_654] : memref<5x40xi32, #tpu.memory_space<vmem>> -> memref<1x40xi32, #tpu.memory_space<vmem>>
        %dma_start3A_656 = tpu.memref_squeeze %dma_start3A_655 : memref<1x40xi32, #tpu.memory_space<vmem>> -> memref<40xi32, #tpu.memory_space<vmem>>
        %dma_start3A_657 = arith.constant 0 : i32
        %dma_start3A_658 = arith.constant 0 : i32
        %dma_start3A_659 = tpu.memref_slice %arg2[%dma_start3A_657, %dma_start3A_658] : memref<10000x128xf32, #tpu.memory_space<hbm>> -> memref<10000x128xf32, #tpu.memory_space<hbm>>
        tpu.enqueue_indirect_dma source(%dma_start3A_659 : memref<10000x128xf32, #tpu.memory_space<hbm>>) target(%arg20 : memref<40x128xf32, #tpu.memory_space<vmem>>) offsets(%dma_start3A_656 : memref<40xi32, #tpu.memory_space<vmem>>) semaphore(%arg31 : memref<!tpu.dma_semaphore, #tpu.memory_space<semaphore_mem>>)
        %dma_start3A_660 = arith.constant 0 : i32
        %dma_start3A_661 = tpu.memref_slice %arg15[%scan3A_270, %dma_start3A_660] : memref<5x40xi32, #tpu.memory_space<vmem>> -> memref<1x40xi32, #tpu.memory_space<vmem>>
        %dma_start3A_662 = tpu.memref_squeeze %dma_start3A_661 : memref<1x40xi32, #tpu.memory_space<vmem>> -> memref<40xi32, #tpu.memory_space<vmem>>
        %dma_start3A_663 = arith.constant 0 : i32
        %dma_start3A_664 = arith.constant 0 : i32
        %dma_start3A_665 = tpu.memref_slice %arg3[%dma_start3A_663, %dma_start3A_664] : memref<1000x128xf32, #tpu.memory_space<hbm>> -> memref<1000x128xf32, #tpu.memory_space<hbm>>
        tpu.enqueue_indirect_dma source(%dma_start3A_665 : memref<1000x128xf32, #tpu.memory_space<hbm>>) target(%arg21 : memref<40x128xf32, #tpu.memory_space<vmem>>) offsets(%dma_start3A_662 : memref<40xi32, #tpu.memory_space<vmem>>) semaphore(%arg31 : memref<!tpu.dma_semaphore, #tpu.memory_space<semaphore_mem>>)
        %dma_start3A_666 = arith.constant 0 : i32
        %dma_start3A_667 = tpu.memref_slice %arg15[%scan3A_271, %dma_start3A_666] : memref<5x40xi32, #tpu.memory_space<vmem>> -> memref<1x40xi32, #tpu.memory_space<vmem>>
        %dma_start3A_668 = tpu.memref_squeeze %dma_start3A_667 : memref<1x40xi32, #tpu.memory_space<vmem>> -> memref<40xi32, #tpu.memory_space<vmem>>
        %dma_start3A_669 = arith.constant 0 : i32
        %dma_start3A_670 = arith.constant 0 : i32
        %dma_start3A_671 = tpu.memref_slice %arg4[%dma_start3A_669, %dma_start3A_670] : memref<368x128xf32, #tpu.memory_space<hbm>> -> memref<368x128xf32, #tpu.memory_space<hbm>>
        tpu.enqueue_indirect_dma source(%dma_start3A_671 : memref<368x128xf32, #tpu.memory_space<hbm>>) target(%arg22 : memref<40x128xf32, #tpu.memory_space<vmem>>) offsets(%dma_start3A_668 : memref<40xi32, #tpu.memory_space<vmem>>) semaphore(%arg31 : memref<!tpu.dma_semaphore, #tpu.memory_space<semaphore_mem>>)
      } else {
      }
      %dma_wait3A_581 = arith.constant 0 : i32
      %dma_wait3A_582 = tpu.memref_slice %arg16[%scan3A_261, %dma_wait3A_581] : memref<5x40xi32, #tpu.memory_space<vmem>> -> memref<1x40xi32, #tpu.memory_space<vmem>>
      %dma_wait3A_583 = tpu.memref_squeeze %dma_wait3A_582 : memref<1x40xi32, #tpu.memory_space<vmem>> -> memref<40xi32, #tpu.memory_space<vmem>>
      %dma_wait3A_584 = arith.constant 0 : i32
      %dma_wait3A_585 = arith.constant 0 : i32
      %dma_wait3A_586 = tpu.memref_slice %arg2[%dma_wait3A_584, %dma_wait3A_585] : memref<10000x128xf32, #tpu.memory_space<hbm>> -> memref<10000x128xf32, #tpu.memory_space<hbm>>
      tpu.wait_indirect_dma semaphore(%arg32 : memref<!tpu.dma_semaphore, #tpu.memory_space<semaphore_mem>>) src(%dma_wait3A_586 : memref<10000x128xf32, #tpu.memory_space<hbm>>) dst(%arg23 : memref<40x128xf32, #tpu.memory_space<vmem>>)
      %dma_wait3A_587 = arith.constant 0 : i32
      %dma_wait3A_588 = tpu.memref_slice %arg16[%scan3A_262, %dma_wait3A_587] : memref<5x40xi32, #tpu.memory_space<vmem>> -> memref<1x40xi32, #tpu.memory_space<vmem>>
      %dma_wait3A_589 = tpu.memref_squeeze %dma_wait3A_588 : memref<1x40xi32, #tpu.memory_space<vmem>> -> memref<40xi32, #tpu.memory_space<vmem>>
      %dma_wait3A_590 = arith.constant 0 : i32
      %dma_wait3A_591 = arith.constant 0 : i32
      %dma_wait3A_592 = tpu.memref_slice %arg3[%dma_wait3A_590, %dma_wait3A_591] : memref<1000x128xf32, #tpu.memory_space<hbm>> -> memref<1000x128xf32, #tpu.memory_space<hbm>>
      tpu.wait_indirect_dma semaphore(%arg32 : memref<!tpu.dma_semaphore, #tpu.memory_space<semaphore_mem>>) src(%dma_wait3A_592 : memref<1000x128xf32, #tpu.memory_space<hbm>>) dst(%arg24 : memref<40x128xf32, #tpu.memory_space<vmem>>)
      %dma_wait3A_593 = arith.constant 0 : i32
      %dma_wait3A_594 = tpu.memref_slice %arg16[%scan3A_263, %dma_wait3A_593] : memref<5x40xi32, #tpu.memory_space<vmem>> -> memref<1x40xi32, #tpu.memory_space<vmem>>
      %dma_wait3A_595 = tpu.memref_squeeze %dma_wait3A_594 : memref<1x40xi32, #tpu.memory_space<vmem>> -> memref<40xi32, #tpu.memory_space<vmem>>
      %dma_wait3A_596 = arith.constant 0 : i32
      %dma_wait3A_597 = arith.constant 0 : i32
      %dma_wait3A_598 = tpu.memref_slice %arg4[%dma_wait3A_596, %dma_wait3A_597] : memref<368x128xf32, #tpu.memory_space<hbm>> -> memref<368x128xf32, #tpu.memory_space<hbm>>
      tpu.wait_indirect_dma semaphore(%arg32 : memref<!tpu.dma_semaphore, #tpu.memory_space<semaphore_mem>>) src(%dma_wait3A_598 : memref<368x128xf32, #tpu.memory_space<hbm>>) dst(%arg25 : memref<40x128xf32, #tpu.memory_space<vmem>>)
      %scan3A_599 = arith.constant 0 : i32
      %scan3A_600 = arith.constant 0 : i32
      %scan3A_601 = arith.constant 40 : i32
      %scan3A_602 = arith.addi %scan3A_600, %scan3A_601 : i32
      %scan3A_603 = arith.constant 1 : i32
      %scan3A_604 = scf.for %scan3A_614 = %scan3A_600 to %scan3A_602 step %scan3A_603 iter_args(%scan3A_615 = %scan3A_599) -> (i32)  : i32 {
        %get3A = arith.index_cast %scan3A_614 : i32 to index
        %get3A_616 = arith.constant 0 : index
        %get3A_617 = tpu.vector_load %arg23[%get3A, %get3A_616] {strides = array<i32>} : memref<40x128xf32, #tpu.memory_space<vmem>>, vector<1x16xf32>,
        %get3A_618 = vector.shape_cast %get3A_617 : vector<1x16xf32> to vector<16xf32>
        %get3A_619 = arith.index_cast %scan3A_614 : i32 to index
        %get3A_620 = arith.constant 0 : index
        %get3A_621 = tpu.vector_load %arg24[%get3A_619, %get3A_620] {strides = array<i32>} : memref<40x128xf32, #tpu.memory_space<vmem>>, vector<1x16xf32>,
        %get3A_622 = vector.shape_cast %get3A_621 : vector<1x16xf32> to vector<16xf32>
        %sub3A = arith.subf %get3A_618, %get3A_622 : vector<16xf32>
        %get3A_623 = arith.index_cast %scan3A_614 : i32 to index
        %get3A_624 = arith.constant 0 : index
        %get3A_625 = tpu.vector_load %arg25[%get3A_623, %get3A_624] {strides = array<i32>} : memref<40x128xf32, #tpu.memory_space<vmem>>, vector<1x16xf32>,
        %get3A_626 = vector.shape_cast %get3A_625 : vector<1x16xf32> to vector<16xf32>
        %mul3A_627 = arith.mulf %sub3A, %get3A_626 : vector<16xf32>
        %swap3A = arith.index_cast %scan3A_614 : i32 to index
        %swap3A_628 = arith.constant 0 : index
        %swap3A_629 = tpu.vector_load %arg23[%swap3A, %swap3A_628] {strides = array<i32>} : memref<40x128xf32, #tpu.memory_space<vmem>>, vector<1x16xf32>,
        %swap3A_630 = vector.shape_cast %swap3A_629 : vector<1x16xf32> to vector<16xf32>
        %swap3A_631 = vector.shape_cast %mul3A_627 : vector<16xf32> to vector<1x16xf32>
        tpu.vector_store %arg23[%swap3A, %swap3A_628], %swap3A_631 {strides = array<i32>} : memref<40x128xf32, #tpu.memory_space<vmem>>, vector<1x16xf32>,
        %get3A_632 = arith.index_cast %scan3A_614 : i32 to index
        %get3A_633 = arith.constant 16 : index
        %get3A_634 = tpu.vector_load %arg23[%get3A_632, %get3A_633] {strides = array<i32>} : memref<40x128xf32, #tpu.memory_space<vmem>>, vector<1x16xf32>,
        %get3A_635 = vector.shape_cast %get3A_634 : vector<1x16xf32> to vector<16xf32>
        %get3A_636 = arith.index_cast %scan3A_614 : i32 to index
        %get3A_637 = arith.constant 16 : index
        %get3A_638 = tpu.vector_load %arg24[%get3A_636, %get3A_637] {strides = array<i32>} : memref<40x128xf32, #tpu.memory_space<vmem>>, vector<1x16xf32>,
        %get3A_639 = vector.shape_cast %get3A_638 : vector<1x16xf32> to vector<16xf32>
        %sub3A_640 = arith.subf %get3A_635, %get3A_639 : vector<16xf32>
        %get3A_641 = arith.index_cast %scan3A_614 : i32 to index
        %get3A_642 = arith.constant 16 : index
        %get3A_643 = tpu.vector_load %arg25[%get3A_641, %get3A_642] {strides = array<i32>} : memref<40x128xf32, #tpu.memory_space<vmem>>, vector<1x16xf32>,
        %get3A_644 = vector.shape_cast %get3A_643 : vector<1x16xf32> to vector<16xf32>
        %mul3A_645 = arith.mulf %sub3A_640, %get3A_644 : vector<16xf32>
        %swap3A_646 = arith.index_cast %scan3A_614 : i32 to index
        %swap3A_647 = arith.constant 16 : index
        %swap3A_648 = tpu.vector_load %arg23[%swap3A_646, %swap3A_647] {strides = array<i32>} : memref<40x128xf32, #tpu.memory_space<vmem>>, vector<1x16xf32>,
        %swap3A_649 = vector.shape_cast %swap3A_648 : vector<1x16xf32> to vector<16xf32>
        %swap3A_650 = vector.shape_cast %mul3A_645 : vector<16xf32> to vector<1x16xf32>
        tpu.vector_store %arg23[%swap3A_646, %swap3A_647], %swap3A_650 {strides = array<i32>} : memref<40x128xf32, #tpu.memory_space<vmem>>, vector<1x16xf32>,
        %get3A_651 = arith.index_cast %scan3A_614 : i32 to index
        %get3A_652 = arith.constant 32 : index
        %get3A_653 = tpu.vector_load %arg23[%get3A_651, %get3A_652] {strides = array<i32>} : memref<40x128xf32, #tpu.memory_space<vmem>>, vector<1x16xf32>,
        %get3A_654 = vector.shape_cast %get3A_653 : vector<1x16xf32> to vector<16xf32>
        %get3A_655 = arith.index_cast %scan3A_614 : i32 to index
        %get3A_656 = arith.constant 32 : index
        %get3A_657 = tpu.vector_load %arg24[%get3A_655, %get3A_656] {strides = array<i32>} : memref<40x128xf32, #tpu.memory_space<vmem>>, vector<1x16xf32>,
        %get3A_658 = vector.shape_cast %get3A_657 : vector<1x16xf32> to vector<16xf32>
        %sub3A_659 = arith.subf %get3A_654, %get3A_658 : vector<16xf32>
        %get3A_660 = arith.index_cast %scan3A_614 : i32 to index
        %get3A_661 = arith.constant 32 : index
        %get3A_662 = tpu.vector_load %arg25[%get3A_660, %get3A_661] {strides = array<i32>} : memref<40x128xf32, #tpu.memory_space<vmem>>, vector<1x16xf32>,
        %get3A_663 = vector.shape_cast %get3A_662 : vector<1x16xf32> to vector<16xf32>
        %mul3A_664 = arith.mulf %sub3A_659, %get3A_663 : vector<16xf32>
        %swap3A_665 = arith.index_cast %scan3A_614 : i32 to index
        %swap3A_666 = arith.constant 32 : index
        %swap3A_667 = tpu.vector_load %arg23[%swap3A_665, %swap3A_666] {strides = array<i32>} : memref<40x128xf32, #tpu.memory_space<vmem>>, vector<1x16xf32>,
        %swap3A_668 = vector.shape_cast %swap3A_667 : vector<1x16xf32> to vector<16xf32>
        %swap3A_669 = vector.shape_cast %mul3A_664 : vector<16xf32> to vector<1x16xf32>
        tpu.vector_store %arg23[%swap3A_665, %swap3A_666], %swap3A_669 {strides = array<i32>} : memref<40x128xf32, #tpu.memory_space<vmem>>, vector<1x16xf32>,
        %get3A_670 = arith.index_cast %scan3A_614 : i32 to index
        %get3A_671 = arith.constant 48 : index
        %get3A_672 = tpu.vector_load %arg23[%get3A_670, %get3A_671] {strides = array<i32>} : memref<40x128xf32, #tpu.memory_space<vmem>>, vector<1x16xf32>,
        %get3A_673 = vector.shape_cast %get3A_672 : vector<1x16xf32> to vector<16xf32>
        %get3A_674 = arith.index_cast %scan3A_614 : i32 to index
        %get3A_675 = arith.constant 48 : index
        %get3A_676 = tpu.vector_load %arg24[%get3A_674, %get3A_675] {strides = array<i32>} : memref<40x128xf32, #tpu.memory_space<vmem>>, vector<1x16xf32>,
        %get3A_677 = vector.shape_cast %get3A_676 : vector<1x16xf32> to vector<16xf32>
        %sub3A_678 = arith.subf %get3A_673, %get3A_677 : vector<16xf32>
        %get3A_679 = arith.index_cast %scan3A_614 : i32 to index
        %get3A_680 = arith.constant 48 : index
        %get3A_681 = tpu.vector_load %arg25[%get3A_679, %get3A_680] {strides = array<i32>} : memref<40x128xf32, #tpu.memory_space<vmem>>, vector<1x16xf32>,
        %get3A_682 = vector.shape_cast %get3A_681 : vector<1x16xf32> to vector<16xf32>
        %mul3A_683 = arith.mulf %sub3A_678, %get3A_682 : vector<16xf32>
        %swap3A_684 = arith.index_cast %scan3A_614 : i32 to index
        %swap3A_685 = arith.constant 48 : index
        %swap3A_686 = tpu.vector_load %arg23[%swap3A_684, %swap3A_685] {strides = array<i32>} : memref<40x128xf32, #tpu.memory_space<vmem>>, vector<1x16xf32>,
        %swap3A_687 = vector.shape_cast %swap3A_686 : vector<1x16xf32> to vector<16xf32>
        %swap3A_688 = vector.shape_cast %mul3A_683 : vector<16xf32> to vector<1x16xf32>
        tpu.vector_store %arg23[%swap3A_684, %swap3A_685], %swap3A_688 {strides = array<i32>} : memref<40x128xf32, #tpu.memory_space<vmem>>, vector<1x16xf32>,
        %get3A_689 = arith.index_cast %scan3A_614 : i32 to index
        %get3A_690 = arith.constant 64 : index
        %get3A_691 = tpu.vector_load %arg23[%get3A_689, %get3A_690] {strides = array<i32>} : memref<40x128xf32, #tpu.memory_space<vmem>>, vector<1x16xf32>,
        %get3A_692 = vector.shape_cast %get3A_691 : vector<1x16xf32> to vector<16xf32>
        %get3A_693 = arith.index_cast %scan3A_614 : i32 to index
        %get3A_694 = arith.constant 64 : index
        %get3A_695 = tpu.vector_load %arg24[%get3A_693, %get3A_694] {strides = array<i32>} : memref<40x128xf32, #tpu.memory_space<vmem>>, vector<1x16xf32>,
        %get3A_696 = vector.shape_cast %get3A_695 : vector<1x16xf32> to vector<16xf32>
        %sub3A_697 = arith.subf %get3A_692, %get3A_696 : vector<16xf32>
        %get3A_698 = arith.index_cast %scan3A_614 : i32 to index
        %get3A_699 = arith.constant 64 : index
        %get3A_700 = tpu.vector_load %arg25[%get3A_698, %get3A_699] {strides = array<i32>} : memref<40x128xf32, #tpu.memory_space<vmem>>, vector<1x16xf32>,
        %get3A_701 = vector.shape_cast %get3A_700 : vector<1x16xf32> to vector<16xf32>
        %mul3A_702 = arith.mulf %sub3A_697, %get3A_701 : vector<16xf32>
        %swap3A_703 = arith.index_cast %scan3A_614 : i32 to index
        %swap3A_704 = arith.constant 64 : index
        %swap3A_705 = tpu.vector_load %arg23[%swap3A_703, %swap3A_704] {strides = array<i32>} : memref<40x128xf32, #tpu.memory_space<vmem>>, vector<1x16xf32>,
        %swap3A_706 = vector.shape_cast %swap3A_705 : vector<1x16xf32> to vector<16xf32>
        %swap3A_707 = vector.shape_cast %mul3A_702 : vector<16xf32> to vector<1x16xf32>
        tpu.vector_store %arg23[%swap3A_703, %swap3A_704], %swap3A_707 {strides = array<i32>} : memref<40x128xf32, #tpu.memory_space<vmem>>, vector<1x16xf32>,
        %get3A_708 = arith.index_cast %scan3A_614 : i32 to index
        %get3A_709 = arith.constant 80 : index
        %get3A_710 = tpu.vector_load %arg23[%get3A_708, %get3A_709] {strides = array<i32>} : memref<40x128xf32, #tpu.memory_space<vmem>>, vector<1x16xf32>,
        %get3A_711 = vector.shape_cast %get3A_710 : vector<1x16xf32> to vector<16xf32>
        %get3A_712 = arith.index_cast %scan3A_614 : i32 to index
        %get3A_713 = arith.constant 80 : index
        %get3A_714 = tpu.vector_load %arg24[%get3A_712, %get3A_713] {strides = array<i32>} : memref<40x128xf32, #tpu.memory_space<vmem>>, vector<1x16xf32>,
        %get3A_715 = vector.shape_cast %get3A_714 : vector<1x16xf32> to vector<16xf32>
        %sub3A_716 = arith.subf %get3A_711, %get3A_715 : vector<16xf32>
        %get3A_717 = arith.index_cast %scan3A_614 : i32 to index
        %get3A_718 = arith.constant 80 : index
        %get3A_719 = tpu.vector_load %arg25[%get3A_717, %get3A_718] {strides = array<i32>} : memref<40x128xf32, #tpu.memory_space<vmem>>, vector<1x16xf32>,
        %get3A_720 = vector.shape_cast %get3A_719 : vector<1x16xf32> to vector<16xf32>
        %mul3A_721 = arith.mulf %sub3A_716, %get3A_720 : vector<16xf32>
        %swap3A_722 = arith.index_cast %scan3A_614 : i32 to index
        %swap3A_723 = arith.constant 80 : index
        %swap3A_724 = tpu.vector_load %arg23[%swap3A_722, %swap3A_723] {strides = array<i32>} : memref<40x128xf32, #tpu.memory_space<vmem>>, vector<1x16xf32>,
        %swap3A_725 = vector.shape_cast %swap3A_724 : vector<1x16xf32> to vector<16xf32>
        %swap3A_726 = vector.shape_cast %mul3A_721 : vector<16xf32> to vector<1x16xf32>
        tpu.vector_store %arg23[%swap3A_722, %swap3A_723], %swap3A_726 {strides = array<i32>} : memref<40x128xf32, #tpu.memory_space<vmem>>, vector<1x16xf32>,
        %get3A_727 = arith.index_cast %scan3A_614 : i32 to index
        %get3A_728 = arith.constant 96 : index
        %get3A_729 = tpu.vector_load %arg23[%get3A_727, %get3A_728] {strides = array<i32>} : memref<40x128xf32, #tpu.memory_space<vmem>>, vector<1x16xf32>,
        %get3A_730 = vector.shape_cast %get3A_729 : vector<1x16xf32> to vector<16xf32>
        %get3A_731 = arith.index_cast %scan3A_614 : i32 to index
        %get3A_732 = arith.constant 96 : index
        %get3A_733 = tpu.vector_load %arg24[%get3A_731, %get3A_732] {strides = array<i32>} : memref<40x128xf32, #tpu.memory_space<vmem>>, vector<1x16xf32>,
        %get3A_734 = vector.shape_cast %get3A_733 : vector<1x16xf32> to vector<16xf32>
        %sub3A_735 = arith.subf %get3A_730, %get3A_734 : vector<16xf32>
        %get3A_736 = arith.index_cast %scan3A_614 : i32 to index
        %get3A_737 = arith.constant 96 : index
        %get3A_738 = tpu.vector_load %arg25[%get3A_736, %get3A_737] {strides = array<i32>} : memref<40x128xf32, #tpu.memory_space<vmem>>, vector<1x16xf32>,
        %get3A_739 = vector.shape_cast %get3A_738 : vector<1x16xf32> to vector<16xf32>
        %mul3A_740 = arith.mulf %sub3A_735, %get3A_739 : vector<16xf32>
        %swap3A_741 = arith.index_cast %scan3A_614 : i32 to index
        %swap3A_742 = arith.constant 96 : index
        %swap3A_743 = tpu.vector_load %arg23[%swap3A_741, %swap3A_742] {strides = array<i32>} : memref<40x128xf32, #tpu.memory_space<vmem>>, vector<1x16xf32>,
        %swap3A_744 = vector.shape_cast %swap3A_743 : vector<1x16xf32> to vector<16xf32>
        %swap3A_745 = vector.shape_cast %mul3A_740 : vector<16xf32> to vector<1x16xf32>
        tpu.vector_store %arg23[%swap3A_741, %swap3A_742], %swap3A_745 {strides = array<i32>} : memref<40x128xf32, #tpu.memory_space<vmem>>, vector<1x16xf32>,
        %get3A_746 = arith.index_cast %scan3A_614 : i32 to index
        %get3A_747 = arith.constant 112 : index
        %get3A_748 = tpu.vector_load %arg23[%get3A_746, %get3A_747] {strides = array<i32>} : memref<40x128xf32, #tpu.memory_space<vmem>>, vector<1x16xf32>,
        %get3A_749 = vector.shape_cast %get3A_748 : vector<1x16xf32> to vector<16xf32>
        %get3A_750 = arith.index_cast %scan3A_614 : i32 to index
        %get3A_751 = arith.constant 112 : index
        %get3A_752 = tpu.vector_load %arg24[%get3A_750, %get3A_751] {strides = array<i32>} : memref<40x128xf32, #tpu.memory_space<vmem>>, vector<1x16xf32>,
        %get3A_753 = vector.shape_cast %get3A_752 : vector<1x16xf32> to vector<16xf32>
        %sub3A_754 = arith.subf %get3A_749, %get3A_753 : vector<16xf32>
        %get3A_755 = arith.index_cast %scan3A_614 : i32 to index
        %get3A_756 = arith.constant 112 : index
        %get3A_757 = tpu.vector_load %arg25[%get3A_755, %get3A_756] {strides = array<i32>} : memref<40x128xf32, #tpu.memory_space<vmem>>, vector<1x16xf32>,
        %get3A_758 = vector.shape_cast %get3A_757 : vector<1x16xf32> to vector<16xf32>
        %mul3A_759 = arith.mulf %sub3A_754, %get3A_758 : vector<16xf32>
        %swap3A_760 = arith.index_cast %scan3A_614 : i32 to index
        %swap3A_761 = arith.constant 112 : index
        %swap3A_762 = tpu.vector_load %arg23[%swap3A_760, %swap3A_761] {strides = array<i32>} : memref<40x128xf32, #tpu.memory_space<vmem>>, vector<1x16xf32>,
        %swap3A_763 = vector.shape_cast %swap3A_762 : vector<1x16xf32> to vector<16xf32>
        %swap3A_764 = vector.shape_cast %mul3A_759 : vector<16xf32> to vector<1x16xf32>
        tpu.vector_store %arg23[%swap3A_760, %swap3A_761], %swap3A_764 {strides = array<i32>} : memref<40x128xf32, #tpu.memory_space<vmem>>, vector<1x16xf32>,
        %scan3A_765 = arith.constant 0 : i32
        scf.yield %scan3A_765 : i32
      }
      %scan3A_605 = arith.constant 40 : i32
      "tpu.region"() ({
        %run_scoped3A_614 = tpu.sem_alloc : memref<!tpu.dma_semaphore, #tpu.memory_space<semaphore_mem>>
        %dma_start3A_615 = arith.constant 0 : i32
        %dma_start3A_616 = tpu.memref_slice %arg16[%scan3A_264, %dma_start3A_615] : memref<5x40xi32, #tpu.memory_space<vmem>> -> memref<1x40xi32, #tpu.memory_space<vmem>>
        %dma_start3A_617 = tpu.memref_squeeze %dma_start3A_616 : memref<1x40xi32, #tpu.memory_space<vmem>> -> memref<40xi32, #tpu.memory_space<vmem>>
        %dma_start3A_618 = arith.constant 0 : i32
        %dma_start3A_619 = arith.constant 0 : i32
        %dma_start3A_620 = tpu.memref_slice %arg26[%dma_start3A_618, %dma_start3A_619] : memref<10240x128xf32, #tpu.memory_space<vmem_shared>> -> memref<10240x128xf32, #tpu.memory_space<vmem_shared>>
        tpu.enqueue_indirect_dma source(%arg23 : memref<40x128xf32, #tpu.memory_space<vmem>>) target(%dma_start3A_620 : memref<10240x128xf32, #tpu.memory_space<vmem_shared>>) offsets(%dma_start3A_617 : memref<40xi32, #tpu.memory_space<vmem>>) semaphore(%run_scoped3A_614 : memref<!tpu.dma_semaphore, #tpu.memory_space<semaphore_mem>>) {add = true}
        %dma_wait3A_621 = arith.constant 0 : i32
        %dma_wait3A_622 = tpu.memref_slice %arg16[%scan3A_264, %dma_wait3A_621] : memref<5x40xi32, #tpu.memory_space<vmem>> -> memref<1x40xi32, #tpu.memory_space<vmem>>
        %dma_wait3A_623 = tpu.memref_squeeze %dma_wait3A_622 : memref<1x40xi32, #tpu.memory_space<vmem>> -> memref<40xi32, #tpu.memory_space<vmem>>
        %dma_wait3A_624 = arith.constant 0 : i32
        %dma_wait3A_625 = arith.constant 0 : i32
        %dma_wait3A_626 = tpu.memref_slice %arg26[%dma_wait3A_624, %dma_wait3A_625] : memref<10240x128xf32, #tpu.memory_space<vmem_shared>> -> memref<10240x128xf32, #tpu.memory_space<vmem_shared>>
        tpu.wait_indirect_dma semaphore(%run_scoped3A_614 : memref<!tpu.dma_semaphore, #tpu.memory_space<semaphore_mem>>) src(%arg23 : memref<40x128xf32, #tpu.memory_space<vmem>>) dst(%dma_wait3A_626 : memref<10240x128xf32, #tpu.memory_space<vmem_shared>>)
        tpu.yield
      }) : () -> ()
      %add3A_606 = arith.constant 3 : i32
      %add3A_607 = arith.addi %add3A_573, %add3A_606 : i32
      %lt3A_608 = arith.constant 250 : i32
      %lt3A_609 = arith.cmpi slt, %add3A_607, %lt3A_608 : i32
      %convert_element_type3A_610 = arith.extui %lt3A_609 : i1 to i32
      %cond3A_611 = arith.constant 0 : i32
      %cond3A_612 = arith.cmpi ne, %convert_element_type3A_610, %cond3A_611 : i32
      scf.if %cond3A_612 {
        %add3A_614 = arith.constant 3 : i32
        %add3A_615 = arith.addi %add3A_573, %add3A_614 : i32
        %mul3A_616 = arith.constant 40 : i32
        %mul3A_617 = arith.muli %add3A_615, %mul3A_616 : i32
        %add3A_618 = arith.addi %mul3A_18, %mul3A_617 : i32
        %dma_start3A_619 = arith.constant 0 : i32
        %dma_start3A_620 = tpu.memref_slice %arg16[%scan3A_261, %dma_start3A_619] : memref<5x40xi32, #tpu.memory_space<vmem>> -> memref<1x40xi32, #tpu.memory_space<vmem>>
        %dma_start3A_621 = tpu.memref_squeeze %dma_start3A_620 : memref<1x40xi32, #tpu.memory_space<vmem>> -> memref<40xi32, #tpu.memory_space<vmem>>
        %dma_start3A_622 = tpu.memref_slice %arg5[%add3A_618] : memref<320000xi32, #tpu.memory_space<hbm>> -> memref<40xi32, #tpu.memory_space<hbm>>
        %dma_start3A_623 = arith.constant 0 : i32
        %dma_start3A_624 = tpu.memref_slice %arg16[%scan3A_261, %dma_start3A_623] : memref<5x40xi32, #tpu.memory_space<vmem>> -> memref<1x40xi32, #tpu.memory_space<vmem>>
        %dma_start3A_625 = tpu.memref_squeeze %dma_start3A_624 : memref<1x40xi32, #tpu.memory_space<vmem>> -> memref<40xi32, #tpu.memory_space<vmem>>
        %dma_start3A_626 = tpu.memref_slice %arg5[%add3A_618] : memref<320000xi32, #tpu.memory_space<hbm>> -> memref<40xi32, #tpu.memory_space<hbm>>
        tpu.enqueue_dma source(%dma_start3A_626 : memref<40xi32, #tpu.memory_space<hbm>>) target(%dma_start3A_625 : memref<40xi32, #tpu.memory_space<vmem>>) target_semaphore(%arg29 : memref<!tpu.dma_semaphore, #tpu.memory_space<semaphore_mem>>)
        %dma_start3A_627 = arith.constant 0 : i32
        %dma_start3A_628 = tpu.memref_slice %arg16[%scan3A_262, %dma_start3A_627] : memref<5x40xi32, #tpu.memory_space<vmem>> -> memref<1x40xi32, #tpu.memory_space<vmem>>
        %dma_start3A_629 = tpu.memref_squeeze %dma_start3A_628 : memref<1x40xi32, #tpu.memory_space<vmem>> -> memref<40xi32, #tpu.memory_space<vmem>>
        %dma_start3A_630 = tpu.memref_slice %arg7[%add3A_618] : memref<320000xi32, #tpu.memory_space<hbm>> -> memref<40xi32, #tpu.memory_space<hbm>>
        %dma_start3A_631 = arith.constant 0 : i32
        %dma_start3A_632 = tpu.memref_slice %arg16[%scan3A_262, %dma_start3A_631] : memref<5x40xi32, #tpu.memory_space<vmem>> -> memref<1x40xi32, #tpu.memory_space<vmem>>
        %dma_start3A_633 = tpu.memref_squeeze %dma_start3A_632 : memref<1x40xi32, #tpu.memory_space<vmem>> -> memref<40xi32, #tpu.memory_space<vmem>>
        %dma_start3A_634 = tpu.memref_slice %arg7[%add3A_618] : memref<320000xi32, #tpu.memory_space<hbm>> -> memref<40xi32, #tpu.memory_space<hbm>>
        tpu.enqueue_dma source(%dma_start3A_634 : memref<40xi32, #tpu.memory_space<hbm>>) target(%dma_start3A_633 : memref<40xi32, #tpu.memory_space<vmem>>) target_semaphore(%arg29 : memref<!tpu.dma_semaphore, #tpu.memory_space<semaphore_mem>>)
        %dma_start3A_635 = arith.constant 0 : i32
        %dma_start3A_636 = tpu.memref_slice %arg16[%scan3A_263, %dma_start3A_635] : memref<5x40xi32, #tpu.memory_space<vmem>> -> memref<1x40xi32, #tpu.memory_space<vmem>>
        %dma_start3A_637 = tpu.memref_squeeze %dma_start3A_636 : memref<1x40xi32, #tpu.memory_space<vmem>> -> memref<40xi32, #tpu.memory_space<vmem>>
        %dma_start3A_638 = tpu.memref_slice %arg8[%add3A_618] : memref<320000xi32, #tpu.memory_space<hbm>> -> memref<40xi32, #tpu.memory_space<hbm>>
        %dma_start3A_639 = arith.constant 0 : i32
        %dma_start3A_640 = tpu.memref_slice %arg16[%scan3A_263, %dma_start3A_639] : memref<5x40xi32, #tpu.memory_space<vmem>> -> memref<1x40xi32, #tpu.memory_space<vmem>>
        %dma_start3A_641 = tpu.memref_squeeze %dma_start3A_640 : memref<1x40xi32, #tpu.memory_space<vmem>> -> memref<40xi32, #tpu.memory_space<vmem>>
        %dma_start3A_642 = tpu.memref_slice %arg8[%add3A_618] : memref<320000xi32, #tpu.memory_space<hbm>> -> memref<40xi32, #tpu.memory_space<hbm>>
        tpu.enqueue_dma source(%dma_start3A_642 : memref<40xi32, #tpu.memory_space<hbm>>) target(%dma_start3A_641 : memref<40xi32, #tpu.memory_space<vmem>>) target_semaphore(%arg29 : memref<!tpu.dma_semaphore, #tpu.memory_space<semaphore_mem>>)
        %dma_start3A_643 = arith.constant 0 : i32
        %dma_start3A_644 = tpu.memref_slice %arg16[%scan3A_264, %dma_start3A_643] : memref<5x40xi32, #tpu.memory_space<vmem>> -> memref<1x40xi32, #tpu.memory_space<vmem>>
        %dma_start3A_645 = tpu.memref_squeeze %dma_start3A_644 : memref<1x40xi32, #tpu.memory_space<vmem>> -> memref<40xi32, #tpu.memory_space<vmem>>
        %dma_start3A_646 = tpu.memref_slice %arg6[%add3A_618] : memref<320000xi32, #tpu.memory_space<hbm>> -> memref<40xi32, #tpu.memory_space<hbm>>
        %dma_start3A_647 = arith.constant 0 : i32
        %dma_start3A_648 = tpu.memref_slice %arg16[%scan3A_264, %dma_start3A_647] : memref<5x40xi32, #tpu.memory_space<vmem>> -> memref<1x40xi32, #tpu.memory_space<vmem>>
        %dma_start3A_649 = tpu.memref_squeeze %dma_start3A_648 : memref<1x40xi32, #tpu.memory_space<vmem>> -> memref<40xi32, #tpu.memory_space<vmem>>
        %dma_start3A_650 = tpu.memref_slice %arg6[%add3A_618] : memref<320000xi32, #tpu.memory_space<hbm>> -> memref<40xi32, #tpu.memory_space<hbm>>
        tpu.enqueue_dma source(%dma_start3A_650 : memref<40xi32, #tpu.memory_space<hbm>>) target(%dma_start3A_649 : memref<40xi32, #tpu.memory_space<vmem>>) target_semaphore(%arg29 : memref<!tpu.dma_semaphore, #tpu.memory_space<semaphore_mem>>)
      } else {
      }
      %scan3A_613 = arith.constant 0 : i32
      scf.yield %scan3A_613 : i32
    }
    %scan3A_279 = arith.constant 83 : i32
    %dma_wait3A_280 = arith.constant 0 : i32
    %dma_wait3A_281 = arith.constant 0 : i32
    %dma_wait3A_282 = tpu.memref_slice %arg14[%dma_wait3A_280, %dma_wait3A_281] : memref<5x40xi32, #tpu.memory_space<vmem>> -> memref<1x40xi32, #tpu.memory_space<vmem>>
    %dma_wait3A_283 = tpu.memref_squeeze %dma_wait3A_282 : memref<1x40xi32, #tpu.memory_space<vmem>> -> memref<40xi32, #tpu.memory_space<vmem>>
    %dma_wait3A_284 = arith.constant 0 : i32
    %dma_wait3A_285 = arith.constant 0 : i32
    %dma_wait3A_286 = tpu.memref_slice %arg2[%dma_wait3A_284, %dma_wait3A_285] : memref<10000x128xf32, #tpu.memory_space<hbm>> -> memref<10000x128xf32, #tpu.memory_space<hbm>>
    tpu.wait_indirect_dma semaphore(%arg30 : memref<!tpu.dma_semaphore, #tpu.memory_space<semaphore_mem>>) src(%dma_wait3A_286 : memref<10000x128xf32, #tpu.memory_space<hbm>>) dst(%arg17 : memref<40x128xf32, #tpu.memory_space<vmem>>)
    %dma_wait3A_287 = arith.constant 1 : i32
    %dma_wait3A_288 = arith.constant 0 : i32
    %dma_wait3A_289 = tpu.memref_slice %arg14[%dma_wait3A_287, %dma_wait3A_288] : memref<5x40xi32, #tpu.memory_space<vmem>> -> memref<1x40xi32, #tpu.memory_space<vmem>>
    %dma_wait3A_290 = tpu.memref_squeeze %dma_wait3A_289 : memref<1x40xi32, #tpu.memory_space<vmem>> -> memref<40xi32, #tpu.memory_space<vmem>>
    %dma_wait3A_291 = arith.constant 0 : i32
    %dma_wait3A_292 = arith.constant 0 : i32
    %dma_wait3A_293 = tpu.memref_slice %arg3[%dma_wait3A_291, %dma_wait3A_292] : memref<1000x128xf32, #tpu.memory_space<hbm>> -> memref<1000x128xf32, #tpu.memory_space<hbm>>
    tpu.wait_indirect_dma semaphore(%arg30 : memref<!tpu.dma_semaphore, #tpu.memory_space<semaphore_mem>>) src(%dma_wait3A_293 : memref<1000x128xf32, #tpu.memory_space<hbm>>) dst(%arg18 : memref<40x128xf32, #tpu.memory_space<vmem>>)
    %dma_wait3A_294 = arith.constant 2 : i32
    %dma_wait3A_295 = arith.constant 0 : i32
    %dma_wait3A_296 = tpu.memref_slice %arg14[%dma_wait3A_294, %dma_wait3A_295] : memref<5x40xi32, #tpu.memory_space<vmem>> -> memref<1x40xi32, #tpu.memory_space<vmem>>
    %dma_wait3A_297 = tpu.memref_squeeze %dma_wait3A_296 : memref<1x40xi32, #tpu.memory_space<vmem>> -> memref<40xi32, #tpu.memory_space<vmem>>
    %dma_wait3A_298 = arith.constant 0 : i32
    %dma_wait3A_299 = arith.constant 0 : i32
    %dma_wait3A_300 = tpu.memref_slice %arg4[%dma_wait3A_298, %dma_wait3A_299] : memref<368x128xf32, #tpu.memory_space<hbm>> -> memref<368x128xf32, #tpu.memory_space<hbm>>
    tpu.wait_indirect_dma semaphore(%arg30 : memref<!tpu.dma_semaphore, #tpu.memory_space<semaphore_mem>>) src(%dma_wait3A_300 : memref<368x128xf32, #tpu.memory_space<hbm>>) dst(%arg19 : memref<40x128xf32, #tpu.memory_space<vmem>>)
    %scan3A_301 = arith.constant 0 : i32
    %scan3A_302 = arith.constant 0 : i32
    %scan3A_303 = arith.constant 40 : i32
    %scan3A_304 = arith.addi %scan3A_302, %scan3A_303 : i32
    %scan3A_305 = arith.constant 1 : i32
    %scan3A_306 = scf.for %scan3A_487 = %scan3A_302 to %scan3A_304 step %scan3A_305 iter_args(%scan3A_488 = %scan3A_301) -> (i32)  : i32 {
      %get3A = arith.index_cast %scan3A_487 : i32 to index
      %get3A_489 = arith.constant 0 : index
      %get3A_490 = tpu.vector_load %arg17[%get3A, %get3A_489] {strides = array<i32>} : memref<40x128xf32, #tpu.memory_space<vmem>>, vector<1x16xf32>,
      %get3A_491 = vector.shape_cast %get3A_490 : vector<1x16xf32> to vector<16xf32>
      %get3A_492 = arith.index_cast %scan3A_487 : i32 to index
      %get3A_493 = arith.constant 0 : index
      %get3A_494 = tpu.vector_load %arg18[%get3A_492, %get3A_493] {strides = array<i32>} : memref<40x128xf32, #tpu.memory_space<vmem>>, vector<1x16xf32>,
      %get3A_495 = vector.shape_cast %get3A_494 : vector<1x16xf32> to vector<16xf32>
      %sub3A = arith.subf %get3A_491, %get3A_495 : vector<16xf32>
      %get3A_496 = arith.index_cast %scan3A_487 : i32 to index
      %get3A_497 = arith.constant 0 : index
      %get3A_498 = tpu.vector_load %arg19[%get3A_496, %get3A_497] {strides = array<i32>} : memref<40x128xf32, #tpu.memory_space<vmem>>, vector<1x16xf32>,
      %get3A_499 = vector.shape_cast %get3A_498 : vector<1x16xf32> to vector<16xf32>
      %mul3A_500 = arith.mulf %sub3A, %get3A_499 : vector<16xf32>
      %swap3A = arith.index_cast %scan3A_487 : i32 to index
      %swap3A_501 = arith.constant 0 : index
      %swap3A_502 = tpu.vector_load %arg17[%swap3A, %swap3A_501] {strides = array<i32>} : memref<40x128xf32, #tpu.memory_space<vmem>>, vector<1x16xf32>,
      %swap3A_503 = vector.shape_cast %swap3A_502 : vector<1x16xf32> to vector<16xf32>
      %swap3A_504 = vector.shape_cast %mul3A_500 : vector<16xf32> to vector<1x16xf32>
      tpu.vector_store %arg17[%swap3A, %swap3A_501], %swap3A_504 {strides = array<i32>} : memref<40x128xf32, #tpu.memory_space<vmem>>, vector<1x16xf32>,
      %get3A_505 = arith.index_cast %scan3A_487 : i32 to index
      %get3A_506 = arith.constant 16 : index
      %get3A_507 = tpu.vector_load %arg17[%get3A_505, %get3A_506] {strides = array<i32>} : memref<40x128xf32, #tpu.memory_space<vmem>>, vector<1x16xf32>,
      %get3A_508 = vector.shape_cast %get3A_507 : vector<1x16xf32> to vector<16xf32>
      %get3A_509 = arith.index_cast %scan3A_487 : i32 to index
      %get3A_510 = arith.constant 16 : index
      %get3A_511 = tpu.vector_load %arg18[%get3A_509, %get3A_510] {strides = array<i32>} : memref<40x128xf32, #tpu.memory_space<vmem>>, vector<1x16xf32>,
      %get3A_512 = vector.shape_cast %get3A_511 : vector<1x16xf32> to vector<16xf32>
      %sub3A_513 = arith.subf %get3A_508, %get3A_512 : vector<16xf32>
      %get3A_514 = arith.index_cast %scan3A_487 : i32 to index
      %get3A_515 = arith.constant 16 : index
      %get3A_516 = tpu.vector_load %arg19[%get3A_514, %get3A_515] {strides = array<i32>} : memref<40x128xf32, #tpu.memory_space<vmem>>, vector<1x16xf32>,
      %get3A_517 = vector.shape_cast %get3A_516 : vector<1x16xf32> to vector<16xf32>
      %mul3A_518 = arith.mulf %sub3A_513, %get3A_517 : vector<16xf32>
      %swap3A_519 = arith.index_cast %scan3A_487 : i32 to index
      %swap3A_520 = arith.constant 16 : index
      %swap3A_521 = tpu.vector_load %arg17[%swap3A_519, %swap3A_520] {strides = array<i32>} : memref<40x128xf32, #tpu.memory_space<vmem>>, vector<1x16xf32>,
      %swap3A_522 = vector.shape_cast %swap3A_521 : vector<1x16xf32> to vector<16xf32>
      %swap3A_523 = vector.shape_cast %mul3A_518 : vector<16xf32> to vector<1x16xf32>
      tpu.vector_store %arg17[%swap3A_519, %swap3A_520], %swap3A_523 {strides = array<i32>} : memref<40x128xf32, #tpu.memory_space<vmem>>, vector<1x16xf32>,
      %get3A_524 = arith.index_cast %scan3A_487 : i32 to index
      %get3A_525 = arith.constant 32 : index
      %get3A_526 = tpu.vector_load %arg17[%get3A_524, %get3A_525] {strides = array<i32>} : memref<40x128xf32, #tpu.memory_space<vmem>>, vector<1x16xf32>,
      %get3A_527 = vector.shape_cast %get3A_526 : vector<1x16xf32> to vector<16xf32>
      %get3A_528 = arith.index_cast %scan3A_487 : i32 to index
      %get3A_529 = arith.constant 32 : index
      %get3A_530 = tpu.vector_load %arg18[%get3A_528, %get3A_529] {strides = array<i32>} : memref<40x128xf32, #tpu.memory_space<vmem>>, vector<1x16xf32>,
      %get3A_531 = vector.shape_cast %get3A_530 : vector<1x16xf32> to vector<16xf32>
      %sub3A_532 = arith.subf %get3A_527, %get3A_531 : vector<16xf32>
      %get3A_533 = arith.index_cast %scan3A_487 : i32 to index
      %get3A_534 = arith.constant 32 : index
      %get3A_535 = tpu.vector_load %arg19[%get3A_533, %get3A_534] {strides = array<i32>} : memref<40x128xf32, #tpu.memory_space<vmem>>, vector<1x16xf32>,
      %get3A_536 = vector.shape_cast %get3A_535 : vector<1x16xf32> to vector<16xf32>
      %mul3A_537 = arith.mulf %sub3A_532, %get3A_536 : vector<16xf32>
      %swap3A_538 = arith.index_cast %scan3A_487 : i32 to index
      %swap3A_539 = arith.constant 32 : index
      %swap3A_540 = tpu.vector_load %arg17[%swap3A_538, %swap3A_539] {strides = array<i32>} : memref<40x128xf32, #tpu.memory_space<vmem>>, vector<1x16xf32>,
      %swap3A_541 = vector.shape_cast %swap3A_540 : vector<1x16xf32> to vector<16xf32>
      %swap3A_542 = vector.shape_cast %mul3A_537 : vector<16xf32> to vector<1x16xf32>
      tpu.vector_store %arg17[%swap3A_538, %swap3A_539], %swap3A_542 {strides = array<i32>} : memref<40x128xf32, #tpu.memory_space<vmem>>, vector<1x16xf32>,
      %get3A_543 = arith.index_cast %scan3A_487 : i32 to index
      %get3A_544 = arith.constant 48 : index
      %get3A_545 = tpu.vector_load %arg17[%get3A_543, %get3A_544] {strides = array<i32>} : memref<40x128xf32, #tpu.memory_space<vmem>>, vector<1x16xf32>,
      %get3A_546 = vector.shape_cast %get3A_545 : vector<1x16xf32> to vector<16xf32>
      %get3A_547 = arith.index_cast %scan3A_487 : i32 to index
      %get3A_548 = arith.constant 48 : index
      %get3A_549 = tpu.vector_load %arg18[%get3A_547, %get3A_548] {strides = array<i32>} : memref<40x128xf32, #tpu.memory_space<vmem>>, vector<1x16xf32>,
      %get3A_550 = vector.shape_cast %get3A_549 : vector<1x16xf32> to vector<16xf32>
      %sub3A_551 = arith.subf %get3A_546, %get3A_550 : vector<16xf32>
      %get3A_552 = arith.index_cast %scan3A_487 : i32 to index
      %get3A_553 = arith.constant 48 : index
      %get3A_554 = tpu.vector_load %arg19[%get3A_552, %get3A_553] {strides = array<i32>} : memref<40x128xf32, #tpu.memory_space<vmem>>, vector<1x16xf32>,
      %get3A_555 = vector.shape_cast %get3A_554 : vector<1x16xf32> to vector<16xf32>
      %mul3A_556 = arith.mulf %sub3A_551, %get3A_555 : vector<16xf32>
      %swap3A_557 = arith.index_cast %scan3A_487 : i32 to index
      %swap3A_558 = arith.constant 48 : index
      %swap3A_559 = tpu.vector_load %arg17[%swap3A_557, %swap3A_558] {strides = array<i32>} : memref<40x128xf32, #tpu.memory_space<vmem>>, vector<1x16xf32>,
      %swap3A_560 = vector.shape_cast %swap3A_559 : vector<1x16xf32> to vector<16xf32>
      %swap3A_561 = vector.shape_cast %mul3A_556 : vector<16xf32> to vector<1x16xf32>
      tpu.vector_store %arg17[%swap3A_557, %swap3A_558], %swap3A_561 {strides = array<i32>} : memref<40x128xf32, #tpu.memory_space<vmem>>, vector<1x16xf32>,
      %get3A_562 = arith.index_cast %scan3A_487 : i32 to index
      %get3A_563 = arith.constant 64 : index
      %get3A_564 = tpu.vector_load %arg17[%get3A_562, %get3A_563] {strides = array<i32>} : memref<40x128xf32, #tpu.memory_space<vmem>>, vector<1x16xf32>,
      %get3A_565 = vector.shape_cast %get3A_564 : vector<1x16xf32> to vector<16xf32>
      %get3A_566 = arith.index_cast %scan3A_487 : i32 to index
      %get3A_567 = arith.constant 64 : index
      %get3A_568 = tpu.vector_load %arg18[%get3A_566, %get3A_567] {strides = array<i32>} : memref<40x128xf32, #tpu.memory_space<vmem>>, vector<1x16xf32>,
      %get3A_569 = vector.shape_cast %get3A_568 : vector<1x16xf32> to vector<16xf32>
      %sub3A_570 = arith.subf %get3A_565, %get3A_569 : vector<16xf32>
      %get3A_571 = arith.index_cast %scan3A_487 : i32 to index
      %get3A_572 = arith.constant 64 : index
      %get3A_573 = tpu.vector_load %arg19[%get3A_571, %get3A_572] {strides = array<i32>} : memref<40x128xf32, #tpu.memory_space<vmem>>, vector<1x16xf32>,
      %get3A_574 = vector.shape_cast %get3A_573 : vector<1x16xf32> to vector<16xf32>
      %mul3A_575 = arith.mulf %sub3A_570, %get3A_574 : vector<16xf32>
      %swap3A_576 = arith.index_cast %scan3A_487 : i32 to index
      %swap3A_577 = arith.constant 64 : index
      %swap3A_578 = tpu.vector_load %arg17[%swap3A_576, %swap3A_577] {strides = array<i32>} : memref<40x128xf32, #tpu.memory_space<vmem>>, vector<1x16xf32>,
      %swap3A_579 = vector.shape_cast %swap3A_578 : vector<1x16xf32> to vector<16xf32>
      %swap3A_580 = vector.shape_cast %mul3A_575 : vector<16xf32> to vector<1x16xf32>
      tpu.vector_store %arg17[%swap3A_576, %swap3A_577], %swap3A_580 {strides = array<i32>} : memref<40x128xf32, #tpu.memory_space<vmem>>, vector<1x16xf32>,
      %get3A_581 = arith.index_cast %scan3A_487 : i32 to index
      %get3A_582 = arith.constant 80 : index
      %get3A_583 = tpu.vector_load %arg17[%get3A_581, %get3A_582] {strides = array<i32>} : memref<40x128xf32, #tpu.memory_space<vmem>>, vector<1x16xf32>,
      %get3A_584 = vector.shape_cast %get3A_583 : vector<1x16xf32> to vector<16xf32>
      %get3A_585 = arith.index_cast %scan3A_487 : i32 to index
      %get3A_586 = arith.constant 80 : index
      %get3A_587 = tpu.vector_load %arg18[%get3A_585, %get3A_586] {strides = array<i32>} : memref<40x128xf32, #tpu.memory_space<vmem>>, vector<1x16xf32>,
      %get3A_588 = vector.shape_cast %get3A_587 : vector<1x16xf32> to vector<16xf32>
      %sub3A_589 = arith.subf %get3A_584, %get3A_588 : vector<16xf32>
      %get3A_590 = arith.index_cast %scan3A_487 : i32 to index
      %get3A_591 = arith.constant 80 : index
      %get3A_592 = tpu.vector_load %arg19[%get3A_590, %get3A_591] {strides = array<i32>} : memref<40x128xf32, #tpu.memory_space<vmem>>, vector<1x16xf32>,
      %get3A_593 = vector.shape_cast %get3A_592 : vector<1x16xf32> to vector<16xf32>
      %mul3A_594 = arith.mulf %sub3A_589, %get3A_593 : vector<16xf32>
      %swap3A_595 = arith.index_cast %scan3A_487 : i32 to index
      %swap3A_596 = arith.constant 80 : index
      %swap3A_597 = tpu.vector_load %arg17[%swap3A_595, %swap3A_596] {strides = array<i32>} : memref<40x128xf32, #tpu.memory_space<vmem>>, vector<1x16xf32>,
      %swap3A_598 = vector.shape_cast %swap3A_597 : vector<1x16xf32> to vector<16xf32>
      %swap3A_599 = vector.shape_cast %mul3A_594 : vector<16xf32> to vector<1x16xf32>
      tpu.vector_store %arg17[%swap3A_595, %swap3A_596], %swap3A_599 {strides = array<i32>} : memref<40x128xf32, #tpu.memory_space<vmem>>, vector<1x16xf32>,
      %get3A_600 = arith.index_cast %scan3A_487 : i32 to index
      %get3A_601 = arith.constant 96 : index
      %get3A_602 = tpu.vector_load %arg17[%get3A_600, %get3A_601] {strides = array<i32>} : memref<40x128xf32, #tpu.memory_space<vmem>>, vector<1x16xf32>,
      %get3A_603 = vector.shape_cast %get3A_602 : vector<1x16xf32> to vector<16xf32>
      %get3A_604 = arith.index_cast %scan3A_487 : i32 to index
      %get3A_605 = arith.constant 96 : index
      %get3A_606 = tpu.vector_load %arg18[%get3A_604, %get3A_605] {strides = array<i32>} : memref<40x128xf32, #tpu.memory_space<vmem>>, vector<1x16xf32>,
      %get3A_607 = vector.shape_cast %get3A_606 : vector<1x16xf32> to vector<16xf32>
      %sub3A_608 = arith.subf %get3A_603, %get3A_607 : vector<16xf32>
      %get3A_609 = arith.index_cast %scan3A_487 : i32 to index
      %get3A_610 = arith.constant 96 : index
      %get3A_611 = tpu.vector_load %arg19[%get3A_609, %get3A_610] {strides = array<i32>} : memref<40x128xf32, #tpu.memory_space<vmem>>, vector<1x16xf32>,
      %get3A_612 = vector.shape_cast %get3A_611 : vector<1x16xf32> to vector<16xf32>
      %mul3A_613 = arith.mulf %sub3A_608, %get3A_612 : vector<16xf32>
      %swap3A_614 = arith.index_cast %scan3A_487 : i32 to index
      %swap3A_615 = arith.constant 96 : index
      %swap3A_616 = tpu.vector_load %arg17[%swap3A_614, %swap3A_615] {strides = array<i32>} : memref<40x128xf32, #tpu.memory_space<vmem>>, vector<1x16xf32>,
      %swap3A_617 = vector.shape_cast %swap3A_616 : vector<1x16xf32> to vector<16xf32>
      %swap3A_618 = vector.shape_cast %mul3A_613 : vector<16xf32> to vector<1x16xf32>
      tpu.vector_store %arg17[%swap3A_614, %swap3A_615], %swap3A_618 {strides = array<i32>} : memref<40x128xf32, #tpu.memory_space<vmem>>, vector<1x16xf32>,
      %get3A_619 = arith.index_cast %scan3A_487 : i32 to index
      %get3A_620 = arith.constant 112 : index
      %get3A_621 = tpu.vector_load %arg17[%get3A_619, %get3A_620] {strides = array<i32>} : memref<40x128xf32, #tpu.memory_space<vmem>>, vector<1x16xf32>,
      %get3A_622 = vector.shape_cast %get3A_621 : vector<1x16xf32> to vector<16xf32>
      %get3A_623 = arith.index_cast %scan3A_487 : i32 to index
      %get3A_624 = arith.constant 112 : index
      %get3A_625 = tpu.vector_load %arg18[%get3A_623, %get3A_624] {strides = array<i32>} : memref<40x128xf32, #tpu.memory_space<vmem>>, vector<1x16xf32>,
      %get3A_626 = vector.shape_cast %get3A_625 : vector<1x16xf32> to vector<16xf32>
      %sub3A_627 = arith.subf %get3A_622, %get3A_626 : vector<16xf32>
      %get3A_628 = arith.index_cast %scan3A_487 : i32 to index
      %get3A_629 = arith.constant 112 : index
      %get3A_630 = tpu.vector_load %arg19[%get3A_628, %get3A_629] {strides = array<i32>} : memref<40x128xf32, #tpu.memory_space<vmem>>, vector<1x16xf32>,
      %get3A_631 = vector.shape_cast %get3A_630 : vector<1x16xf32> to vector<16xf32>
      %mul3A_632 = arith.mulf %sub3A_627, %get3A_631 : vector<16xf32>
      %swap3A_633 = arith.index_cast %scan3A_487 : i32 to index
      %swap3A_634 = arith.constant 112 : index
      %swap3A_635 = tpu.vector_load %arg17[%swap3A_633, %swap3A_634] {strides = array<i32>} : memref<40x128xf32, #tpu.memory_space<vmem>>, vector<1x16xf32>,
      %swap3A_636 = vector.shape_cast %swap3A_635 : vector<1x16xf32> to vector<16xf32>
      %swap3A_637 = vector.shape_cast %mul3A_632 : vector<16xf32> to vector<1x16xf32>
      tpu.vector_store %arg17[%swap3A_633, %swap3A_634], %swap3A_637 {strides = array<i32>} : memref<40x128xf32, #tpu.memory_space<vmem>>, vector<1x16xf32>,
      %scan3A_638 = arith.constant 0 : i32
      scf.yield %scan3A_638 : i32
    }
    %scan3A_307 = arith.constant 40 : i32
    %run_scoped3A = arith.constant 3 : i32
    "tpu.region"() ({
      %run_scoped3A_487 = tpu.sem_alloc : memref<!tpu.dma_semaphore, #tpu.memory_space<semaphore_mem>>
      %dma_start3A_488 = arith.constant 0 : i32
      %dma_start3A_489 = tpu.memref_slice %arg14[%run_scoped3A, %dma_start3A_488] : memref<5x40xi32, #tpu.memory_space<vmem>> -> memref<1x40xi32, #tpu.memory_space<vmem>>
      %dma_start3A_490 = tpu.memref_squeeze %dma_start3A_489 : memref<1x40xi32, #tpu.memory_space<vmem>> -> memref<40xi32, #tpu.memory_space<vmem>>
      %dma_start3A_491 = arith.constant 0 : i32
      %dma_start3A_492 = arith.constant 0 : i32
      %dma_start3A_493 = tpu.memref_slice %arg26[%dma_start3A_491, %dma_start3A_492] : memref<10240x128xf32, #tpu.memory_space<vmem_shared>> -> memref<10240x128xf32, #tpu.memory_space<vmem_shared>>
      tpu.enqueue_indirect_dma source(%arg17 : memref<40x128xf32, #tpu.memory_space<vmem>>) target(%dma_start3A_493 : memref<10240x128xf32, #tpu.memory_space<vmem_shared>>) offsets(%dma_start3A_490 : memref<40xi32, #tpu.memory_space<vmem>>) semaphore(%run_scoped3A_487 : memref<!tpu.dma_semaphore, #tpu.memory_space<semaphore_mem>>) {add = true}
      %dma_wait3A_494 = arith.constant 0 : i32
      %dma_wait3A_495 = tpu.memref_slice %arg14[%run_scoped3A, %dma_wait3A_494] : memref<5x40xi32, #tpu.memory_space<vmem>> -> memref<1x40xi32, #tpu.memory_space<vmem>>
      %dma_wait3A_496 = tpu.memref_squeeze %dma_wait3A_495 : memref<1x40xi32, #tpu.memory_space<vmem>> -> memref<40xi32, #tpu.memory_space<vmem>>
      %dma_wait3A_497 = arith.constant 0 : i32
      %dma_wait3A_498 = arith.constant 0 : i32
      %dma_wait3A_499 = tpu.memref_slice %arg26[%dma_wait3A_497, %dma_wait3A_498] : memref<10240x128xf32, #tpu.memory_space<vmem_shared>> -> memref<10240x128xf32, #tpu.memory_space<vmem_shared>>
      tpu.wait_indirect_dma semaphore(%run_scoped3A_487 : memref<!tpu.dma_semaphore, #tpu.memory_space<semaphore_mem>>) src(%arg17 : memref<40x128xf32, #tpu.memory_space<vmem>>) dst(%dma_wait3A_499 : memref<10240x128xf32, #tpu.memory_space<vmem_shared>>)
      tpu.yield
    }) : () -> ()
    %mul3A_308 = arith.constant 2000 : i32
    %mul3A_309 = arith.muli %add3A, %mul3A_308 : i32
    %add3A_310 = arith.constant 0 : i32
    %add3A_311 = arith.addi %mul3A_309, %add3A_310 : i32
    %dma_start3A_312 = arith.constant 0 : i32
    %dma_start3A_313 = arith.constant 0 : i32
    %dma_start3A_314 = tpu.memref_slice %arg14[%dma_start3A_312, %dma_start3A_313] : memref<5x40xi32, #tpu.memory_space<vmem>> -> memref<1x40xi32, #tpu.memory_space<vmem>>
    %dma_start3A_315 = tpu.memref_squeeze %dma_start3A_314 : memref<1x40xi32, #tpu.memory_space<vmem>> -> memref<40xi32, #tpu.memory_space<vmem>>
    %dma_start3A_316 = tpu.memref_slice %arg11[%add3A_311] : memref<64000xi32, #tpu.memory_space<hbm>> -> memref<40xi32, #tpu.memory_space<hbm>>
    %dma_start3A_317 = arith.constant 0 : i32
    %dma_start3A_318 = tpu.memref_slice %arg14[%dma_start3A_312, %dma_start3A_317] : memref<5x40xi32, #tpu.memory_space<vmem>> -> memref<1x40xi32, #tpu.memory_space<vmem>>
    %dma_start3A_319 = tpu.memref_squeeze %dma_start3A_318 : memref<1x40xi32, #tpu.memory_space<vmem>> -> memref<40xi32, #tpu.memory_space<vmem>>
    %dma_start3A_320 = tpu.memref_slice %arg11[%add3A_311] : memref<64000xi32, #tpu.memory_space<hbm>> -> memref<40xi32, #tpu.memory_space<hbm>>
    tpu.enqueue_dma source(%dma_start3A_320 : memref<40xi32, #tpu.memory_space<hbm>>) target(%dma_start3A_319 : memref<40xi32, #tpu.memory_space<vmem>>) target_semaphore(%arg33 : memref<!tpu.dma_semaphore, #tpu.memory_space<semaphore_mem>>)
    %dma_start3A_321 = arith.constant 1 : i32
    %dma_start3A_322 = arith.constant 0 : i32
    %dma_start3A_323 = tpu.memref_slice %arg14[%dma_start3A_321, %dma_start3A_322] : memref<5x40xi32, #tpu.memory_space<vmem>> -> memref<1x40xi32, #tpu.memory_space<vmem>>
    %dma_start3A_324 = tpu.memref_squeeze %dma_start3A_323 : memref<1x40xi32, #tpu.memory_space<vmem>> -> memref<40xi32, #tpu.memory_space<vmem>>
    %dma_start3A_325 = tpu.memref_slice %arg9[%add3A_311] : memref<64000xi32, #tpu.memory_space<hbm>> -> memref<40xi32, #tpu.memory_space<hbm>>
    %dma_start3A_326 = arith.constant 0 : i32
    %dma_start3A_327 = tpu.memref_slice %arg14[%dma_start3A_321, %dma_start3A_326] : memref<5x40xi32, #tpu.memory_space<vmem>> -> memref<1x40xi32, #tpu.memory_space<vmem>>
    %dma_start3A_328 = tpu.memref_squeeze %dma_start3A_327 : memref<1x40xi32, #tpu.memory_space<vmem>> -> memref<40xi32, #tpu.memory_space<vmem>>
    %dma_start3A_329 = tpu.memref_slice %arg9[%add3A_311] : memref<64000xi32, #tpu.memory_space<hbm>> -> memref<40xi32, #tpu.memory_space<hbm>>
    tpu.enqueue_dma source(%dma_start3A_329 : memref<40xi32, #tpu.memory_space<hbm>>) target(%dma_start3A_328 : memref<40xi32, #tpu.memory_space<vmem>>) target_semaphore(%arg33 : memref<!tpu.dma_semaphore, #tpu.memory_space<semaphore_mem>>)
    %dma_start3A_330 = arith.constant 4 : i32
    %dma_start3A_331 = arith.constant 0 : i32
    %dma_start3A_332 = tpu.memref_slice %arg14[%dma_start3A_330, %dma_start3A_331] : memref<5x40xi32, #tpu.memory_space<vmem>> -> memref<1x40xi32, #tpu.memory_space<vmem>>
    %dma_start3A_333 = tpu.memref_squeeze %dma_start3A_332 : memref<1x40xi32, #tpu.memory_space<vmem>> -> memref<40xi32, #tpu.memory_space<vmem>>
    %dma_start3A_334 = tpu.memref_slice %arg10[%add3A_311] : memref<64000xi32, #tpu.memory_space<hbm>> -> memref<40xi32, #tpu.memory_space<hbm>>
    %dma_start3A_335 = arith.constant 0 : i32
    %dma_start3A_336 = tpu.memref_slice %arg14[%dma_start3A_330, %dma_start3A_335] : memref<5x40xi32, #tpu.memory_space<vmem>> -> memref<1x40xi32, #tpu.memory_space<vmem>>
    %dma_start3A_337 = tpu.memref_squeeze %dma_start3A_336 : memref<1x40xi32, #tpu.memory_space<vmem>> -> memref<40xi32, #tpu.memory_space<vmem>>
    %dma_start3A_338 = tpu.memref_slice %arg10[%add3A_311] : memref<64000xi32, #tpu.memory_space<hbm>> -> memref<40xi32, #tpu.memory_space<hbm>>
    tpu.enqueue_dma source(%dma_start3A_338 : memref<40xi32, #tpu.memory_space<hbm>>) target(%dma_start3A_337 : memref<40xi32, #tpu.memory_space<vmem>>) target_semaphore(%arg33 : memref<!tpu.dma_semaphore, #tpu.memory_space<semaphore_mem>>)
    %dma_wait3A_339 = arith.constant 0 : i32
    %dma_wait3A_340 = arith.constant 0 : i32
    %dma_wait3A_341 = tpu.memref_slice %arg14[%dma_wait3A_339, %dma_wait3A_340] : memref<5x40xi32, #tpu.memory_space<vmem>> -> memref<1x40xi32, #tpu.memory_space<vmem>>
    %dma_wait3A_342 = tpu.memref_squeeze %dma_wait3A_341 : memref<1x40xi32, #tpu.memory_space<vmem>> -> memref<40xi32, #tpu.memory_space<vmem>>
    %dma_wait3A_343 = arith.constant 0 : i32
    %dma_wait3A_344 = tpu.memref_slice %arg11[%dma_wait3A_343] : memref<64000xi32, #tpu.memory_space<hbm>> -> memref<40xi32, #tpu.memory_space<hbm>>
    %dma_wait3A_345 = arith.constant 0 : i32
    %dma_wait3A_346 = tpu.memref_slice %arg14[%dma_wait3A_339, %dma_wait3A_345] : memref<5x40xi32, #tpu.memory_space<vmem>> -> memref<1x40xi32, #tpu.memory_space<vmem>>
    %dma_wait3A_347 = tpu.memref_squeeze %dma_wait3A_346 : memref<1x40xi32, #tpu.memory_space<vmem>> -> memref<40xi32, #tpu.memory_space<vmem>>
    %dma_wait3A_348 = arith.constant 0 : i32
    %dma_wait3A_349 = tpu.memref_slice %arg11[%dma_wait3A_348] : memref<64000xi32, #tpu.memory_space<hbm>> -> memref<40xi32, #tpu.memory_space<hbm>>
    tpu.wait_dma2 semaphore(%arg33 : memref<!tpu.dma_semaphore, #tpu.memory_space<semaphore_mem>>) src(%dma_wait3A_349 : memref<40xi32, #tpu.memory_space<hbm>>) dst(%dma_wait3A_347 : memref<40xi32, #tpu.memory_space<vmem>>)
    %dma_wait3A_350 = arith.constant 1 : i32
    %dma_wait3A_351 = arith.constant 0 : i32
    %dma_wait3A_352 = tpu.memref_slice %arg14[%dma_wait3A_350, %dma_wait3A_351] : memref<5x40xi32, #tpu.memory_space<vmem>> -> memref<1x40xi32, #tpu.memory_space<vmem>>
    %dma_wait3A_353 = tpu.memref_squeeze %dma_wait3A_352 : memref<1x40xi32, #tpu.memory_space<vmem>> -> memref<40xi32, #tpu.memory_space<vmem>>
    %dma_wait3A_354 = arith.constant 0 : i32
    %dma_wait3A_355 = tpu.memref_slice %arg9[%dma_wait3A_354] : memref<64000xi32, #tpu.memory_space<hbm>> -> memref<40xi32, #tpu.memory_space<hbm>>
    %dma_wait3A_356 = arith.constant 0 : i32
    %dma_wait3A_357 = tpu.memref_slice %arg14[%dma_wait3A_350, %dma_wait3A_356] : memref<5x40xi32, #tpu.memory_space<vmem>> -> memref<1x40xi32, #tpu.memory_space<vmem>>
    %dma_wait3A_358 = tpu.memref_squeeze %dma_wait3A_357 : memref<1x40xi32, #tpu.memory_space<vmem>> -> memref<40xi32, #tpu.memory_space<vmem>>
    %dma_wait3A_359 = arith.constant 0 : i32
    %dma_wait3A_360 = tpu.memref_slice %arg9[%dma_wait3A_359] : memref<64000xi32, #tpu.memory_space<hbm>> -> memref<40xi32, #tpu.memory_space<hbm>>
    tpu.wait_dma2 semaphore(%arg33 : memref<!tpu.dma_semaphore, #tpu.memory_space<semaphore_mem>>) src(%dma_wait3A_360 : memref<40xi32, #tpu.memory_space<hbm>>) dst(%dma_wait3A_358 : memref<40xi32, #tpu.memory_space<vmem>>)
    %dma_wait3A_361 = arith.constant 4 : i32
    %dma_wait3A_362 = arith.constant 0 : i32
    %dma_wait3A_363 = tpu.memref_slice %arg14[%dma_wait3A_361, %dma_wait3A_362] : memref<5x40xi32, #tpu.memory_space<vmem>> -> memref<1x40xi32, #tpu.memory_space<vmem>>
    %dma_wait3A_364 = tpu.memref_squeeze %dma_wait3A_363 : memref<1x40xi32, #tpu.memory_space<vmem>> -> memref<40xi32, #tpu.memory_space<vmem>>
    %dma_wait3A_365 = arith.constant 0 : i32
    %dma_wait3A_366 = tpu.memref_slice %arg10[%dma_wait3A_365] : memref<64000xi32, #tpu.memory_space<hbm>> -> memref<40xi32, #tpu.memory_space<hbm>>
    %dma_wait3A_367 = arith.constant 0 : i32
    %dma_wait3A_368 = tpu.memref_slice %arg14[%dma_wait3A_361, %dma_wait3A_367] : memref<5x40xi32, #tpu.memory_space<vmem>> -> memref<1x40xi32, #tpu.memory_space<vmem>>
    %dma_wait3A_369 = tpu.memref_squeeze %dma_wait3A_368 : memref<1x40xi32, #tpu.memory_space<vmem>> -> memref<40xi32, #tpu.memory_space<vmem>>
    %dma_wait3A_370 = arith.constant 0 : i32
    %dma_wait3A_371 = tpu.memref_slice %arg10[%dma_wait3A_370] : memref<64000xi32, #tpu.memory_space<hbm>> -> memref<40xi32, #tpu.memory_space<hbm>>
    tpu.wait_dma2 semaphore(%arg33 : memref<!tpu.dma_semaphore, #tpu.memory_space<semaphore_mem>>) src(%dma_wait3A_371 : memref<40xi32, #tpu.memory_space<hbm>>) dst(%dma_wait3A_369 : memref<40xi32, #tpu.memory_space<vmem>>)
    %dma_start3A_372 = arith.constant 0 : i32
    %dma_start3A_373 = arith.constant 3 : i32
    %dma_start3A_374 = arith.constant 0 : i32
    %dma_start3A_375 = tpu.memref_slice %arg14[%dma_start3A_373, %dma_start3A_374] : memref<5x40xi32, #tpu.memory_space<vmem>> -> memref<1x40xi32, #tpu.memory_space<vmem>>
    %dma_start3A_376 = tpu.memref_squeeze %dma_start3A_375 : memref<1x40xi32, #tpu.memory_space<vmem>> -> memref<40xi32, #tpu.memory_space<vmem>>
    %dma_start3A_377 = arith.constant 0 : i32
    %dma_start3A_378 = tpu.memref_slice %arg14[%dma_start3A_372, %dma_start3A_377] : memref<5x40xi32, #tpu.memory_space<vmem>> -> memref<1x40xi32, #tpu.memory_space<vmem>>
    %dma_start3A_379 = tpu.memref_squeeze %dma_start3A_378 : memref<1x40xi32, #tpu.memory_space<vmem>> -> memref<40xi32, #tpu.memory_space<vmem>>
    %dma_start3A_380 = arith.constant 0 : i32
    %dma_start3A_381 = tpu.memref_slice %arg6[%dma_start3A_380] : memref<320000xi32, #tpu.memory_space<hbm>> -> memref<320000xi32, #tpu.memory_space<hbm>>
    tpu.enqueue_indirect_dma source(%dma_start3A_381 : memref<320000xi32, #tpu.memory_space<hbm>>) target(%dma_start3A_376 : memref<40xi32, #tpu.memory_space<vmem>>) offsets(%dma_start3A_379 : memref<40xi32, #tpu.memory_space<vmem>>) semaphore(%arg27 : memref<!tpu.dma_semaphore, #tpu.memory_space<semaphore_mem>>)
    %dma_start3A_382 = arith.constant 0 : i32
    %dma_start3A_383 = arith.constant 2 : i32
    %dma_start3A_384 = arith.constant 0 : i32
    %dma_start3A_385 = tpu.memref_slice %arg14[%dma_start3A_383, %dma_start3A_384] : memref<5x40xi32, #tpu.memory_space<vmem>> -> memref<1x40xi32, #tpu.memory_space<vmem>>
    %dma_start3A_386 = tpu.memref_squeeze %dma_start3A_385 : memref<1x40xi32, #tpu.memory_space<vmem>> -> memref<40xi32, #tpu.memory_space<vmem>>
    %dma_start3A_387 = arith.constant 0 : i32
    %dma_start3A_388 = tpu.memref_slice %arg14[%dma_start3A_382, %dma_start3A_387] : memref<5x40xi32, #tpu.memory_space<vmem>> -> memref<1x40xi32, #tpu.memory_space<vmem>>
    %dma_start3A_389 = tpu.memref_squeeze %dma_start3A_388 : memref<1x40xi32, #tpu.memory_space<vmem>> -> memref<40xi32, #tpu.memory_space<vmem>>
    %dma_start3A_390 = arith.constant 0 : i32
    %dma_start3A_391 = tpu.memref_slice %arg8[%dma_start3A_390] : memref<320000xi32, #tpu.memory_space<hbm>> -> memref<320000xi32, #tpu.memory_space<hbm>>
    tpu.enqueue_indirect_dma source(%dma_start3A_391 : memref<320000xi32, #tpu.memory_space<hbm>>) target(%dma_start3A_386 : memref<40xi32, #tpu.memory_space<vmem>>) offsets(%dma_start3A_389 : memref<40xi32, #tpu.memory_space<vmem>>) semaphore(%arg27 : memref<!tpu.dma_semaphore, #tpu.memory_space<semaphore_mem>>)
    %dma_wait3A_392 = arith.constant 0 : i32
    %dma_wait3A_393 = arith.constant 3 : i32
    %dma_wait3A_394 = arith.constant 0 : i32
    %dma_wait3A_395 = tpu.memref_slice %arg14[%dma_wait3A_393, %dma_wait3A_394] : memref<5x40xi32, #tpu.memory_space<vmem>> -> memref<1x40xi32, #tpu.memory_space<vmem>>
    %dma_wait3A_396 = tpu.memref_squeeze %dma_wait3A_395 : memref<1x40xi32, #tpu.memory_space<vmem>> -> memref<40xi32, #tpu.memory_space<vmem>>
    %dma_wait3A_397 = arith.constant 0 : i32
    %dma_wait3A_398 = tpu.memref_slice %arg14[%dma_wait3A_392, %dma_wait3A_397] : memref<5x40xi32, #tpu.memory_space<vmem>> -> memref<1x40xi32, #tpu.memory_space<vmem>>
    %dma_wait3A_399 = tpu.memref_squeeze %dma_wait3A_398 : memref<1x40xi32, #tpu.memory_space<vmem>> -> memref<40xi32, #tpu.memory_space<vmem>>
    %dma_wait3A_400 = arith.constant 0 : i32
    %dma_wait3A_401 = tpu.memref_slice %arg6[%dma_wait3A_400] : memref<320000xi32, #tpu.memory_space<hbm>> -> memref<320000xi32, #tpu.memory_space<hbm>>
    tpu.wait_indirect_dma semaphore(%arg27 : memref<!tpu.dma_semaphore, #tpu.memory_space<semaphore_mem>>) src(%dma_wait3A_401 : memref<320000xi32, #tpu.memory_space<hbm>>) dst(%dma_wait3A_396 : memref<40xi32, #tpu.memory_space<vmem>>)
    %dma_wait3A_402 = arith.constant 0 : i32
    %dma_wait3A_403 = arith.constant 2 : i32
    %dma_wait3A_404 = arith.constant 0 : i32
    %dma_wait3A_405 = tpu.memref_slice %arg14[%dma_wait3A_403, %dma_wait3A_404] : memref<5x40xi32, #tpu.memory_space<vmem>> -> memref<1x40xi32, #tpu.memory_space<vmem>>
    %dma_wait3A_406 = tpu.memref_squeeze %dma_wait3A_405 : memref<1x40xi32, #tpu.memory_space<vmem>> -> memref<40xi32, #tpu.memory_space<vmem>>
    %dma_wait3A_407 = arith.constant 0 : i32
    %dma_wait3A_408 = tpu.memref_slice %arg14[%dma_wait3A_402, %dma_wait3A_407] : memref<5x40xi32, #tpu.memory_space<vmem>> -> memref<1x40xi32, #tpu.memory_space<vmem>>
    %dma_wait3A_409 = tpu.memref_squeeze %dma_wait3A_408 : memref<1x40xi32, #tpu.memory_space<vmem>> -> memref<40xi32, #tpu.memory_space<vmem>>
    %dma_wait3A_410 = arith.constant 0 : i32
    %dma_wait3A_411 = tpu.memref_slice %arg8[%dma_wait3A_410] : memref<320000xi32, #tpu.memory_space<hbm>> -> memref<320000xi32, #tpu.memory_space<hbm>>
    tpu.wait_indirect_dma semaphore(%arg27 : memref<!tpu.dma_semaphore, #tpu.memory_space<semaphore_mem>>) src(%dma_wait3A_411 : memref<320000xi32, #tpu.memory_space<hbm>>) dst(%dma_wait3A_406 : memref<40xi32, #tpu.memory_space<vmem>>)
    %dma_start3A_412 = arith.constant 4 : i32
    %dma_start3A_413 = arith.constant 0 : i32
    %dma_start3A_414 = tpu.memref_slice %arg14[%dma_start3A_412, %dma_start3A_413] : memref<5x40xi32, #tpu.memory_space<vmem>> -> memref<1x40xi32, #tpu.memory_space<vmem>>
    %dma_start3A_415 = tpu.memref_squeeze %dma_start3A_414 : memref<1x40xi32, #tpu.memory_space<vmem>> -> memref<40xi32, #tpu.memory_space<vmem>>
    %dma_start3A_416 = arith.constant 0 : i32
    %dma_start3A_417 = arith.constant 0 : i32
    %dma_start3A_418 = tpu.memref_slice %arg2[%dma_start3A_416, %dma_start3A_417] : memref<10000x128xf32, #tpu.memory_space<hbm>> -> memref<10000x128xf32, #tpu.memory_space<hbm>>
    tpu.enqueue_indirect_dma source(%dma_start3A_418 : memref<10000x128xf32, #tpu.memory_space<hbm>>) target(%arg17 : memref<40x128xf32, #tpu.memory_space<vmem>>) offsets(%dma_start3A_415 : memref<40xi32, #tpu.memory_space<vmem>>) semaphore(%arg30 : memref<!tpu.dma_semaphore, #tpu.memory_space<semaphore_mem>>)
    %dma_start3A_419 = arith.constant 1 : i32
    %dma_start3A_420 = arith.constant 0 : i32
    %dma_start3A_421 = tpu.memref_slice %arg14[%dma_start3A_419, %dma_start3A_420] : memref<5x40xi32, #tpu.memory_space<vmem>> -> memref<1x40xi32, #tpu.memory_space<vmem>>
    %dma_start3A_422 = tpu.memref_squeeze %dma_start3A_421 : memref<1x40xi32, #tpu.memory_space<vmem>> -> memref<40xi32, #tpu.memory_space<vmem>>
    %dma_start3A_423 = arith.constant 0 : i32
    %dma_start3A_424 = arith.constant 0 : i32
    %dma_start3A_425 = tpu.memref_slice %arg3[%dma_start3A_423, %dma_start3A_424] : memref<1000x128xf32, #tpu.memory_space<hbm>> -> memref<1000x128xf32, #tpu.memory_space<hbm>>
    tpu.enqueue_indirect_dma source(%dma_start3A_425 : memref<1000x128xf32, #tpu.memory_space<hbm>>) target(%arg18 : memref<40x128xf32, #tpu.memory_space<vmem>>) offsets(%dma_start3A_422 : memref<40xi32, #tpu.memory_space<vmem>>) semaphore(%arg30 : memref<!tpu.dma_semaphore, #tpu.memory_space<semaphore_mem>>)
    %dma_start3A_426 = arith.constant 2 : i32
    %dma_start3A_427 = arith.constant 0 : i32
    %dma_start3A_428 = tpu.memref_slice %arg14[%dma_start3A_426, %dma_start3A_427] : memref<5x40xi32, #tpu.memory_space<vmem>> -> memref<1x40xi32, #tpu.memory_space<vmem>>
    %dma_start3A_429 = tpu.memref_squeeze %dma_start3A_428 : memref<1x40xi32, #tpu.memory_space<vmem>> -> memref<40xi32, #tpu.memory_space<vmem>>
    %dma_start3A_430 = arith.constant 0 : i32
    %dma_start3A_431 = arith.constant 0 : i32
    %dma_start3A_432 = tpu.memref_slice %arg4[%dma_start3A_430, %dma_start3A_431] : memref<368x128xf32, #tpu.memory_space<hbm>> -> memref<368x128xf32, #tpu.memory_space<hbm>>
    tpu.enqueue_indirect_dma source(%dma_start3A_432 : memref<368x128xf32, #tpu.memory_space<hbm>>) target(%arg19 : memref<40x128xf32, #tpu.memory_space<vmem>>) offsets(%dma_start3A_429 : memref<40xi32, #tpu.memory_space<vmem>>) semaphore(%arg30 : memref<!tpu.dma_semaphore, #tpu.memory_space<semaphore_mem>>)
    %add3A_433 = arith.constant 40 : i32
    %add3A_434 = arith.addi %mul3A_309, %add3A_433 : i32
    %dma_start3A_435 = arith.constant 0 : i32
    %dma_start3A_436 = arith.constant 0 : i32
    %dma_start3A_437 = tpu.memref_slice %arg15[%dma_start3A_435, %dma_start3A_436] : memref<5x40xi32, #tpu.memory_space<vmem>> -> memref<1x40xi32, #tpu.memory_space<vmem>>
    %dma_start3A_438 = tpu.memref_squeeze %dma_start3A_437 : memref<1x40xi32, #tpu.memory_space<vmem>> -> memref<40xi32, #tpu.memory_space<vmem>>
    %dma_start3A_439 = tpu.memref_slice %arg11[%add3A_434] : memref<64000xi32, #tpu.memory_space<hbm>> -> memref<40xi32, #tpu.memory_space<hbm>>
    %dma_start3A_440 = arith.constant 0 : i32
    %dma_start3A_441 = tpu.memref_slice %arg15[%dma_start3A_435, %dma_start3A_440] : memref<5x40xi32, #tpu.memory_space<vmem>> -> memref<1x40xi32, #tpu.memory_space<vmem>>
    %dma_start3A_442 = tpu.memref_squeeze %dma_start3A_441 : memref<1x40xi32, #tpu.memory_space<vmem>> -> memref<40xi32, #tpu.memory_space<vmem>>
    %dma_start3A_443 = tpu.memref_slice %arg11[%add3A_434] : memref<64000xi32, #tpu.memory_space<hbm>> -> memref<40xi32, #tpu.memory_space<hbm>>
    tpu.enqueue_dma source(%dma_start3A_443 : memref<40xi32, #tpu.memory_space<hbm>>) target(%dma_start3A_442 : memref<40xi32, #tpu.memory_space<vmem>>) target_semaphore(%arg34 : memref<!tpu.dma_semaphore, #tpu.memory_space<semaphore_mem>>)
    %dma_start3A_444 = arith.constant 1 : i32
    %dma_start3A_445 = arith.constant 0 : i32
    %dma_start3A_446 = tpu.memref_slice %arg15[%dma_start3A_444, %dma_start3A_445] : memref<5x40xi32, #tpu.memory_space<vmem>> -> memref<1x40xi32, #tpu.memory_space<vmem>>
    %dma_start3A_447 = tpu.memref_squeeze %dma_start3A_446 : memref<1x40xi32, #tpu.memory_space<vmem>> -> memref<40xi32, #tpu.memory_space<vmem>>
    %dma_start3A_448 = tpu.memref_slice %arg9[%add3A_434] : memref<64000xi32, #tpu.memory_space<hbm>> -> memref<40xi32, #tpu.memory_space<hbm>>
    %dma_start3A_449 = arith.constant 0 : i32
    %dma_start3A_450 = tpu.memref_slice %arg15[%dma_start3A_444, %dma_start3A_449] : memref<5x40xi32, #tpu.memory_space<vmem>> -> memref<1x40xi32, #tpu.memory_space<vmem>>
    %dma_start3A_451 = tpu.memref_squeeze %dma_start3A_450 : memref<1x40xi32, #tpu.memory_space<vmem>> -> memref<40xi32, #tpu.memory_space<vmem>>
    %dma_start3A_452 = tpu.memref_slice %arg9[%add3A_434] : memref<64000xi32, #tpu.memory_space<hbm>> -> memref<40xi32, #tpu.memory_space<hbm>>
    tpu.enqueue_dma source(%dma_start3A_452 : memref<40xi32, #tpu.memory_space<hbm>>) target(%dma_start3A_451 : memref<40xi32, #tpu.memory_space<vmem>>) target_semaphore(%arg34 : memref<!tpu.dma_semaphore, #tpu.memory_space<semaphore_mem>>)
    %dma_start3A_453 = arith.constant 4 : i32
    %dma_start3A_454 = arith.constant 0 : i32
    %dma_start3A_455 = tpu.memref_slice %arg15[%dma_start3A_453, %dma_start3A_454] : memref<5x40xi32, #tpu.memory_space<vmem>> -> memref<1x40xi32, #tpu.memory_space<vmem>>
    %dma_start3A_456 = tpu.memref_squeeze %dma_start3A_455 : memref<1x40xi32, #tpu.memory_space<vmem>> -> memref<40xi32, #tpu.memory_space<vmem>>
    %dma_start3A_457 = tpu.memref_slice %arg10[%add3A_434] : memref<64000xi32, #tpu.memory_space<hbm>> -> memref<40xi32, #tpu.memory_space<hbm>>
    %dma_start3A_458 = arith.constant 0 : i32
    %dma_start3A_459 = tpu.memref_slice %arg15[%dma_start3A_453, %dma_start3A_458] : memref<5x40xi32, #tpu.memory_space<vmem>> -> memref<1x40xi32, #tpu.memory_space<vmem>>
    %dma_start3A_460 = tpu.memref_squeeze %dma_start3A_459 : memref<1x40xi32, #tpu.memory_space<vmem>> -> memref<40xi32, #tpu.memory_space<vmem>>
    %dma_start3A_461 = tpu.memref_slice %arg10[%add3A_434] : memref<64000xi32, #tpu.memory_space<hbm>> -> memref<40xi32, #tpu.memory_space<hbm>>
    tpu.enqueue_dma source(%dma_start3A_461 : memref<40xi32, #tpu.memory_space<hbm>>) target(%dma_start3A_460 : memref<40xi32, #tpu.memory_space<vmem>>) target_semaphore(%arg34 : memref<!tpu.dma_semaphore, #tpu.memory_space<semaphore_mem>>)
    %scan3A_462 = arith.constant 0 : i32
    %scan3A_463 = arith.constant 1 : i32
    %scan3A_464 = arith.constant 4 : i32
    %scan3A_465 = arith.constant 3 : i32
    %scan3A_466 = arith.constant 2 : i32
    %scan3A_467 = arith.constant 4 : i32
    %scan3A_468 = arith.constant 1 : i32
    %scan3A_469 = arith.constant 2 : i32
    %scan3A_470 = arith.constant 3 : i32
    %scan3A_471 = arith.constant 0 : i32
    %scan3A_472 = arith.constant 0 : i32
    %scan3A_473 = arith.constant 0 : i32
    %scan3A_474 = arith.constant 25 : i32
    %scan3A_475 = arith.addi %scan3A_473, %scan3A_474 : i32
    %scan3A_476 = arith.constant 1 : i32
    %scan3A_477 = scf.for %scan3A_487 = %scan3A_473 to %scan3A_475 step %scan3A_476 iter_args(%scan3A_488 = %scan3A_472) -> (i32)  : i32 {
      %mul3A_489 = arith.constant 2 : i32
      %mul3A_490 = arith.muli %mul3A_489, %scan3A_487 : i32
      %add3A_491 = arith.constant 1 : i32
      %add3A_492 = arith.addi %mul3A_490, %add3A_491 : i32
      %lt3A = arith.constant 50 : i32
      %lt3A_493 = arith.cmpi slt, %add3A_492, %lt3A : i32
      %convert_element_type3A = arith.extui %lt3A_493 : i1 to i32
      %cond3A = arith.constant 0 : i32
      %cond3A_494 = arith.cmpi ne, %convert_element_type3A, %cond3A : i32
      scf.if %cond3A_494 {
        %dma_wait3A_585 = arith.constant 0 : i32
        %dma_wait3A_586 = tpu.memref_slice %arg15[%scan3A_462, %dma_wait3A_585] : memref<5x40xi32, #tpu.memory_space<vmem>> -> memref<1x40xi32, #tpu.memory_space<vmem>>
        %dma_wait3A_587 = tpu.memref_squeeze %dma_wait3A_586 : memref<1x40xi32, #tpu.memory_space<vmem>> -> memref<40xi32, #tpu.memory_space<vmem>>
        %dma_wait3A_588 = arith.constant 0 : i32
        %dma_wait3A_589 = tpu.memref_slice %arg11[%dma_wait3A_588] : memref<64000xi32, #tpu.memory_space<hbm>> -> memref<40xi32, #tpu.memory_space<hbm>>
        %dma_wait3A_590 = arith.constant 0 : i32
        %dma_wait3A_591 = tpu.memref_slice %arg15[%scan3A_462, %dma_wait3A_590] : memref<5x40xi32, #tpu.memory_space<vmem>> -> memref<1x40xi32, #tpu.memory_space<vmem>>
        %dma_wait3A_592 = tpu.memref_squeeze %dma_wait3A_591 : memref<1x40xi32, #tpu.memory_space<vmem>> -> memref<40xi32, #tpu.memory_space<vmem>>
        %dma_wait3A_593 = arith.constant 0 : i32
        %dma_wait3A_594 = tpu.memref_slice %arg11[%dma_wait3A_593] : memref<64000xi32, #tpu.memory_space<hbm>> -> memref<40xi32, #tpu.memory_space<hbm>>
        tpu.wait_dma2 semaphore(%arg34 : memref<!tpu.dma_semaphore, #tpu.memory_space<semaphore_mem>>) src(%dma_wait3A_594 : memref<40xi32, #tpu.memory_space<hbm>>) dst(%dma_wait3A_592 : memref<40xi32, #tpu.memory_space<vmem>>)
        %dma_wait3A_595 = arith.constant 0 : i32
        %dma_wait3A_596 = tpu.memref_slice %arg15[%scan3A_463, %dma_wait3A_595] : memref<5x40xi32, #tpu.memory_space<vmem>> -> memref<1x40xi32, #tpu.memory_space<vmem>>
        %dma_wait3A_597 = tpu.memref_squeeze %dma_wait3A_596 : memref<1x40xi32, #tpu.memory_space<vmem>> -> memref<40xi32, #tpu.memory_space<vmem>>
        %dma_wait3A_598 = arith.constant 0 : i32
        %dma_wait3A_599 = tpu.memref_slice %arg9[%dma_wait3A_598] : memref<64000xi32, #tpu.memory_space<hbm>> -> memref<40xi32, #tpu.memory_space<hbm>>
        %dma_wait3A_600 = arith.constant 0 : i32
        %dma_wait3A_601 = tpu.memref_slice %arg15[%scan3A_463, %dma_wait3A_600] : memref<5x40xi32, #tpu.memory_space<vmem>> -> memref<1x40xi32, #tpu.memory_space<vmem>>
        %dma_wait3A_602 = tpu.memref_squeeze %dma_wait3A_601 : memref<1x40xi32, #tpu.memory_space<vmem>> -> memref<40xi32, #tpu.memory_space<vmem>>
        %dma_wait3A_603 = arith.constant 0 : i32
        %dma_wait3A_604 = tpu.memref_slice %arg9[%dma_wait3A_603] : memref<64000xi32, #tpu.memory_space<hbm>> -> memref<40xi32, #tpu.memory_space<hbm>>
        tpu.wait_dma2 semaphore(%arg34 : memref<!tpu.dma_semaphore, #tpu.memory_space<semaphore_mem>>) src(%dma_wait3A_604 : memref<40xi32, #tpu.memory_space<hbm>>) dst(%dma_wait3A_602 : memref<40xi32, #tpu.memory_space<vmem>>)
        %dma_wait3A_605 = arith.constant 0 : i32
        %dma_wait3A_606 = tpu.memref_slice %arg15[%scan3A_464, %dma_wait3A_605] : memref<5x40xi32, #tpu.memory_space<vmem>> -> memref<1x40xi32, #tpu.memory_space<vmem>>
        %dma_wait3A_607 = tpu.memref_squeeze %dma_wait3A_606 : memref<1x40xi32, #tpu.memory_space<vmem>> -> memref<40xi32, #tpu.memory_space<vmem>>
        %dma_wait3A_608 = arith.constant 0 : i32
        %dma_wait3A_609 = tpu.memref_slice %arg10[%dma_wait3A_608] : memref<64000xi32, #tpu.memory_space<hbm>> -> memref<40xi32, #tpu.memory_space<hbm>>
        %dma_wait3A_610 = arith.constant 0 : i32
        %dma_wait3A_611 = tpu.memref_slice %arg15[%scan3A_464, %dma_wait3A_610] : memref<5x40xi32, #tpu.memory_space<vmem>> -> memref<1x40xi32, #tpu.memory_space<vmem>>
        %dma_wait3A_612 = tpu.memref_squeeze %dma_wait3A_611 : memref<1x40xi32, #tpu.memory_space<vmem>> -> memref<40xi32, #tpu.memory_space<vmem>>
        %dma_wait3A_613 = arith.constant 0 : i32
        %dma_wait3A_614 = tpu.memref_slice %arg10[%dma_wait3A_613] : memref<64000xi32, #tpu.memory_space<hbm>> -> memref<40xi32, #tpu.memory_space<hbm>>
        tpu.wait_dma2 semaphore(%arg34 : memref<!tpu.dma_semaphore, #tpu.memory_space<semaphore_mem>>) src(%dma_wait3A_614 : memref<40xi32, #tpu.memory_space<hbm>>) dst(%dma_wait3A_612 : memref<40xi32, #tpu.memory_space<vmem>>)
        %dma_start3A_615 = arith.constant 0 : i32
        %dma_start3A_616 = tpu.memref_slice %arg15[%scan3A_465, %dma_start3A_615] : memref<5x40xi32, #tpu.memory_space<vmem>> -> memref<1x40xi32, #tpu.memory_space<vmem>>
        %dma_start3A_617 = tpu.memref_squeeze %dma_start3A_616 : memref<1x40xi32, #tpu.memory_space<vmem>> -> memref<40xi32, #tpu.memory_space<vmem>>
        %dma_start3A_618 = arith.constant 0 : i32
        %dma_start3A_619 = tpu.memref_slice %arg15[%scan3A_462, %dma_start3A_618] : memref<5x40xi32, #tpu.memory_space<vmem>> -> memref<1x40xi32, #tpu.memory_space<vmem>>
        %dma_start3A_620 = tpu.memref_squeeze %dma_start3A_619 : memref<1x40xi32, #tpu.memory_space<vmem>> -> memref<40xi32, #tpu.memory_space<vmem>>
        %dma_start3A_621 = arith.constant 0 : i32
        %dma_start3A_622 = tpu.memref_slice %arg6[%dma_start3A_621] : memref<320000xi32, #tpu.memory_space<hbm>> -> memref<320000xi32, #tpu.memory_space<hbm>>
        tpu.enqueue_indirect_dma source(%dma_start3A_622 : memref<320000xi32, #tpu.memory_space<hbm>>) target(%dma_start3A_617 : memref<40xi32, #tpu.memory_space<vmem>>) offsets(%dma_start3A_620 : memref<40xi32, #tpu.memory_space<vmem>>) semaphore(%arg28 : memref<!tpu.dma_semaphore, #tpu.memory_space<semaphore_mem>>)
        %dma_start3A_623 = arith.constant 0 : i32
        %dma_start3A_624 = tpu.memref_slice %arg15[%scan3A_466, %dma_start3A_623] : memref<5x40xi32, #tpu.memory_space<vmem>> -> memref<1x40xi32, #tpu.memory_space<vmem>>
        %dma_start3A_625 = tpu.memref_squeeze %dma_start3A_624 : memref<1x40xi32, #tpu.memory_space<vmem>> -> memref<40xi32, #tpu.memory_space<vmem>>
        %dma_start3A_626 = arith.constant 0 : i32
        %dma_start3A_627 = tpu.memref_slice %arg15[%scan3A_462, %dma_start3A_626] : memref<5x40xi32, #tpu.memory_space<vmem>> -> memref<1x40xi32, #tpu.memory_space<vmem>>
        %dma_start3A_628 = tpu.memref_squeeze %dma_start3A_627 : memref<1x40xi32, #tpu.memory_space<vmem>> -> memref<40xi32, #tpu.memory_space<vmem>>
        %dma_start3A_629 = arith.constant 0 : i32
        %dma_start3A_630 = tpu.memref_slice %arg8[%dma_start3A_629] : memref<320000xi32, #tpu.memory_space<hbm>> -> memref<320000xi32, #tpu.memory_space<hbm>>
        tpu.enqueue_indirect_dma source(%dma_start3A_630 : memref<320000xi32, #tpu.memory_space<hbm>>) target(%dma_start3A_625 : memref<40xi32, #tpu.memory_space<vmem>>) offsets(%dma_start3A_628 : memref<40xi32, #tpu.memory_space<vmem>>) semaphore(%arg28 : memref<!tpu.dma_semaphore, #tpu.memory_space<semaphore_mem>>)
      } else {
      }
      %dma_wait3A_495 = arith.constant 0 : i32
      %dma_wait3A_496 = tpu.memref_slice %arg14[%scan3A_467, %dma_wait3A_495] : memref<5x40xi32, #tpu.memory_space<vmem>> -> memref<1x40xi32, #tpu.memory_space<vmem>>
      %dma_wait3A_497 = tpu.memref_squeeze %dma_wait3A_496 : memref<1x40xi32, #tpu.memory_space<vmem>> -> memref<40xi32, #tpu.memory_space<vmem>>
      %dma_wait3A_498 = arith.constant 0 : i32
      %dma_wait3A_499 = arith.constant 0 : i32
      %dma_wait3A_500 = tpu.memref_slice %arg2[%dma_wait3A_498, %dma_wait3A_499] : memref<10000x128xf32, #tpu.memory_space<hbm>> -> memref<10000x128xf32, #tpu.memory_space<hbm>>
      tpu.wait_indirect_dma semaphore(%arg30 : memref<!tpu.dma_semaphore, #tpu.memory_space<semaphore_mem>>) src(%dma_wait3A_500 : memref<10000x128xf32, #tpu.memory_space<hbm>>) dst(%arg17 : memref<40x128xf32, #tpu.memory_space<vmem>>)
      %dma_wait3A_501 = arith.constant 0 : i32
      %dma_wait3A_502 = tpu.memref_slice %arg14[%scan3A_468, %dma_wait3A_501] : memref<5x40xi32, #tpu.memory_space<vmem>> -> memref<1x40xi32, #tpu.memory_space<vmem>>
      %dma_wait3A_503 = tpu.memref_squeeze %dma_wait3A_502 : memref<1x40xi32, #tpu.memory_space<vmem>> -> memref<40xi32, #tpu.memory_space<vmem>>
      %dma_wait3A_504 = arith.constant 0 : i32
      %dma_wait3A_505 = arith.constant 0 : i32
      %dma_wait3A_506 = tpu.memref_slice %arg3[%dma_wait3A_504, %dma_wait3A_505] : memref<1000x128xf32, #tpu.memory_space<hbm>> -> memref<1000x128xf32, #tpu.memory_space<hbm>>
      tpu.wait_indirect_dma semaphore(%arg30 : memref<!tpu.dma_semaphore, #tpu.memory_space<semaphore_mem>>) src(%dma_wait3A_506 : memref<1000x128xf32, #tpu.memory_space<hbm>>) dst(%arg18 : memref<40x128xf32, #tpu.memory_space<vmem>>)
      %dma_wait3A_507 = arith.constant 0 : i32
      %dma_wait3A_508 = tpu.memref_slice %arg14[%scan3A_469, %dma_wait3A_507] : memref<5x40xi32, #tpu.memory_space<vmem>> -> memref<1x40xi32, #tpu.memory_space<vmem>>
      %dma_wait3A_509 = tpu.memref_squeeze %dma_wait3A_508 : memref<1x40xi32, #tpu.memory_space<vmem>> -> memref<40xi32, #tpu.memory_space<vmem>>
      %dma_wait3A_510 = arith.constant 0 : i32
      %dma_wait3A_511 = arith.constant 0 : i32
      %dma_wait3A_512 = tpu.memref_slice %arg4[%dma_wait3A_510, %dma_wait3A_511] : memref<368x128xf32, #tpu.memory_space<hbm>> -> memref<368x128xf32, #tpu.memory_space<hbm>>
      tpu.wait_indirect_dma semaphore(%arg30 : memref<!tpu.dma_semaphore, #tpu.memory_space<semaphore_mem>>) src(%dma_wait3A_512 : memref<368x128xf32, #tpu.memory_space<hbm>>) dst(%arg19 : memref<40x128xf32, #tpu.memory_space<vmem>>)
      %add3A_513 = arith.constant 1 : i32
      %add3A_514 = arith.addi %mul3A_490, %add3A_513 : i32
      %lt3A_515 = arith.constant 50 : i32
      %lt3A_516 = arith.cmpi slt, %add3A_514, %lt3A_515 : i32
      %convert_element_type3A_517 = arith.extui %lt3A_516 : i1 to i32
      %cond3A_518 = arith.constant 0 : i32
      %cond3A_519 = arith.cmpi ne, %convert_element_type3A_517, %cond3A_518 : i32
      scf.if %cond3A_519 {
        %dma_wait3A_585 = arith.constant 0 : i32
        %dma_wait3A_586 = tpu.memref_slice %arg15[%scan3A_465, %dma_wait3A_585] : memref<5x40xi32, #tpu.memory_space<vmem>> -> memref<1x40xi32, #tpu.memory_space<vmem>>
        %dma_wait3A_587 = tpu.memref_squeeze %dma_wait3A_586 : memref<1x40xi32, #tpu.memory_space<vmem>> -> memref<40xi32, #tpu.memory_space<vmem>>
        %dma_wait3A_588 = arith.constant 0 : i32
        %dma_wait3A_589 = tpu.memref_slice %arg15[%scan3A_462, %dma_wait3A_588] : memref<5x40xi32, #tpu.memory_space<vmem>> -> memref<1x40xi32, #tpu.memory_space<vmem>>
        %dma_wait3A_590 = tpu.memref_squeeze %dma_wait3A_589 : memref<1x40xi32, #tpu.memory_space<vmem>> -> memref<40xi32, #tpu.memory_space<vmem>>
        %dma_wait3A_591 = arith.constant 0 : i32
        %dma_wait3A_592 = tpu.memref_slice %arg6[%dma_wait3A_591] : memref<320000xi32, #tpu.memory_space<hbm>> -> memref<320000xi32, #tpu.memory_space<hbm>>
        tpu.wait_indirect_dma semaphore(%arg28 : memref<!tpu.dma_semaphore, #tpu.memory_space<semaphore_mem>>) src(%dma_wait3A_592 : memref<320000xi32, #tpu.memory_space<hbm>>) dst(%dma_wait3A_587 : memref<40xi32, #tpu.memory_space<vmem>>)
        %dma_wait3A_593 = arith.constant 0 : i32
        %dma_wait3A_594 = tpu.memref_slice %arg15[%scan3A_466, %dma_wait3A_593] : memref<5x40xi32, #tpu.memory_space<vmem>> -> memref<1x40xi32, #tpu.memory_space<vmem>>
        %dma_wait3A_595 = tpu.memref_squeeze %dma_wait3A_594 : memref<1x40xi32, #tpu.memory_space<vmem>> -> memref<40xi32, #tpu.memory_space<vmem>>
        %dma_wait3A_596 = arith.constant 0 : i32
        %dma_wait3A_597 = tpu.memref_slice %arg15[%scan3A_462, %dma_wait3A_596] : memref<5x40xi32, #tpu.memory_space<vmem>> -> memref<1x40xi32, #tpu.memory_space<vmem>>
        %dma_wait3A_598 = tpu.memref_squeeze %dma_wait3A_597 : memref<1x40xi32, #tpu.memory_space<vmem>> -> memref<40xi32, #tpu.memory_space<vmem>>
        %dma_wait3A_599 = arith.constant 0 : i32
        %dma_wait3A_600 = tpu.memref_slice %arg8[%dma_wait3A_599] : memref<320000xi32, #tpu.memory_space<hbm>> -> memref<320000xi32, #tpu.memory_space<hbm>>
        tpu.wait_indirect_dma semaphore(%arg28 : memref<!tpu.dma_semaphore, #tpu.memory_space<semaphore_mem>>) src(%dma_wait3A_600 : memref<320000xi32, #tpu.memory_space<hbm>>) dst(%dma_wait3A_595 : memref<40xi32, #tpu.memory_space<vmem>>)
        %dma_start3A_601 = arith.constant 0 : i32
        %dma_start3A_602 = tpu.memref_slice %arg15[%scan3A_464, %dma_start3A_601] : memref<5x40xi32, #tpu.memory_space<vmem>> -> memref<1x40xi32, #tpu.memory_space<vmem>>
        %dma_start3A_603 = tpu.memref_squeeze %dma_start3A_602 : memref<1x40xi32, #tpu.memory_space<vmem>> -> memref<40xi32, #tpu.memory_space<vmem>>
        %dma_start3A_604 = arith.constant 0 : i32
        %dma_start3A_605 = arith.constant 0 : i32
        %dma_start3A_606 = tpu.memref_slice %arg2[%dma_start3A_604, %dma_start3A_605] : memref<10000x128xf32, #tpu.memory_space<hbm>> -> memref<10000x128xf32, #tpu.memory_space<hbm>>
        tpu.enqueue_indirect_dma source(%dma_start3A_606 : memref<10000x128xf32, #tpu.memory_space<hbm>>) target(%arg20 : memref<40x128xf32, #tpu.memory_space<vmem>>) offsets(%dma_start3A_603 : memref<40xi32, #tpu.memory_space<vmem>>) semaphore(%arg31 : memref<!tpu.dma_semaphore, #tpu.memory_space<semaphore_mem>>)
        %dma_start3A_607 = arith.constant 0 : i32
        %dma_start3A_608 = tpu.memref_slice %arg15[%scan3A_463, %dma_start3A_607] : memref<5x40xi32, #tpu.memory_space<vmem>> -> memref<1x40xi32, #tpu.memory_space<vmem>>
        %dma_start3A_609 = tpu.memref_squeeze %dma_start3A_608 : memref<1x40xi32, #tpu.memory_space<vmem>> -> memref<40xi32, #tpu.memory_space<vmem>>
        %dma_start3A_610 = arith.constant 0 : i32
        %dma_start3A_611 = arith.constant 0 : i32
        %dma_start3A_612 = tpu.memref_slice %arg3[%dma_start3A_610, %dma_start3A_611] : memref<1000x128xf32, #tpu.memory_space<hbm>> -> memref<1000x128xf32, #tpu.memory_space<hbm>>
        tpu.enqueue_indirect_dma source(%dma_start3A_612 : memref<1000x128xf32, #tpu.memory_space<hbm>>) target(%arg21 : memref<40x128xf32, #tpu.memory_space<vmem>>) offsets(%dma_start3A_609 : memref<40xi32, #tpu.memory_space<vmem>>) semaphore(%arg31 : memref<!tpu.dma_semaphore, #tpu.memory_space<semaphore_mem>>)
        %dma_start3A_613 = arith.constant 0 : i32
        %dma_start3A_614 = tpu.memref_slice %arg15[%scan3A_466, %dma_start3A_613] : memref<5x40xi32, #tpu.memory_space<vmem>> -> memref<1x40xi32, #tpu.memory_space<vmem>>
        %dma_start3A_615 = tpu.memref_squeeze %dma_start3A_614 : memref<1x40xi32, #tpu.memory_space<vmem>> -> memref<40xi32, #tpu.memory_space<vmem>>
        %dma_start3A_616 = arith.constant 0 : i32
        %dma_start3A_617 = arith.constant 0 : i32
        %dma_start3A_618 = tpu.memref_slice %arg4[%dma_start3A_616, %dma_start3A_617] : memref<368x128xf32, #tpu.memory_space<hbm>> -> memref<368x128xf32, #tpu.memory_space<hbm>>
        tpu.enqueue_indirect_dma source(%dma_start3A_618 : memref<368x128xf32, #tpu.memory_space<hbm>>) target(%arg22 : memref<40x128xf32, #tpu.memory_space<vmem>>) offsets(%dma_start3A_615 : memref<40xi32, #tpu.memory_space<vmem>>) semaphore(%arg31 : memref<!tpu.dma_semaphore, #tpu.memory_space<semaphore_mem>>)
      } else {
      }
      %scan3A_520 = arith.constant 0 : i32
      %scan3A_521 = arith.constant 0 : i32
      %scan3A_522 = arith.constant 40 : i32
      %scan3A_523 = arith.addi %scan3A_521, %scan3A_522 : i32
      %scan3A_524 = arith.constant 1 : i32
      %scan3A_525 = scf.for %scan3A_585 = %scan3A_521 to %scan3A_523 step %scan3A_524 iter_args(%scan3A_586 = %scan3A_520) -> (i32)  : i32 {
        %get3A = arith.index_cast %scan3A_585 : i32 to index
        %get3A_587 = arith.constant 0 : index
        %get3A_588 = tpu.vector_load %arg17[%get3A, %get3A_587] {strides = array<i32>} : memref<40x128xf32, #tpu.memory_space<vmem>>, vector<1x16xf32>,
        %get3A_589 = vector.shape_cast %get3A_588 : vector<1x16xf32> to vector<16xf32>
        %get3A_590 = arith.index_cast %scan3A_585 : i32 to index
        %get3A_591 = arith.constant 0 : index
        %get3A_592 = tpu.vector_load %arg18[%get3A_590, %get3A_591] {strides = array<i32>} : memref<40x128xf32, #tpu.memory_space<vmem>>, vector<1x16xf32>,
        %get3A_593 = vector.shape_cast %get3A_592 : vector<1x16xf32> to vector<16xf32>
        %mul3A_594 = arith.mulf %get3A_589, %get3A_593 : vector<16xf32>
        %neg3A = arith.constant 0.000000e+00 : f32
        %neg3A_595 = vector.broadcast %neg3A : f32 to vector<16xf32>
        %neg3A_596 = arith.subf %neg3A_595, %mul3A_594 : vector<16xf32>
        %get3A_597 = arith.index_cast %scan3A_585 : i32 to index
        %get3A_598 = arith.constant 0 : index
        %get3A_599 = tpu.vector_load %arg19[%get3A_597, %get3A_598] {strides = array<i32>} : memref<40x128xf32, #tpu.memory_space<vmem>>, vector<1x16xf32>,
        %get3A_600 = vector.shape_cast %get3A_599 : vector<1x16xf32> to vector<16xf32>
        %mul3A_601 = arith.mulf %neg3A_596, %get3A_600 : vector<16xf32>
        %swap3A = arith.index_cast %scan3A_585 : i32 to index
        %swap3A_602 = arith.constant 0 : index
        %swap3A_603 = tpu.vector_load %arg17[%swap3A, %swap3A_602] {strides = array<i32>} : memref<40x128xf32, #tpu.memory_space<vmem>>, vector<1x16xf32>,
        %swap3A_604 = vector.shape_cast %swap3A_603 : vector<1x16xf32> to vector<16xf32>
        %swap3A_605 = vector.shape_cast %mul3A_601 : vector<16xf32> to vector<1x16xf32>
        tpu.vector_store %arg17[%swap3A, %swap3A_602], %swap3A_605 {strides = array<i32>} : memref<40x128xf32, #tpu.memory_space<vmem>>, vector<1x16xf32>,
        %get3A_606 = arith.index_cast %scan3A_585 : i32 to index
        %get3A_607 = arith.constant 16 : index
        %get3A_608 = tpu.vector_load %arg17[%get3A_606, %get3A_607] {strides = array<i32>} : memref<40x128xf32, #tpu.memory_space<vmem>>, vector<1x16xf32>,
        %get3A_609 = vector.shape_cast %get3A_608 : vector<1x16xf32> to vector<16xf32>
        %get3A_610 = arith.index_cast %scan3A_585 : i32 to index
        %get3A_611 = arith.constant 16 : index
        %get3A_612 = tpu.vector_load %arg18[%get3A_610, %get3A_611] {strides = array<i32>} : memref<40x128xf32, #tpu.memory_space<vmem>>, vector<1x16xf32>,
        %get3A_613 = vector.shape_cast %get3A_612 : vector<1x16xf32> to vector<16xf32>
        %mul3A_614 = arith.mulf %get3A_609, %get3A_613 : vector<16xf32>
        %neg3A_615 = arith.constant 0.000000e+00 : f32
        %neg3A_616 = vector.broadcast %neg3A_615 : f32 to vector<16xf32>
        %neg3A_617 = arith.subf %neg3A_616, %mul3A_614 : vector<16xf32>
        %get3A_618 = arith.index_cast %scan3A_585 : i32 to index
        %get3A_619 = arith.constant 16 : index
        %get3A_620 = tpu.vector_load %arg19[%get3A_618, %get3A_619] {strides = array<i32>} : memref<40x128xf32, #tpu.memory_space<vmem>>, vector<1x16xf32>,
        %get3A_621 = vector.shape_cast %get3A_620 : vector<1x16xf32> to vector<16xf32>
        %mul3A_622 = arith.mulf %neg3A_617, %get3A_621 : vector<16xf32>
        %swap3A_623 = arith.index_cast %scan3A_585 : i32 to index
        %swap3A_624 = arith.constant 16 : index
        %swap3A_625 = tpu.vector_load %arg17[%swap3A_623, %swap3A_624] {strides = array<i32>} : memref<40x128xf32, #tpu.memory_space<vmem>>, vector<1x16xf32>,
        %swap3A_626 = vector.shape_cast %swap3A_625 : vector<1x16xf32> to vector<16xf32>
        %swap3A_627 = vector.shape_cast %mul3A_622 : vector<16xf32> to vector<1x16xf32>
        tpu.vector_store %arg17[%swap3A_623, %swap3A_624], %swap3A_627 {strides = array<i32>} : memref<40x128xf32, #tpu.memory_space<vmem>>, vector<1x16xf32>,
        %get3A_628 = arith.index_cast %scan3A_585 : i32 to index
        %get3A_629 = arith.constant 32 : index
        %get3A_630 = tpu.vector_load %arg17[%get3A_628, %get3A_629] {strides = array<i32>} : memref<40x128xf32, #tpu.memory_space<vmem>>, vector<1x16xf32>,
        %get3A_631 = vector.shape_cast %get3A_630 : vector<1x16xf32> to vector<16xf32>
        %get3A_632 = arith.index_cast %scan3A_585 : i32 to index
        %get3A_633 = arith.constant 32 : index
        %get3A_634 = tpu.vector_load %arg18[%get3A_632, %get3A_633] {strides = array<i32>} : memref<40x128xf32, #tpu.memory_space<vmem>>, vector<1x16xf32>,
        %get3A_635 = vector.shape_cast %get3A_634 : vector<1x16xf32> to vector<16xf32>
        %mul3A_636 = arith.mulf %get3A_631, %get3A_635 : vector<16xf32>
        %neg3A_637 = arith.constant 0.000000e+00 : f32
        %neg3A_638 = vector.broadcast %neg3A_637 : f32 to vector<16xf32>
        %neg3A_639 = arith.subf %neg3A_638, %mul3A_636 : vector<16xf32>
        %get3A_640 = arith.index_cast %scan3A_585 : i32 to index
        %get3A_641 = arith.constant 32 : index
        %get3A_642 = tpu.vector_load %arg19[%get3A_640, %get3A_641] {strides = array<i32>} : memref<40x128xf32, #tpu.memory_space<vmem>>, vector<1x16xf32>,
        %get3A_643 = vector.shape_cast %get3A_642 : vector<1x16xf32> to vector<16xf32>
        %mul3A_644 = arith.mulf %neg3A_639, %get3A_643 : vector<16xf32>
        %swap3A_645 = arith.index_cast %scan3A_585 : i32 to index
        %swap3A_646 = arith.constant 32 : index
        %swap3A_647 = tpu.vector_load %arg17[%swap3A_645, %swap3A_646] {strides = array<i32>} : memref<40x128xf32, #tpu.memory_space<vmem>>, vector<1x16xf32>,
        %swap3A_648 = vector.shape_cast %swap3A_647 : vector<1x16xf32> to vector<16xf32>
        %swap3A_649 = vector.shape_cast %mul3A_644 : vector<16xf32> to vector<1x16xf32>
        tpu.vector_store %arg17[%swap3A_645, %swap3A_646], %swap3A_649 {strides = array<i32>} : memref<40x128xf32, #tpu.memory_space<vmem>>, vector<1x16xf32>,
        %get3A_650 = arith.index_cast %scan3A_585 : i32 to index
        %get3A_651 = arith.constant 48 : index
        %get3A_652 = tpu.vector_load %arg17[%get3A_650, %get3A_651] {strides = array<i32>} : memref<40x128xf32, #tpu.memory_space<vmem>>, vector<1x16xf32>,
        %get3A_653 = vector.shape_cast %get3A_652 : vector<1x16xf32> to vector<16xf32>
        %get3A_654 = arith.index_cast %scan3A_585 : i32 to index
        %get3A_655 = arith.constant 48 : index
        %get3A_656 = tpu.vector_load %arg18[%get3A_654, %get3A_655] {strides = array<i32>} : memref<40x128xf32, #tpu.memory_space<vmem>>, vector<1x16xf32>,
        %get3A_657 = vector.shape_cast %get3A_656 : vector<1x16xf32> to vector<16xf32>
        %mul3A_658 = arith.mulf %get3A_653, %get3A_657 : vector<16xf32>
        %neg3A_659 = arith.constant 0.000000e+00 : f32
        %neg3A_660 = vector.broadcast %neg3A_659 : f32 to vector<16xf32>
        %neg3A_661 = arith.subf %neg3A_660, %mul3A_658 : vector<16xf32>
        %get3A_662 = arith.index_cast %scan3A_585 : i32 to index
        %get3A_663 = arith.constant 48 : index
        %get3A_664 = tpu.vector_load %arg19[%get3A_662, %get3A_663] {strides = array<i32>} : memref<40x128xf32, #tpu.memory_space<vmem>>, vector<1x16xf32>,
        %get3A_665 = vector.shape_cast %get3A_664 : vector<1x16xf32> to vector<16xf32>
        %mul3A_666 = arith.mulf %neg3A_661, %get3A_665 : vector<16xf32>
        %swap3A_667 = arith.index_cast %scan3A_585 : i32 to index
        %swap3A_668 = arith.constant 48 : index
        %swap3A_669 = tpu.vector_load %arg17[%swap3A_667, %swap3A_668] {strides = array<i32>} : memref<40x128xf32, #tpu.memory_space<vmem>>, vector<1x16xf32>,
        %swap3A_670 = vector.shape_cast %swap3A_669 : vector<1x16xf32> to vector<16xf32>
        %swap3A_671 = vector.shape_cast %mul3A_666 : vector<16xf32> to vector<1x16xf32>
        tpu.vector_store %arg17[%swap3A_667, %swap3A_668], %swap3A_671 {strides = array<i32>} : memref<40x128xf32, #tpu.memory_space<vmem>>, vector<1x16xf32>,
        %get3A_672 = arith.index_cast %scan3A_585 : i32 to index
        %get3A_673 = arith.constant 64 : index
        %get3A_674 = tpu.vector_load %arg17[%get3A_672, %get3A_673] {strides = array<i32>} : memref<40x128xf32, #tpu.memory_space<vmem>>, vector<1x16xf32>,
        %get3A_675 = vector.shape_cast %get3A_674 : vector<1x16xf32> to vector<16xf32>
        %get3A_676 = arith.index_cast %scan3A_585 : i32 to index
        %get3A_677 = arith.constant 64 : index
        %get3A_678 = tpu.vector_load %arg18[%get3A_676, %get3A_677] {strides = array<i32>} : memref<40x128xf32, #tpu.memory_space<vmem>>, vector<1x16xf32>,
        %get3A_679 = vector.shape_cast %get3A_678 : vector<1x16xf32> to vector<16xf32>
        %mul3A_680 = arith.mulf %get3A_675, %get3A_679 : vector<16xf32>
        %neg3A_681 = arith.constant 0.000000e+00 : f32
        %neg3A_682 = vector.broadcast %neg3A_681 : f32 to vector<16xf32>
        %neg3A_683 = arith.subf %neg3A_682, %mul3A_680 : vector<16xf32>
        %get3A_684 = arith.index_cast %scan3A_585 : i32 to index
        %get3A_685 = arith.constant 64 : index
        %get3A_686 = tpu.vector_load %arg19[%get3A_684, %get3A_685] {strides = array<i32>} : memref<40x128xf32, #tpu.memory_space<vmem>>, vector<1x16xf32>,
        %get3A_687 = vector.shape_cast %get3A_686 : vector<1x16xf32> to vector<16xf32>
        %mul3A_688 = arith.mulf %neg3A_683, %get3A_687 : vector<16xf32>
        %swap3A_689 = arith.index_cast %scan3A_585 : i32 to index
        %swap3A_690 = arith.constant 64 : index
        %swap3A_691 = tpu.vector_load %arg17[%swap3A_689, %swap3A_690] {strides = array<i32>} : memref<40x128xf32, #tpu.memory_space<vmem>>, vector<1x16xf32>,
        %swap3A_692 = vector.shape_cast %swap3A_691 : vector<1x16xf32> to vector<16xf32>
        %swap3A_693 = vector.shape_cast %mul3A_688 : vector<16xf32> to vector<1x16xf32>
        tpu.vector_store %arg17[%swap3A_689, %swap3A_690], %swap3A_693 {strides = array<i32>} : memref<40x128xf32, #tpu.memory_space<vmem>>, vector<1x16xf32>,
        %get3A_694 = arith.index_cast %scan3A_585 : i32 to index
        %get3A_695 = arith.constant 80 : index
        %get3A_696 = tpu.vector_load %arg17[%get3A_694, %get3A_695] {strides = array<i32>} : memref<40x128xf32, #tpu.memory_space<vmem>>, vector<1x16xf32>,
        %get3A_697 = vector.shape_cast %get3A_696 : vector<1x16xf32> to vector<16xf32>
        %get3A_698 = arith.index_cast %scan3A_585 : i32 to index
        %get3A_699 = arith.constant 80 : index
        %get3A_700 = tpu.vector_load %arg18[%get3A_698, %get3A_699] {strides = array<i32>} : memref<40x128xf32, #tpu.memory_space<vmem>>, vector<1x16xf32>,
        %get3A_701 = vector.shape_cast %get3A_700 : vector<1x16xf32> to vector<16xf32>
        %mul3A_702 = arith.mulf %get3A_697, %get3A_701 : vector<16xf32>
        %neg3A_703 = arith.constant 0.000000e+00 : f32
        %neg3A_704 = vector.broadcast %neg3A_703 : f32 to vector<16xf32>
        %neg3A_705 = arith.subf %neg3A_704, %mul3A_702 : vector<16xf32>
        %get3A_706 = arith.index_cast %scan3A_585 : i32 to index
        %get3A_707 = arith.constant 80 : index
        %get3A_708 = tpu.vector_load %arg19[%get3A_706, %get3A_707] {strides = array<i32>} : memref<40x128xf32, #tpu.memory_space<vmem>>, vector<1x16xf32>,
        %get3A_709 = vector.shape_cast %get3A_708 : vector<1x16xf32> to vector<16xf32>
        %mul3A_710 = arith.mulf %neg3A_705, %get3A_709 : vector<16xf32>
        %swap3A_711 = arith.index_cast %scan3A_585 : i32 to index
        %swap3A_712 = arith.constant 80 : index
        %swap3A_713 = tpu.vector_load %arg17[%swap3A_711, %swap3A_712] {strides = array<i32>} : memref<40x128xf32, #tpu.memory_space<vmem>>, vector<1x16xf32>,
        %swap3A_714 = vector.shape_cast %swap3A_713 : vector<1x16xf32> to vector<16xf32>
        %swap3A_715 = vector.shape_cast %mul3A_710 : vector<16xf32> to vector<1x16xf32>
        tpu.vector_store %arg17[%swap3A_711, %swap3A_712], %swap3A_715 {strides = array<i32>} : memref<40x128xf32, #tpu.memory_space<vmem>>, vector<1x16xf32>,
        %get3A_716 = arith.index_cast %scan3A_585 : i32 to index
        %get3A_717 = arith.constant 96 : index
        %get3A_718 = tpu.vector_load %arg17[%get3A_716, %get3A_717] {strides = array<i32>} : memref<40x128xf32, #tpu.memory_space<vmem>>, vector<1x16xf32>,
        %get3A_719 = vector.shape_cast %get3A_718 : vector<1x16xf32> to vector<16xf32>
        %get3A_720 = arith.index_cast %scan3A_585 : i32 to index
        %get3A_721 = arith.constant 96 : index
        %get3A_722 = tpu.vector_load %arg18[%get3A_720, %get3A_721] {strides = array<i32>} : memref<40x128xf32, #tpu.memory_space<vmem>>, vector<1x16xf32>,
        %get3A_723 = vector.shape_cast %get3A_722 : vector<1x16xf32> to vector<16xf32>
        %mul3A_724 = arith.mulf %get3A_719, %get3A_723 : vector<16xf32>
        %neg3A_725 = arith.constant 0.000000e+00 : f32
        %neg3A_726 = vector.broadcast %neg3A_725 : f32 to vector<16xf32>
        %neg3A_727 = arith.subf %neg3A_726, %mul3A_724 : vector<16xf32>
        %get3A_728 = arith.index_cast %scan3A_585 : i32 to index
        %get3A_729 = arith.constant 96 : index
        %get3A_730 = tpu.vector_load %arg19[%get3A_728, %get3A_729] {strides = array<i32>} : memref<40x128xf32, #tpu.memory_space<vmem>>, vector<1x16xf32>,
        %get3A_731 = vector.shape_cast %get3A_730 : vector<1x16xf32> to vector<16xf32>
        %mul3A_732 = arith.mulf %neg3A_727, %get3A_731 : vector<16xf32>
        %swap3A_733 = arith.index_cast %scan3A_585 : i32 to index
        %swap3A_734 = arith.constant 96 : index
        %swap3A_735 = tpu.vector_load %arg17[%swap3A_733, %swap3A_734] {strides = array<i32>} : memref<40x128xf32, #tpu.memory_space<vmem>>, vector<1x16xf32>,
        %swap3A_736 = vector.shape_cast %swap3A_735 : vector<1x16xf32> to vector<16xf32>
        %swap3A_737 = vector.shape_cast %mul3A_732 : vector<16xf32> to vector<1x16xf32>
        tpu.vector_store %arg17[%swap3A_733, %swap3A_734], %swap3A_737 {strides = array<i32>} : memref<40x128xf32, #tpu.memory_space<vmem>>, vector<1x16xf32>,
        %get3A_738 = arith.index_cast %scan3A_585 : i32 to index
        %get3A_739 = arith.constant 112 : index
        %get3A_740 = tpu.vector_load %arg17[%get3A_738, %get3A_739] {strides = array<i32>} : memref<40x128xf32, #tpu.memory_space<vmem>>, vector<1x16xf32>,
        %get3A_741 = vector.shape_cast %get3A_740 : vector<1x16xf32> to vector<16xf32>
        %get3A_742 = arith.index_cast %scan3A_585 : i32 to index
        %get3A_743 = arith.constant 112 : index
        %get3A_744 = tpu.vector_load %arg18[%get3A_742, %get3A_743] {strides = array<i32>} : memref<40x128xf32, #tpu.memory_space<vmem>>, vector<1x16xf32>,
        %get3A_745 = vector.shape_cast %get3A_744 : vector<1x16xf32> to vector<16xf32>
        %mul3A_746 = arith.mulf %get3A_741, %get3A_745 : vector<16xf32>
        %neg3A_747 = arith.constant 0.000000e+00 : f32
        %neg3A_748 = vector.broadcast %neg3A_747 : f32 to vector<16xf32>
        %neg3A_749 = arith.subf %neg3A_748, %mul3A_746 : vector<16xf32>
        %get3A_750 = arith.index_cast %scan3A_585 : i32 to index
        %get3A_751 = arith.constant 112 : index
        %get3A_752 = tpu.vector_load %arg19[%get3A_750, %get3A_751] {strides = array<i32>} : memref<40x128xf32, #tpu.memory_space<vmem>>, vector<1x16xf32>,
        %get3A_753 = vector.shape_cast %get3A_752 : vector<1x16xf32> to vector<16xf32>
        %mul3A_754 = arith.mulf %neg3A_749, %get3A_753 : vector<16xf32>
        %swap3A_755 = arith.index_cast %scan3A_585 : i32 to index
        %swap3A_756 = arith.constant 112 : index
        %swap3A_757 = tpu.vector_load %arg17[%swap3A_755, %swap3A_756] {strides = array<i32>} : memref<40x128xf32, #tpu.memory_space<vmem>>, vector<1x16xf32>,
        %swap3A_758 = vector.shape_cast %swap3A_757 : vector<1x16xf32> to vector<16xf32>
        %swap3A_759 = vector.shape_cast %mul3A_754 : vector<16xf32> to vector<1x16xf32>
        tpu.vector_store %arg17[%swap3A_755, %swap3A_756], %swap3A_759 {strides = array<i32>} : memref<40x128xf32, #tpu.memory_space<vmem>>, vector<1x16xf32>,
        %scan3A_760 = arith.constant 0 : i32
        scf.yield %scan3A_760 : i32
      }
      %scan3A_526 = arith.constant 40 : i32
      "tpu.region"() ({
        %run_scoped3A_585 = tpu.sem_alloc : memref<!tpu.dma_semaphore, #tpu.memory_space<semaphore_mem>>
        %dma_start3A_586 = arith.constant 0 : i32
        %dma_start3A_587 = tpu.memref_slice %arg14[%scan3A_470, %dma_start3A_586] : memref<5x40xi32, #tpu.memory_space<vmem>> -> memref<1x40xi32, #tpu.memory_space<vmem>>
        %dma_start3A_588 = tpu.memref_squeeze %dma_start3A_587 : memref<1x40xi32, #tpu.memory_space<vmem>> -> memref<40xi32, #tpu.memory_space<vmem>>
        %dma_start3A_589 = arith.constant 0 : i32
        %dma_start3A_590 = arith.constant 0 : i32
        %dma_start3A_591 = tpu.memref_slice %arg26[%dma_start3A_589, %dma_start3A_590] : memref<10240x128xf32, #tpu.memory_space<vmem_shared>> -> memref<10240x128xf32, #tpu.memory_space<vmem_shared>>
        tpu.enqueue_indirect_dma source(%arg17 : memref<40x128xf32, #tpu.memory_space<vmem>>) target(%dma_start3A_591 : memref<10240x128xf32, #tpu.memory_space<vmem_shared>>) offsets(%dma_start3A_588 : memref<40xi32, #tpu.memory_space<vmem>>) semaphore(%run_scoped3A_585 : memref<!tpu.dma_semaphore, #tpu.memory_space<semaphore_mem>>) {add = true}
        %dma_wait3A_592 = arith.constant 0 : i32
        %dma_wait3A_593 = tpu.memref_slice %arg14[%scan3A_470, %dma_wait3A_592] : memref<5x40xi32, #tpu.memory_space<vmem>> -> memref<1x40xi32, #tpu.memory_space<vmem>>
        %dma_wait3A_594 = tpu.memref_squeeze %dma_wait3A_593 : memref<1x40xi32, #tpu.memory_space<vmem>> -> memref<40xi32, #tpu.memory_space<vmem>>
        %dma_wait3A_595 = arith.constant 0 : i32
        %dma_wait3A_596 = arith.constant 0 : i32
        %dma_wait3A_597 = tpu.memref_slice %arg26[%dma_wait3A_595, %dma_wait3A_596] : memref<10240x128xf32, #tpu.memory_space<vmem_shared>> -> memref<10240x128xf32, #tpu.memory_space<vmem_shared>>
        tpu.wait_indirect_dma semaphore(%run_scoped3A_585 : memref<!tpu.dma_semaphore, #tpu.memory_space<semaphore_mem>>) src(%arg17 : memref<40x128xf32, #tpu.memory_space<vmem>>) dst(%dma_wait3A_597 : memref<10240x128xf32, #tpu.memory_space<vmem_shared>>)
        tpu.yield
      }) : () -> ()
      %add3A_527 = arith.constant 2 : i32
      %add3A_528 = arith.addi %mul3A_490, %add3A_527 : i32
      %lt3A_529 = arith.constant 50 : i32
      %lt3A_530 = arith.cmpi slt, %add3A_528, %lt3A_529 : i32
      %convert_element_type3A_531 = arith.extui %lt3A_530 : i1 to i32
      %cond3A_532 = arith.constant 0 : i32
      %cond3A_533 = arith.cmpi ne, %convert_element_type3A_531, %cond3A_532 : i32
      scf.if %cond3A_533 {
        %add3A_585 = arith.constant 2 : i32
        %add3A_586 = arith.addi %mul3A_490, %add3A_585 : i32
        %mul3A_587 = arith.constant 40 : i32
        %mul3A_588 = arith.muli %add3A_586, %mul3A_587 : i32
        %add3A_589 = arith.addi %mul3A_309, %mul3A_588 : i32
        %dma_start3A_590 = arith.constant 0 : i32
        %dma_start3A_591 = tpu.memref_slice %arg14[%scan3A_471, %dma_start3A_590] : memref<5x40xi32, #tpu.memory_space<vmem>> -> memref<1x40xi32, #tpu.memory_space<vmem>>
        %dma_start3A_592 = tpu.memref_squeeze %dma_start3A_591 : memref<1x40xi32, #tpu.memory_space<vmem>> -> memref<40xi32, #tpu.memory_space<vmem>>
        %dma_start3A_593 = tpu.memref_slice %arg11[%add3A_589] : memref<64000xi32, #tpu.memory_space<hbm>> -> memref<40xi32, #tpu.memory_space<hbm>>
        %dma_start3A_594 = arith.constant 0 : i32
        %dma_start3A_595 = tpu.memref_slice %arg14[%scan3A_471, %dma_start3A_594] : memref<5x40xi32, #tpu.memory_space<vmem>> -> memref<1x40xi32, #tpu.memory_space<vmem>>
        %dma_start3A_596 = tpu.memref_squeeze %dma_start3A_595 : memref<1x40xi32, #tpu.memory_space<vmem>> -> memref<40xi32, #tpu.memory_space<vmem>>
        %dma_start3A_597 = tpu.memref_slice %arg11[%add3A_589] : memref<64000xi32, #tpu.memory_space<hbm>> -> memref<40xi32, #tpu.memory_space<hbm>>
        tpu.enqueue_dma source(%dma_start3A_597 : memref<40xi32, #tpu.memory_space<hbm>>) target(%dma_start3A_596 : memref<40xi32, #tpu.memory_space<vmem>>) target_semaphore(%arg33 : memref<!tpu.dma_semaphore, #tpu.memory_space<semaphore_mem>>)
        %dma_start3A_598 = arith.constant 0 : i32
        %dma_start3A_599 = tpu.memref_slice %arg14[%scan3A_468, %dma_start3A_598] : memref<5x40xi32, #tpu.memory_space<vmem>> -> memref<1x40xi32, #tpu.memory_space<vmem>>
        %dma_start3A_600 = tpu.memref_squeeze %dma_start3A_599 : memref<1x40xi32, #tpu.memory_space<vmem>> -> memref<40xi32, #tpu.memory_space<vmem>>
        %dma_start3A_601 = tpu.memref_slice %arg9[%add3A_589] : memref<64000xi32, #tpu.memory_space<hbm>> -> memref<40xi32, #tpu.memory_space<hbm>>
        %dma_start3A_602 = arith.constant 0 : i32
        %dma_start3A_603 = tpu.memref_slice %arg14[%scan3A_468, %dma_start3A_602] : memref<5x40xi32, #tpu.memory_space<vmem>> -> memref<1x40xi32, #tpu.memory_space<vmem>>
        %dma_start3A_604 = tpu.memref_squeeze %dma_start3A_603 : memref<1x40xi32, #tpu.memory_space<vmem>> -> memref<40xi32, #tpu.memory_space<vmem>>
        %dma_start3A_605 = tpu.memref_slice %arg9[%add3A_589] : memref<64000xi32, #tpu.memory_space<hbm>> -> memref<40xi32, #tpu.memory_space<hbm>>
        tpu.enqueue_dma source(%dma_start3A_605 : memref<40xi32, #tpu.memory_space<hbm>>) target(%dma_start3A_604 : memref<40xi32, #tpu.memory_space<vmem>>) target_semaphore(%arg33 : memref<!tpu.dma_semaphore, #tpu.memory_space<semaphore_mem>>)
        %dma_start3A_606 = arith.constant 0 : i32
        %dma_start3A_607 = tpu.memref_slice %arg14[%scan3A_467, %dma_start3A_606] : memref<5x40xi32, #tpu.memory_space<vmem>> -> memref<1x40xi32, #tpu.memory_space<vmem>>
        %dma_start3A_608 = tpu.memref_squeeze %dma_start3A_607 : memref<1x40xi32, #tpu.memory_space<vmem>> -> memref<40xi32, #tpu.memory_space<vmem>>
        %dma_start3A_609 = tpu.memref_slice %arg10[%add3A_589] : memref<64000xi32, #tpu.memory_space<hbm>> -> memref<40xi32, #tpu.memory_space<hbm>>
        %dma_start3A_610 = arith.constant 0 : i32
        %dma_start3A_611 = tpu.memref_slice %arg14[%scan3A_467, %dma_start3A_610] : memref<5x40xi32, #tpu.memory_space<vmem>> -> memref<1x40xi32, #tpu.memory_space<vmem>>
        %dma_start3A_612 = tpu.memref_squeeze %dma_start3A_611 : memref<1x40xi32, #tpu.memory_space<vmem>> -> memref<40xi32, #tpu.memory_space<vmem>>
        %dma_start3A_613 = tpu.memref_slice %arg10[%add3A_589] : memref<64000xi32, #tpu.memory_space<hbm>> -> memref<40xi32, #tpu.memory_space<hbm>>
        tpu.enqueue_dma source(%dma_start3A_613 : memref<40xi32, #tpu.memory_space<hbm>>) target(%dma_start3A_612 : memref<40xi32, #tpu.memory_space<vmem>>) target_semaphore(%arg33 : memref<!tpu.dma_semaphore, #tpu.memory_space<semaphore_mem>>)
      } else {
      }
      %mul3A_534 = arith.constant 2 : i32
      %mul3A_535 = arith.muli %mul3A_534, %scan3A_487 : i32
      %add3A_536 = arith.constant 1 : i32
      %add3A_537 = arith.addi %mul3A_535, %add3A_536 : i32
      %add3A_538 = arith.constant 1 : i32
      %add3A_539 = arith.addi %add3A_537, %add3A_538 : i32
      %lt3A_540 = arith.constant 50 : i32
      %lt3A_541 = arith.cmpi slt, %add3A_539, %lt3A_540 : i32
      %convert_element_type3A_542 = arith.extui %lt3A_541 : i1 to i32
      %cond3A_543 = arith.constant 0 : i32
      %cond3A_544 = arith.cmpi ne, %convert_element_type3A_542, %cond3A_543 : i32
      scf.if %cond3A_544 {
        %dma_wait3A_585 = arith.constant 0 : i32
        %dma_wait3A_586 = tpu.memref_slice %arg14[%scan3A_471, %dma_wait3A_585] : memref<5x40xi32, #tpu.memory_space<vmem>> -> memref<1x40xi32, #tpu.memory_space<vmem>>
        %dma_wait3A_587 = tpu.memref_squeeze %dma_wait3A_586 : memref<1x40xi32, #tpu.memory_space<vmem>> -> memref<40xi32, #tpu.memory_space<vmem>>
        %dma_wait3A_588 = arith.constant 0 : i32
        %dma_wait3A_589 = tpu.memref_slice %arg11[%dma_wait3A_588] : memref<64000xi32, #tpu.memory_space<hbm>> -> memref<40xi32, #tpu.memory_space<hbm>>
        %dma_wait3A_590 = arith.constant 0 : i32
        %dma_wait3A_591 = tpu.memref_slice %arg14[%scan3A_471, %dma_wait3A_590] : memref<5x40xi32, #tpu.memory_space<vmem>> -> memref<1x40xi32, #tpu.memory_space<vmem>>
        %dma_wait3A_592 = tpu.memref_squeeze %dma_wait3A_591 : memref<1x40xi32, #tpu.memory_space<vmem>> -> memref<40xi32, #tpu.memory_space<vmem>>
        %dma_wait3A_593 = arith.constant 0 : i32
        %dma_wait3A_594 = tpu.memref_slice %arg11[%dma_wait3A_593] : memref<64000xi32, #tpu.memory_space<hbm>> -> memref<40xi32, #tpu.memory_space<hbm>>
        tpu.wait_dma2 semaphore(%arg33 : memref<!tpu.dma_semaphore, #tpu.memory_space<semaphore_mem>>) src(%dma_wait3A_594 : memref<40xi32, #tpu.memory_space<hbm>>) dst(%dma_wait3A_592 : memref<40xi32, #tpu.memory_space<vmem>>)
        %dma_wait3A_595 = arith.constant 0 : i32
        %dma_wait3A_596 = tpu.memref_slice %arg14[%scan3A_468, %dma_wait3A_595] : memref<5x40xi32, #tpu.memory_space<vmem>> -> memref<1x40xi32, #tpu.memory_space<vmem>>
        %dma_wait3A_597 = tpu.memref_squeeze %dma_wait3A_596 : memref<1x40xi32, #tpu.memory_space<vmem>> -> memref<40xi32, #tpu.memory_space<vmem>>
        %dma_wait3A_598 = arith.constant 0 : i32
        %dma_wait3A_599 = tpu.memref_slice %arg9[%dma_wait3A_598] : memref<64000xi32, #tpu.memory_space<hbm>> -> memref<40xi32, #tpu.memory_space<hbm>>
        %dma_wait3A_600 = arith.constant 0 : i32
        %dma_wait3A_601 = tpu.memref_slice %arg14[%scan3A_468, %dma_wait3A_600] : memref<5x40xi32, #tpu.memory_space<vmem>> -> memref<1x40xi32, #tpu.memory_space<vmem>>
        %dma_wait3A_602 = tpu.memref_squeeze %dma_wait3A_601 : memref<1x40xi32, #tpu.memory_space<vmem>> -> memref<40xi32, #tpu.memory_space<vmem>>
        %dma_wait3A_603 = arith.constant 0 : i32
        %dma_wait3A_604 = tpu.memref_slice %arg9[%dma_wait3A_603] : memref<64000xi32, #tpu.memory_space<hbm>> -> memref<40xi32, #tpu.memory_space<hbm>>
        tpu.wait_dma2 semaphore(%arg33 : memref<!tpu.dma_semaphore, #tpu.memory_space<semaphore_mem>>) src(%dma_wait3A_604 : memref<40xi32, #tpu.memory_space<hbm>>) dst(%dma_wait3A_602 : memref<40xi32, #tpu.memory_space<vmem>>)
        %dma_wait3A_605 = arith.constant 0 : i32
        %dma_wait3A_606 = tpu.memref_slice %arg14[%scan3A_467, %dma_wait3A_605] : memref<5x40xi32, #tpu.memory_space<vmem>> -> memref<1x40xi32, #tpu.memory_space<vmem>>
        %dma_wait3A_607 = tpu.memref_squeeze %dma_wait3A_606 : memref<1x40xi32, #tpu.memory_space<vmem>> -> memref<40xi32, #tpu.memory_space<vmem>>
        %dma_wait3A_608 = arith.constant 0 : i32
        %dma_wait3A_609 = tpu.memref_slice %arg10[%dma_wait3A_608] : memref<64000xi32, #tpu.memory_space<hbm>> -> memref<40xi32, #tpu.memory_space<hbm>>
        %dma_wait3A_610 = arith.constant 0 : i32
        %dma_wait3A_611 = tpu.memref_slice %arg14[%scan3A_467, %dma_wait3A_610] : memref<5x40xi32, #tpu.memory_space<vmem>> -> memref<1x40xi32, #tpu.memory_space<vmem>>
        %dma_wait3A_612 = tpu.memref_squeeze %dma_wait3A_611 : memref<1x40xi32, #tpu.memory_space<vmem>> -> memref<40xi32, #tpu.memory_space<vmem>>
        %dma_wait3A_613 = arith.constant 0 : i32
        %dma_wait3A_614 = tpu.memref_slice %arg10[%dma_wait3A_613] : memref<64000xi32, #tpu.memory_space<hbm>> -> memref<40xi32, #tpu.memory_space<hbm>>
        tpu.wait_dma2 semaphore(%arg33 : memref<!tpu.dma_semaphore, #tpu.memory_space<semaphore_mem>>) src(%dma_wait3A_614 : memref<40xi32, #tpu.memory_space<hbm>>) dst(%dma_wait3A_612 : memref<40xi32, #tpu.memory_space<vmem>>)
        %dma_start3A_615 = arith.constant 0 : i32
        %dma_start3A_616 = tpu.memref_slice %arg14[%scan3A_470, %dma_start3A_615] : memref<5x40xi32, #tpu.memory_space<vmem>> -> memref<1x40xi32, #tpu.memory_space<vmem>>
        %dma_start3A_617 = tpu.memref_squeeze %dma_start3A_616 : memref<1x40xi32, #tpu.memory_space<vmem>> -> memref<40xi32, #tpu.memory_space<vmem>>
        %dma_start3A_618 = arith.constant 0 : i32
        %dma_start3A_619 = tpu.memref_slice %arg14[%scan3A_471, %dma_start3A_618] : memref<5x40xi32, #tpu.memory_space<vmem>> -> memref<1x40xi32, #tpu.memory_space<vmem>>
        %dma_start3A_620 = tpu.memref_squeeze %dma_start3A_619 : memref<1x40xi32, #tpu.memory_space<vmem>> -> memref<40xi32, #tpu.memory_space<vmem>>
        %dma_start3A_621 = arith.constant 0 : i32
        %dma_start3A_622 = tpu.memref_slice %arg6[%dma_start3A_621] : memref<320000xi32, #tpu.memory_space<hbm>> -> memref<320000xi32, #tpu.memory_space<hbm>>
        tpu.enqueue_indirect_dma source(%dma_start3A_622 : memref<320000xi32, #tpu.memory_space<hbm>>) target(%dma_start3A_617 : memref<40xi32, #tpu.memory_space<vmem>>) offsets(%dma_start3A_620 : memref<40xi32, #tpu.memory_space<vmem>>) semaphore(%arg27 : memref<!tpu.dma_semaphore, #tpu.memory_space<semaphore_mem>>)
        %dma_start3A_623 = arith.constant 0 : i32
        %dma_start3A_624 = tpu.memref_slice %arg14[%scan3A_469, %dma_start3A_623] : memref<5x40xi32, #tpu.memory_space<vmem>> -> memref<1x40xi32, #tpu.memory_space<vmem>>
        %dma_start3A_625 = tpu.memref_squeeze %dma_start3A_624 : memref<1x40xi32, #tpu.memory_space<vmem>> -> memref<40xi32, #tpu.memory_space<vmem>>
        %dma_start3A_626 = arith.constant 0 : i32
        %dma_start3A_627 = tpu.memref_slice %arg14[%scan3A_471, %dma_start3A_626] : memref<5x40xi32, #tpu.memory_space<vmem>> -> memref<1x40xi32, #tpu.memory_space<vmem>>
        %dma_start3A_628 = tpu.memref_squeeze %dma_start3A_627 : memref<1x40xi32, #tpu.memory_space<vmem>> -> memref<40xi32, #tpu.memory_space<vmem>>
        %dma_start3A_629 = arith.constant 0 : i32
        %dma_start3A_630 = tpu.memref_slice %arg8[%dma_start3A_629] : memref<320000xi32, #tpu.memory_space<hbm>> -> memref<320000xi32, #tpu.memory_space<hbm>>
        tpu.enqueue_indirect_dma source(%dma_start3A_630 : memref<320000xi32, #tpu.memory_space<hbm>>) target(%dma_start3A_625 : memref<40xi32, #tpu.memory_space<vmem>>) offsets(%dma_start3A_628 : memref<40xi32, #tpu.memory_space<vmem>>) semaphore(%arg27 : memref<!tpu.dma_semaphore, #tpu.memory_space<semaphore_mem>>)
      } else {
      }
      %dma_wait3A_545 = arith.constant 0 : i32
      %dma_wait3A_546 = tpu.memref_slice %arg15[%scan3A_464, %dma_wait3A_545] : memref<5x40xi32, #tpu.memory_space<vmem>> -> memref<1x40xi32, #tpu.memory_space<vmem>>
      %dma_wait3A_547 = tpu.memref_squeeze %dma_wait3A_546 : memref<1x40xi32, #tpu.memory_space<vmem>> -> memref<40xi32, #tpu.memory_space<vmem>>
      %dma_wait3A_548 = arith.constant 0 : i32
      %dma_wait3A_549 = arith.constant 0 : i32
      %dma_wait3A_550 = tpu.memref_slice %arg2[%dma_wait3A_548, %dma_wait3A_549] : memref<10000x128xf32, #tpu.memory_space<hbm>> -> memref<10000x128xf32, #tpu.memory_space<hbm>>
      tpu.wait_indirect_dma semaphore(%arg31 : memref<!tpu.dma_semaphore, #tpu.memory_space<semaphore_mem>>) src(%dma_wait3A_550 : memref<10000x128xf32, #tpu.memory_space<hbm>>) dst(%arg20 : memref<40x128xf32, #tpu.memory_space<vmem>>)
      %dma_wait3A_551 = arith.constant 0 : i32
      %dma_wait3A_552 = tpu.memref_slice %arg15[%scan3A_463, %dma_wait3A_551] : memref<5x40xi32, #tpu.memory_space<vmem>> -> memref<1x40xi32, #tpu.memory_space<vmem>>
      %dma_wait3A_553 = tpu.memref_squeeze %dma_wait3A_552 : memref<1x40xi32, #tpu.memory_space<vmem>> -> memref<40xi32, #tpu.memory_space<vmem>>
      %dma_wait3A_554 = arith.constant 0 : i32
      %dma_wait3A_555 = arith.constant 0 : i32
      %dma_wait3A_556 = tpu.memref_slice %arg3[%dma_wait3A_554, %dma_wait3A_555] : memref<1000x128xf32, #tpu.memory_space<hbm>> -> memref<1000x128xf32, #tpu.memory_space<hbm>>
      tpu.wait_indirect_dma semaphore(%arg31 : memref<!tpu.dma_semaphore, #tpu.memory_space<semaphore_mem>>) src(%dma_wait3A_556 : memref<1000x128xf32, #tpu.memory_space<hbm>>) dst(%arg21 : memref<40x128xf32, #tpu.memory_space<vmem>>)
      %dma_wait3A_557 = arith.constant 0 : i32
      %dma_wait3A_558 = tpu.memref_slice %arg15[%scan3A_466, %dma_wait3A_557] : memref<5x40xi32, #tpu.memory_space<vmem>> -> memref<1x40xi32, #tpu.memory_space<vmem>>
      %dma_wait3A_559 = tpu.memref_squeeze %dma_wait3A_558 : memref<1x40xi32, #tpu.memory_space<vmem>> -> memref<40xi32, #tpu.memory_space<vmem>>
      %dma_wait3A_560 = arith.constant 0 : i32
      %dma_wait3A_561 = arith.constant 0 : i32
      %dma_wait3A_562 = tpu.memref_slice %arg4[%dma_wait3A_560, %dma_wait3A_561] : memref<368x128xf32, #tpu.memory_space<hbm>> -> memref<368x128xf32, #tpu.memory_space<hbm>>
      tpu.wait_indirect_dma semaphore(%arg31 : memref<!tpu.dma_semaphore, #tpu.memory_space<semaphore_mem>>) src(%dma_wait3A_562 : memref<368x128xf32, #tpu.memory_space<hbm>>) dst(%arg22 : memref<40x128xf32, #tpu.memory_space<vmem>>)
      %add3A_563 = arith.constant 1 : i32
      %add3A_564 = arith.addi %add3A_537, %add3A_563 : i32
      %lt3A_565 = arith.constant 50 : i32
      %lt3A_566 = arith.cmpi slt, %add3A_564, %lt3A_565 : i32
      %convert_element_type3A_567 = arith.extui %lt3A_566 : i1 to i32
      %cond3A_568 = arith.constant 0 : i32
      %cond3A_569 = arith.cmpi ne, %convert_element_type3A_567, %cond3A_568 : i32
      scf.if %cond3A_569 {
        %dma_wait3A_585 = arith.constant 0 : i32
        %dma_wait3A_586 = tpu.memref_slice %arg14[%scan3A_470, %dma_wait3A_585] : memref<5x40xi32, #tpu.memory_space<vmem>> -> memref<1x40xi32, #tpu.memory_space<vmem>>
        %dma_wait3A_587 = tpu.memref_squeeze %dma_wait3A_586 : memref<1x40xi32, #tpu.memory_space<vmem>> -> memref<40xi32, #tpu.memory_space<vmem>>
        %dma_wait3A_588 = arith.constant 0 : i32
        %dma_wait3A_589 = tpu.memref_slice %arg14[%scan3A_471, %dma_wait3A_588] : memref<5x40xi32, #tpu.memory_space<vmem>> -> memref<1x40xi32, #tpu.memory_space<vmem>>
        %dma_wait3A_590 = tpu.memref_squeeze %dma_wait3A_589 : memref<1x40xi32, #tpu.memory_space<vmem>> -> memref<40xi32, #tpu.memory_space<vmem>>
        %dma_wait3A_591 = arith.constant 0 : i32
        %dma_wait3A_592 = tpu.memref_slice %arg6[%dma_wait3A_591] : memref<320000xi32, #tpu.memory_space<hbm>> -> memref<320000xi32, #tpu.memory_space<hbm>>
        tpu.wait_indirect_dma semaphore(%arg27 : memref<!tpu.dma_semaphore, #tpu.memory_space<semaphore_mem>>) src(%dma_wait3A_592 : memref<320000xi32, #tpu.memory_space<hbm>>) dst(%dma_wait3A_587 : memref<40xi32, #tpu.memory_space<vmem>>)
        %dma_wait3A_593 = arith.constant 0 : i32
        %dma_wait3A_594 = tpu.memref_slice %arg14[%scan3A_469, %dma_wait3A_593] : memref<5x40xi32, #tpu.memory_space<vmem>> -> memref<1x40xi32, #tpu.memory_space<vmem>>
        %dma_wait3A_595 = tpu.memref_squeeze %dma_wait3A_594 : memref<1x40xi32, #tpu.memory_space<vmem>> -> memref<40xi32, #tpu.memory_space<vmem>>
        %dma_wait3A_596 = arith.constant 0 : i32
        %dma_wait3A_597 = tpu.memref_slice %arg14[%scan3A_471, %dma_wait3A_596] : memref<5x40xi32, #tpu.memory_space<vmem>> -> memref<1x40xi32, #tpu.memory_space<vmem>>
        %dma_wait3A_598 = tpu.memref_squeeze %dma_wait3A_597 : memref<1x40xi32, #tpu.memory_space<vmem>> -> memref<40xi32, #tpu.memory_space<vmem>>
        %dma_wait3A_599 = arith.constant 0 : i32
        %dma_wait3A_600 = tpu.memref_slice %arg8[%dma_wait3A_599] : memref<320000xi32, #tpu.memory_space<hbm>> -> memref<320000xi32, #tpu.memory_space<hbm>>
        tpu.wait_indirect_dma semaphore(%arg27 : memref<!tpu.dma_semaphore, #tpu.memory_space<semaphore_mem>>) src(%dma_wait3A_600 : memref<320000xi32, #tpu.memory_space<hbm>>) dst(%dma_wait3A_595 : memref<40xi32, #tpu.memory_space<vmem>>)
        %dma_start3A_601 = arith.constant 0 : i32
        %dma_start3A_602 = tpu.memref_slice %arg14[%scan3A_467, %dma_start3A_601] : memref<5x40xi32, #tpu.memory_space<vmem>> -> memref<1x40xi32, #tpu.memory_space<vmem>>
        %dma_start3A_603 = tpu.memref_squeeze %dma_start3A_602 : memref<1x40xi32, #tpu.memory_space<vmem>> -> memref<40xi32, #tpu.memory_space<vmem>>
        %dma_start3A_604 = arith.constant 0 : i32
        %dma_start3A_605 = arith.constant 0 : i32
        %dma_start3A_606 = tpu.memref_slice %arg2[%dma_start3A_604, %dma_start3A_605] : memref<10000x128xf32, #tpu.memory_space<hbm>> -> memref<10000x128xf32, #tpu.memory_space<hbm>>
        tpu.enqueue_indirect_dma source(%dma_start3A_606 : memref<10000x128xf32, #tpu.memory_space<hbm>>) target(%arg17 : memref<40x128xf32, #tpu.memory_space<vmem>>) offsets(%dma_start3A_603 : memref<40xi32, #tpu.memory_space<vmem>>) semaphore(%arg30 : memref<!tpu.dma_semaphore, #tpu.memory_space<semaphore_mem>>)
        %dma_start3A_607 = arith.constant 0 : i32
        %dma_start3A_608 = tpu.memref_slice %arg14[%scan3A_468, %dma_start3A_607] : memref<5x40xi32, #tpu.memory_space<vmem>> -> memref<1x40xi32, #tpu.memory_space<vmem>>
        %dma_start3A_609 = tpu.memref_squeeze %dma_start3A_608 : memref<1x40xi32, #tpu.memory_space<vmem>> -> memref<40xi32, #tpu.memory_space<vmem>>
        %dma_start3A_610 = arith.constant 0 : i32
        %dma_start3A_611 = arith.constant 0 : i32
        %dma_start3A_612 = tpu.memref_slice %arg3[%dma_start3A_610, %dma_start3A_611] : memref<1000x128xf32, #tpu.memory_space<hbm>> -> memref<1000x128xf32, #tpu.memory_space<hbm>>
        tpu.enqueue_indirect_dma source(%dma_start3A_612 : memref<1000x128xf32, #tpu.memory_space<hbm>>) target(%arg18 : memref<40x128xf32, #tpu.memory_space<vmem>>) offsets(%dma_start3A_609 : memref<40xi32, #tpu.memory_space<vmem>>) semaphore(%arg30 : memref<!tpu.dma_semaphore, #tpu.memory_space<semaphore_mem>>)
        %dma_start3A_613 = arith.constant 0 : i32
        %dma_start3A_614 = tpu.memref_slice %arg14[%scan3A_469, %dma_start3A_613] : memref<5x40xi32, #tpu.memory_space<vmem>> -> memref<1x40xi32, #tpu.memory_space<vmem>>
        %dma_start3A_615 = tpu.memref_squeeze %dma_start3A_614 : memref<1x40xi32, #tpu.memory_space<vmem>> -> memref<40xi32, #tpu.memory_space<vmem>>
        %dma_start3A_616 = arith.constant 0 : i32
        %dma_start3A_617 = arith.constant 0 : i32
        %dma_start3A_618 = tpu.memref_slice %arg4[%dma_start3A_616, %dma_start3A_617] : memref<368x128xf32, #tpu.memory_space<hbm>> -> memref<368x128xf32, #tpu.memory_space<hbm>>
        tpu.enqueue_indirect_dma source(%dma_start3A_618 : memref<368x128xf32, #tpu.memory_space<hbm>>) target(%arg19 : memref<40x128xf32, #tpu.memory_space<vmem>>) offsets(%dma_start3A_615 : memref<40xi32, #tpu.memory_space<vmem>>) semaphore(%arg30 : memref<!tpu.dma_semaphore, #tpu.memory_space<semaphore_mem>>)
      } else {
      }
      %scan3A_570 = arith.constant 0 : i32
      %scan3A_571 = arith.constant 0 : i32
      %scan3A_572 = arith.constant 40 : i32
      %scan3A_573 = arith.addi %scan3A_571, %scan3A_572 : i32
      %scan3A_574 = arith.constant 1 : i32
      %scan3A_575 = scf.for %scan3A_585 = %scan3A_571 to %scan3A_573 step %scan3A_574 iter_args(%scan3A_586 = %scan3A_570) -> (i32)  : i32 {
        %get3A = arith.index_cast %scan3A_585 : i32 to index
        %get3A_587 = arith.constant 0 : index
        %get3A_588 = tpu.vector_load %arg20[%get3A, %get3A_587] {strides = array<i32>} : memref<40x128xf32, #tpu.memory_space<vmem>>, vector<1x16xf32>,
        %get3A_589 = vector.shape_cast %get3A_588 : vector<1x16xf32> to vector<16xf32>
        %get3A_590 = arith.index_cast %scan3A_585 : i32 to index
        %get3A_591 = arith.constant 0 : index
        %get3A_592 = tpu.vector_load %arg21[%get3A_590, %get3A_591] {strides = array<i32>} : memref<40x128xf32, #tpu.memory_space<vmem>>, vector<1x16xf32>,
        %get3A_593 = vector.shape_cast %get3A_592 : vector<1x16xf32> to vector<16xf32>
        %mul3A_594 = arith.mulf %get3A_589, %get3A_593 : vector<16xf32>
        %neg3A = arith.constant 0.000000e+00 : f32
        %neg3A_595 = vector.broadcast %neg3A : f32 to vector<16xf32>
        %neg3A_596 = arith.subf %neg3A_595, %mul3A_594 : vector<16xf32>
        %get3A_597 = arith.index_cast %scan3A_585 : i32 to index
        %get3A_598 = arith.constant 0 : index
        %get3A_599 = tpu.vector_load %arg22[%get3A_597, %get3A_598] {strides = array<i32>} : memref<40x128xf32, #tpu.memory_space<vmem>>, vector<1x16xf32>,
        %get3A_600 = vector.shape_cast %get3A_599 : vector<1x16xf32> to vector<16xf32>
        %mul3A_601 = arith.mulf %neg3A_596, %get3A_600 : vector<16xf32>
        %swap3A = arith.index_cast %scan3A_585 : i32 to index
        %swap3A_602 = arith.constant 0 : index
        %swap3A_603 = tpu.vector_load %arg20[%swap3A, %swap3A_602] {strides = array<i32>} : memref<40x128xf32, #tpu.memory_space<vmem>>, vector<1x16xf32>,
        %swap3A_604 = vector.shape_cast %swap3A_603 : vector<1x16xf32> to vector<16xf32>
        %swap3A_605 = vector.shape_cast %mul3A_601 : vector<16xf32> to vector<1x16xf32>
        tpu.vector_store %arg20[%swap3A, %swap3A_602], %swap3A_605 {strides = array<i32>} : memref<40x128xf32, #tpu.memory_space<vmem>>, vector<1x16xf32>,
        %get3A_606 = arith.index_cast %scan3A_585 : i32 to index
        %get3A_607 = arith.constant 16 : index
        %get3A_608 = tpu.vector_load %arg20[%get3A_606, %get3A_607] {strides = array<i32>} : memref<40x128xf32, #tpu.memory_space<vmem>>, vector<1x16xf32>,
        %get3A_609 = vector.shape_cast %get3A_608 : vector<1x16xf32> to vector<16xf32>
        %get3A_610 = arith.index_cast %scan3A_585 : i32 to index
        %get3A_611 = arith.constant 16 : index
        %get3A_612 = tpu.vector_load %arg21[%get3A_610, %get3A_611] {strides = array<i32>} : memref<40x128xf32, #tpu.memory_space<vmem>>, vector<1x16xf32>,
        %get3A_613 = vector.shape_cast %get3A_612 : vector<1x16xf32> to vector<16xf32>
        %mul3A_614 = arith.mulf %get3A_609, %get3A_613 : vector<16xf32>
        %neg3A_615 = arith.constant 0.000000e+00 : f32
        %neg3A_616 = vector.broadcast %neg3A_615 : f32 to vector<16xf32>
        %neg3A_617 = arith.subf %neg3A_616, %mul3A_614 : vector<16xf32>
        %get3A_618 = arith.index_cast %scan3A_585 : i32 to index
        %get3A_619 = arith.constant 16 : index
        %get3A_620 = tpu.vector_load %arg22[%get3A_618, %get3A_619] {strides = array<i32>} : memref<40x128xf32, #tpu.memory_space<vmem>>, vector<1x16xf32>,
        %get3A_621 = vector.shape_cast %get3A_620 : vector<1x16xf32> to vector<16xf32>
        %mul3A_622 = arith.mulf %neg3A_617, %get3A_621 : vector<16xf32>
        %swap3A_623 = arith.index_cast %scan3A_585 : i32 to index
        %swap3A_624 = arith.constant 16 : index
        %swap3A_625 = tpu.vector_load %arg20[%swap3A_623, %swap3A_624] {strides = array<i32>} : memref<40x128xf32, #tpu.memory_space<vmem>>, vector<1x16xf32>,
        %swap3A_626 = vector.shape_cast %swap3A_625 : vector<1x16xf32> to vector<16xf32>
        %swap3A_627 = vector.shape_cast %mul3A_622 : vector<16xf32> to vector<1x16xf32>
        tpu.vector_store %arg20[%swap3A_623, %swap3A_624], %swap3A_627 {strides = array<i32>} : memref<40x128xf32, #tpu.memory_space<vmem>>, vector<1x16xf32>,
        %get3A_628 = arith.index_cast %scan3A_585 : i32 to index
        %get3A_629 = arith.constant 32 : index
        %get3A_630 = tpu.vector_load %arg20[%get3A_628, %get3A_629] {strides = array<i32>} : memref<40x128xf32, #tpu.memory_space<vmem>>, vector<1x16xf32>,
        %get3A_631 = vector.shape_cast %get3A_630 : vector<1x16xf32> to vector<16xf32>
        %get3A_632 = arith.index_cast %scan3A_585 : i32 to index
        %get3A_633 = arith.constant 32 : index
        %get3A_634 = tpu.vector_load %arg21[%get3A_632, %get3A_633] {strides = array<i32>} : memref<40x128xf32, #tpu.memory_space<vmem>>, vector<1x16xf32>,
        %get3A_635 = vector.shape_cast %get3A_634 : vector<1x16xf32> to vector<16xf32>
        %mul3A_636 = arith.mulf %get3A_631, %get3A_635 : vector<16xf32>
        %neg3A_637 = arith.constant 0.000000e+00 : f32
        %neg3A_638 = vector.broadcast %neg3A_637 : f32 to vector<16xf32>
        %neg3A_639 = arith.subf %neg3A_638, %mul3A_636 : vector<16xf32>
        %get3A_640 = arith.index_cast %scan3A_585 : i32 to index
        %get3A_641 = arith.constant 32 : index
        %get3A_642 = tpu.vector_load %arg22[%get3A_640, %get3A_641] {strides = array<i32>} : memref<40x128xf32, #tpu.memory_space<vmem>>, vector<1x16xf32>,
        %get3A_643 = vector.shape_cast %get3A_642 : vector<1x16xf32> to vector<16xf32>
        %mul3A_644 = arith.mulf %neg3A_639, %get3A_643 : vector<16xf32>
        %swap3A_645 = arith.index_cast %scan3A_585 : i32 to index
        %swap3A_646 = arith.constant 32 : index
        %swap3A_647 = tpu.vector_load %arg20[%swap3A_645, %swap3A_646] {strides = array<i32>} : memref<40x128xf32, #tpu.memory_space<vmem>>, vector<1x16xf32>,
        %swap3A_648 = vector.shape_cast %swap3A_647 : vector<1x16xf32> to vector<16xf32>
        %swap3A_649 = vector.shape_cast %mul3A_644 : vector<16xf32> to vector<1x16xf32>
        tpu.vector_store %arg20[%swap3A_645, %swap3A_646], %swap3A_649 {strides = array<i32>} : memref<40x128xf32, #tpu.memory_space<vmem>>, vector<1x16xf32>,
        %get3A_650 = arith.index_cast %scan3A_585 : i32 to index
        %get3A_651 = arith.constant 48 : index
        %get3A_652 = tpu.vector_load %arg20[%get3A_650, %get3A_651] {strides = array<i32>} : memref<40x128xf32, #tpu.memory_space<vmem>>, vector<1x16xf32>,
        %get3A_653 = vector.shape_cast %get3A_652 : vector<1x16xf32> to vector<16xf32>
        %get3A_654 = arith.index_cast %scan3A_585 : i32 to index
        %get3A_655 = arith.constant 48 : index
        %get3A_656 = tpu.vector_load %arg21[%get3A_654, %get3A_655] {strides = array<i32>} : memref<40x128xf32, #tpu.memory_space<vmem>>, vector<1x16xf32>,
        %get3A_657 = vector.shape_cast %get3A_656 : vector<1x16xf32> to vector<16xf32>
        %mul3A_658 = arith.mulf %get3A_653, %get3A_657 : vector<16xf32>
        %neg3A_659 = arith.constant 0.000000e+00 : f32
        %neg3A_660 = vector.broadcast %neg3A_659 : f32 to vector<16xf32>
        %neg3A_661 = arith.subf %neg3A_660, %mul3A_658 : vector<16xf32>
        %get3A_662 = arith.index_cast %scan3A_585 : i32 to index
        %get3A_663 = arith.constant 48 : index
        %get3A_664 = tpu.vector_load %arg22[%get3A_662, %get3A_663] {strides = array<i32>} : memref<40x128xf32, #tpu.memory_space<vmem>>, vector<1x16xf32>,
        %get3A_665 = vector.shape_cast %get3A_664 : vector<1x16xf32> to vector<16xf32>
        %mul3A_666 = arith.mulf %neg3A_661, %get3A_665 : vector<16xf32>
        %swap3A_667 = arith.index_cast %scan3A_585 : i32 to index
        %swap3A_668 = arith.constant 48 : index
        %swap3A_669 = tpu.vector_load %arg20[%swap3A_667, %swap3A_668] {strides = array<i32>} : memref<40x128xf32, #tpu.memory_space<vmem>>, vector<1x16xf32>,
        %swap3A_670 = vector.shape_cast %swap3A_669 : vector<1x16xf32> to vector<16xf32>
        %swap3A_671 = vector.shape_cast %mul3A_666 : vector<16xf32> to vector<1x16xf32>
        tpu.vector_store %arg20[%swap3A_667, %swap3A_668], %swap3A_671 {strides = array<i32>} : memref<40x128xf32, #tpu.memory_space<vmem>>, vector<1x16xf32>,
        %get3A_672 = arith.index_cast %scan3A_585 : i32 to index
        %get3A_673 = arith.constant 64 : index
        %get3A_674 = tpu.vector_load %arg20[%get3A_672, %get3A_673] {strides = array<i32>} : memref<40x128xf32, #tpu.memory_space<vmem>>, vector<1x16xf32>,
        %get3A_675 = vector.shape_cast %get3A_674 : vector<1x16xf32> to vector<16xf32>
        %get3A_676 = arith.index_cast %scan3A_585 : i32 to index
        %get3A_677 = arith.constant 64 : index
        %get3A_678 = tpu.vector_load %arg21[%get3A_676, %get3A_677] {strides = array<i32>} : memref<40x128xf32, #tpu.memory_space<vmem>>, vector<1x16xf32>,
        %get3A_679 = vector.shape_cast %get3A_678 : vector<1x16xf32> to vector<16xf32>
        %mul3A_680 = arith.mulf %get3A_675, %get3A_679 : vector<16xf32>
        %neg3A_681 = arith.constant 0.000000e+00 : f32
        %neg3A_682 = vector.broadcast %neg3A_681 : f32 to vector<16xf32>
        %neg3A_683 = arith.subf %neg3A_682, %mul3A_680 : vector<16xf32>
        %get3A_684 = arith.index_cast %scan3A_585 : i32 to index
        %get3A_685 = arith.constant 64 : index
        %get3A_686 = tpu.vector_load %arg22[%get3A_684, %get3A_685] {strides = array<i32>} : memref<40x128xf32, #tpu.memory_space<vmem>>, vector<1x16xf32>,
        %get3A_687 = vector.shape_cast %get3A_686 : vector<1x16xf32> to vector<16xf32>
        %mul3A_688 = arith.mulf %neg3A_683, %get3A_687 : vector<16xf32>
        %swap3A_689 = arith.index_cast %scan3A_585 : i32 to index
        %swap3A_690 = arith.constant 64 : index
        %swap3A_691 = tpu.vector_load %arg20[%swap3A_689, %swap3A_690] {strides = array<i32>} : memref<40x128xf32, #tpu.memory_space<vmem>>, vector<1x16xf32>,
        %swap3A_692 = vector.shape_cast %swap3A_691 : vector<1x16xf32> to vector<16xf32>
        %swap3A_693 = vector.shape_cast %mul3A_688 : vector<16xf32> to vector<1x16xf32>
        tpu.vector_store %arg20[%swap3A_689, %swap3A_690], %swap3A_693 {strides = array<i32>} : memref<40x128xf32, #tpu.memory_space<vmem>>, vector<1x16xf32>,
        %get3A_694 = arith.index_cast %scan3A_585 : i32 to index
        %get3A_695 = arith.constant 80 : index
        %get3A_696 = tpu.vector_load %arg20[%get3A_694, %get3A_695] {strides = array<i32>} : memref<40x128xf32, #tpu.memory_space<vmem>>, vector<1x16xf32>,
        %get3A_697 = vector.shape_cast %get3A_696 : vector<1x16xf32> to vector<16xf32>
        %get3A_698 = arith.index_cast %scan3A_585 : i32 to index
        %get3A_699 = arith.constant 80 : index
        %get3A_700 = tpu.vector_load %arg21[%get3A_698, %get3A_699] {strides = array<i32>} : memref<40x128xf32, #tpu.memory_space<vmem>>, vector<1x16xf32>,
        %get3A_701 = vector.shape_cast %get3A_700 : vector<1x16xf32> to vector<16xf32>
        %mul3A_702 = arith.mulf %get3A_697, %get3A_701 : vector<16xf32>
        %neg3A_703 = arith.constant 0.000000e+00 : f32
        %neg3A_704 = vector.broadcast %neg3A_703 : f32 to vector<16xf32>
        %neg3A_705 = arith.subf %neg3A_704, %mul3A_702 : vector<16xf32>
        %get3A_706 = arith.index_cast %scan3A_585 : i32 to index
        %get3A_707 = arith.constant 80 : index
        %get3A_708 = tpu.vector_load %arg22[%get3A_706, %get3A_707] {strides = array<i32>} : memref<40x128xf32, #tpu.memory_space<vmem>>, vector<1x16xf32>,
        %get3A_709 = vector.shape_cast %get3A_708 : vector<1x16xf32> to vector<16xf32>
        %mul3A_710 = arith.mulf %neg3A_705, %get3A_709 : vector<16xf32>
        %swap3A_711 = arith.index_cast %scan3A_585 : i32 to index
        %swap3A_712 = arith.constant 80 : index
        %swap3A_713 = tpu.vector_load %arg20[%swap3A_711, %swap3A_712] {strides = array<i32>} : memref<40x128xf32, #tpu.memory_space<vmem>>, vector<1x16xf32>,
        %swap3A_714 = vector.shape_cast %swap3A_713 : vector<1x16xf32> to vector<16xf32>
        %swap3A_715 = vector.shape_cast %mul3A_710 : vector<16xf32> to vector<1x16xf32>
        tpu.vector_store %arg20[%swap3A_711, %swap3A_712], %swap3A_715 {strides = array<i32>} : memref<40x128xf32, #tpu.memory_space<vmem>>, vector<1x16xf32>,
        %get3A_716 = arith.index_cast %scan3A_585 : i32 to index
        %get3A_717 = arith.constant 96 : index
        %get3A_718 = tpu.vector_load %arg20[%get3A_716, %get3A_717] {strides = array<i32>} : memref<40x128xf32, #tpu.memory_space<vmem>>, vector<1x16xf32>,
        %get3A_719 = vector.shape_cast %get3A_718 : vector<1x16xf32> to vector<16xf32>
        %get3A_720 = arith.index_cast %scan3A_585 : i32 to index
        %get3A_721 = arith.constant 96 : index
        %get3A_722 = tpu.vector_load %arg21[%get3A_720, %get3A_721] {strides = array<i32>} : memref<40x128xf32, #tpu.memory_space<vmem>>, vector<1x16xf32>,
        %get3A_723 = vector.shape_cast %get3A_722 : vector<1x16xf32> to vector<16xf32>
        %mul3A_724 = arith.mulf %get3A_719, %get3A_723 : vector<16xf32>
        %neg3A_725 = arith.constant 0.000000e+00 : f32
        %neg3A_726 = vector.broadcast %neg3A_725 : f32 to vector<16xf32>
        %neg3A_727 = arith.subf %neg3A_726, %mul3A_724 : vector<16xf32>
        %get3A_728 = arith.index_cast %scan3A_585 : i32 to index
        %get3A_729 = arith.constant 96 : index
        %get3A_730 = tpu.vector_load %arg22[%get3A_728, %get3A_729] {strides = array<i32>} : memref<40x128xf32, #tpu.memory_space<vmem>>, vector<1x16xf32>,
        %get3A_731 = vector.shape_cast %get3A_730 : vector<1x16xf32> to vector<16xf32>
        %mul3A_732 = arith.mulf %neg3A_727, %get3A_731 : vector<16xf32>
        %swap3A_733 = arith.index_cast %scan3A_585 : i32 to index
        %swap3A_734 = arith.constant 96 : index
        %swap3A_735 = tpu.vector_load %arg20[%swap3A_733, %swap3A_734] {strides = array<i32>} : memref<40x128xf32, #tpu.memory_space<vmem>>, vector<1x16xf32>,
        %swap3A_736 = vector.shape_cast %swap3A_735 : vector<1x16xf32> to vector<16xf32>
        %swap3A_737 = vector.shape_cast %mul3A_732 : vector<16xf32> to vector<1x16xf32>
        tpu.vector_store %arg20[%swap3A_733, %swap3A_734], %swap3A_737 {strides = array<i32>} : memref<40x128xf32, #tpu.memory_space<vmem>>, vector<1x16xf32>,
        %get3A_738 = arith.index_cast %scan3A_585 : i32 to index
        %get3A_739 = arith.constant 112 : index
        %get3A_740 = tpu.vector_load %arg20[%get3A_738, %get3A_739] {strides = array<i32>} : memref<40x128xf32, #tpu.memory_space<vmem>>, vector<1x16xf32>,
        %get3A_741 = vector.shape_cast %get3A_740 : vector<1x16xf32> to vector<16xf32>
        %get3A_742 = arith.index_cast %scan3A_585 : i32 to index
        %get3A_743 = arith.constant 112 : index
        %get3A_744 = tpu.vector_load %arg21[%get3A_742, %get3A_743] {strides = array<i32>} : memref<40x128xf32, #tpu.memory_space<vmem>>, vector<1x16xf32>,
        %get3A_745 = vector.shape_cast %get3A_744 : vector<1x16xf32> to vector<16xf32>
        %mul3A_746 = arith.mulf %get3A_741, %get3A_745 : vector<16xf32>
        %neg3A_747 = arith.constant 0.000000e+00 : f32
        %neg3A_748 = vector.broadcast %neg3A_747 : f32 to vector<16xf32>
        %neg3A_749 = arith.subf %neg3A_748, %mul3A_746 : vector<16xf32>
        %get3A_750 = arith.index_cast %scan3A_585 : i32 to index
        %get3A_751 = arith.constant 112 : index
        %get3A_752 = tpu.vector_load %arg22[%get3A_750, %get3A_751] {strides = array<i32>} : memref<40x128xf32, #tpu.memory_space<vmem>>, vector<1x16xf32>,
        %get3A_753 = vector.shape_cast %get3A_752 : vector<1x16xf32> to vector<16xf32>
        %mul3A_754 = arith.mulf %neg3A_749, %get3A_753 : vector<16xf32>
        %swap3A_755 = arith.index_cast %scan3A_585 : i32 to index
        %swap3A_756 = arith.constant 112 : index
        %swap3A_757 = tpu.vector_load %arg20[%swap3A_755, %swap3A_756] {strides = array<i32>} : memref<40x128xf32, #tpu.memory_space<vmem>>, vector<1x16xf32>,
        %swap3A_758 = vector.shape_cast %swap3A_757 : vector<1x16xf32> to vector<16xf32>
        %swap3A_759 = vector.shape_cast %mul3A_754 : vector<16xf32> to vector<1x16xf32>
        tpu.vector_store %arg20[%swap3A_755, %swap3A_756], %swap3A_759 {strides = array<i32>} : memref<40x128xf32, #tpu.memory_space<vmem>>, vector<1x16xf32>,
        %scan3A_760 = arith.constant 0 : i32
        scf.yield %scan3A_760 : i32
      }
      %scan3A_576 = arith.constant 40 : i32
      "tpu.region"() ({
        %run_scoped3A_585 = tpu.sem_alloc : memref<!tpu.dma_semaphore, #tpu.memory_space<semaphore_mem>>
        %dma_start3A_586 = arith.constant 0 : i32
        %dma_start3A_587 = tpu.memref_slice %arg15[%scan3A_465, %dma_start3A_586] : memref<5x40xi32, #tpu.memory_space<vmem>> -> memref<1x40xi32, #tpu.memory_space<vmem>>
        %dma_start3A_588 = tpu.memref_squeeze %dma_start3A_587 : memref<1x40xi32, #tpu.memory_space<vmem>> -> memref<40xi32, #tpu.memory_space<vmem>>
        %dma_start3A_589 = arith.constant 0 : i32
        %dma_start3A_590 = arith.constant 0 : i32
        %dma_start3A_591 = tpu.memref_slice %arg26[%dma_start3A_589, %dma_start3A_590] : memref<10240x128xf32, #tpu.memory_space<vmem_shared>> -> memref<10240x128xf32, #tpu.memory_space<vmem_shared>>
        tpu.enqueue_indirect_dma source(%arg20 : memref<40x128xf32, #tpu.memory_space<vmem>>) target(%dma_start3A_591 : memref<10240x128xf32, #tpu.memory_space<vmem_shared>>) offsets(%dma_start3A_588 : memref<40xi32, #tpu.memory_space<vmem>>) semaphore(%run_scoped3A_585 : memref<!tpu.dma_semaphore, #tpu.memory_space<semaphore_mem>>) {add = true}
        %dma_wait3A_592 = arith.constant 0 : i32
        %dma_wait3A_593 = tpu.memref_slice %arg15[%scan3A_465, %dma_wait3A_592] : memref<5x40xi32, #tpu.memory_space<vmem>> -> memref<1x40xi32, #tpu.memory_space<vmem>>
        %dma_wait3A_594 = tpu.memref_squeeze %dma_wait3A_593 : memref<1x40xi32, #tpu.memory_space<vmem>> -> memref<40xi32, #tpu.memory_space<vmem>>
        %dma_wait3A_595 = arith.constant 0 : i32
        %dma_wait3A_596 = arith.constant 0 : i32
        %dma_wait3A_597 = tpu.memref_slice %arg26[%dma_wait3A_595, %dma_wait3A_596] : memref<10240x128xf32, #tpu.memory_space<vmem_shared>> -> memref<10240x128xf32, #tpu.memory_space<vmem_shared>>
        tpu.wait_indirect_dma semaphore(%run_scoped3A_585 : memref<!tpu.dma_semaphore, #tpu.memory_space<semaphore_mem>>) src(%arg20 : memref<40x128xf32, #tpu.memory_space<vmem>>) dst(%dma_wait3A_597 : memref<10240x128xf32, #tpu.memory_space<vmem_shared>>)
        tpu.yield
      }) : () -> ()
      %add3A_577 = arith.constant 2 : i32
      %add3A_578 = arith.addi %add3A_537, %add3A_577 : i32
      %lt3A_579 = arith.constant 50 : i32
      %lt3A_580 = arith.cmpi slt, %add3A_578, %lt3A_579 : i32
      %convert_element_type3A_581 = arith.extui %lt3A_580 : i1 to i32
      %cond3A_582 = arith.constant 0 : i32
      %cond3A_583 = arith.cmpi ne, %convert_element_type3A_581, %cond3A_582 : i32
      scf.if %cond3A_583 {
        %add3A_585 = arith.constant 2 : i32
        %add3A_586 = arith.addi %add3A_537, %add3A_585 : i32
        %mul3A_587 = arith.constant 40 : i32
        %mul3A_588 = arith.muli %add3A_586, %mul3A_587 : i32
        %add3A_589 = arith.addi %mul3A_309, %mul3A_588 : i32
        %dma_start3A_590 = arith.constant 0 : i32
        %dma_start3A_591 = tpu.memref_slice %arg15[%scan3A_462, %dma_start3A_590] : memref<5x40xi32, #tpu.memory_space<vmem>> -> memref<1x40xi32, #tpu.memory_space<vmem>>
        %dma_start3A_592 = tpu.memref_squeeze %dma_start3A_591 : memref<1x40xi32, #tpu.memory_space<vmem>> -> memref<40xi32, #tpu.memory_space<vmem>>
        %dma_start3A_593 = tpu.memref_slice %arg11[%add3A_589] : memref<64000xi32, #tpu.memory_space<hbm>> -> memref<40xi32, #tpu.memory_space<hbm>>
        %dma_start3A_594 = arith.constant 0 : i32
        %dma_start3A_595 = tpu.memref_slice %arg15[%scan3A_462, %dma_start3A_594] : memref<5x40xi32, #tpu.memory_space<vmem>> -> memref<1x40xi32, #tpu.memory_space<vmem>>
        %dma_start3A_596 = tpu.memref_squeeze %dma_start3A_595 : memref<1x40xi32, #tpu.memory_space<vmem>> -> memref<40xi32, #tpu.memory_space<vmem>>
        %dma_start3A_597 = tpu.memref_slice %arg11[%add3A_589] : memref<64000xi32, #tpu.memory_space<hbm>> -> memref<40xi32, #tpu.memory_space<hbm>>
        tpu.enqueue_dma source(%dma_start3A_597 : memref<40xi32, #tpu.memory_space<hbm>>) target(%dma_start3A_596 : memref<40xi32, #tpu.memory_space<vmem>>) target_semaphore(%arg34 : memref<!tpu.dma_semaphore, #tpu.memory_space<semaphore_mem>>)
        %dma_start3A_598 = arith.constant 0 : i32
        %dma_start3A_599 = tpu.memref_slice %arg15[%scan3A_463, %dma_start3A_598] : memref<5x40xi32, #tpu.memory_space<vmem>> -> memref<1x40xi32, #tpu.memory_space<vmem>>
        %dma_start3A_600 = tpu.memref_squeeze %dma_start3A_599 : memref<1x40xi32, #tpu.memory_space<vmem>> -> memref<40xi32, #tpu.memory_space<vmem>>
        %dma_start3A_601 = tpu.memref_slice %arg9[%add3A_589] : memref<64000xi32, #tpu.memory_space<hbm>> -> memref<40xi32, #tpu.memory_space<hbm>>
        %dma_start3A_602 = arith.constant 0 : i32
        %dma_start3A_603 = tpu.memref_slice %arg15[%scan3A_463, %dma_start3A_602] : memref<5x40xi32, #tpu.memory_space<vmem>> -> memref<1x40xi32, #tpu.memory_space<vmem>>
        %dma_start3A_604 = tpu.memref_squeeze %dma_start3A_603 : memref<1x40xi32, #tpu.memory_space<vmem>> -> memref<40xi32, #tpu.memory_space<vmem>>
        %dma_start3A_605 = tpu.memref_slice %arg9[%add3A_589] : memref<64000xi32, #tpu.memory_space<hbm>> -> memref<40xi32, #tpu.memory_space<hbm>>
        tpu.enqueue_dma source(%dma_start3A_605 : memref<40xi32, #tpu.memory_space<hbm>>) target(%dma_start3A_604 : memref<40xi32, #tpu.memory_space<vmem>>) target_semaphore(%arg34 : memref<!tpu.dma_semaphore, #tpu.memory_space<semaphore_mem>>)
        %dma_start3A_606 = arith.constant 0 : i32
        %dma_start3A_607 = tpu.memref_slice %arg15[%scan3A_464, %dma_start3A_606] : memref<5x40xi32, #tpu.memory_space<vmem>> -> memref<1x40xi32, #tpu.memory_space<vmem>>
        %dma_start3A_608 = tpu.memref_squeeze %dma_start3A_607 : memref<1x40xi32, #tpu.memory_space<vmem>> -> memref<40xi32, #tpu.memory_space<vmem>>
        %dma_start3A_609 = tpu.memref_slice %arg10[%add3A_589] : memref<64000xi32, #tpu.memory_space<hbm>> -> memref<40xi32, #tpu.memory_space<hbm>>
        %dma_start3A_610 = arith.constant 0 : i32
        %dma_start3A_611 = tpu.memref_slice %arg15[%scan3A_464, %dma_start3A_610] : memref<5x40xi32, #tpu.memory_space<vmem>> -> memref<1x40xi32, #tpu.memory_space<vmem>>
        %dma_start3A_612 = tpu.memref_squeeze %dma_start3A_611 : memref<1x40xi32, #tpu.memory_space<vmem>> -> memref<40xi32, #tpu.memory_space<vmem>>
        %dma_start3A_613 = tpu.memref_slice %arg10[%add3A_589] : memref<64000xi32, #tpu.memory_space<hbm>> -> memref<40xi32, #tpu.memory_space<hbm>>
        tpu.enqueue_dma source(%dma_start3A_613 : memref<40xi32, #tpu.memory_space<hbm>>) target(%dma_start3A_612 : memref<40xi32, #tpu.memory_space<vmem>>) target_semaphore(%arg34 : memref<!tpu.dma_semaphore, #tpu.memory_space<semaphore_mem>>)
      } else {
      }
      %scan3A_584 = arith.constant 0 : i32
      scf.yield %scan3A_584 : i32
    }
    %scan3A_478 = arith.constant 25 : i32
    %barrier3A_479 = arith.constant 0 : index
    tpu.barrier barrier_id(%barrier3A_479)
    %scan3A_480 = arith.constant 0 : i32
    %scan3A_481 = arith.constant 0 : i32
    %scan3A_482 = arith.constant 16 : i32
    %scan3A_483 = arith.addi %scan3A_481, %scan3A_482 : i32
    %scan3A_484 = arith.constant 1 : i32
    %scan3A_485 = scf.for %scan3A_487 = %scan3A_481 to %scan3A_483 step %scan3A_484 iter_args(%scan3A_488 = %scan3A_480) -> (i32)  : i32 {
      %mul3A_489 = arith.constant 40 : i32
      %mul3A_490 = arith.muli %scan3A_487, %mul3A_489 : i32
      %add3A_491 = arith.addi %mul3A_9, %mul3A_490 : i32
      "tpu.region"() ({
        %run_scoped3A_500 = tpu.sem_alloc : memref<!tpu.dma_semaphore, #tpu.memory_space<semaphore_mem>>
        %dma_start3A_501 = arith.constant 0 : i32
        %dma_start3A_502 = tpu.memref_slice %arg26[%add3A_491, %dma_start3A_501] : memref<10240x128xf32, #tpu.memory_space<vmem_shared>> -> memref<40x128xf32, #tpu.memory_space<vmem_shared>>
        %dma_start3A_503 = arith.constant 0 : i32
        %dma_start3A_504 = tpu.memref_slice %arg26[%add3A_491, %dma_start3A_503] : memref<10240x128xf32, #tpu.memory_space<vmem_shared>> -> memref<40x128xf32, #tpu.memory_space<vmem_shared>>
        tpu.enqueue_dma source(%dma_start3A_504 : memref<40x128xf32, #tpu.memory_space<vmem_shared>>) target(%arg17 : memref<40x128xf32, #tpu.memory_space<vmem>>) target_semaphore(%run_scoped3A_500 : memref<!tpu.dma_semaphore, #tpu.memory_space<semaphore_mem>>)
        %dma_wait3A_505 = arith.constant 0 : i32
        %dma_wait3A_506 = tpu.memref_slice %arg26[%add3A_491, %dma_wait3A_505] : memref<10240x128xf32, #tpu.memory_space<vmem_shared>> -> memref<40x128xf32, #tpu.memory_space<vmem_shared>>
        %dma_wait3A_507 = arith.constant 0 : i32
        %dma_wait3A_508 = tpu.memref_slice %arg26[%add3A_491, %dma_wait3A_507] : memref<10240x128xf32, #tpu.memory_space<vmem_shared>> -> memref<40x128xf32, #tpu.memory_space<vmem_shared>>
        tpu.wait_dma2 semaphore(%run_scoped3A_500 : memref<!tpu.dma_semaphore, #tpu.memory_space<semaphore_mem>>) src(%dma_wait3A_508 : memref<40x128xf32, #tpu.memory_space<vmem_shared>>) dst(%arg17 : memref<40x128xf32, #tpu.memory_space<vmem>>)
        tpu.yield
      }) : () -> ()
      %eq3A = arith.constant 0 : i32
      %eq3A_492 = arith.cmpi eq, %arg0, %eq3A : i32
      %convert_element_type3A = arith.extui %eq3A_492 : i1 to i32
      %cond3A = arith.constant 0 : i32
      %cond3A_493 = arith.cmpi ne, %convert_element_type3A, %cond3A : i32
      scf.if %cond3A_493 {
        "tpu.region"() ({
          %run_scoped3A_500 = tpu.sem_alloc : memref<!tpu.dma_semaphore, #tpu.memory_space<semaphore_mem>>
          %dma_start3A_501 = arith.constant 0 : i32
          %dma_start3A_502 = tpu.memref_slice %arg12[%add3A_491, %dma_start3A_501] : memref<10240x128xf32, #tpu.memory_space<hbm>> -> memref<40x128xf32, #tpu.memory_space<hbm>>
          %dma_start3A_503 = arith.constant 0 : i32
          %dma_start3A_504 = tpu.memref_slice %arg12[%add3A_491, %dma_start3A_503] : memref<10240x128xf32, #tpu.memory_space<hbm>> -> memref<40x128xf32, #tpu.memory_space<hbm>>
          tpu.enqueue_dma source(%arg17 : memref<40x128xf32, #tpu.memory_space<vmem>>) target(%dma_start3A_504 : memref<40x128xf32, #tpu.memory_space<hbm>>) target_semaphore(%run_scoped3A_500 : memref<!tpu.dma_semaphore, #tpu.memory_space<semaphore_mem>>)
          %dma_wait3A_505 = arith.constant 0 : i32
          %dma_wait3A_506 = tpu.memref_slice %arg12[%add3A_491, %dma_wait3A_505] : memref<10240x128xf32, #tpu.memory_space<hbm>> -> memref<40x128xf32, #tpu.memory_space<hbm>>
          %dma_wait3A_507 = arith.constant 0 : i32
          %dma_wait3A_508 = tpu.memref_slice %arg12[%add3A_491, %dma_wait3A_507] : memref<10240x128xf32, #tpu.memory_space<hbm>> -> memref<40x128xf32, #tpu.memory_space<hbm>>
          tpu.wait_dma2 semaphore(%run_scoped3A_500 : memref<!tpu.dma_semaphore, #tpu.memory_space<semaphore_mem>>) src(%arg17 : memref<40x128xf32, #tpu.memory_space<vmem>>) dst(%dma_wait3A_508 : memref<40x128xf32, #tpu.memory_space<hbm>>)
          tpu.yield
        }) : () -> ()
      } else {
      }
      %eq3A_494 = arith.constant 1 : i32
      %eq3A_495 = arith.cmpi eq, %arg0, %eq3A_494 : i32
      %convert_element_type3A_496 = arith.extui %eq3A_495 : i1 to i32
      %cond3A_497 = arith.constant 0 : i32
      %cond3A_498 = arith.cmpi ne, %convert_element_type3A_496, %cond3A_497 : i32
      scf.if %cond3A_498 {
        "tpu.region"() ({
          %run_scoped3A_500 = tpu.sem_alloc : memref<!tpu.dma_semaphore, #tpu.memory_space<semaphore_mem>>
          %dma_start3A_501 = arith.constant 0 : i32
          %dma_start3A_502 = tpu.memref_slice %arg13[%add3A_491, %dma_start3A_501] : memref<10240x128xf32, #tpu.memory_space<hbm>> -> memref<40x128xf32, #tpu.memory_space<hbm>>
          %dma_start3A_503 = arith.constant 0 : i32
          %dma_start3A_504 = tpu.memref_slice %arg13[%add3A_491, %dma_start3A_503] : memref<10240x128xf32, #tpu.memory_space<hbm>> -> memref<40x128xf32, #tpu.memory_space<hbm>>
          tpu.enqueue_dma source(%arg17 : memref<40x128xf32, #tpu.memory_space<vmem>>) target(%dma_start3A_504 : memref<40x128xf32, #tpu.memory_space<hbm>>) target_semaphore(%run_scoped3A_500 : memref<!tpu.dma_semaphore, #tpu.memory_space<semaphore_mem>>)
          %dma_wait3A_505 = arith.constant 0 : i32
          %dma_wait3A_506 = tpu.memref_slice %arg13[%add3A_491, %dma_wait3A_505] : memref<10240x128xf32, #tpu.memory_space<hbm>> -> memref<40x128xf32, #tpu.memory_space<hbm>>
          %dma_wait3A_507 = arith.constant 0 : i32
          %dma_wait3A_508 = tpu.memref_slice %arg13[%add3A_491, %dma_wait3A_507] : memref<10240x128xf32, #tpu.memory_space<hbm>> -> memref<40x128xf32, #tpu.memory_space<hbm>>
          tpu.wait_dma2 semaphore(%run_scoped3A_500 : memref<!tpu.dma_semaphore, #tpu.memory_space<semaphore_mem>>) src(%arg17 : memref<40x128xf32, #tpu.memory_space<vmem>>) dst(%dma_wait3A_508 : memref<40x128xf32, #tpu.memory_space<hbm>>)
          tpu.yield
        }) : () -> ()
      } else {
      }
      %scan3A_499 = arith.constant 0 : i32
      scf.yield %scan3A_499 : i32
    }
    %scan3A_486 = arith.constant 16 : i32
    return
  }
}

module attributes {stable_mosaic.version = 14 : i64} {
  func.func @_tc_time_body(%arg0: memref<368x1xf32, #tpu.memory_space<vmem>>, %arg1: memref<4096x1xf32, #tpu.memory_space<vmem>>, %arg2: memref<1x128xf32, #tpu.memory_space<vmem>>, %arg3: memref<1x128xf32, #tpu.memory_space<vmem>>, %arg4: memref<368x128xf32, #tpu.memory_space<vmem>>, %arg5: memref<4096x128xf32, #tpu.memory_space<vmem>>) attributes {dimension_semantics = [], scalar_prefetch = 0 : i64, scratch_operands = 0 : i64, tpu.core_type = #tpu.core_type<tc>} {
    %get3A = arith.constant 0 : index
    %get3A_0 = arith.constant 0 : index
    %get3A_1 = vector.load %arg0[%get3A, %get3A_0] : memref<368x1xf32, #tpu.memory_space<vmem>>, vector<368x1xf32>
    %get3A_2 = arith.constant 0 : index
    %get3A_3 = arith.constant 0 : index
    %get3A_4 = vector.load %arg2[%get3A_2, %get3A_3] : memref<1x128xf32, #tpu.memory_space<vmem>>, vector<1x128xf32>
    %mul3A = vector.broadcast %get3A_1 : vector<368x1xf32> to vector<368x128xf32>
    %mul3A_5 = vector.broadcast %get3A_4 : vector<1x128xf32> to vector<368x128xf32>
    %mul3A_6 = arith.mulf %mul3A, %mul3A_5 : vector<368x128xf32>
    %get3A_7 = arith.constant 0 : index
    %get3A_8 = arith.constant 0 : index
    %get3A_9 = vector.load %arg3[%get3A_7, %get3A_8] : memref<1x128xf32, #tpu.memory_space<vmem>>, vector<1x128xf32>
    %add3A = vector.broadcast %get3A_9 : vector<1x128xf32> to vector<368x128xf32>
    %add3A_10 = arith.addf %mul3A_6, %add3A : vector<368x128xf32>
    %cos3A = math.cos %add3A_10 : vector<368x128xf32>
    %swap3A = arith.constant 0 : index
    %swap3A_11 = arith.constant 0 : index
    %swap3A_12 = vector.load %arg4[%swap3A, %swap3A_11] : memref<368x128xf32, #tpu.memory_space<vmem>>, vector<368x128xf32>
    tpu.vector_store %arg4[%swap3A, %swap3A_11], %cos3A {strides = array<i32>} : memref<368x128xf32, #tpu.memory_space<vmem>>, vector<368x128xf32>,
    %get3A_13 = arith.constant 0 : index
    %get3A_14 = arith.constant 0 : index
    %get3A_15 = vector.load %arg1[%get3A_13, %get3A_14] : memref<4096x1xf32, #tpu.memory_space<vmem>>, vector<4096x1xf32>
    %get3A_16 = arith.constant 0 : index
    %get3A_17 = arith.constant 0 : index
    %get3A_18 = vector.load %arg2[%get3A_16, %get3A_17] : memref<1x128xf32, #tpu.memory_space<vmem>>, vector<1x128xf32>
    %mul3A_19 = vector.broadcast %get3A_15 : vector<4096x1xf32> to vector<4096x128xf32>
    %mul3A_20 = vector.broadcast %get3A_18 : vector<1x128xf32> to vector<4096x128xf32>
    %mul3A_21 = arith.mulf %mul3A_19, %mul3A_20 : vector<4096x128xf32>
    %get3A_22 = arith.constant 0 : index
    %get3A_23 = arith.constant 0 : index
    %get3A_24 = vector.load %arg3[%get3A_22, %get3A_23] : memref<1x128xf32, #tpu.memory_space<vmem>>, vector<1x128xf32>
    %add3A_25 = vector.broadcast %get3A_24 : vector<1x128xf32> to vector<4096x128xf32>
    %add3A_26 = arith.addf %mul3A_21, %add3A_25 : vector<4096x128xf32>
    %cos3A_27 = math.cos %add3A_26 : vector<4096x128xf32>
    %swap3A_28 = arith.constant 0 : index
    %swap3A_29 = arith.constant 0 : index
    %swap3A_30 = vector.load %arg5[%swap3A_28, %swap3A_29] : memref<4096x128xf32, #tpu.memory_space<vmem>>, vector<4096x128xf32>
    tpu.vector_store %arg5[%swap3A_28, %swap3A_29], %cos3A_27 {strides = array<i32>} : memref<4096x128xf32, #tpu.memory_space<vmem>>, vector<4096x128xf32>,
    return
  }
}

module attributes {stable_mosaic.version = 14 : i64} {
  func.func @_tc_x_body(%arg0: i32, %arg1: memref<1024x128xf32, #tpu.memory_space<vmem>>, %arg2: memref<1024x128xf32, #tpu.memory_space<vmem>>, %arg3: memref<128x128xf32, #tpu.memory_space<vmem>>, %arg4: memref<1024x128xf32, #tpu.memory_space<vmem>>) attributes {dimension_semantics = [#tpu.dimension_semantics<arbitrary>], iteration_bounds = array<i64: 10>, scalar_prefetch = 0 : i64, scratch_operands = 0 : i64, tpu.core_type = #tpu.core_type<tc>, window_params = [{transform_indices = @transform_0, window_bounds = array<i64: 1024, 128>}, {transform_indices = @transform_1, window_bounds = array<i64: 1024, 128>}, {pipeline_mode = #tpu.pipeline_mode<synchronous>, transform_indices = @transform_2, window_bounds = array<i64: 128, 128>}, {transform_indices = @transform_3, window_bounds = array<i64: 1024, 128>}]} {
    %get3A = arith.constant 0 : index
    %get3A_0 = arith.constant 0 : index
    %get3A_1 = vector.load %arg1[%get3A, %get3A_0] : memref<1024x128xf32, #tpu.memory_space<vmem>>, vector<1024x128xf32>
    %get3A_2 = arith.constant 0 : index
    %get3A_3 = arith.constant 0 : index
    %get3A_4 = vector.load %arg2[%get3A_2, %get3A_3] : memref<1024x128xf32, #tpu.memory_space<vmem>>, vector<1024x128xf32>
    %add3A = arith.addf %get3A_1, %get3A_4 : vector<1024x128xf32>
    %get3A_5 = arith.constant 0 : index
    %get3A_6 = arith.constant 0 : index
    %get3A_7 = vector.load %arg3[%get3A_5, %get3A_6] : memref<128x128xf32, #tpu.memory_space<vmem>>, vector<128x128xf32>
    %dot_general3A = arith.constant dense<0.000000e+00> : vector<1024x128xf32>
    %dot_general3A_8 = tpu.matmul %add3A, %get3A_7, %dot_general3A {dimension_numbers = #tpu.dot_dimension_numbers<[1], [0], [0], [1], [0, 0, 1, 1], [], []>, transpose_lhs_hint = false} : vector<1024x128xf32>, vector<128x128xf32>, vector<1024x128xf32> -> vector<1024x128xf32>
    %tanh3A = math.tanh %dot_general3A_8 : vector<1024x128xf32>
    %swap3A = arith.constant 0 : index
    %swap3A_9 = arith.constant 0 : index
    %swap3A_10 = vector.load %arg4[%swap3A, %swap3A_9] : memref<1024x128xf32, #tpu.memory_space<vmem>>, vector<1024x128xf32>
    tpu.vector_store %arg4[%swap3A, %swap3A_9], %tanh3A {strides = array<i32>} : memref<1024x128xf32, #tpu.memory_space<vmem>>, vector<1024x128xf32>,
    return
  }
  func.func @transform_0(%arg0: i32) -> (i32, i32) {
    %c0_i32 = arith.constant 0 : i32
    %c0_i32_0 = arith.constant 0 : i32
    return %arg0, %c0_i32 : i32, i32
  }
  func.func @transform_1(%arg0: i32) -> (i32, i32) {
    %c0_i32 = arith.constant 0 : i32
    %c0_i32_0 = arith.constant 0 : i32
    return %arg0, %c0_i32 : i32, i32
  }
  func.func @transform_2(%arg0: i32) -> (i32, i32) {
    %c0_i32 = arith.constant 0 : i32
    %c0_i32_0 = arith.constant 0 : i32
    %c0_i32_1 = arith.constant 0 : i32
    return %c0_i32, %c0_i32_0 : i32, i32
  }
  func.func @transform_3(%arg0: i32) -> (i32, i32) {
    %c0_i32 = arith.constant 0 : i32
    %c0_i32_0 = arith.constant 0 : i32
    return %arg0, %c0_i32 : i32, i32
  }
}

module attributes {stable_mosaic.version = 14 : i64} {
  func.func @_tc_q_body(%arg0: memref<4096x128xf32, #tpu.memory_space<vmem>>, %arg1: memref<4096x128xf32, #tpu.memory_space<vmem>>, %arg2: memref<4096x128xf32, #tpu.memory_space<vmem>>, %arg3: memref<128x128xf32, #tpu.memory_space<vmem>>, %arg4: memref<128x128xf32, #tpu.memory_space<vmem>>, %arg5: memref<128x128xf32, #tpu.memory_space<vmem>>, %arg6: memref<1x128xf32, #tpu.memory_space<vmem>>, %arg7: memref<128x128xf32, #tpu.memory_space<vmem>>, %arg8: memref<4096x128xf32, #tpu.memory_space<vmem>>, %arg9: memref<4096x128xf32, #tpu.memory_space<vmem>>) attributes {dimension_semantics = [], scalar_prefetch = 0 : i64, scratch_operands = 0 : i64, tpu.core_type = #tpu.core_type<tc>} {
    %get3A = arith.constant 0 : index
    %get3A_0 = arith.constant 0 : index
    %get3A_1 = vector.load %arg0[%get3A, %get3A_0] : memref<4096x128xf32, #tpu.memory_space<vmem>>, vector<4096x128xf32>
    %get3A_2 = arith.constant 0 : index
    %get3A_3 = arith.constant 0 : index
    %get3A_4 = vector.load %arg3[%get3A_2, %get3A_3] : memref<128x128xf32, #tpu.memory_space<vmem>>, vector<128x128xf32>
    %dot_general3A = arith.constant dense<0.000000e+00> : vector<4096x128xf32>
    %dot_general3A_5 = tpu.matmul %get3A_1, %get3A_4, %dot_general3A {dimension_numbers = #tpu.dot_dimension_numbers<[1], [0], [0], [1], [0, 0, 1, 1], [], []>, transpose_lhs_hint = false} : vector<4096x128xf32>, vector<128x128xf32>, vector<4096x128xf32> -> vector<4096x128xf32>
    %tanh3A = math.tanh %dot_general3A_5 : vector<4096x128xf32>
    %get3A_6 = arith.constant 0 : index
    %get3A_7 = arith.constant 0 : index
    %get3A_8 = vector.load %arg4[%get3A_6, %get3A_7] : memref<128x128xf32, #tpu.memory_space<vmem>>, vector<128x128xf32>
    %dot_general3A_9 = arith.constant dense<0.000000e+00> : vector<4096x128xf32>
    %dot_general3A_10 = tpu.matmul %tanh3A, %get3A_8, %dot_general3A_9 {dimension_numbers = #tpu.dot_dimension_numbers<[1], [0], [0], [1], [0, 0, 1, 1], [], []>, transpose_lhs_hint = false} : vector<4096x128xf32>, vector<128x128xf32>, vector<4096x128xf32> -> vector<4096x128xf32>
    %get3A_11 = arith.constant 0 : index
    %get3A_12 = arith.constant 0 : index
    %get3A_13 = vector.load %arg1[%get3A_11, %get3A_12] : memref<4096x128xf32, #tpu.memory_space<vmem>>, vector<4096x128xf32>
    %get3A_14 = arith.constant 0 : index
    %get3A_15 = arith.constant 0 : index
    %get3A_16 = vector.load %arg5[%get3A_14, %get3A_15] : memref<128x128xf32, #tpu.memory_space<vmem>>, vector<128x128xf32>
    %dot_general3A_17 = arith.constant dense<0.000000e+00> : vector<4096x128xf32>
    %dot_general3A_18 = tpu.matmul %get3A_13, %get3A_16, %dot_general3A_17 {dimension_numbers = #tpu.dot_dimension_numbers<[1], [0], [0], [1], [0, 0, 1, 1], [], []>, transpose_lhs_hint = false} : vector<4096x128xf32>, vector<128x128xf32>, vector<4096x128xf32> -> vector<4096x128xf32>
    %add3A = arith.addf %dot_general3A_10, %dot_general3A_18 : vector<4096x128xf32>
    %get3A_19 = arith.constant 0 : index
    %get3A_20 = arith.constant 0 : index
    %get3A_21 = vector.load %arg6[%get3A_19, %get3A_20] : memref<1x128xf32, #tpu.memory_space<vmem>>, vector<1x128xf32>
    %add3A_22 = vector.broadcast %get3A_21 : vector<1x128xf32> to vector<4096x128xf32>
    %add3A_23 = arith.addf %add3A, %add3A_22 : vector<4096x128xf32>
    %swap3A = arith.constant 0 : index
    %swap3A_24 = arith.constant 0 : index
    %swap3A_25 = vector.load %arg8[%swap3A, %swap3A_24] : memref<4096x128xf32, #tpu.memory_space<vmem>>, vector<4096x128xf32>
    tpu.vector_store %arg8[%swap3A, %swap3A_24], %add3A_23 {strides = array<i32>} : memref<4096x128xf32, #tpu.memory_space<vmem>>, vector<4096x128xf32>,
    %get3A_26 = arith.constant 0 : index
    %get3A_27 = arith.constant 0 : index
    %get3A_28 = vector.load %arg2[%get3A_26, %get3A_27] : memref<4096x128xf32, #tpu.memory_space<vmem>>, vector<4096x128xf32>
    %get3A_29 = arith.constant 0 : index
    %get3A_30 = arith.constant 0 : index
    %get3A_31 = vector.load %arg7[%get3A_29, %get3A_30] : memref<128x128xf32, #tpu.memory_space<vmem>>, vector<128x128xf32>
    %dot_general3A_32 = arith.constant dense<0.000000e+00> : vector<4096x128xf32>
    %dot_general3A_33 = tpu.matmul %get3A_28, %get3A_31, %dot_general3A_32 {dimension_numbers = #tpu.dot_dimension_numbers<[1], [0], [0], [1], [0, 0, 1, 1], [], []>, transpose_lhs_hint = false} : vector<4096x128xf32>, vector<128x128xf32>, vector<4096x128xf32> -> vector<4096x128xf32>
    %swap3A_34 = arith.constant 0 : index
    %swap3A_35 = arith.constant 0 : index
    %swap3A_36 = vector.load %arg9[%swap3A_34, %swap3A_35] : memref<4096x128xf32, #tpu.memory_space<vmem>>, vector<4096x128xf32>
    tpu.vector_store %arg9[%swap3A_34, %swap3A_35], %dot_general3A_33 {strides = array<i32>} : memref<4096x128xf32, #tpu.memory_space<vmem>>, vector<4096x128xf32>,
    return
  }
}

</mosaic_0001>

<sc_bundles>
// kernel: kernel.10.cloned.1.call-start
scs
__scs_entry_jumppad:
0x0: {  	(pc) =	sbr.rel $0x88, $3  }
0x1: {  	(tag) =	ssettag $0x0;
	lr =	simm.s32 $0x1  }
0x2: {  	[smem:$0x3F92] =	sst lr;
	_ =	strace $0xD0000000  }
0x3: {  	_ = 	snop  }
0x4: {  	_ = 	snop  }
0x5: {  	_ = 	snop  }
0x6: {  	_ = 	snop  }
0x7: {  	_ = 	snop  }
__scs_overlays_trampoline_lowered:
0x8: {  	[smem:$0x3FA1] =	sst s0  }
0x9: {  	[smem:$0x3FA2] =	sst s1  }
0xa: {  	[smem:$0x3FA3] =	sst s2  }
0xb: {  	[smem:$0x3FA4] =	sst s3  }
0xc: {  	[smem:$0x3FA5] =	sst s4  }
0xd: {  	[smem:$0x3FA6] =	sst s5  }
0xe: {  	[smem:$0x3FA7] =	sst s6  }
0xf: {  	[smem:$0x3FA8] =	sst s7  }
0x10: {  	[smem:$0x3FA9] =	sst s8  }
0x11: {  	[smem:$0x3FAA] =	sst s9;
	s0 =	simm.s32 @!p0 $0x0  }
0x12: {  	s1 =	sld [smem:$0x3F90];
	s0 =	simm.s32 @p0 $0x1  }
0x13: {  	[smem:$0x3FAB] =	sst s0;
	s0 =	simm.s32 @!p1 $0x0  }
0x14: {  	s2 =	sld [smem:$0x3F8F];
	s0 =	simm.s32 @p1 $0x1  }
0x15: {  	[smem:$0x3FAC] =	sst s0;
	s0 =	simm.s32 @!p2 $0x0  }
0x16: {  	s3 =	sld [smem:$0x3FDB];
	s0 =	simm.s32 @p2 $0x1  }
0x17: {  	s4 =	simm.s32 $0x1BF5;
	[smem:$0x3FAE] =	sst s0  }
0x18: {  	s0 =	sld [smem:$0x3F91];
	_ =	swait.ge [sflag:s4], $0x0  }
0x19: {  	s7 =	sld [smem:$0x3F92]  }
0x1a: {  	s8 =	sadd.s32 $0xFFFFE003, lr  }
0x1b: {  	s9 =	sadd.s32 $0xFFFFFEF7, lr;
	s5 =	simm.s32 $0xFFFFFFFF;
	p2 =	slt.u32 s8, $0xFFFFF086  }
0x1c: {  	p1 =	slt.u32 s9, $0xF7A;
	s5 =	simm.s32 @!p2 $0x0  }
0x1d: {  	s5 =	simm.s32 @p1 $0x1;
	p0 =	seq.s32 s7, s2  }
0x1e: {  	s7 =	smul.u32 @!p0 $0xF7A, s2;
	p2 =	seq.s32 @!p0 s5, $0x0  }
0x1f: {  	s9 =	smul.u32 $0xF7A, s1;
	s8 =	simm.s32 @!p0 $0x1BF5;
	p2 =	por !p2, p0  }
0x20: {  	[sflag:s8] =	ssyncset.s32 @!p0 $0xFFFFF086;
	s6 =	sadd.s32 @!p0 s3, s7;
	s7 =	simm.s32 @!p0 $0x108  }
0x21: {  	s3 =	sadd.s32 s3, s9;
	s6 =	sadd.s32 @!p0 $0x88, s6;
	s7 =	simm.s32 @p2 $0x1082  }
0x22: {  	[simem:s7], [sflag:s8] =	dma.local @!p0 [hbm:s6], $0xF7A  }
0x23: {  	s9 =	sor.u32 $0xD0000000, s2;
	s6 =	simm.s32 $0x108;
	_ =	swait.ge @!p0 [sflag:s8], $0x0  }
0x24: {  	s3 =	sadd.s32 $0x88, s3;
	s6 =	simm.s32 @!p1 $0x1082;
	[sflag:s4] =	ssyncset.s32 $0xFFFFF086  }
0x25: {  	[simem:s6], [sflag:s4] =	dma.local [hbm:s3], $0xF7A  }
0x26: {  	[smem:$0x3F92] =	sst s1;
	(tag) =	ssettag s2;
	_ =	strace s9  }
0x27: {  	s1 =	sld [smem:$0x3FA2]  }
0x28: {  	s2 =	sld [smem:$0x3FA3]  }
0x29: {  	s4 =	sld [smem:$0x3FA5]  }
0x2a: {  	p0 =	seq.s32 s5, $0x0;
	s5 =	sld [smem:$0x3FA6]  }
0x2b: {  	s6 =	sld [smem:$0x3FA7]  }
0x2c: {  	s7 =	sld [smem:$0x3FA8]  }
0x2d: {  	s3 =	simm.s32 $0x108;
	s8 =	sld [smem:$0x3FA9]  }
0x2e: {  	s3 =	simm.s32 @!p0 $0x1082;
	s9 =	sld [smem:$0x3FAA]  }
0x2f: {  	lr =	sadd.s32 s0, s3;
	s0 =	sld [smem:$0x3FA1]  }
0x30: {  	s3 =	sld [smem:$0x3FA4]  }
0x31: {  	[smem:$0x3FAD] =	sst s10  }
0x32: {  	s10 =	sld [smem:$0x3FAB];
	_ =	sdelay $0x3  }
0x33: {  	p0 =	seq.s32 s10, $0x1;
	s10 =	sld [smem:$0x3FAD];
	_ =	sdelay $0x3  }
0x34: {  	[smem:$0x3FAD] =	sst s10  }
0x35: {  	s10 =	sld [smem:$0x3FAC];
	_ =	sdelay $0x3  }
0x36: {  	p1 =	seq.s32 s10, $0x1;
	s10 =	sld [smem:$0x3FAD];
	_ =	sdelay $0x3  }
0x37: {  	[smem:$0x3FAD] =	sst s10  }
0x38: {  	s10 =	sld [smem:$0x3FAE]  }
0x39: {  	_ = 	snop;
	(pc) =	sbr.ind lr, $3  }
0x3a: {  	_ = 	snop  }
0x3b: {  	_ = 	snop  }
0x3c: {  	p2 =	seq.s32 s10, $0x1;
	s10 =	sld [smem:$0x3FAD]  }
0x3d: {  	_ =	shalt  }
0x3e: {  	_ =	shalt  }
0x3f: {  	_ =	shalt  }
0x40: {  	_ =	shalt  }
0x41: {  	_ =	shalt  }
0x42: {  	_ =	shalt  }
0x43: {  	_ =	shalt  }
0x44: {  	_ =	shalt  }
0x45: {  	_ =	shalt  }
0x46: {  	_ =	shalt  }
0x47: {  	_ =	shalt  }
0x48: {  	_ =	shalt  }
0x49: {  	_ =	shalt  }
0x4a: {  	_ =	shalt  }
0x4b: {  	_ =	shalt  }
0x4c: {  	_ =	shalt  }
0x4d: {  	_ =	shalt  }
0x4e: {  	_ =	shalt  }
0x4f: {  	_ =	shalt  }
0x50: {  	_ =	shalt  }
0x51: {  	_ =	shalt  }
0x52: {  	_ =	shalt  }
0x53: {  	_ =	shalt  }
0x54: {  	_ =	shalt  }
0x55: {  	_ =	shalt  }
0x56: {  	_ =	shalt  }
0x57: {  	_ =	shalt  }
0x58: {  	_ =	shalt  }
0x59: {  	_ =	shalt  }
0x5a: {  	_ =	shalt  }
0x5b: {  	_ =	shalt  }
0x5c: {  	_ =	shalt  }
0x5d: {  	_ =	shalt  }
0x5e: {  	_ =	shalt  }
0x5f: {  	_ =	shalt  }
0x60: {  	_ =	shalt  }
0x61: {  	_ =	shalt  }
0x62: {  	_ =	shalt  }
0x63: {  	_ =	shalt  }
0x64: {  	_ =	shalt  }
0x65: {  	_ =	shalt  }
0x66: {  	_ =	shalt  }
0x67: {  	_ =	shalt  }
0x68: {  	_ =	shalt  }
0x69: {  	_ =	shalt  }
0x6a: {  	_ =	shalt  }
0x6b: {  	_ =	shalt  }
0x6c: {  	_ =	shalt  }
0x6d: {  	_ =	shalt  }
0x6e: {  	_ =	shalt  }
0x6f: {  	_ =	shalt  }
0x70: {  	_ =	shalt  }
0x71: {  	_ =	shalt  }
0x72: {  	_ =	shalt  }
0x73: {  	_ =	shalt  }
0x74: {  	_ =	shalt  }
0x75: {  	_ =	shalt  }
0x76: {  	_ =	shalt  }
0x77: {  	_ =	shalt  }
0x78: {  	_ =	shalt  }
0x79: {  	_ =	shalt  }
0x7a: {  	_ =	shalt  }
0x7b: {  	_ =	shalt  }
0x7c: {  	_ =	shalt  }
0x7d: {  	_ =	shalt  }
0x7e: {  	_ =	shalt  }
0x7f: {  	_ =	shalt  }
0x80: {  	_ =	shalt  }
0x81: {  	_ =	shalt  }
0x82: {  	_ =	shalt  }
0x83: {  	_ =	shalt  }
0x84: {  	_ =	shalt  }
0x85: {  	_ =	shalt  }
0x86: {  	_ =	shalt  }
0x87: {  	_ =	shalt  }
.Lfunc_end0:
.L_simem_size_0:
called_computation.1_lowered:
.L_overlay_start_0:
0x88: {  	s2 =	sld [smem:$0x3FD9]  }
0x89: {  	s3 =	sld [smem:$0x3FFE];
	_ =	sdelay $0x1  }
0x8a: {  	s1 =	srdreg.scid  }
0x8b: {  	s0 =	sand.u32 $0x1, s1  }
0x8c: {  	s14 =	sshll.u32 s0, $0xA;
	s2 =	sadd.s32 s3, s2  }
0x8d: {  	s2 =	sadd.s32 s2, s14  }
0x8e: {  	[smem:$0x3FB9] =	sst s2  }
0x8f: {  	_ = 	snop  }
0x90: {  	s2 =	sld [smem:$0x3FD0]  }
0x91: {  	s15 =	sld [smem:$0x3FC8]  }
0x92: {  	s4 =	sld [smem:$0x3FBD]  }
0x93: {  	s6 =	simm.s32 $0xA;
	s7 =	simm.s32 $0x10;
	s5 =	sld [smem:$0x3FBC]  }
0x94: {  	[smem:s7], [sflag:s6] =	dma.local [hbm:s2], $0x1  }
0x95: {  	_ =	swait.eq [sflag:s6], $0x1  }
0x96: {  	[sflag:s6] =	ssyncset.done $0x0  }
0x97: {  	s16 =	sld [smem:$0x10];
	[sflag:s6] =	ssyncadd.s32 $0xFFFFFFFF  }
0x98: {  	s17 =	sld [smem:$0x11];
	(tm) =	ssettm $0x1  }
0x99: {  	s18 =	sld [smem:$0x3FFB];
	_ =	sdelay $0x3  }
0x9a: {  	_ =	strace s18  }
0x9b: {  	s7 =	sld [smem:$0x3FFC];
	_ =	sdelay $0x3  }
0x9c: {  	_ =	strace s7  }
0x9d: {  	s7 =	sld [smem:$0x3FFD];
	_ =	sdelay $0x3  }
0x9e: {  	_ =	strace s7  }
0x9f: {  	_ =	strace $0x8FFFFFFF  }
0xa0: {  	s19 =	sld [smem:$0x3FDB];
	_ =	sdelay $0x1  }
0xa1: {  	s8 =	simm.s32 $_scs_section_size  }
0xa2: {  	s9 =	simm.s32 $_size__tile_overlayer_lowered;
	s10 =	simm.s32 $_tile_overlayer_lowered  }
0xa3: {  	s22 =	simm.s32 $0x1BFF;
	s21 =	sshll.u32 s10, $0x1;
	s7 =	sadd.s32 s8, s19  }
0xa4: {  	s11 =	simm.s32 $0x0;
	s20 =	sshll.u32 s9, $0x1;
	s9 =	sadd.s32 s21, s7  }
0xa5: {  	[timem:s11], [sflag:s22] =	dma.local [hbm:s9], s20  }
0xa6: {  	_ =	swait.ge [sflag:s22], s20  }
0xa7: {  	s8 =	ssub.s32 $0x0, s20;
	[sflag:s22] =	ssyncset.done $0x0  }
0xa8: {  	[sflag:s22] =	ssyncadd.s32 s8;
	_ =	sdelay $0x1  }
0xa9: {  	s23 =	simm.s32 $0x1B8B  }
0xaa: {  	_ =	swait.ge [sflag:s23], $0x1  }
0xab: {  	[sflag:s23] =	ssyncset.done $0x0  }
0xac: {  	s25 =	simm.s32 $0x1B8E;
	s24 =	sld [smem:$0x3FFE];
	[sflag:s23] =	ssyncadd.s32 $0xFFFFFFFF  }
0xad: {  	s26 =	simm.s32 $execute0_lowered;
	[smem:$0x3FD2] =	sst s25  }
0xae: {  	s9 =	sshll.u32 s26, $0x1;
	_ =	strace $0x80000049;
	[dreg:$0x1] =	wrdreg $0xFFFFFFFF  }
0xaf: {  	s28 =	simm.s32 $_size_execute0_lowered;
	s7 =	sadd.s32 s7, s9;
	[dreg:$0x0] =	wrdreg $0x0  }
0xb0: {  	s9 =	sshll.u32 s28, $0x1;
	[dreg:$0x2] =	wrdreg s7  }
0xb1: {  	[dreg:$0x3] =	wrdreg s9  }
0xb2: {  	[dreg:$0x4] =	wrdreg $0xC0  }
0xb3: {  	_ =	task [dreg:s11], $0x5FFFF  }
0xb4: {  	[dreg:$0x1] =	wrdreg $0xFFFFFFFF  }
0xb5: {  	[dreg:$0x0] =	wrdreg $0x60  }
0xb6: {  	[dreg:$0x2] =	wrdreg s24  }
0xb7: {  	[dreg:$0x3] =	wrdreg s15  }
0xb8: {  	[dreg:$0x4] =	wrdreg s4  }
0xb9: {  	[dreg:$0x5] =	wrdreg s5  }
0xba: {  	[dreg:$0x6] =	wrdreg s17  }
0xbb: {  	[dreg:$0x7] =	wrdreg s16  }
0xbc: {  	[dreg:$0x8] =	wrdreg $0x9  }
0xbd: {  	_ =	task.clear_ibuf [dreg:s11], $0x9FFFF;
	_ =	strace $0x90000049  }
0xbe: {  	s29 =	simm.s32 $0x9;
	_ =	strace $0x8000004B  }
0xbf: {  	_ =	swait.ge [sflag:s29], $0x1  }
0xc0: {  	[sflag:s29] =	ssyncadd.s32 $0xFFFFFFFF  }
0xc1: {  	_ =	strace $0x9000004B  }
0xc2: {  	_ =	sfence  }
0xc3: {  	s30 =	sld [smem:$0x0];
	_ =	sdelay $0x2  }
0xc4: {  	s31 =	sshll.u32 s1, $0xD;
	s1 =	sshrl.u32 s1, $0x2  }
0xc5: {  	s3 =	sand.u32 $0x4000, s31;
	s1 =	sadd.s32 s1, s30  }
0xc6: {  	s0 =	sor.u32 s3, s0;
	s1 =	sshll.u32 s1, $0x11  }
0xc7: {  	s0 =	sor.u32 s1, s0  }
0xc8: {  	s0 =	sadd.s32 $0x8F2B, s0  }
0xc9: {  	[sflag:s0] =	ssyncadd.remote.s32 $0x1  }
0xca: {  	_ =	sfence.sel $0xFFFF  }
0xcb: {  	[dreg:$0x0] =	wrdreg $0xFFFFFFFF;
	(pc) =	sbr.abs _section_cstart, $3  }
0xcc: {  	[dreg:$0x1] =	wrdreg $0xFFFFFFFF  }
0xcd: {  	_ =	task.clear_ibuf [dreg:s11], $0x2FFFF;
	_ =	strace $0x9FFFFFFF  }
0xce: {  	(tm) =	ssettm $0x7FFFFFFF  }
0xcf: {  	_ =	shalt  }
tec
execute0_lowered:
.L_overlay_start_1:
0x0: {  	(tag) =	ssettag $0x1  }
0x1: {  	s9 =	rddreg [dreg:$0x0]  }
0x2: {  	s1 =	rddreg [dreg:$0x1]  }
0x3: {  	s2 =	rddreg [dreg:$0x2]  }
0x4: {  	s3 =	rddreg [dreg:$0x3]  }
0x5: {  	s4 =	rddreg [dreg:$0x4]  }
0x6: {  	s5 =	rddreg [dreg:$0x5]  }
0x7: {  	s0 =	rddreg [dreg:$0x6]  }
0x8: {  	s6 =	simm.s32 $0x0;
	s7 =	srdreg.scid;
	s13 =	simm.s32 $0x80  }
0x9: {  	s14 =	simm.s32 $0x40;
	s15 =	simm.s32 $0x100;
	s16 =	simm.s32 $0x2100  }
0xa: {  	s17 =	simm.s32 $0x1;
	s18 =	simm.s32 $0x2;
	s19 =	simm.s32 $0x4100  }
0xb: {  	s20 =	simm.s32 $0x0;
	[smem:$0x7FF] =	sst s6;
	s10 =	sand.u32 $0x1, s7  }
0xc: {  	s8 =	sadd.s32 $0x7000, s9;
	s7 =	stileid.u32;
	s11 =	ssub.s32 $0x2, s10  }
0xd: {  	s9 =	sadd.s32 $0x2F000, s9;
	_ =	strace $0x8000004A;
	s12 =	sshrl.u32 s11, $0x1  }
0xe: {  	s10 =	sshll.u32 s10, $0xB;
	s31 =	sshll.u32 s7, $0x7;
	s11 =	ssub.s32 s11, s12  }
0xf: {  	s10 =	sor.u32 s31, s10;
	s12 =	simm.s32 $0x3;
	s11 =	smax.u32 s11, $0x1  }
.LBB2_1:
0x10: {  	p1 =	por $0x1, $0x1;
	s21 =	simm.s32 $0x0  }
.LBB2_2:
0x11: {  	s21 =	sor.u32 s10, s21  }
0x12: {  	s22 =	sshrl.u32 s21, $0x3  }
0x13: {  	s24 =	simm.s32 $0x0;
	s23 =	sadd.s32 s2, s22  }
0x14: {  	[tilespmem:s24], [sflag:$0x3] =	stream.linear.gather [hbm4b:s23+s24], $0x40, $0x38;
	[tilespmem:$0x6100] =	vst v63  }
0x15: {  	_ =	swait.ge [sflag:s12], $0x40  }
0x16: {  	[sflag:s12] =	ssyncset.done $0x0  }
0x17: {  	s22 =	sadd.s32 s3, s22;
	[sflag:s12] =	ssyncadd.s32 $0xFFFFFFC0  }
0x18: {  	[tilespmem:s13], [sflag:$0x3] =	stream.linear.gather [hbm4b:s22+s24], $0x40, $0x38;
	[tilespmem:$0x6100] =	vst v63  }
0x19: {  	_ =	swait.ge [sflag:s12], $0x40  }
0x1a: {  	[sflag:s12] =	ssyncset.done $0x0  }
0x1b: {  	[sflag:s12] =	ssyncadd.s32 $0xFFFFFFC0  }
0x1c: {  	[tilespmem:s15], [sflag:$0x1] =	stream.indirect.gather [hbm4b:s8+s14], $0x80, s24, s14, $0xb8;
	[tilespmem:$0x6100] =	vst v63  }
0x1d: {  	_ = 	snop  }
0x1e: {  	[tilespmem:s16], [sflag:$0x2] =	stream.indirect.gather [hbm4b:s9+s14], $0x80, s24, s14, $0xb8;
	[tilespmem:$0x6100] =	vst v63  }
0x1f: {  	_ =	swait.ge [sflag:s17], $0x2000  }
0x20: {  	[sflag:s17] =	ssyncset.done $0x0  }
0x21: {  	[sflag:s17] =	ssyncadd.s32 $0xFFFFE000  }
0x22: {  	_ =	swait.ge [sflag:s18], $0x2000  }
0x23: {  	[sflag:s18] =	ssyncset.done $0x0  }
0x24: {  	s22 =	simm.s32 $0x0;
	[sflag:s18] =	ssyncadd.s32 $0xFFFFE000  }
0x25: {  	v0 =	vld [tilespmem:s22+$0x170]  }
0x26: {  	v1 =	vld [tilespmem:s22+$0x2170]  }
0x27: {  	v2 =	vld [tilespmem:s22+$0x100]  }
0x28: {  	v3 =	vld [tilespmem:s22+$0x2100]  }
0x29: {  	v4 =	vld [tilespmem:s22+$0x110]  }
0x2a: {  	v5 =	vld [tilespmem:s22+$0x2110]  }
0x2b: {  	v6 =	vld [tilespmem:s22+$0x120]  }
0x2c: {  	v7 =	vld [tilespmem:s22+$0x130]  }
0x2d: {  	v0 =	vadd.f32 v1, v0;
	v1 =	vld [tilespmem:s22+$0x2120]  }
0x2e: {  	v8 =	vld [tilespmem:s22+$0x2130]  }
0x2f: {  	v9 =	vld [tilespmem:s22+$0x2140];
	v2 =	vadd.f32 v3, v2  }
0x30: {  	[tilespmem:s22+$0x4170] =	vst v0;
	v0 =	vadd.f32 v5, v4;
	v5 =	vld [tilespmem:s22+$0x140]  }
0x31: {  	v3 =	vld [tilespmem:s22+$0x2150];
	[tilespmem:s22+$0x4100] =	vst v2  }
0x32: {  	v2 =	vld [tilespmem:s22+$0x150];
	[tilespmem:s22+$0x4110] =	vst v0;
	v0 =	vadd.f32 v1, v6  }
0x33: {  	v4 =	vld [tilespmem:s22+$0x2160];
	v6 =	vadd.f32 v8, v7  }
0x34: {  	s23 =	simm.s32 $0x80;
	[tilespmem:s22+$0x4120] =	vst v0;
	v0 =	vld [tilespmem:s22+$0x160]  }
0x35: {  	p0 =	por p1, p1;
	s24 =	simm.s32 $0x400;
	v5 =	vadd.f32 v9, v5;
	v1 =	vld [tilespmem:s23+$0x170];
	[tilespmem:s22+$0x4130] =	vst v6  }
.LBB2_3:
0x36: {  	p1 =	sne.s32 s24, $0x7E00;
	v6 =	vld [tilespmem:s23+$0x2170]  }
0x37: {  	v7 =	vld [tilespmem:s23+$0x100];
	[tilespmem:s22+$0x4140] =	vst v5;
	v2 =	vadd.f32 v3, v2  }
0x38: {  	v3 =	vld [tilespmem:s23+$0x2100]  }
0x39: {  	v5 =	vld [tilespmem:s23+$0x110];
	[tilespmem:s22+$0x4150] =	vst v2;
	v0 =	vadd.f32 v4, v0  }
0x3a: {  	v2 =	vld [tilespmem:s23+$0x2110]  }
0x3b: {  	v4 =	vld [tilespmem:s23+$0x120];
	v1 =	vadd.f32 v6, v1;
	[tilespmem:s22+$0x4160] =	vst v0;
	s22 =	smov.u32 s23  }
0x3c: {  	v0 =	vld [tilespmem:s22+$0x2120]  }
0x3d: {  	v3 =	vadd.f32 v3, v7;
	v6 =	vld [tilespmem:s22+$0x130];
	[tilespmem:s22+$0x4170] =	vst v1  }
0x3e: {  	v1 =	vld [tilespmem:s22+$0x2130]  }
0x3f: {  	[tilespmem:s22+$0x4100] =	vst v3;
	v2 =	vadd.f32 v2, v5;
	v5 =	vld [tilespmem:s22+$0x140]  }
0x40: {  	v7 =	vld [tilespmem:s22+$0x2140]  }
.Ltmp0:
0x41: {  	[tilespmem:s22+$0x4110] =	vst v2;
	v0 =	vadd.f32 v0, v4;
	v2 =	vld [tilespmem:s22+$0x150];
	(pc) =	sbr.rel @p1 .LBB2_3-.Ltmp0, $4  }
0x42: {  	v3 =	vld [tilespmem:s22+$0x2150]  }
0x43: {  	[tilespmem:s22+$0x4120] =	vst v0;
	v6 =	vadd.f32 v1, v6;
	v0 =	vld [tilespmem:s22+$0x160]  }
0x44: {  	s23 =	sshra.s32 s24, $0x2;
	v4 =	vld [tilespmem:s22+$0x2160]  }
0x45: {  	s24 =	sadd.s32 $0x200, s24;
	v1 =	vld [tilespmem:s23+$0x170];
	[tilespmem:s22+$0x4130] =	vst v6;
	v5 =	vadd.f32 v7, v5  }
0x46: {  	v6 =	vld [tilespmem:s23+$0x2170]  }
0x47: {  	v7 =	vld [tilespmem:s23+$0x100];
	[tilespmem:s22+$0x4140] =	vst v5;
	v2 =	vadd.f32 v3, v2  }
0x48: {  	v51 =	vld [tilespmem:s23+$0x2100]  }
0x49: {  	v5 =	vld [tilespmem:s23+$0x110];
	[tilespmem:s22+$0x4150] =	vst v2;
	v0 =	vadd.f32 v4, v0  }
0x4a: {  	v2 =	vld [tilespmem:s23+$0x2110]  }
0x4b: {  	v52 =	vld [tilespmem:s23+$0x120];
	[tilespmem:s22+$0x4160] =	vst v0  }
0x4c: {  	v54 =	vld [tilespmem:s23+$0x2120]  }
0x4d: {  	v55 =	vld [tilespmem:s23+$0x130]  }
0x4e: {  	v56 =	vld [tilespmem:s23+$0x2130]  }
0x4f: {  	v57 =	vld [tilespmem:s23+$0x140]  }
0x50: {  	v58 =	vld [tilespmem:s23+$0x2140]  }
0x51: {  	v59 =	vld [tilespmem:s23+$0x150]  }
0x52: {  	v53 =	vadd.f32 v6, v1;
	v60 =	vld [tilespmem:s23+$0x2150]  }
0x53: {  	v61 =	vld [tilespmem:s23+$0x160];
	v3 =	vadd.f32 v51, v7  }
0x54: {  	v62 =	vld [tilespmem:s23+$0x2160];
	[tilespmem:s23+$0x4170] =	vst v53;
	v2 =	vadd.f32 v2, v5  }
0x55: {  	[tilespmem:s23+$0x4100] =	vst v3;
	v1 =	vadd.f32 v54, v52  }
0x56: {  	[tilespmem:s23+$0x4110] =	vst v2;
	v0 =	vadd.f32 v56, v55  }
0x57: {  	v3 =	vadd.f32 v58, v57;
	[tilespmem:s23+$0x4120] =	vst v1  }
0x58: {  	v63 =	vadd.f32 v60, v59;
	[tilespmem:s23+$0x4130] =	vst v0  }
0x59: {  	[tilespmem:s23+$0x4140] =	vst v3;
	v1 =	vadd.f32 v62, v61  }
0x5a: {  	s31 =	sshll.u32 s21, $0x4;
	[tilespmem:s23+$0x4150] =	vst v63  }
0x5b: {  	s21 =	sadd.s32 s4, s31;
	[tilespmem:s23+$0x4160] =	vst v1  }
0x5c: {  	[hbm4b:s21+s6] =	stream.linear.scatter [tilespmem:s19], [sflag:$0x3], $0x2000, $0x38;
	[tilespmem:$0x6100] =	vst v63  }
0x5d: {  	_ =	swait.ge [sflag:s12], $0x2000  }
0x5e: {  	[sflag:s12] =	ssyncset.done $0x0  }
0x5f: {  	s21 =	simm.s32 $0x40;
	[sflag:s12] =	ssyncadd.s32 $0xFFFFE000  }
0x60: {  	[tilespmem:s15], [sflag:$0x1] =	stream.indirect.gather [hbm4b:s1+s21], $0x80, s13, s21, $0xb8;
	[tilespmem:$0x6100] =	vst v63  }
0x61: {  	_ =	swait.ge [sflag:s17], $0x2000  }
0x62: {  	[sflag:s17] =	ssyncset.done $0x0  }
.Ltmp1:
0x63: {  	s22 =	sadd.s32 s5, s31;
	[sflag:s17] =	ssyncadd.s32 $0xFFFFE000;
	(pc) =	sbr.rel @p0 .LBB2_2-.Ltmp1, $4  }
0x64: {  	[hbm4b:s22+s6] =	stream.linear.scatter [tilespmem:s15], [sflag:$0x3], $0x2000, $0x38;
	[tilespmem:$0x6100] =	vst v63  }
0x65: {  	_ =	swait.ge [sflag:s12], $0x2000  }
0x66: {  	[sflag:s12] =	ssyncset.done $0x0  }
0x67: {  	p1 =	por $0x0, $0x0;
	[sflag:s12] =	ssyncadd.s32 $0xFFFFE000  }
0x68: {  	s20 =	sadd.s32 $0x1, s20  }
0x69: {  	p0 =	sne.s32 s20, s11  }
.Ltmp2:
0x6a: {  	_ = 	snop;
	(pc) =	sbr.rel @p0 .LBB2_1-.Ltmp2, $1  }
0x6b: {  	_ =	sdelay $0x3  }
0x6c: {  	_ =	sfence.sel $0x180000  }
0x6d: {  	[bflag:$0x0] =	sbarrier.arrive $0xFFFF  }
0x6e: {  	p0 =	sne.s32 s7, $0x0;
	_ =	strace $0x9000004A  }
0x6f: {  	s0 =	sadd.s32 @!p0 $0x100000, s0;
	[bflag:$0x2] =	sbarrier.arrive $0xFFFF  }
0x70: {  	[sflag:s0] =	ssyncadd.tile.s32 @!p0 $0x1;
	_ =	shalt  }
.Lfunc_end2:
_tile_overlayer_lowered:
.L_overlay_start_2:
0x71: {  	(tag) =	ssettag $0x2  }
0x72: {  	s0 =	rddreg [dreg:$0x0];
	s2 =	stileid.u32  }
0x73: {  	s1 =	rddreg [dreg:$0x1];
	p0 =	sne.s32 s2, $0x0  }
0x74: {  	s3 =	rddreg [dreg:$0x2];
	[bflag:$0x3] =	sbarrier.arrive $0xFFFF;
	s2 =	simm.s32 @!p0 $0x1C03  }
0x75: {  	[timem:s3], [sflag:s2] =	dma.local @!p0 [hbm:s0], s1  }
0x76: {  	s0 =	simm.s32 @!p0 $0x3  }
0x77: {  	_ =	swait.ge @!p0 [sflag:s0], s1  }
0x78: {  	s1 =	ssub.s32 @!p0 $0x0, s1;
	[sflag:s0] =	ssyncset.done @!p0 $0x0  }
0x79: {  	[sflag:s0] =	ssyncadd.s32 @!p0 s1  }
0x7a: {  	[bflag:$0x3] =	sbarrier.arrive $0xFFFF  }
0x7b: {  	_ =	shalt  }

// kernel: kernel.7.cloned.1.call-start
scs
__scs_entry_jumppad:
0x0: {  	(pc) =	sbr.rel $0x88, $3  }
0x1: {  	(tag) =	ssettag $0x0;
	lr =	simm.s32 $0x1  }
0x2: {  	[smem:$0x3F92] =	sst lr;
	_ =	strace $0xD0000000  }
0x3: {  	_ = 	snop  }
0x4: {  	_ = 	snop  }
0x5: {  	_ = 	snop  }
0x6: {  	_ = 	snop  }
0x7: {  	_ = 	snop  }
__scs_overlays_trampoline_lowered:
0x8: {  	[smem:$0x3FA1] =	sst s0  }
0x9: {  	[smem:$0x3FA2] =	sst s1  }
0xa: {  	[smem:$0x3FA3] =	sst s2  }
0xb: {  	[smem:$0x3FA4] =	sst s3  }
0xc: {  	[smem:$0x3FA5] =	sst s4  }
0xd: {  	[smem:$0x3FA6] =	sst s5  }
0xe: {  	[smem:$0x3FA7] =	sst s6  }
0xf: {  	[smem:$0x3FA8] =	sst s7  }
0x10: {  	[smem:$0x3FA9] =	sst s8  }
0x11: {  	[smem:$0x3FAA] =	sst s9;
	s0 =	simm.s32 @!p0 $0x0  }
0x12: {  	s1 =	sld [smem:$0x3F90];
	s0 =	simm.s32 @p0 $0x1  }
0x13: {  	[smem:$0x3FAB] =	sst s0;
	s0 =	simm.s32 @!p1 $0x0  }
0x14: {  	s2 =	sld [smem:$0x3F8F];
	s0 =	simm.s32 @p1 $0x1  }
0x15: {  	[smem:$0x3FAC] =	sst s0;
	s0 =	simm.s32 @!p2 $0x0  }
0x16: {  	s3 =	sld [smem:$0x3FDB];
	s0 =	simm.s32 @p2 $0x1  }
0x17: {  	s4 =	simm.s32 $0x1BF5;
	[smem:$0x3FAE] =	sst s0  }
0x18: {  	s0 =	sld [smem:$0x3F91];
	_ =	swait.ge [sflag:s4], $0x0  }
0x19: {  	s7 =	sld [smem:$0x3F92]  }
0x1a: {  	s8 =	sadd.s32 $0xFFFFE003, lr  }
0x1b: {  	s9 =	sadd.s32 $0xFFFFFEF7, lr;
	s5 =	simm.s32 $0xFFFFFFFF;
	p2 =	slt.u32 s8, $0xFFFFF086  }
0x1c: {  	p1 =	slt.u32 s9, $0xF7A;
	s5 =	simm.s32 @!p2 $0x0  }
0x1d: {  	s5 =	simm.s32 @p1 $0x1;
	p0 =	seq.s32 s7, s2  }
0x1e: {  	s7 =	smul.u32 @!p0 $0xF7A, s2;
	p2 =	seq.s32 @!p0 s5, $0x0  }
0x1f: {  	s9 =	smul.u32 $0xF7A, s1;
	s8 =	simm.s32 @!p0 $0x1BF5;
	p2 =	por !p2, p0  }
0x20: {  	[sflag:s8] =	ssyncset.s32 @!p0 $0xFFFFF086;
	s6 =	sadd.s32 @!p0 s3, s7;
	s7 =	simm.s32 @!p0 $0x108  }
0x21: {  	s3 =	sadd.s32 s3, s9;
	s6 =	sadd.s32 @!p0 $0x88, s6;
	s7 =	simm.s32 @p2 $0x1082  }
0x22: {  	[simem:s7], [sflag:s8] =	dma.local @!p0 [hbm:s6], $0xF7A  }
0x23: {  	s9 =	sor.u32 $0xD0000000, s2;
	s6 =	simm.s32 $0x108;
	_ =	swait.ge @!p0 [sflag:s8], $0x0  }
0x24: {  	s3 =	sadd.s32 $0x88, s3;
	s6 =	simm.s32 @!p1 $0x1082;
	[sflag:s4] =	ssyncset.s32 $0xFFFFF086  }
0x25: {  	[simem:s6], [sflag:s4] =	dma.local [hbm:s3], $0xF7A  }
0x26: {  	[smem:$0x3F92] =	sst s1;
	(tag) =	ssettag s2;
	_ =	strace s9  }
0x27: {  	s1 =	sld [smem:$0x3FA2]  }
0x28: {  	s2 =	sld [smem:$0x3FA3]  }
0x29: {  	s4 =	sld [smem:$0x3FA5]  }
0x2a: {  	p0 =	seq.s32 s5, $0x0;
	s5 =	sld [smem:$0x3FA6]  }
0x2b: {  	s6 =	sld [smem:$0x3FA7]  }
0x2c: {  	s7 =	sld [smem:$0x3FA8]  }
0x2d: {  	s3 =	simm.s32 $0x108;
	s8 =	sld [smem:$0x3FA9]  }
0x2e: {  	s3 =	simm.s32 @!p0 $0x1082;
	s9 =	sld [smem:$0x3FAA]  }
0x2f: {  	lr =	sadd.s32 s0, s3;
	s0 =	sld [smem:$0x3FA1]  }
0x30: {  	s3 =	sld [smem:$0x3FA4]  }
0x31: {  	[smem:$0x3FAD] =	sst s10  }
0x32: {  	s10 =	sld [smem:$0x3FAB];
	_ =	sdelay $0x3  }
0x33: {  	p0 =	seq.s32 s10, $0x1;
	s10 =	sld [smem:$0x3FAD];
	_ =	sdelay $0x3  }
0x34: {  	[smem:$0x3FAD] =	sst s10  }
0x35: {  	s10 =	sld [smem:$0x3FAC];
	_ =	sdelay $0x3  }
0x36: {  	p1 =	seq.s32 s10, $0x1;
	s10 =	sld [smem:$0x3FAD];
	_ =	sdelay $0x3  }
0x37: {  	[smem:$0x3FAD] =	sst s10  }
0x38: {  	s10 =	sld [smem:$0x3FAE]  }
0x39: {  	_ = 	snop;
	(pc) =	sbr.ind lr, $3  }
0x3a: {  	_ = 	snop  }
0x3b: {  	_ = 	snop  }
0x3c: {  	p2 =	seq.s32 s10, $0x1;
	s10 =	sld [smem:$0x3FAD]  }
0x3d: {  	_ =	shalt  }
0x3e: {  	_ =	shalt  }
0x3f: {  	_ =	shalt  }
0x40: {  	_ =	shalt  }
0x41: {  	_ =	shalt  }
0x42: {  	_ =	shalt  }
0x43: {  	_ =	shalt  }
0x44: {  	_ =	shalt  }
0x45: {  	_ =	shalt  }
0x46: {  	_ =	shalt  }
0x47: {  	_ =	shalt  }
0x48: {  	_ =	shalt  }
0x49: {  	_ =	shalt  }
0x4a: {  	_ =	shalt  }
0x4b: {  	_ =	shalt  }
0x4c: {  	_ =	shalt  }
0x4d: {  	_ =	shalt  }
0x4e: {  	_ =	shalt  }
0x4f: {  	_ =	shalt  }
0x50: {  	_ =	shalt  }
0x51: {  	_ =	shalt  }
0x52: {  	_ =	shalt  }
0x53: {  	_ =	shalt  }
0x54: {  	_ =	shalt  }
0x55: {  	_ =	shalt  }
0x56: {  	_ =	shalt  }
0x57: {  	_ =	shalt  }
0x58: {  	_ =	shalt  }
0x59: {  	_ =	shalt  }
0x5a: {  	_ =	shalt  }
0x5b: {  	_ =	shalt  }
0x5c: {  	_ =	shalt  }
0x5d: {  	_ =	shalt  }
0x5e: {  	_ =	shalt  }
0x5f: {  	_ =	shalt  }
0x60: {  	_ =	shalt  }
0x61: {  	_ =	shalt  }
0x62: {  	_ =	shalt  }
0x63: {  	_ =	shalt  }
0x64: {  	_ =	shalt  }
0x65: {  	_ =	shalt  }
0x66: {  	_ =	shalt  }
0x67: {  	_ =	shalt  }
0x68: {  	_ =	shalt  }
0x69: {  	_ =	shalt  }
0x6a: {  	_ =	shalt  }
0x6b: {  	_ =	shalt  }
0x6c: {  	_ =	shalt  }
0x6d: {  	_ =	shalt  }
0x6e: {  	_ =	shalt  }
0x6f: {  	_ =	shalt  }
0x70: {  	_ =	shalt  }
0x71: {  	_ =	shalt  }
0x72: {  	_ =	shalt  }
0x73: {  	_ =	shalt  }
0x74: {  	_ =	shalt  }
0x75: {  	_ =	shalt  }
0x76: {  	_ =	shalt  }
0x77: {  	_ =	shalt  }
0x78: {  	_ =	shalt  }
0x79: {  	_ =	shalt  }
0x7a: {  	_ =	shalt  }
0x7b: {  	_ =	shalt  }
0x7c: {  	_ =	shalt  }
0x7d: {  	_ =	shalt  }
0x7e: {  	_ =	shalt  }
0x7f: {  	_ =	shalt  }
0x80: {  	_ =	shalt  }
0x81: {  	_ =	shalt  }
0x82: {  	_ =	shalt  }
0x83: {  	_ =	shalt  }
0x84: {  	_ =	shalt  }
0x85: {  	_ =	shalt  }
0x86: {  	_ =	shalt  }
0x87: {  	_ =	shalt  }
.Lfunc_end0:
.L_simem_size_0:
called_computation_lowered:
.L_overlay_start_0:
0x88: {  	s2 =	sld [smem:$0x3FD9]  }
0x89: {  	s3 =	sld [smem:$0x3FFE];
	_ =	sdelay $0x1  }
0x8a: {  	s1 =	srdreg.scid  }
0x8b: {  	s0 =	sand.u32 $0x1, s1  }
0x8c: {  	s14 =	sshll.u32 s0, $0xA;
	s2 =	sadd.s32 s3, s2  }
0x8d: {  	s2 =	sadd.s32 s2, s14  }
0x8e: {  	[smem:$0x3FB9] =	sst s2  }
0x8f: {  	_ = 	snop  }
0x90: {  	s2 =	sld [smem:$0x3FC9]  }
0x91: {  	s15 =	sld [smem:$0x3FD0]  }
0x92: {  	s4 =	sld [smem:$0x3FC8]  }
0x93: {  	s5 =	sld [smem:$0x3FC0]  }
0x94: {  	s7 =	simm.s32 $0xA;
	s8 =	simm.s32 $0x10;
	s6 =	sld [smem:$0x3FBF]  }
0x95: {  	[smem:s8], [sflag:s7] =	dma.local [hbm:s15], $0x1  }
0x96: {  	_ =	swait.eq [sflag:s7], $0x1  }
0x97: {  	s16 =	sld [smem:$0x10];
	[sflag:s7] =	ssyncset.done $0x0  }
0x98: {  	s17 =	sld [smem:$0x11];
	[sflag:s7] =	ssyncadd.s32 $0xFFFFFFFF  }
0x99: {  	s18 =	sld [smem:$0x12];
	(tm) =	ssettm $0x1  }
0x9a: {  	s9 =	sld [smem:$0x3FFB];
	_ =	sdelay $0x3  }
0x9b: {  	_ =	strace s9  }
0x9c: {  	s9 =	sld [smem:$0x3FFC];
	_ =	sdelay $0x3  }
0x9d: {  	_ =	strace s9  }
0x9e: {  	s9 =	sld [smem:$0x3FFD];
	_ =	sdelay $0x3  }
0x9f: {  	_ =	strace s9  }
0xa0: {  	_ =	strace $0x8FFFFFFF  }
0xa1: {  	s19 =	sld [smem:$0x3FDB];
	_ =	sdelay $0x1  }
0xa2: {  	s10 =	simm.s32 $_scs_section_size  }
0xa3: {  	s11 =	simm.s32 $_size__tile_overlayer_lowered;
	s12 =	simm.s32 $_tile_overlayer_lowered  }
0xa4: {  	s22 =	simm.s32 $0x1BFF;
	s21 =	sshll.u32 s12, $0x1;
	s9 =	sadd.s32 s10, s19  }
0xa5: {  	s13 =	simm.s32 $0x0;
	s20 =	sshll.u32 s11, $0x1;
	s11 =	sadd.s32 s21, s9  }
0xa6: {  	[timem:s13], [sflag:s22] =	dma.local [hbm:s11], s20  }
0xa7: {  	_ =	swait.ge [sflag:s22], s20  }
0xa8: {  	s10 =	ssub.s32 $0x0, s20;
	[sflag:s22] =	ssyncset.done $0x0  }
0xa9: {  	[sflag:s22] =	ssyncadd.s32 s10;
	_ =	sdelay $0x1  }
0xaa: {  	s23 =	simm.s32 $0x1B8B  }
0xab: {  	_ =	swait.ge [sflag:s23], $0x1  }
0xac: {  	[sflag:s23] =	ssyncset.done $0x0  }
0xad: {  	s25 =	simm.s32 $0x1B8E;
	s24 =	sld [smem:$0x3FFE];
	[sflag:s23] =	ssyncadd.s32 $0xFFFFFFFF  }
0xae: {  	s26 =	simm.s32 $execute0_lowered;
	[smem:$0x3FD2] =	sst s25  }
0xaf: {  	s11 =	sshll.u32 s26, $0x1;
	_ =	strace $0x80000046;
	[dreg:$0x1] =	wrdreg $0xFFFFFFFF  }
0xb0: {  	s28 =	simm.s32 $_size_execute0_lowered;
	s9 =	sadd.s32 s9, s11;
	[dreg:$0x0] =	wrdreg $0x0  }
0xb1: {  	s11 =	sshll.u32 s28, $0x1;
	[dreg:$0x2] =	wrdreg s9  }
0xb2: {  	[dreg:$0x3] =	wrdreg s11  }
0xb3: {  	[dreg:$0x4] =	wrdreg $0xC0  }
0xb4: {  	_ =	task [dreg:s13], $0x5FFFF  }
0xb5: {  	[dreg:$0x1] =	wrdreg $0xFFFFFFFF  }
0xb6: {  	[dreg:$0x0] =	wrdreg $0x60  }
0xb7: {  	[dreg:$0x2] =	wrdreg s2  }
0xb8: {  	[dreg:$0x3] =	wrdreg s4  }
0xb9: {  	[dreg:$0x4] =	wrdreg s24  }
0xba: {  	[dreg:$0x5] =	wrdreg s16  }
0xbb: {  	[dreg:$0x6] =	wrdreg s17  }
0xbc: {  	[dreg:$0x7] =	wrdreg s5  }
0xbd: {  	[dreg:$0x8] =	wrdreg s6  }
0xbe: {  	[dreg:$0x9] =	wrdreg s18  }
0xbf: {  	[dreg:$0xa] =	wrdreg $0xC0000  }
0xc0: {  	[dreg:$0xb] =	wrdreg $0x9  }
0xc1: {  	_ =	task.clear_ibuf [dreg:s13], $0xCFFFF;
	_ =	strace $0x90000046  }
0xc2: {  	s29 =	simm.s32 $0x9;
	_ =	strace $0x80000048  }
0xc3: {  	_ =	swait.ge [sflag:s29], $0x1  }
0xc4: {  	[sflag:s29] =	ssyncadd.s32 $0xFFFFFFFF  }
0xc5: {  	_ =	strace $0x90000048  }
0xc6: {  	_ =	sfence  }
0xc7: {  	s30 =	sld [smem:$0x0];
	_ =	sdelay $0x2  }
0xc8: {  	s31 =	sshll.u32 s1, $0xD;
	s1 =	sshrl.u32 s1, $0x2  }
0xc9: {  	s3 =	sand.u32 $0x4000, s31;
	s1 =	sadd.s32 s1, s30  }
0xca: {  	s0 =	sor.u32 s3, s0;
	s1 =	sshll.u32 s1, $0x11  }
0xcb: {  	s0 =	sor.u32 s1, s0  }
0xcc: {  	s0 =	sadd.s32 $0x8F2B, s0  }
0xcd: {  	[sflag:s0] =	ssyncadd.remote.s32 $0x1  }
0xce: {  	_ =	sfence.sel $0xFFFF  }
0xcf: {  	[dreg:$0x0] =	wrdreg $0xFFFFFFFF;
	(pc) =	sbr.abs _section_cstart, $3  }
0xd0: {  	[dreg:$0x1] =	wrdreg $0xFFFFFFFF  }
0xd1: {  	_ =	task.clear_ibuf [dreg:s13], $0x2FFFF;
	_ =	strace $0x9FFFFFFF  }
0xd2: {  	(tm) =	ssettm $0x7FFFFFFF  }
0xd3: {  	_ =	shalt  }
tec
execute0_lowered:
.L_overlay_start_1:
0x0: {  	(tag) =	ssettag $0x1  }
0x1: {  	s0 =	rddreg [dreg:$0x0]  }
0x2: {  	s1 =	rddreg [dreg:$0x1]  }
0x3: {  	s2 =	rddreg [dreg:$0x2]  }
0x4: {  	s22 =	rddreg [dreg:$0x3]  }
0x5: {  	s3 =	rddreg [dreg:$0x4]  }
0x6: {  	s4 =	rddreg [dreg:$0x5]  }
0x7: {  	s5 =	rddreg [dreg:$0x6]  }
0x8: {  	s6 =	srdreg.scid;
	s20 =	rddreg [dreg:$0x7]  }
0x9: {  	s9 =	rddreg [dreg:$0x8];
	s18 =	stileid.u32;
	s10 =	simm.s32 $0x0  }
0xa: {  	s6 =	sand.u32 $0x1, s6;
	[smem:$0x7FF] =	sst s10;
	s11 =	sadd.s32 $0x5800, s2  }
0xb: {  	s12 =	sadd.s32 $0x3800, s2;
	s7 =	sshll.u32 s6, $0x4;
	s14 =	ssub.s32 $0x2, s6  }
0xc: {  	p0 =	seq.s32 s6, $0x0;
	s6 =	simm.s32 $0x7000;
	s7 =	sor.u32 s18, s7  }
0xd: {  	s21 =	sadd.s32 $0x1800, s2;
	s6 =	simm.s32 @!p0 $0x2F000;
	s8 =	smul.u32 $0x2710, s7  }
0xe: {  	_ =	strace $0x80000047;
	[smem:$0x7EB] =	sst s12;
	s2 =	sadd.s32 s6, s2  }
0xf: {  	s6 =	smul.u32 $0x7D0, s7;
	s16 =	sshrl.u32 s8, $0x3;
	s7 =	sadd.s32 $0xC8, s8  }
0x10: {  	s15 =	sshrl.u32 s14, $0x1;
	s25 =	sadd.s32 s22, s16;
	[dreg:$0x18] =	wrdreg s7  }
0x11: {  	s14 =	ssub.s32 s14, s15;
	s26 =	sadd.s32 s4, s16;
	[dreg:$0xa] =	wrdreg s25  }
0x12: {  	s13 =	sadd.s32 $0x28, s8;
	s19 =	sadd.s32 s5, s16;
	[dreg:$0xb] =	wrdreg s26  }
0x13: {  	s15 =	sshrl.u32 s13, $0x3;
	s23 =	sadd.s32 s3, s16;
	[dreg:$0xc] =	wrdreg s19  }
0x14: {  	[dreg:$0xd] =	wrdreg s23;
	s24 =	sadd.s32 s22, s15  }
0x15: {  	s25 =	sadd.s32 s4, s15;
	[dreg:$0xe] =	wrdreg s24  }
0x16: {  	s17 =	smul.u32 $0x2800, s18;
	s13 =	sadd.s32 s5, s15;
	[dreg:$0xf] =	wrdreg s25  }
0x17: {  	s26 =	sadd.s32 $0xA, s16;
	s16 =	sadd.s32 s3, s15;
	[dreg:$0x10] =	wrdreg s13  }
0x18: {  	s19 =	sadd.s32 s17, s2;
	[dreg:$0x11] =	wrdreg s16;
	s17 =	sadd.s32 s22, s26  }
0x19: {  	s4 =	sadd.s32 s4, s26;
	[dreg:$0x12] =	wrdreg s17  }
0x1a: {  	s23 =	sadd.s32 s5, s26;
	[dreg:$0x13] =	wrdreg s4  }
0x1b: {  	s2 =	sadd.s32 s3, s26;
	[dreg:$0x14] =	wrdreg s23  }
0x1c: {  	s24 =	sadd.s32 $0x78, s8;
	[dreg:$0x15] =	wrdreg s2  }
0x1d: {  	s25 =	sadd.s32 $0xA0, s8;
	s8 =	sshrl.u32 s6, $0x3;
	[dreg:$0x16] =	wrdreg s24  }
0x1e: {  	[dreg:$0x17] =	wrdreg s25;
	s13 =	sadd.s32 s20, s8  }
0x1f: {  	s15 =	sadd.s32 s12, s8;
	[dreg:$0x19] =	wrdreg s13  }
0x20: {  	s17 =	sadd.s32 s21, s8;
	[dreg:$0x1a] =	wrdreg s15  }
0x21: {  	s23 =	sadd.s32 $0x50, s6;
	[dreg:$0x1b] =	wrdreg s17  }
0x22: {  	s26 =	sadd.s32 $0x28, s6;
	s24 =	sadd.s32 $0x78, s6;
	[dreg:$0x1f] =	wrdreg s23  }
0x23: {  	s2 =	sshrl.u32 s26, $0x3;
	s25 =	smax.u32 s14, $0x1;
	[smem:$0x7EC] =	sst s24  }
0x24: {  	s16 =	smul.u32 $0x50000, s18;
	s18 =	sadd.s32 s20, s2;
	[smem:$0x7ED] =	sst s25  }
0x25: {  	s20 =	sadd.s32 s12, s2;
	s13 =	smov.u32 s21;
	[dreg:$0x1c] =	wrdreg s18  }
0x26: {  	s2 =	sadd.s32 s21, s2;
	s21 =	sshrl.u32 s16, $0x2;
	[dreg:$0x1d] =	wrdreg s20  }
0x27: {  	[dreg:$0x1e] =	wrdreg s2;
	s8 =	sadd.s32 s21, s9  }
0x28: {  	s26 =	sadd.s32 $0x1400, s8;
	[smem:$0x7FD] =	sst s8  }
0x29: {  	s4 =	sadd.s32 $0x2800, s8;
	[smem:$0x7EE] =	sst s26  }
0x2a: {  	s6 =	sadd.s32 $0x3C00, s8;
	[smem:$0x7EF] =	sst s4  }
0x2b: {  	s7 =	sadd.s32 $0x5000, s8;
	[smem:$0x7F0] =	sst s6  }
0x2c: {  	s12 =	sadd.s32 $0x6400, s8;
	[smem:$0x7F1] =	sst s7  }
0x2d: {  	s14 =	sadd.s32 $0x7800, s8;
	[smem:$0x7F2] =	sst s12  }
0x2e: {  	s15 =	sadd.s32 $0x8C00, s8;
	[smem:$0x7F3] =	sst s14  }
0x2f: {  	s16 =	sadd.s32 $0xA000, s8;
	[smem:$0x7F4] =	sst s15  }
0x30: {  	s17 =	sadd.s32 $0xB400, s8;
	[smem:$0x7F5] =	sst s16  }
0x31: {  	s31 =	simm.s32 $0x2;
	s18 =	sadd.s32 $0xC800, s8;
	[smem:$0x7F6] =	sst s17  }
0x32: {  	s28 =	simm.s32 $0x5;
	s20 =	sadd.s32 $0xDC00, s8;
	[smem:$0x7F7] =	sst s18  }
0x33: {  	s29 =	simm.s32 $0x6;
	s23 =	sadd.s32 $0xF000, s8;
	[smem:$0x7F8] =	sst s20  }
0x34: {  	s30 =	simm.s32 $0x8;
	s24 =	sadd.s32 $0x10400, s8;
	[smem:$0x7F9] =	sst s23  }
0x35: {  	s21 =	simm.s32 $0xA;
	s25 =	sadd.s32 $0x11800, s8;
	[smem:$0x7FA] =	sst s24  }
0x36: {  	s21 =	simm.s32 @!p0 $0x9;
	[smem:$0x7FB] =	sst s25;
	s26 =	sadd.s32 $0x12C00, s8  }
0x37: {  	s6 =	simm.s32 $0xC00;
	s7 =	simm.s32 $0x9;
	s16 =	simm.s32 $0x180  }
0x38: {  	s12 =	simm.s32 $0x400;
	s25 =	simm.s32 $0x480;
	s20 =	simm.s32 $0x28  }
0x39: {  	s17 =	simm.s32 $0x3;
	s18 =	simm.s32 $0x4;
	s23 =	simm.s32 $0xA  }
0x3a: {  	v0 =	vimm.f32 $0.0e+00;
	s4 =	simm.s32 $0x0;
	[smem:$0x7FC] =	sst s26;
	s26 =	simm.s32 $0x1  }
.LBB2_1:
0x3b: {  	[smem:$0x7EA] =	sst s4;
	s2 =	simm.s32 $0x0;
	s14 =	simm.s32 $0x200  }
.LBB2_2:
0x3c: {  	p0 =	sne.s32 s14, $0x4E00;
	[tilespmem:s2+$0xC70] =	vst v0  }
0x3d: {  	[tilespmem:s2+$0xC00] =	vst v0  }
0x3e: {  	[tilespmem:s2+$0xC10] =	vst v0  }
.Ltmp0:
0x3f: {  	[tilespmem:s2+$0xC20] =	vst v0;
	(pc) =	sbr.rel @p0 .LBB2_2-.Ltmp0, $4  }
0x40: {  	[tilespmem:s2+$0xC30] =	vst v0  }
0x41: {  	[tilespmem:s2+$0xC40] =	vst v0  }
0x42: {  	[tilespmem:s2+$0xC50] =	vst v0  }
0x43: {  	[tilespmem:s2+$0xC60] =	vst v0;
	s2 =	sshra.s32 s14, $0x2;
	s14 =	sadd.s32 $0x200, s14  }
0x44: {  	[tilespmem:s2+$0xC70] =	vst v0  }
0x45: {  	[tilespmem:s2+$0xC00] =	vst v0  }
0x46: {  	[tilespmem:s2+$0xC10] =	vst v0  }
0x47: {  	[tilespmem:s2+$0xC20] =	vst v0  }
0x48: {  	[tilespmem:s2+$0xC30] =	vst v0  }
0x49: {  	[tilespmem:s2+$0xC40] =	vst v0  }
0x4a: {  	[tilespmem:s2+$0xC50] =	vst v0  }
0x4b: {  	[tilespmem:s2+$0xC60] =	vst v0  }
0x4c: {  	[spmem:s8] =	stream.linear.scatter [tilespmem:s6], [sflag:$0x9], $0x1400, $0x38;
	v63 =	vld [tilespmem:$0x0]  }
0x4d: {  	_ =	swait.ge [sflag:s7], $0x1400  }
0x4e: {  	s4 =	sld [smem:$0x7EE]  }
0x4f: {  	[sflag:s7] =	ssyncset.done $0x0  }
0x50: {  	[sflag:s7] =	ssyncadd.s32 $0xFFFFEC00  }
0x51: {  	[spmem:s4] =	stream.linear.scatter [tilespmem:s6], [sflag:$0x9], $0x1400, $0x38;
	v63 =	vld [tilespmem:$0x0]  }
0x52: {  	_ =	swait.ge [sflag:s7], $0x1400  }
0x53: {  	s8 =	sld [smem:$0x7EF]  }
0x54: {  	[sflag:s7] =	ssyncset.done $0x0  }
0x55: {  	[sflag:s7] =	ssyncadd.s32 $0xFFFFEC00  }
0x56: {  	[spmem:s8] =	stream.linear.scatter [tilespmem:s6], [sflag:$0x9], $0x1400, $0x38;
	v63 =	vld [tilespmem:$0x0]  }
0x57: {  	_ =	swait.ge [sflag:s7], $0x1400  }
0x58: {  	s14 =	sld [smem:$0x7F0]  }
0x59: {  	[sflag:s7] =	ssyncset.done $0x0  }
0x5a: {  	[sflag:s7] =	ssyncadd.s32 $0xFFFFEC00  }
0x5b: {  	[spmem:s14] =	stream.linear.scatter [tilespmem:s6], [sflag:$0x9], $0x1400, $0x38;
	v63 =	vld [tilespmem:$0x0]  }
0x5c: {  	_ =	swait.ge [sflag:s7], $0x1400  }
0x5d: {  	s15 =	sld [smem:$0x7F1]  }
0x5e: {  	[sflag:s7] =	ssyncset.done $0x0  }
0x5f: {  	[sflag:s7] =	ssyncadd.s32 $0xFFFFEC00  }
0x60: {  	[spmem:s15] =	stream.linear.scatter [tilespmem:s6], [sflag:$0x9], $0x1400, $0x38;
	v63 =	vld [tilespmem:$0x0]  }
0x61: {  	_ =	swait.ge [sflag:s7], $0x1400  }
0x62: {  	s24 =	sld [smem:$0x7F2]  }
0x63: {  	[sflag:s7] =	ssyncset.done $0x0  }
0x64: {  	[sflag:s7] =	ssyncadd.s32 $0xFFFFEC00  }
0x65: {  	[spmem:s24] =	stream.linear.scatter [tilespmem:s6], [sflag:$0x9], $0x1400, $0x38;
	v63 =	vld [tilespmem:$0x0]  }
0x66: {  	_ =	swait.ge [sflag:s7], $0x1400  }
0x67: {  	s4 =	sld [smem:$0x7F3]  }
0x68: {  	[sflag:s7] =	ssyncset.done $0x0  }
0x69: {  	[sflag:s7] =	ssyncadd.s32 $0xFFFFEC00  }
0x6a: {  	[spmem:s4] =	stream.linear.scatter [tilespmem:s6], [sflag:$0x9], $0x1400, $0x38;
	v63 =	vld [tilespmem:$0x0]  }
0x6b: {  	_ =	swait.ge [sflag:s7], $0x1400  }
0x6c: {  	s8 =	sld [smem:$0x7F4]  }
0x6d: {  	[sflag:s7] =	ssyncset.done $0x0  }
0x6e: {  	[sflag:s7] =	ssyncadd.s32 $0xFFFFEC00  }
0x6f: {  	[spmem:s8] =	stream.linear.scatter [tilespmem:s6], [sflag:$0x9], $0x1400, $0x38;
	v63 =	vld [tilespmem:$0x0]  }
0x70: {  	_ =	swait.ge [sflag:s7], $0x1400  }
0x71: {  	s14 =	sld [smem:$0x7F5]  }
0x72: {  	[sflag:s7] =	ssyncset.done $0x0  }
0x73: {  	[sflag:s7] =	ssyncadd.s32 $0xFFFFEC00  }
0x74: {  	[spmem:s14] =	stream.linear.scatter [tilespmem:s6], [sflag:$0x9], $0x1400, $0x38;
	v63 =	vld [tilespmem:$0x0]  }
0x75: {  	_ =	swait.ge [sflag:s7], $0x1400  }
0x76: {  	s15 =	sld [smem:$0x7F6]  }
0x77: {  	[sflag:s7] =	ssyncset.done $0x0  }
0x78: {  	[sflag:s7] =	ssyncadd.s32 $0xFFFFEC00  }
0x79: {  	[spmem:s15] =	stream.linear.scatter [tilespmem:s6], [sflag:$0x9], $0x1400, $0x38;
	v63 =	vld [tilespmem:$0x0]  }
0x7a: {  	_ =	swait.ge [sflag:s7], $0x1400  }
0x7b: {  	s24 =	sld [smem:$0x7F7]  }
0x7c: {  	[sflag:s7] =	ssyncset.done $0x0  }
0x7d: {  	[sflag:s7] =	ssyncadd.s32 $0xFFFFEC00  }
0x7e: {  	[spmem:s24] =	stream.linear.scatter [tilespmem:s6], [sflag:$0x9], $0x1400, $0x38;
	v63 =	vld [tilespmem:$0x0]  }
0x7f: {  	_ =	swait.ge [sflag:s7], $0x1400  }
0x80: {  	s4 =	sld [smem:$0x7F8]  }
0x81: {  	[sflag:s7] =	ssyncset.done $0x0  }
0x82: {  	[sflag:s7] =	ssyncadd.s32 $0xFFFFEC00  }
0x83: {  	[spmem:s4] =	stream.linear.scatter [tilespmem:s6], [sflag:$0x9], $0x1400, $0x38;
	v63 =	vld [tilespmem:$0x0]  }
0x84: {  	_ =	swait.ge [sflag:s7], $0x1400  }
0x85: {  	s8 =	sld [smem:$0x7F9]  }
0x86: {  	[sflag:s7] =	ssyncset.done $0x0  }
0x87: {  	[sflag:s7] =	ssyncadd.s32 $0xFFFFEC00  }
0x88: {  	[spmem:s8] =	stream.linear.scatter [tilespmem:s6], [sflag:$0x9], $0x1400, $0x38;
	v63 =	vld [tilespmem:$0x0]  }
0x89: {  	_ =	swait.ge [sflag:s7], $0x1400  }
0x8a: {  	s14 =	sld [smem:$0x7FA]  }
0x8b: {  	[sflag:s7] =	ssyncset.done $0x0  }
0x8c: {  	[sflag:s7] =	ssyncadd.s32 $0xFFFFEC00  }
0x8d: {  	[spmem:s14] =	stream.linear.scatter [tilespmem:s6], [sflag:$0x9], $0x1400, $0x38;
	v63 =	vld [tilespmem:$0x0]  }
0x8e: {  	_ =	swait.ge [sflag:s7], $0x1400  }
0x8f: {  	s15 =	sld [smem:$0x7FB]  }
0x90: {  	[sflag:s7] =	ssyncset.done $0x0  }
0x91: {  	[sflag:s7] =	ssyncadd.s32 $0xFFFFEC00  }
0x92: {  	[spmem:s15] =	stream.linear.scatter [tilespmem:s6], [sflag:$0x9], $0x1400, $0x38;
	v63 =	vld [tilespmem:$0x0]  }
0x93: {  	_ =	swait.ge [sflag:s7], $0x1400  }
0x94: {  	s24 =	sld [smem:$0x7FC]  }
0x95: {  	[sflag:s7] =	ssyncset.done $0x0  }
0x96: {  	[sflag:s7] =	ssyncadd.s32 $0xFFFFEC00  }
0x97: {  	[spmem:s24] =	stream.linear.scatter [tilespmem:s6], [sflag:$0x9], $0x1400, $0x38;
	v63 =	vld [tilespmem:$0x0]  }
0x98: {  	_ =	swait.ge [sflag:s7], $0x1400  }
0x99: {  	[sflag:s7] =	ssyncset.done $0x0  }
0x9a: {  	[sflag:s7] =	ssyncadd.s32 $0xFFFFEC00  }
0x9b: {  	[bflag:$0x0] =	sbarrier.arrive $0xFFFF  }
0x9c: {  	s24 =	simm.s32 $0x0;
	s4 =	rddreg [dreg:$0xa]  }
0x9d: {  	[tilespmem:s24], [sflag:$0x1] =	stream.linear.gather [hbm4b:s4+s24], $0x28, $0x38;
	v63 =	vld [tilespmem:$0x0]  }
0x9e: {  	s8 =	rddreg [dreg:$0xb];
	s4 =	simm.s32 $0x80  }
0x9f: {  	[tilespmem:s4], [sflag:$0x1] =	stream.linear.gather [hbm4b:s8+s24], $0x28, $0x38;
	v63 =	vld [tilespmem:$0x0]  }
0xa0: {  	s14 =	rddreg [dreg:$0xc];
	s8 =	simm.s32 $0x100  }
0xa1: {  	[tilespmem:s8], [sflag:$0x1] =	stream.linear.gather [hbm4b:s14+s24], $0x28, $0x38;
	v63 =	vld [tilespmem:$0x0]  }
0xa2: {  	s15 =	rddreg [dreg:$0xd]  }
0xa3: {  	[tilespmem:s16], [sflag:$0x1] =	stream.linear.gather [hbm4b:s15+s24], $0x28, $0x38;
	v63 =	vld [tilespmem:$0x0]  }
0xa4: {  	s16 =	rddreg [dreg:$0xe]  }
0xa5: {  	[tilespmem:s12], [sflag:$0x2] =	stream.linear.gather [hbm4b:s16+s24], $0x28, $0x38;
	v63 =	vld [tilespmem:$0x0]  }
0xa6: {  	s14 =	rddreg [dreg:$0xf]  }
0xa7: {  	[tilespmem:s25], [sflag:$0x2] =	stream.linear.gather [hbm4b:s14+s24], $0x28, $0x38;
	v63 =	vld [tilespmem:$0x0]  }
0xa8: {  	s15 =	rddreg [dreg:$0x10];
	s14 =	simm.s32 $0x500  }
0xa9: {  	[tilespmem:s14], [sflag:$0x2] =	stream.linear.gather [hbm4b:s15+s24], $0x28, $0x38;
	v63 =	vld [tilespmem:$0x0]  }
0xaa: {  	s16 =	rddreg [dreg:$0x11];
	s15 =	simm.s32 $0x580  }
0xab: {  	[tilespmem:s15], [sflag:$0x2] =	stream.linear.gather [hbm4b:s16+s24], $0x28, $0x38;
	v63 =	vld [tilespmem:$0x0]  }
0xac: {  	_ =	swait.ge [sflag:s26], $0x28  }
0xad: {  	[sflag:s26] =	ssyncset.done $0x0  }
0xae: {  	[sflag:s26] =	ssyncadd.s32 $0xFFFFFFD8  }
0xaf: {  	_ =	swait.ge [sflag:s26], $0x28  }
0xb0: {  	[sflag:s26] =	ssyncset.done $0x0  }
0xb1: {  	[sflag:s26] =	ssyncadd.s32 $0xFFFFFFD8  }
0xb2: {  	_ =	swait.ge [sflag:s26], $0x28  }
0xb3: {  	[sflag:s26] =	ssyncset.done $0x0  }
0xb4: {  	[sflag:s26] =	ssyncadd.s32 $0xFFFFFFD8  }
0xb5: {  	_ =	swait.ge [sflag:s26], $0x28  }
0xb6: {  	[sflag:s26] =	ssyncset.done $0x0  }
0xb7: {  	[sflag:s26] =	ssyncadd.s32 $0xFFFFFFD8  }
0xb8: {  	[tilespmem:s6], [sflag:$0x4] =	stream.indirect.gather [hbm4b:s0+s20], $0x80, s24, s20, $0xb8;
	v63 =	vld [tilespmem:$0x0]  }
0xb9: {  	s16 =	simm.s32 $0x2000  }
0xba: {  	[tilespmem:s16], [sflag:$0x4] =	stream.indirect.gather [hbm4b:s1+s20], $0x80, s4, s20, $0xb8;
	v63 =	vld [tilespmem:$0x0]  }
0xbb: {  	s4 =	simm.s32 $0x3400  }
0xbc: {  	[tilespmem:s4], [sflag:$0x4] =	stream.indirect.gather [hbm4b:s11+s20], $0x80, s8, s20, $0xb8;
	v63 =	vld [tilespmem:$0x0]  }
0xbd: {  	_ =	swait.ge [sflag:s31], $0x28  }
0xbe: {  	[sflag:s31] =	ssyncset.done $0x0  }
0xbf: {  	[sflag:s31] =	ssyncadd.s32 $0xFFFFFFD8  }
0xc0: {  	_ =	swait.ge [sflag:s31], $0x28  }
0xc1: {  	[sflag:s31] =	ssyncset.done $0x0  }
0xc2: {  	[sflag:s31] =	ssyncadd.s32 $0xFFFFFFD8  }
0xc3: {  	_ =	swait.ge [sflag:s31], $0x28  }
0xc4: {  	[sflag:s31] =	ssyncset.done $0x0  }
0xc5: {  	[sflag:s31] =	ssyncadd.s32 $0xFFFFFFD8  }
0xc6: {  	_ =	swait.ge [sflag:s31], $0x28  }
0xc7: {  	[sflag:s31] =	ssyncset.done $0x0  }
0xc8: {  	s15 =	simm.s32 $0x4800;
	[sflag:s31] =	ssyncadd.s32 $0xFFFFFFD8  }
0xc9: {  	[tilespmem:s15], [sflag:$0x5] =	stream.indirect.gather [hbm4b:s0+s20], $0x80, s12, s20, $0xb8;
	v63 =	vld [tilespmem:$0x0]  }
0xca: {  	s16 =	simm.s32 $0x5C00  }
0xcb: {  	[tilespmem:s16], [sflag:$0x5] =	stream.indirect.gather [hbm4b:s1+s20], $0x80, s25, s20, $0xb8;
	v63 =	vld [tilespmem:$0x0]  }
0xcc: {  	s4 =	rddreg [dreg:$0x12];
	s25 =	simm.s32 $0x7000  }
0xcd: {  	[tilespmem:s25], [sflag:$0x5] =	stream.indirect.gather [hbm4b:s11+s20], $0x80, s14, s20, $0xb8;
	v63 =	vld [tilespmem:$0x0]  }
0xce: {  	s8 =	rddreg [dreg:$0x13];
	s12 =	simm.s32 $0x800  }
0xcf: {  	[tilespmem:s12], [sflag:$0x3] =	stream.linear.gather [hbm4b:s4+s24], $0x28, $0x38;
	v63 =	vld [tilespmem:$0x0]  }
0xd0: {  	s15 =	rddreg [dreg:$0x14];
	s14 =	simm.s32 $0x880  }
0xd1: {  	[tilespmem:s14], [sflag:$0x3] =	stream.linear.gather [hbm4b:s8+s24], $0x28, $0x38;
	v63 =	vld [tilespmem:$0x0]  }
0xd2: {  	s16 =	rddreg [dreg:$0x15];
	s4 =	simm.s32 $0x900  }
0xd3: {  	[tilespmem:s4], [sflag:$0x3] =	stream.linear.gather [hbm4b:s15+s24], $0x28, $0x38;
	v63 =	vld [tilespmem:$0x0]  }
0xd4: {  	s25 =	simm.s32 $0x980;
	s8 =	rddreg [dreg:$0x5]  }
0xd5: {  	[tilespmem:s25], [sflag:$0x3] =	stream.linear.gather [hbm4b:s16+s24], $0x28, $0x38;
	v63 =	vld [tilespmem:$0x0]  }
.LBB2_4:
0xd6: {  	_ =	swait.ge [sflag:s17], $0x28  }
0xd7: {  	[sflag:s17] =	ssyncset.done $0x0  }
0xd8: {  	[sflag:s17] =	ssyncadd.s32 $0xFFFFFFD8  }
0xd9: {  	_ =	swait.ge [sflag:s17], $0x28  }
0xda: {  	[sflag:s17] =	ssyncset.done $0x0  }
0xdb: {  	[sflag:s17] =	ssyncadd.s32 $0xFFFFFFD8  }
0xdc: {  	_ =	swait.ge [sflag:s17], $0x28  }
0xdd: {  	[sflag:s17] =	ssyncset.done $0x0  }
0xde: {  	[sflag:s17] =	ssyncadd.s32 $0xFFFFFFD8  }
0xdf: {  	_ =	swait.ge [sflag:s17], $0x28  }
0xe0: {  	[sflag:s17] =	ssyncset.done $0x0  }
0xe1: {  	s2 =	simm.s32 $0x8400;
	[sflag:s17] =	ssyncadd.s32 $0xFFFFFFD8  }
0xe2: {  	[tilespmem:s2], [sflag:$0x6] =	stream.indirect.gather [hbm4b:s0+s20], $0x80, s12, s20, $0xb8;
	v63 =	vld [tilespmem:$0x0]  }
0xe3: {  	s16 =	simm.s32 $0x9800  }
0xe4: {  	[tilespmem:s16], [sflag:$0x6] =	stream.indirect.gather [hbm4b:s1+s20], $0x80, s14, s20, $0xb8;
	v63 =	vld [tilespmem:$0x0]  }
0xe5: {  	s25 =	simm.s32 $0xAC00  }
0xe6: {  	[tilespmem:s25], [sflag:$0x6] =	stream.indirect.gather [hbm4b:s11+s20], $0x80, s4, s20, $0xb8;
	v63 =	vld [tilespmem:$0x0]  }
0xe7: {  	_ =	swait.ge [sflag:s18], $0x1400  }
0xe8: {  	[sflag:s18] =	ssyncset.done $0x0  }
0xe9: {  	[sflag:s18] =	ssyncadd.s32 $0xFFFFEC00  }
0xea: {  	_ =	swait.ge [sflag:s18], $0x1400  }
0xeb: {  	[sflag:s18] =	ssyncset.done $0x0  }
0xec: {  	[sflag:s18] =	ssyncadd.s32 $0xFFFFEC00  }
0xed: {  	_ =	swait.ge [sflag:s18], $0x1400  }
0xee: {  	[sflag:s18] =	ssyncset.done $0x0  }
0xef: {  	s14 =	simm.s32 $0x0;
	[sflag:s18] =	ssyncadd.s32 $0xFFFFEC00  }
0xf0: {  	v6 =	vld [tilespmem:s14+$0x3400]  }
0xf1: {  	v5 =	vld [tilespmem:s14+$0x3410]  }
0xf2: {  	v4 =	vld [tilespmem:s14+$0x3420]  }
0xf3: {  	v3 =	vld [tilespmem:s14+$0x3430]  }
0xf4: {  	v2 =	vld [tilespmem:s14+$0x3440]  }
0xf5: {  	v1 =	vld [tilespmem:s14+$0x3450]  }
0xf6: {  	v13 =	vld [tilespmem:s14+$0x2000]  }
0xf7: {  	v18 =	vld [tilespmem:s14+$0x2010]  }
0xf8: {  	v12 =	vld [tilespmem:s14+$0x2020]  }
0xf9: {  	v11 =	vld [tilespmem:s14+$0x2030]  }
0xfa: {  	v10 =	vld [tilespmem:s14+$0x2040]  }
0xfb: {  	v9 =	vld [tilespmem:s14+$0x2050]  }
0xfc: {  	v8 =	vld [tilespmem:s14+$0x2060]  }
0xfd: {  	v7 =	vld [tilespmem:s14+$0x2070]  }
0xfe: {  	v19 =	vld [tilespmem:s14+$0xC00]  }
0xff: {  	v20 =	vld [tilespmem:s14+$0xC10]  }
0x100: {  	v17 =	vld [tilespmem:s14+$0xC20]  }
0x101: {  	v16 =	vld [tilespmem:s14+$0xC30]  }
0x102: {  	v15 =	vld [tilespmem:s14+$0xC40]  }
0x103: {  	v14 =	vld [tilespmem:s14+$0xC50];
	v19 =	vsub.f32 v19, v13  }
0x104: {  	s15 =	simm.s32 $0x200;
	v18 =	vsub.f32 v20, v18;
	v13 =	vld [tilespmem:s14+$0xC60]  }
.LBB2_5:
0x105: {  	p0 =	sne.s32 s15, $0x4E00;
	v6 =	vmul.f32 v6, v19;
	v12 =	vsub.f32 v17, v12;
	v17 =	vld [tilespmem:s14+$0xC70]  }
0x106: {  	v5 =	vmul.f32 v5, v18;
	v11 =	vsub.f32 v16, v11;
	v16 =	vld [tilespmem:s14+$0x3460]  }
0x107: {  	s2 =	sshra.s32 s15, $0x2;
	[tilespmem:s14+$0xC00] =	vst v6;
	v4 =	vmul.f32 v4, v12;
	v10 =	vsub.f32 v15, v10;
	v12 =	vld [tilespmem:s14+$0x3470]  }
0x108: {  	v6 =	vld [tilespmem:s2+$0x3400];
	[tilespmem:s14+$0xC10] =	vst v5;
	v3 =	vmul.f32 v3, v11;
	v9 =	vsub.f32 v14, v9  }
0x109: {  	v5 =	vld [tilespmem:s2+$0x3410];
	[tilespmem:s14+$0xC20] =	vst v4;
	v2 =	vmul.f32 v2, v10;
	v8 =	vsub.f32 v13, v8  }
0x10a: {  	v4 =	vld [tilespmem:s2+$0x3420];
	[tilespmem:s14+$0xC30] =	vst v3;
	v1 =	vmul.f32 v1, v9;
	v7 =	vsub.f32 v17, v7  }
0x10b: {  	v3 =	vld [tilespmem:s2+$0x3430];
	[tilespmem:s14+$0xC40] =	vst v2;
	v8 =	vmul.f32 v16, v8  }
0x10c: {  	v2 =	vld [tilespmem:s2+$0x3440];
	[tilespmem:s14+$0xC50] =	vst v1;
	v7 =	vmul.f32 v12, v7  }
0x10d: {  	v1 =	vld [tilespmem:s2+$0x3450];
	[tilespmem:s14+$0xC60] =	vst v8  }
0x10e: {  	v13 =	vld [tilespmem:s2+$0x2000];
	[tilespmem:s14+$0xC70] =	vst v7;
	s14 =	smov.u32 s2  }
0x10f: {  	v18 =	vld [tilespmem:s14+$0x2010]  }
0x110: {  	v12 =	vld [tilespmem:s14+$0x2020]  }
0x111: {  	v11 =	vld [tilespmem:s14+$0x2030]  }
0x112: {  	v10 =	vld [tilespmem:s14+$0x2040]  }
0x113: {  	v9 =	vld [tilespmem:s14+$0x2050]  }
0x114: {  	v8 =	vld [tilespmem:s14+$0x2060]  }
0x115: {  	v7 =	vld [tilespmem:s14+$0x2070]  }
0x116: {  	v14 =	vld [tilespmem:s14+$0xC00]  }
0x117: {  	v20 =	vld [tilespmem:s14+$0xC10]  }
.Ltmp1:
0x118: {  	v17 =	vld [tilespmem:s14+$0xC20];
	(pc) =	sbr.rel @p0 .LBB2_5-.Ltmp1, $4  }
0x119: {  	v16 =	vld [tilespmem:s14+$0xC30]  }
0x11a: {  	v15 =	vld [tilespmem:s14+$0xC40]  }
0x11b: {  	v19 =	vsub.f32 v14, v13;
	v14 =	vld [tilespmem:s14+$0xC50]  }
0x11c: {  	s15 =	sadd.s32 $0x200, s15;
	v18 =	vsub.f32 v20, v18;
	v13 =	vld [tilespmem:s14+$0xC60]  }
0x11d: {  	v6 =	vmul.f32 v6, v19;
	v19 =	vld [tilespmem:s14+$0xC70];
	v12 =	vsub.f32 v17, v12  }
0x11e: {  	v17 =	vld [tilespmem:s14+$0x3460];
	v5 =	vmul.f32 v5, v18;
	v11 =	vsub.f32 v16, v11  }
0x11f: {  	[tilespmem:s14+$0xC00] =	vst v6;
	v4 =	vmul.f32 v4, v12;
	v6 =	vsub.f32 v15, v10;
	v10 =	vld [tilespmem:s14+$0x3470]  }
0x120: {  	[tilespmem:s14+$0xC10] =	vst v5;
	v3 =	vmul.f32 v3, v11;
	v5 =	vsub.f32 v14, v9  }
0x121: {  	[tilespmem:s14+$0xC20] =	vst v4;
	v2 =	vmul.f32 v2, v6;
	v4 =	vsub.f32 v13, v8  }
0x122: {  	[tilespmem:s14+$0xC30] =	vst v3;
	v1 =	vmul.f32 v1, v5;
	v3 =	vsub.f32 v19, v7  }
0x123: {  	[tilespmem:s14+$0xC40] =	vst v2;
	v2 =	vmul.f32 v17, v4  }
0x124: {  	[tilespmem:s14+$0xC50] =	vst v1;
	v1 =	vmul.f32 v10, v3  }
0x125: {  	[tilespmem:s14+$0xC60] =	vst v2  }
0x126: {  	s12 =	simm.s32 $0x180;
	[tilespmem:s14+$0xC70] =	vst v1  }
0x127: {  	[spmem:s9] =	stream.indirect.scatter.add.f32 [tilespmem:s6], [sflag:$0x9], $0x80, s12, s20, $0xb8;
	v63 =	vld [tilespmem:$0x0]  }
0x128: {  	s14 =	smul.u32 $0x78, s24;
	_ =	swait.ge [sflag:s7], $0x1400  }
0x129: {  	s2 =	rddreg [dreg:$0x16]  }
0x12a: {  	s2 =	sadd.s32 s14, s2  }
0x12b: {  	[sflag:s7] =	ssyncset.done $0x0;
	s2 =	sshrl.u32 s2, $0x3  }
0x12c: {  	s4 =	simm.s32 $0x0;
	[sflag:s7] =	ssyncadd.s32 $0xFFFFEC00;
	s15 =	sadd.s32 s22, s2  }
0x12d: {  	[tilespmem:s4], [sflag:$0x1] =	stream.linear.gather [hbm4b:s15+s4], $0x28, $0x38;
	v63 =	vld [tilespmem:$0x0]  }
0x12e: {  	s16 =	simm.s32 $0x80;
	s25 =	sadd.s32 s8, s2  }
0x12f: {  	[tilespmem:s16], [sflag:$0x1] =	stream.linear.gather [hbm4b:s25+s4], $0x28, $0x38;
	v63 =	vld [tilespmem:$0x0]  }
0x130: {  	s15 =	sadd.s32 s5, s2;
	s25 =	simm.s32 $0x100  }
0x131: {  	[tilespmem:s25], [sflag:$0x1] =	stream.linear.gather [hbm4b:s15+s4], $0x28, $0x38;
	v63 =	vld [tilespmem:$0x0]  }
0x132: {  	s2 =	sadd.s32 s3, s2  }
0x133: {  	[tilespmem:s12], [sflag:$0x1] =	stream.linear.gather [hbm4b:s2+s4], $0x28, $0x38;
	v63 =	vld [tilespmem:$0x0]  }
0x134: {  	_ =	swait.ge [sflag:s26], $0x28  }
0x135: {  	[sflag:s26] =	ssyncset.done $0x0  }
0x136: {  	[sflag:s26] =	ssyncadd.s32 $0xFFFFFFD8  }
0x137: {  	_ =	swait.ge [sflag:s26], $0x28  }
0x138: {  	[sflag:s26] =	ssyncset.done $0x0  }
0x139: {  	[sflag:s26] =	ssyncadd.s32 $0xFFFFFFD8  }
0x13a: {  	_ =	swait.ge [sflag:s26], $0x28  }
0x13b: {  	[sflag:s26] =	ssyncset.done $0x0  }
0x13c: {  	[sflag:s26] =	ssyncadd.s32 $0xFFFFFFD8  }
0x13d: {  	_ =	swait.ge [sflag:s26], $0x28  }
0x13e: {  	[sflag:s26] =	ssyncset.done $0x0  }
0x13f: {  	[sflag:s26] =	ssyncadd.s32 $0xFFFFFFD8  }
0x140: {  	[tilespmem:s6], [sflag:$0x4] =	stream.indirect.gather [hbm4b:s0+s20], $0x80, s4, s20, $0xb8;
	v63 =	vld [tilespmem:$0x0]  }
0x141: {  	s15 =	simm.s32 $0x2000  }
0x142: {  	[tilespmem:s15], [sflag:$0x4] =	stream.indirect.gather [hbm4b:s1+s20], $0x80, s16, s20, $0xb8;
	v63 =	vld [tilespmem:$0x0]  }
0x143: {  	s16 =	simm.s32 $0x3400  }
0x144: {  	[tilespmem:s16], [sflag:$0x4] =	stream.indirect.gather [hbm4b:s11+s20], $0x80, s25, s20, $0xb8;
	v63 =	vld [tilespmem:$0x0]  }
0x145: {  	_ =	swait.ge [sflag:s28], $0x1400  }
0x146: {  	[sflag:s28] =	ssyncset.done $0x0  }
0x147: {  	[sflag:s28] =	ssyncadd.s32 $0xFFFFEC00  }
0x148: {  	_ =	swait.ge [sflag:s28], $0x1400  }
0x149: {  	[sflag:s28] =	ssyncset.done $0x0  }
0x14a: {  	[sflag:s28] =	ssyncadd.s32 $0xFFFFEC00  }
0x14b: {  	_ =	swait.ge [sflag:s28], $0x1400  }
0x14c: {  	[sflag:s28] =	ssyncset.done $0x0  }
0x14d: {  	s15 =	simm.s32 $0x0;
	[sflag:s28] =	ssyncadd.s32 $0xFFFFEC00  }
0x14e: {  	v6 =	vld [tilespmem:s15+$0x7000]  }
0x14f: {  	v5 =	vld [tilespmem:s15+$0x7010]  }
0x150: {  	v4 =	vld [tilespmem:s15+$0x7020]  }
0x151: {  	v3 =	vld [tilespmem:s15+$0x7030]  }
0x152: {  	v2 =	vld [tilespmem:s15+$0x7040]  }
0x153: {  	v1 =	vld [tilespmem:s15+$0x7050]  }
0x154: {  	v13 =	vld [tilespmem:s15+$0x5C00]  }
0x155: {  	v18 =	vld [tilespmem:s15+$0x5C10]  }
0x156: {  	v12 =	vld [tilespmem:s15+$0x5C20]  }
0x157: {  	v11 =	vld [tilespmem:s15+$0x5C30]  }
0x158: {  	v10 =	vld [tilespmem:s15+$0x5C40]  }
0x159: {  	v9 =	vld [tilespmem:s15+$0x5C50]  }
0x15a: {  	v8 =	vld [tilespmem:s15+$0x5C60]  }
0x15b: {  	v7 =	vld [tilespmem:s15+$0x5C70]  }
0x15c: {  	v19 =	vld [tilespmem:s15+$0x4800]  }
0x15d: {  	v20 =	vld [tilespmem:s15+$0x4810]  }
0x15e: {  	v17 =	vld [tilespmem:s15+$0x4820]  }
0x15f: {  	v16 =	vld [tilespmem:s15+$0x4830]  }
0x160: {  	v15 =	vld [tilespmem:s15+$0x4840]  }
0x161: {  	v14 =	vld [tilespmem:s15+$0x4850];
	v19 =	vsub.f32 v19, v13  }
0x162: {  	s2 =	simm.s32 $0x200;
	v18 =	vsub.f32 v20, v18;
	v13 =	vld [tilespmem:s15+$0x4860]  }
.LBB2_7:
0x163: {  	p0 =	sne.s32 s2, $0x4E00;
	v6 =	vmul.f32 v6, v19;
	v12 =	vsub.f32 v17, v12;
	v17 =	vld [tilespmem:s15+$0x4870]  }
0x164: {  	v5 =	vmul.f32 v5, v18;
	v11 =	vsub.f32 v16, v11;
	v16 =	vld [tilespmem:s15+$0x7060]  }
0x165: {  	s4 =	sshra.s32 s2, $0x2;
	[tilespmem:s15+$0x4800] =	vst v6;
	v4 =	vmul.f32 v4, v12;
	v10 =	vsub.f32 v15, v10;
	v12 =	vld [tilespmem:s15+$0x7070]  }
0x166: {  	v6 =	vld [tilespmem:s4+$0x7000];
	[tilespmem:s15+$0x4810] =	vst v5;
	v3 =	vmul.f32 v3, v11;
	v9 =	vsub.f32 v14, v9  }
0x167: {  	v5 =	vld [tilespmem:s4+$0x7010];
	[tilespmem:s15+$0x4820] =	vst v4;
	v2 =	vmul.f32 v2, v10;
	v8 =	vsub.f32 v13, v8  }
0x168: {  	v4 =	vld [tilespmem:s4+$0x7020];
	[tilespmem:s15+$0x4830] =	vst v3;
	v1 =	vmul.f32 v1, v9;
	v7 =	vsub.f32 v17, v7  }
0x169: {  	v3 =	vld [tilespmem:s4+$0x7030];
	[tilespmem:s15+$0x4840] =	vst v2;
	v8 =	vmul.f32 v16, v8  }
0x16a: {  	v2 =	vld [tilespmem:s4+$0x7040];
	[tilespmem:s15+$0x4850] =	vst v1;
	v7 =	vmul.f32 v12, v7  }
0x16b: {  	v1 =	vld [tilespmem:s4+$0x7050];
	[tilespmem:s15+$0x4860] =	vst v8  }
0x16c: {  	v13 =	vld [tilespmem:s4+$0x5C00];
	[tilespmem:s15+$0x4870] =	vst v7;
	s15 =	smov.u32 s4  }
0x16d: {  	v18 =	vld [tilespmem:s15+$0x5C10]  }
0x16e: {  	v12 =	vld [tilespmem:s15+$0x5C20]  }
0x16f: {  	v11 =	vld [tilespmem:s15+$0x5C30]  }
0x170: {  	v10 =	vld [tilespmem:s15+$0x5C40]  }
0x171: {  	v9 =	vld [tilespmem:s15+$0x5C50]  }
0x172: {  	v8 =	vld [tilespmem:s15+$0x5C60]  }
0x173: {  	v7 =	vld [tilespmem:s15+$0x5C70]  }
0x174: {  	v14 =	vld [tilespmem:s15+$0x4800]  }
0x175: {  	v20 =	vld [tilespmem:s15+$0x4810]  }
.Ltmp2:
0x176: {  	v17 =	vld [tilespmem:s15+$0x4820];
	(pc) =	sbr.rel @p0 .LBB2_7-.Ltmp2, $4  }
0x177: {  	v16 =	vld [tilespmem:s15+$0x4830]  }
0x178: {  	v15 =	vld [tilespmem:s15+$0x4840]  }
0x179: {  	v19 =	vsub.f32 v14, v13;
	v14 =	vld [tilespmem:s15+$0x4850]  }
0x17a: {  	s2 =	sadd.s32 $0x200, s2;
	v18 =	vsub.f32 v20, v18;
	v13 =	vld [tilespmem:s15+$0x4860]  }
0x17b: {  	v6 =	vmul.f32 v6, v19;
	v19 =	vld [tilespmem:s15+$0x4870];
	v12 =	vsub.f32 v17, v12  }
0x17c: {  	v17 =	vld [tilespmem:s15+$0x7060];
	v5 =	vmul.f32 v5, v18;
	v11 =	vsub.f32 v16, v11  }
0x17d: {  	[tilespmem:s15+$0x4800] =	vst v6;
	v4 =	vmul.f32 v4, v12;
	v6 =	vsub.f32 v15, v10;
	v10 =	vld [tilespmem:s15+$0x7070]  }
0x17e: {  	[tilespmem:s15+$0x4810] =	vst v5;
	v3 =	vmul.f32 v3, v11;
	v5 =	vsub.f32 v14, v9  }
0x17f: {  	[tilespmem:s15+$0x4820] =	vst v4;
	v2 =	vmul.f32 v2, v6;
	v4 =	vsub.f32 v13, v8  }
0x180: {  	[tilespmem:s15+$0x4830] =	vst v3;
	v1 =	vmul.f32 v1, v5;
	v3 =	vsub.f32 v19, v7  }
0x181: {  	[tilespmem:s15+$0x4840] =	vst v2;
	v2 =	vmul.f32 v17, v4  }
0x182: {  	[tilespmem:s15+$0x4850] =	vst v1;
	v1 =	vmul.f32 v10, v3  }
0x183: {  	[tilespmem:s15+$0x4860] =	vst v2  }
0x184: {  	s2 =	simm.s32 $0x580;
	s4 =	simm.s32 $0x4800;
	[tilespmem:s15+$0x4870] =	vst v1  }
0x185: {  	[spmem:s9] =	stream.indirect.scatter.add.f32 [tilespmem:s4], [sflag:$0x9], $0x80, s2, s20, $0xb8;
	v63 =	vld [tilespmem:$0x0]  }
0x186: {  	_ =	swait.ge [sflag:s7], $0x1400  }
0x187: {  	p0 =	seq.s32 s24, $0x52;
	s2 =	rddreg [dreg:$0x17]  }
0x188: {  	s2 =	sadd.s32 @!p0 s14, s2  }
0x189: {  	s25 =	simm.s32 @!p0 $0x400;
	[sflag:s7] =	ssyncset.done $0x0;
	s2 =	sshrl.u32 @!p0 s2, $0x3  }
0x18a: {  	s15 =	simm.s32 @!p0 $0x0;
	[sflag:s7] =	ssyncadd.s32 $0xFFFFEC00;
	s4 =	sadd.s32 @!p0 s22, s2  }
0x18b: {  	[tilespmem:s25], [sflag:$0x2] =	stream.linear.gather @!p0 [hbm4b:s4+s15], $0x28, $0x38;
	v63 =	vld [tilespmem:$0x0]  }
0x18c: {  	s4 =	sadd.s32 @!p0 s8, s2;
	s8 =	simm.s32 @!p0 $0x480  }
0x18d: {  	[tilespmem:s8], [sflag:$0x2] =	stream.linear.gather @!p0 [hbm4b:s4+s15], $0x28, $0x38;
	v63 =	vld [tilespmem:$0x0]  }
0x18e: {  	s16 =	smov.u32 s22;
	s22 =	simm.s32 @!p0 $0x500;
	s4 =	sadd.s32 @!p0 s5, s2  }
0x18f: {  	[tilespmem:s22], [sflag:$0x2] =	stream.linear.gather @!p0 [hbm4b:s4+s15], $0x28, $0x38;
	v63 =	vld [tilespmem:$0x0]  }
0x190: {  	s2 =	sadd.s32 @!p0 s3, s2;
	s4 =	simm.s32 @!p0 $0x580  }
0x191: {  	[tilespmem:s4], [sflag:$0x2] =	stream.linear.gather @!p0 [hbm4b:s2+s15], $0x28, $0x38;
	v63 =	vld [tilespmem:$0x0]  }
0x192: {  	s2 =	simm.s32 @!p0 $0x2  }
0x193: {  	_ =	swait.ge @!p0 [sflag:s2], $0x28  }
0x194: {  	[sflag:s2] =	ssyncset.done @!p0 $0x0  }
0x195: {  	[sflag:s2] =	ssyncadd.s32 @!p0 $0xFFFFFFD8  }
0x196: {  	_ =	swait.ge @!p0 [sflag:s2], $0x28  }
0x197: {  	[sflag:s2] =	ssyncset.done @!p0 $0x0  }
0x198: {  	[sflag:s2] =	ssyncadd.s32 @!p0 $0xFFFFFFD8  }
0x199: {  	_ =	swait.ge @!p0 [sflag:s2], $0x28  }
0x19a: {  	[sflag:s2] =	ssyncset.done @!p0 $0x0  }
0x19b: {  	[sflag:s2] =	ssyncadd.s32 @!p0 $0xFFFFFFD8  }
0x19c: {  	_ =	swait.ge @!p0 [sflag:s2], $0x28  }
0x19d: {  	[sflag:s2] =	ssyncset.done @!p0 $0x0  }
0x19e: {  	s4 =	simm.s32 @!p0 $0x4800;
	[sflag:s2] =	ssyncadd.s32 @!p0 $0xFFFFFFD8;
	s2 =	simm.s32 @!p0 $0x28  }
0x19f: {  	[tilespmem:s4], [sflag:$0x5] =	stream.indirect.gather @!p0 [hbm4b:s0+s2], $0x80, s25, s2, $0xb8;
	v63 =	vld [tilespmem:$0x0]  }
0x1a0: {  	s4 =	simm.s32 @!p0 $0x5C00  }
0x1a1: {  	[tilespmem:s4], [sflag:$0x5] =	stream.indirect.gather @!p0 [hbm4b:s1+s2], $0x80, s8, s2, $0xb8;
	v63 =	vld [tilespmem:$0x0]  }
0x1a2: {  	s4 =	simm.s32 @!p0 $0x7000  }
0x1a3: {  	[tilespmem:s4], [sflag:$0x5] =	stream.indirect.gather @!p0 [hbm4b:s11+s2], $0x80, s22, s2, $0xb8;
	v63 =	vld [tilespmem:$0x0]  }
0x1a4: {  	_ =	swait.ge [sflag:s29], $0x1400  }
0x1a5: {  	[sflag:s29] =	ssyncset.done $0x0  }
0x1a6: {  	[sflag:s29] =	ssyncadd.s32 $0xFFFFEC00  }
0x1a7: {  	_ =	swait.ge [sflag:s29], $0x1400  }
0x1a8: {  	[sflag:s29] =	ssyncset.done $0x0  }
0x1a9: {  	[sflag:s29] =	ssyncadd.s32 $0xFFFFEC00  }
0x1aa: {  	_ =	swait.ge [sflag:s29], $0x1400  }
0x1ab: {  	[sflag:s29] =	ssyncset.done $0x0  }
0x1ac: {  	s15 =	simm.s32 $0x0;
	[sflag:s29] =	ssyncadd.s32 $0xFFFFEC00  }
0x1ad: {  	v6 =	vld [tilespmem:s15+$0xAC00]  }
0x1ae: {  	v5 =	vld [tilespmem:s15+$0xAC10]  }
0x1af: {  	v4 =	vld [tilespmem:s15+$0xAC20]  }
0x1b0: {  	v3 =	vld [tilespmem:s15+$0xAC30]  }
0x1b1: {  	v2 =	vld [tilespmem:s15+$0xAC40]  }
0x1b2: {  	v1 =	vld [tilespmem:s15+$0xAC50]  }
0x1b3: {  	v13 =	vld [tilespmem:s15+$0x9800]  }
0x1b4: {  	v18 =	vld [tilespmem:s15+$0x9810]  }
0x1b5: {  	v12 =	vld [tilespmem:s15+$0x9820]  }
0x1b6: {  	v11 =	vld [tilespmem:s15+$0x9830]  }
0x1b7: {  	v10 =	vld [tilespmem:s15+$0x9840]  }
0x1b8: {  	v9 =	vld [tilespmem:s15+$0x9850]  }
0x1b9: {  	v8 =	vld [tilespmem:s15+$0x9860]  }
0x1ba: {  	v7 =	vld [tilespmem:s15+$0x9870]  }
0x1bb: {  	v19 =	vld [tilespmem:s15+$0x8400]  }
0x1bc: {  	v20 =	vld [tilespmem:s15+$0x8410]  }
0x1bd: {  	v17 =	vld [tilespmem:s15+$0x8420]  }
0x1be: {  	v16 =	vld [tilespmem:s15+$0x8430]  }
0x1bf: {  	v15 =	vld [tilespmem:s15+$0x8440]  }
0x1c0: {  	v14 =	vld [tilespmem:s15+$0x8450];
	v19 =	vsub.f32 v19, v13  }
0x1c1: {  	s2 =	simm.s32 $0x200;
	v18 =	vsub.f32 v20, v18;
	v13 =	vld [tilespmem:s15+$0x8460]  }
.LBB2_9:
0x1c2: {  	p1 =	sne.s32 s2, $0x4E00;
	v6 =	vmul.f32 v6, v19;
	v12 =	vsub.f32 v17, v12;
	v17 =	vld [tilespmem:s15+$0x8470]  }
0x1c3: {  	v5 =	vmul.f32 v5, v18;
	v11 =	vsub.f32 v16, v11;
	v16 =	vld [tilespmem:s15+$0xAC60]  }
0x1c4: {  	s4 =	sshra.s32 s2, $0x2;
	[tilespmem:s15+$0x8400] =	vst v6;
	v4 =	vmul.f32 v4, v12;
	v10 =	vsub.f32 v15, v10;
	v12 =	vld [tilespmem:s15+$0xAC70]  }
0x1c5: {  	v6 =	vld [tilespmem:s4+$0xAC00];
	[tilespmem:s15+$0x8410] =	vst v5;
	v3 =	vmul.f32 v3, v11;
	v9 =	vsub.f32 v14, v9  }
0x1c6: {  	v5 =	vld [tilespmem:s4+$0xAC10];
	[tilespmem:s15+$0x8420] =	vst v4;
	v2 =	vmul.f32 v2, v10;
	v8 =	vsub.f32 v13, v8  }
0x1c7: {  	v4 =	vld [tilespmem:s4+$0xAC20];
	[tilespmem:s15+$0x8430] =	vst v3;
	v1 =	vmul.f32 v1, v9;
	v7 =	vsub.f32 v17, v7  }
0x1c8: {  	v3 =	vld [tilespmem:s4+$0xAC30];
	[tilespmem:s15+$0x8440] =	vst v2;
	v8 =	vmul.f32 v16, v8  }
0x1c9: {  	v2 =	vld [tilespmem:s4+$0xAC40];
	[tilespmem:s15+$0x8450] =	vst v1;
	v7 =	vmul.f32 v12, v7  }
0x1ca: {  	v1 =	vld [tilespmem:s4+$0xAC50];
	[tilespmem:s15+$0x8460] =	vst v8  }
0x1cb: {  	v13 =	vld [tilespmem:s4+$0x9800];
	[tilespmem:s15+$0x8470] =	vst v7;
	s15 =	smov.u32 s4  }
0x1cc: {  	v18 =	vld [tilespmem:s15+$0x9810]  }
0x1cd: {  	v12 =	vld [tilespmem:s15+$0x9820]  }
0x1ce: {  	v11 =	vld [tilespmem:s15+$0x9830]  }
0x1cf: {  	v10 =	vld [tilespmem:s15+$0x9840]  }
0x1d0: {  	v9 =	vld [tilespmem:s15+$0x9850]  }
0x1d1: {  	v8 =	vld [tilespmem:s15+$0x9860]  }
0x1d2: {  	v7 =	vld [tilespmem:s15+$0x9870]  }
0x1d3: {  	v14 =	vld [tilespmem:s15+$0x8400]  }
0x1d4: {  	v20 =	vld [tilespmem:s15+$0x8410]  }
.Ltmp3:
0x1d5: {  	v17 =	vld [tilespmem:s15+$0x8420];
	(pc) =	sbr.rel @p1 .LBB2_9-.Ltmp3, $4  }
0x1d6: {  	v16 =	vld [tilespmem:s15+$0x8430]  }
0x1d7: {  	v15 =	vld [tilespmem:s15+$0x8440]  }
0x1d8: {  	v19 =	vsub.f32 v14, v13;
	v14 =	vld [tilespmem:s15+$0x8450]  }
0x1d9: {  	s2 =	sadd.s32 $0x200, s2;
	v18 =	vsub.f32 v20, v18;
	v13 =	vld [tilespmem:s15+$0x8460]  }
0x1da: {  	v6 =	vmul.f32 v6, v19;
	v57 =	vld [tilespmem:s15+$0x8470];
	v12 =	vsub.f32 v17, v12  }
0x1db: {  	v58 =	vld [tilespmem:s15+$0xAC60];
	v5 =	vmul.f32 v5, v18;
	v11 =	vsub.f32 v16, v11  }
0x1dc: {  	v60 =	vld [tilespmem:s15+$0xAC70];
	[tilespmem:s15+$0x8400] =	vst v6;
	v4 =	vmul.f32 v4, v12;
	v59 =	vsub.f32 v15, v10  }
0x1dd: {  	[tilespmem:s15+$0x8410] =	vst v5;
	v3 =	vmul.f32 v3, v11;
	v61 =	vsub.f32 v14, v9  }
0x1de: {  	[tilespmem:s15+$0x8420] =	vst v4;
	v2 =	vmul.f32 v2, v59;
	v62 =	vsub.f32 v13, v8  }
0x1df: {  	[tilespmem:s15+$0x8430] =	vst v3;
	v1 =	vmul.f32 v1, v61;
	v3 =	vsub.f32 v57, v7  }
0x1e0: {  	[tilespmem:s15+$0x8440] =	vst v2;
	v2 =	vmul.f32 v58, v62  }
0x1e1: {  	[tilespmem:s15+$0x8450] =	vst v1;
	v1 =	vmul.f32 v60, v3  }
0x1e2: {  	[tilespmem:s15+$0x8460] =	vst v2  }
.Ltmp4:
0x1e3: {  	s2 =	simm.s32 $0x980;
	s4 =	simm.s32 $0x8400;
	[tilespmem:s15+$0x8470] =	vst v1;
	(pc) =	sbr.rel @p0 .LBB2_12-.Ltmp4, $4  }
0x1e4: {  	[spmem:s9] =	stream.indirect.scatter.add.f32 [tilespmem:s4], [sflag:$0x9], $0x80, s2, s20, $0xb8;
	v63 =	vld [tilespmem:$0x0]  }
0x1e5: {  	_ =	swait.ge [sflag:s7], $0x1400  }
0x1e6: {  	[sflag:s7] =	ssyncset.done $0x0  }
0x1e7: {  	s12 =	simm.s32 $0x400;
	s25 =	simm.s32 $0x480;
	[sflag:s7] =	ssyncadd.s32 $0xFFFFEC00  }
0x1e8: {  	s2 =	rddreg [dreg:$0x18]  }
0x1e9: {  	s2 =	sadd.s32 s14, s2  }
0x1ea: {  	s2 =	sshrl.u32 s2, $0x3  }
0x1eb: {  	s12 =	simm.s32 $0x800;
	s8 =	rddreg [dreg:$0x5];
	s4 =	sadd.s32 s16, s2  }
0x1ec: {  	[tilespmem:s12], [sflag:$0x3] =	stream.linear.gather [hbm4b:s4+s10], $0x28, $0x38;
	v63 =	vld [tilespmem:$0x0]  }
0x1ed: {  	s14 =	simm.s32 $0x880;
	s15 =	sadd.s32 s8, s2  }
0x1ee: {  	[tilespmem:s14], [sflag:$0x3] =	stream.linear.gather [hbm4b:s15+s10], $0x28, $0x38;
	v63 =	vld [tilespmem:$0x0]  }
.Ltmp5:
0x1ef: {  	s22 =	smov.u32 s16;
	(pc) =	sbr.rel .LBB2_4-.Ltmp5, $4  }
0x1f0: {  	s24 =	sadd.s32 $0x1, s24;
	s25 =	sadd.s32 s5, s2;
	s15 =	simm.s32 $0x900  }
0x1f1: {  	[tilespmem:s15], [sflag:$0x3] =	stream.linear.gather [hbm4b:s25+s10], $0x28, $0x38;
	v63 =	vld [tilespmem:$0x0]  }
0x1f2: {  	s16 =	simm.s32 $0x980;
	s2 =	sadd.s32 s3, s2;
	s4 =	simm.s32 $0x900  }
0x1f3: {  	[tilespmem:s16], [sflag:$0x3] =	stream.linear.gather [hbm4b:s2+s10], $0x28, $0x38;
	v63 =	vld [tilespmem:$0x0]  }
.LBB2_12:
0x1f4: {  	_ =	swait.ge [sflag:s18], $0x1400  }
0x1f5: {  	[sflag:s18] =	ssyncset.done $0x0  }
0x1f6: {  	[sflag:s18] =	ssyncadd.s32 $0xFFFFEC00  }
0x1f7: {  	_ =	swait.ge [sflag:s18], $0x1400  }
0x1f8: {  	[sflag:s18] =	ssyncset.done $0x0  }
0x1f9: {  	[sflag:s18] =	ssyncadd.s32 $0xFFFFEC00  }
0x1fa: {  	_ =	swait.ge [sflag:s18], $0x1400  }
0x1fb: {  	[sflag:s18] =	ssyncset.done $0x0  }
0x1fc: {  	s14 =	simm.s32 $0x0;
	[sflag:s18] =	ssyncadd.s32 $0xFFFFEC00  }
0x1fd: {  	v6 =	vld [tilespmem:s14+$0x3400]  }
0x1fe: {  	v5 =	vld [tilespmem:s14+$0x3410]  }
0x1ff: {  	v4 =	vld [tilespmem:s14+$0x3420]  }
0x200: {  	v3 =	vld [tilespmem:s14+$0x3430]  }
0x201: {  	v2 =	vld [tilespmem:s14+$0x3440]  }
0x202: {  	v1 =	vld [tilespmem:s14+$0x3450]  }
0x203: {  	v13 =	vld [tilespmem:s14+$0x2000]  }
0x204: {  	v18 =	vld [tilespmem:s14+$0x2010]  }
0x205: {  	v12 =	vld [tilespmem:s14+$0x2020]  }
0x206: {  	v11 =	vld [tilespmem:s14+$0x2030]  }
0x207: {  	v10 =	vld [tilespmem:s14+$0x2040]  }
0x208: {  	v9 =	vld [tilespmem:s14+$0x2050]  }
0x209: {  	v8 =	vld [tilespmem:s14+$0x2060]  }
0x20a: {  	v7 =	vld [tilespmem:s14+$0x2070]  }
0x20b: {  	v19 =	vld [tilespmem:s14+$0xC00]  }
0x20c: {  	v20 =	vld [tilespmem:s14+$0xC10]  }
0x20d: {  	v17 =	vld [tilespmem:s14+$0xC20]  }
0x20e: {  	v16 =	vld [tilespmem:s14+$0xC30]  }
0x20f: {  	v15 =	vld [tilespmem:s14+$0xC40]  }
0x210: {  	v14 =	vld [tilespmem:s14+$0xC50];
	v19 =	vsub.f32 v19, v13  }
0x211: {  	s2 =	simm.s32 $0x200;
	s22 =	smov.u32 s16;
	v18 =	vsub.f32 v20, v18;
	v13 =	vld [tilespmem:s14+$0xC60]  }
.LBB2_13:
0x212: {  	p0 =	sne.s32 s2, $0x4E00;
	v6 =	vmul.f32 v6, v19;
	v12 =	vsub.f32 v17, v12;
	v17 =	vld [tilespmem:s14+$0xC70]  }
0x213: {  	v5 =	vmul.f32 v5, v18;
	v11 =	vsub.f32 v16, v11;
	v16 =	vld [tilespmem:s14+$0x3460]  }
0x214: {  	s4 =	sshra.s32 s2, $0x2;
	[tilespmem:s14+$0xC00] =	vst v6;
	v4 =	vmul.f32 v4, v12;
	v10 =	vsub.f32 v15, v10;
	v12 =	vld [tilespmem:s14+$0x3470]  }
0x215: {  	v6 =	vld [tilespmem:s4+$0x3400];
	[tilespmem:s14+$0xC10] =	vst v5;
	v3 =	vmul.f32 v3, v11;
	v9 =	vsub.f32 v14, v9  }
0x216: {  	v5 =	vld [tilespmem:s4+$0x3410];
	[tilespmem:s14+$0xC20] =	vst v4;
	v2 =	vmul.f32 v2, v10;
	v8 =	vsub.f32 v13, v8  }
0x217: {  	v4 =	vld [tilespmem:s4+$0x3420];
	[tilespmem:s14+$0xC30] =	vst v3;
	v1 =	vmul.f32 v1, v9;
	v7 =	vsub.f32 v17, v7  }
0x218: {  	v3 =	vld [tilespmem:s4+$0x3430];
	[tilespmem:s14+$0xC40] =	vst v2;
	v8 =	vmul.f32 v16, v8  }
0x219: {  	v2 =	vld [tilespmem:s4+$0x3440];
	[tilespmem:s14+$0xC50] =	vst v1;
	v7 =	vmul.f32 v12, v7  }
0x21a: {  	v1 =	vld [tilespmem:s4+$0x3450];
	[tilespmem:s14+$0xC60] =	vst v8  }
0x21b: {  	v13 =	vld [tilespmem:s4+$0x2000];
	[tilespmem:s14+$0xC70] =	vst v7;
	s14 =	smov.u32 s4  }
0x21c: {  	v18 =	vld [tilespmem:s14+$0x2010]  }
0x21d: {  	v12 =	vld [tilespmem:s14+$0x2020]  }
0x21e: {  	v11 =	vld [tilespmem:s14+$0x2030]  }
0x21f: {  	v10 =	vld [tilespmem:s14+$0x2040]  }
0x220: {  	v9 =	vld [tilespmem:s14+$0x2050]  }
0x221: {  	v8 =	vld [tilespmem:s14+$0x2060]  }
0x222: {  	v7 =	vld [tilespmem:s14+$0x2070]  }
0x223: {  	v14 =	vld [tilespmem:s14+$0xC00]  }
0x224: {  	v20 =	vld [tilespmem:s14+$0xC10]  }
.Ltmp6:
0x225: {  	v17 =	vld [tilespmem:s14+$0xC20];
	(pc) =	sbr.rel @p0 .LBB2_13-.Ltmp6, $4  }
0x226: {  	v16 =	vld [tilespmem:s14+$0xC30]  }
0x227: {  	v15 =	vld [tilespmem:s14+$0xC40]  }
0x228: {  	v19 =	vsub.f32 v14, v13;
	v14 =	vld [tilespmem:s14+$0xC50]  }
0x229: {  	s2 =	sadd.s32 $0x200, s2;
	v18 =	vsub.f32 v20, v18;
	v13 =	vld [tilespmem:s14+$0xC60]  }
0x22a: {  	v6 =	vmul.f32 v6, v19;
	v57 =	vld [tilespmem:s14+$0xC70];
	v12 =	vsub.f32 v17, v12  }
0x22b: {  	v58 =	vld [tilespmem:s14+$0x3460];
	v5 =	vmul.f32 v5, v18;
	v11 =	vsub.f32 v16, v11  }
0x22c: {  	v60 =	vld [tilespmem:s14+$0x3470];
	[tilespmem:s14+$0xC00] =	vst v6;
	v4 =	vmul.f32 v4, v12;
	v59 =	vsub.f32 v15, v10  }
0x22d: {  	[tilespmem:s14+$0xC10] =	vst v5;
	v3 =	vmul.f32 v3, v11;
	v61 =	vsub.f32 v14, v9  }
0x22e: {  	[tilespmem:s14+$0xC20] =	vst v4;
	v2 =	vmul.f32 v2, v59;
	v62 =	vsub.f32 v13, v8  }
0x22f: {  	[tilespmem:s14+$0xC30] =	vst v3;
	v1 =	vmul.f32 v1, v61;
	v3 =	vsub.f32 v57, v7  }
0x230: {  	[tilespmem:s14+$0xC40] =	vst v2;
	v2 =	vmul.f32 v58, v62  }
0x231: {  	[tilespmem:s14+$0xC50] =	vst v1;
	v1 =	vmul.f32 v60, v3  }
0x232: {  	[tilespmem:s14+$0xC60] =	vst v2  }
0x233: {  	s8 =	simm.s32 $0x180;
	[tilespmem:s14+$0xC70] =	vst v1  }
0x234: {  	[spmem:s9] =	stream.indirect.scatter.add.f32 [tilespmem:s6], [sflag:$0x9], $0x80, s8, s20, $0xb8;
	v63 =	vld [tilespmem:$0x0]  }
0x235: {  	_ =	swait.ge [sflag:s7], $0x1400  }
0x236: {  	[sflag:s7] =	ssyncset.done $0x0  }
0x237: {  	s24 =	simm.s32 $0x0;
	s2 =	rddreg [dreg:$0x19];
	[sflag:s7] =	ssyncadd.s32 $0xFFFFEC00  }
0x238: {  	[tilespmem:s24], [sflag:$0x7] =	stream.linear.gather [hbm4b:s2+s24], $0x28, $0x38;
	v63 =	vld [tilespmem:$0x0]  }
0x239: {  	s4 =	simm.s32 $0x80;
	s16 =	rddreg [dreg:$0x1a]  }
0x23a: {  	[tilespmem:s4], [sflag:$0x7] =	stream.linear.gather [hbm4b:s16+s24], $0x28, $0x38;
	v63 =	vld [tilespmem:$0x0]  }
0x23b: {  	s15 =	simm.s32 $0x200;
	s14 =	rddreg [dreg:$0x1b];
	s16 =	simm.s32 $0x7  }
0x23c: {  	[tilespmem:s15], [sflag:$0x7] =	stream.linear.gather [hbm4b:s14+s24], $0x28, $0x38;
	v63 =	vld [tilespmem:$0x0]  }
0x23d: {  	_ =	swait.ge [sflag:s16], $0x28  }
0x23e: {  	[sflag:s16] =	ssyncset.done $0x0  }
0x23f: {  	[sflag:s16] =	ssyncadd.s32 $0xFFFFFFD8  }
0x240: {  	_ =	swait.ge [sflag:s16], $0x28  }
0x241: {  	[sflag:s16] =	ssyncset.done $0x0  }
0x242: {  	[sflag:s16] =	ssyncadd.s32 $0xFFFFFFD8  }
0x243: {  	_ =	swait.ge [sflag:s16], $0x28  }
0x244: {  	[sflag:s16] =	ssyncset.done $0x0  }
0x245: {  	[sflag:s16] =	ssyncadd.s32 $0xFFFFFFD8  }
0x246: {  	[tilespmem:s8], [sflag:$0x1] =	stream.indirect.gather [hbm4b:s3+s20], $0x1, s24, s20, $0xb8;
	v63 =	vld [tilespmem:$0x0]  }
0x247: {  	s2 =	simm.s32 $0x100  }
0x248: {  	[tilespmem:s2], [sflag:$0x1] =	stream.indirect.gather [hbm4b:s5+s20], $0x1, s24, s20, $0xb8;
	v63 =	vld [tilespmem:$0x0]  }
0x249: {  	_ =	swait.ge [sflag:s26], $0x28  }
0x24a: {  	[sflag:s26] =	ssyncset.done $0x0  }
0x24b: {  	[sflag:s26] =	ssyncadd.s32 $0xFFFFFFD8  }
0x24c: {  	_ =	swait.ge [sflag:s26], $0x28  }
0x24d: {  	[sflag:s26] =	ssyncset.done $0x0  }
0x24e: {  	[sflag:s26] =	ssyncadd.s32 $0xFFFFFFD8  }
0x24f: {  	[tilespmem:s6], [sflag:$0x4] =	stream.indirect.gather [hbm4b:s0+s20], $0x80, s15, s20, $0xb8;
	v63 =	vld [tilespmem:$0x0]  }
0x250: {  	s14 =	simm.s32 $0x2000  }
0x251: {  	[tilespmem:s14], [sflag:$0x4] =	stream.indirect.gather [hbm4b:s1+s20], $0x80, s4, s20, $0xb8;
	v63 =	vld [tilespmem:$0x0]  }
0x252: {  	s15 =	simm.s32 $0x3400  }
0x253: {  	[tilespmem:s15], [sflag:$0x4] =	stream.indirect.gather [hbm4b:s11+s20], $0x80, s2, s20, $0xb8;
	v63 =	vld [tilespmem:$0x0]  }
0x254: {  	s8 =	rddreg [dreg:$0x1c]  }
0x255: {  	[tilespmem:s12], [sflag:$0x8] =	stream.linear.gather [hbm4b:s8+s24], $0x28, $0x38;
	v63 =	vld [tilespmem:$0x0]  }
0x256: {  	s14 =	rddreg [dreg:$0x1d]  }
0x257: {  	[tilespmem:s25], [sflag:$0x8] =	stream.linear.gather [hbm4b:s14+s24], $0x28, $0x38;
	v63 =	vld [tilespmem:$0x0]  }
0x258: {  	s16 =	simm.s32 $0x180;
	s15 =	rddreg [dreg:$0x1e];
	s8 =	simm.s32 $0x600  }
0x259: {  	[tilespmem:s8], [sflag:$0x8] =	stream.linear.gather [hbm4b:s15+s24], $0x28, $0x38;
	v63 =	vld [tilespmem:$0x0]  }
.LBB2_15:
0x25a: {  	_ =	swait.ge [sflag:s30], $0x28  }
0x25b: {  	[sflag:s30] =	ssyncset.done $0x0  }
0x25c: {  	[sflag:s30] =	ssyncadd.s32 $0xFFFFFFD8  }
0x25d: {  	_ =	swait.ge [sflag:s30], $0x28  }
0x25e: {  	[sflag:s30] =	ssyncset.done $0x0  }
0x25f: {  	[sflag:s30] =	ssyncadd.s32 $0xFFFFFFD8  }
0x260: {  	_ =	swait.ge [sflag:s30], $0x28  }
0x261: {  	[sflag:s30] =	ssyncset.done $0x0  }
0x262: {  	s2 =	simm.s32 $0x580;
	[sflag:s30] =	ssyncadd.s32 $0xFFFFFFD8  }
0x263: {  	[tilespmem:s2], [sflag:$0x2] =	stream.indirect.gather [hbm4b:s3+s20], $0x1, s12, s20, $0xb8;
	v63 =	vld [tilespmem:$0x0]  }
0x264: {  	s4 =	simm.s32 $0x500  }
0x265: {  	[tilespmem:s4], [sflag:$0x2] =	stream.indirect.gather [hbm4b:s5+s20], $0x1, s12, s20, $0xb8;
	v63 =	vld [tilespmem:$0x0]  }
0x266: {  	_ =	swait.ge [sflag:s18], $0x1400  }
0x267: {  	[sflag:s18] =	ssyncset.done $0x0  }
0x268: {  	[sflag:s18] =	ssyncadd.s32 $0xFFFFEC00  }
0x269: {  	_ =	swait.ge [sflag:s18], $0x1400  }
0x26a: {  	[sflag:s18] =	ssyncset.done $0x0  }
0x26b: {  	[sflag:s18] =	ssyncadd.s32 $0xFFFFEC00  }
0x26c: {  	_ =	swait.ge [sflag:s18], $0x1400  }
0x26d: {  	[sflag:s18] =	ssyncset.done $0x0  }
0x26e: {  	[sflag:s18] =	ssyncadd.s32 $0xFFFFEC00  }
0x26f: {  	_ =	swait.ge [sflag:s31], $0x28  }
0x270: {  	[sflag:s31] =	ssyncset.done $0x0  }
0x271: {  	[sflag:s31] =	ssyncadd.s32 $0xFFFFFFD8  }
0x272: {  	_ =	swait.ge [sflag:s31], $0x28  }
0x273: {  	[sflag:s31] =	ssyncset.done $0x0  }
0x274: {  	s15 =	simm.s32 $0x4800;
	[sflag:s31] =	ssyncadd.s32 $0xFFFFFFD8  }
0x275: {  	[tilespmem:s15], [sflag:$0x5] =	stream.indirect.gather [hbm4b:s0+s20], $0x80, s8, s20, $0xb8;
	v63 =	vld [tilespmem:$0x0]  }
0x276: {  	s14 =	simm.s32 $0x5C00  }
0x277: {  	[tilespmem:s14], [sflag:$0x5] =	stream.indirect.gather [hbm4b:s1+s20], $0x80, s25, s20, $0xb8;
	v63 =	vld [tilespmem:$0x0]  }
0x278: {  	s15 =	simm.s32 $0x7000;
	s14 =	simm.s32 $0x0  }
0x279: {  	[tilespmem:s15], [sflag:$0x5] =	stream.indirect.gather [hbm4b:s11+s20], $0x80, s4, s20, $0xb8;
	v63 =	vld [tilespmem:$0x0]  }
0x27a: {  	v4 =	vld [tilespmem:s14+$0x3400]  }
0x27b: {  	v3 =	vld [tilespmem:s14+$0x3410]  }
0x27c: {  	v2 =	vld [tilespmem:s14+$0x3420]  }
0x27d: {  	v1 =	vld [tilespmem:s14+$0x3430]  }
0x27e: {  	v11 =	vld [tilespmem:s14+$0x2000]  }
0x27f: {  	v16 =	vld [tilespmem:s14+$0x2010]  }
0x280: {  	v10 =	vld [tilespmem:s14+$0x2020]  }
0x281: {  	v9 =	vld [tilespmem:s14+$0x2030]  }
0x282: {  	v8 =	vld [tilespmem:s14+$0x2040]  }
0x283: {  	v7 =	vld [tilespmem:s14+$0x2050]  }
0x284: {  	v6 =	vld [tilespmem:s14+$0x2060]  }
0x285: {  	v5 =	vld [tilespmem:s14+$0x2070]  }
0x286: {  	v17 =	vld [tilespmem:s14+$0xC00]  }
0x287: {  	v18 =	vld [tilespmem:s14+$0xC10]  }
0x288: {  	v15 =	vld [tilespmem:s14+$0xC20]  }
0x289: {  	v14 =	vld [tilespmem:s14+$0xC30]  }
0x28a: {  	v13 =	vld [tilespmem:s14+$0xC40]  }
0x28b: {  	v12 =	vld [tilespmem:s14+$0xC50];
	v17 =	vmul.f32 v11, v17  }
0x28c: {  	s15 =	simm.s32 $0x200;
	v16 =	vmul.f32 v16, v18;
	v11 =	vld [tilespmem:s14+$0xC60]  }
.LBB2_16:
0x28d: {  	p0 =	sne.s32 s15, $0x4E00;
	v17 =	vsub.f32 $0.0e+00, v17;
	v10 =	vmul.f32 v10, v15;
	v15 =	vld [tilespmem:s14+$0xC70]  }
0x28e: {  	v16 =	vsub.f32 $0.0e+00, v16;
	v9 =	vmul.f32 v9, v14;
	v14 =	vld [tilespmem:s14+$0x3440]  }
0x28f: {  	v4 =	vmul.f32 v17, v4;
	v10 =	vsub.f32 $0.0e+00, v10;
	v8 =	vmul.f32 v8, v13;
	v13 =	vld [tilespmem:s14+$0x3450]  }
0x290: {  	v3 =	vmul.f32 v16, v3;
	v9 =	vsub.f32 $0.0e+00, v9;
	v7 =	vmul.f32 v7, v12;
	v12 =	vld [tilespmem:s14+$0x3460]  }
0x291: {  	s2 =	sshra.s32 s15, $0x2;
	[tilespmem:s14+$0xC00] =	vst v4;
	v2 =	vmul.f32 v10, v2;
	v8 =	vsub.f32 $0.0e+00, v8;
	v6 =	vmul.f32 v6, v11;
	v10 =	vld [tilespmem:s14+$0x3470]  }
0x292: {  	v4 =	vld [tilespmem:s2+$0x3400];
	[tilespmem:s14+$0xC10] =	vst v3;
	v1 =	vmul.f32 v9, v1;
	v7 =	vsub.f32 $0.0e+00, v7;
	v5 =	vmul.f32 v5, v15  }
0x293: {  	v3 =	vld [tilespmem:s2+$0x3410];
	[tilespmem:s14+$0xC20] =	vst v2;
	v8 =	vmul.f32 v8, v14;
	v6 =	vsub.f32 $0.0e+00, v6  }
0x294: {  	v2 =	vld [tilespmem:s2+$0x3420];
	[tilespmem:s14+$0xC30] =	vst v1;
	v7 =	vmul.f32 v7, v13;
	v5 =	vsub.f32 $0.0e+00, v5  }
0x295: {  	v1 =	vld [tilespmem:s2+$0x3430];
	[tilespmem:s14+$0xC40] =	vst v8;
	v6 =	vmul.f32 v6, v12  }
0x296: {  	v11 =	vld [tilespmem:s2+$0x2000];
	[tilespmem:s14+$0xC50] =	vst v7;
	v5 =	vmul.f32 v5, v10  }
0x297: {  	v16 =	vld [tilespmem:s2+$0x2010];
	[tilespmem:s14+$0xC60] =	vst v6  }
0x298: {  	v10 =	vld [tilespmem:s2+$0x2020];
	[tilespmem:s14+$0xC70] =	vst v5;
	s14 =	smov.u32 s2  }
0x299: {  	v9 =	vld [tilespmem:s14+$0x2030]  }
0x29a: {  	v8 =	vld [tilespmem:s14+$0x2040]  }
0x29b: {  	v7 =	vld [tilespmem:s14+$0x2050]  }
0x29c: {  	v6 =	vld [tilespmem:s14+$0x2060]  }
0x29d: {  	v5 =	vld [tilespmem:s14+$0x2070]  }
0x29e: {  	v12 =	vld [tilespmem:s14+$0xC00]  }
0x29f: {  	v18 =	vld [tilespmem:s14+$0xC10]  }
.Ltmp7:
0x2a0: {  	v15 =	vld [tilespmem:s14+$0xC20];
	(pc) =	sbr.rel @p0 .LBB2_16-.Ltmp7, $4  }
0x2a1: {  	v14 =	vld [tilespmem:s14+$0xC30]  }
0x2a2: {  	v13 =	vld [tilespmem:s14+$0xC40]  }
0x2a3: {  	v17 =	vmul.f32 v11, v12;
	v12 =	vld [tilespmem:s14+$0xC50]  }
0x2a4: {  	s15 =	sadd.s32 $0x200, s15;
	v16 =	vmul.f32 v16, v18;
	v11 =	vld [tilespmem:s14+$0xC60]  }
0x2a5: {  	v17 =	vsub.f32 $0.0e+00, v17;
	v18 =	vld [tilespmem:s14+$0xC70];
	v10 =	vmul.f32 v10, v15  }
0x2a6: {  	v15 =	vld [tilespmem:s14+$0x3440];
	v16 =	vsub.f32 $0.0e+00, v16;
	v9 =	vmul.f32 v9, v14  }
0x2a7: {  	v14 =	vld [tilespmem:s14+$0x3450];
	v4 =	vmul.f32 v17, v4;
	v10 =	vsub.f32 $0.0e+00, v10;
	v8 =	vmul.f32 v8, v13  }
0x2a8: {  	v13 =	vld [tilespmem:s14+$0x3460];
	v3 =	vmul.f32 v16, v3;
	v9 =	vsub.f32 $0.0e+00, v9;
	v7 =	vmul.f32 v7, v12  }
0x2a9: {  	[tilespmem:s14+$0xC00] =	vst v4;
	v2 =	vmul.f32 v10, v2;
	v4 =	vsub.f32 $0.0e+00, v8;
	v6 =	vmul.f32 v6, v11;
	v8 =	vld [tilespmem:s14+$0x3470]  }
0x2aa: {  	[tilespmem:s14+$0xC10] =	vst v3;
	v1 =	vmul.f32 v9, v1;
	v3 =	vsub.f32 $0.0e+00, v7;
	v5 =	vmul.f32 v5, v18  }
0x2ab: {  	[tilespmem:s14+$0xC20] =	vst v2;
	v2 =	vmul.f32 v4, v15;
	v4 =	vsub.f32 $0.0e+00, v6  }
0x2ac: {  	[tilespmem:s14+$0xC30] =	vst v1;
	v1 =	vmul.f32 v3, v14;
	v3 =	vsub.f32 $0.0e+00, v5  }
0x2ad: {  	[tilespmem:s14+$0xC40] =	vst v2;
	v2 =	vmul.f32 v4, v13  }
0x2ae: {  	[tilespmem:s14+$0xC50] =	vst v1;
	v1 =	vmul.f32 v3, v8  }
0x2af: {  	[tilespmem:s14+$0xC60] =	vst v2  }
0x2b0: {  	[tilespmem:s14+$0xC70] =	vst v1  }
0x2b1: {  	[spmem:s9] =	stream.indirect.scatter.add.f32 [tilespmem:s6], [sflag:$0x9], $0x80, s16, s20, $0xb8;
	v63 =	vld [tilespmem:$0x0]  }
0x2b2: {  	_ =	swait.ge [sflag:s7], $0x1400  }
0x2b3: {  	p0 =	seq.s32 s24, $0x18;
	[sflag:s7] =	ssyncset.done $0x0  }
0x2b4: {  	s2 =	simm.s32 @p0 $0x5;
	[sflag:s7] =	ssyncadd.s32 $0xFFFFEC00  }
0x2b5: {  	_ =	swait.ge @p0 [sflag:s2], $0x1400  }
0x2b6: {  	[sflag:s2] =	ssyncset.done @p0 $0x0  }
0x2b7: {  	[sflag:s2] =	ssyncadd.s32 @p0 $0xFFFFEC00  }
0x2b8: {  	_ =	swait.ge @p0 [sflag:s2], $0x1400  }
0x2b9: {  	[sflag:s2] =	ssyncset.done @p0 $0x0  }
0x2ba: {  	[sflag:s2] =	ssyncadd.s32 @p0 $0xFFFFEC00  }
0x2bb: {  	s4 =	smul.u32 @!p0 $0x50, s24;
	_ =	swait.ge @p0 [sflag:s2], $0x1400  }
0x2bc: {  	s8 =	rddreg [dreg:$0x1f];
	[sflag:s2] =	ssyncset.done @p0 $0x0  }
0x2bd: {  	s4 =	sadd.s32 @!p0 s4, s8;
	[sflag:s2] =	ssyncadd.s32 @p0 $0xFFFFEC00  }
0x2be: {  	s4 =	sshrl.u32 @!p0 s4, $0x3;
	s2 =	rddreg [dreg:$0x7]  }
0x2bf: {  	s8 =	simm.s32 @!p0 $0x0;
	s2 =	sadd.s32 @!p0 s2, s4  }
0x2c0: {  	[tilespmem:s8], [sflag:$0x7] =	stream.linear.gather @!p0 [hbm4b:s2+s8], $0x28, $0x38;
	v63 =	vld [tilespmem:$0x0]  }
0x2c1: {  	s2 =	sld [smem:$0x7EB];
	_ =	sdelay $0x2  }
0x2c2: {  	s14 =	simm.s32 @!p0 $0x80;
	s2 =	sadd.s32 @!p0 s2, s4  }
0x2c3: {  	[tilespmem:s14], [sflag:$0x7] =	stream.linear.gather @!p0 [hbm4b:s2+s8], $0x28, $0x38;
	v63 =	vld [tilespmem:$0x0]  }
0x2c4: {  	s2 =	sadd.s32 @!p0 s13, s4;
	s4 =	simm.s32 @!p0 $0x200  }
0x2c5: {  	[tilespmem:s4], [sflag:$0x7] =	stream.linear.gather @!p0 [hbm4b:s2+s8], $0x28, $0x38;
	v63 =	vld [tilespmem:$0x0]  }
0x2c6: {  	s2 =	simm.s32 @!p0 $0x7  }
0x2c7: {  	_ =	swait.ge @!p0 [sflag:s2], $0x28  }
0x2c8: {  	[sflag:s2] =	ssyncset.done @!p0 $0x0  }
0x2c9: {  	[sflag:s2] =	ssyncadd.s32 @!p0 $0xFFFFFFD8  }
0x2ca: {  	_ =	swait.ge @!p0 [sflag:s2], $0x28  }
0x2cb: {  	[sflag:s2] =	ssyncset.done @!p0 $0x0  }
0x2cc: {  	[sflag:s2] =	ssyncadd.s32 @!p0 $0xFFFFFFD8  }
0x2cd: {  	_ =	swait.ge @!p0 [sflag:s2], $0x28  }
0x2ce: {  	[sflag:s2] =	ssyncset.done @!p0 $0x0  }
0x2cf: {  	s15 =	simm.s32 @!p0 $0x180;
	[sflag:s2] =	ssyncadd.s32 @!p0 $0xFFFFFFD8;
	s2 =	simm.s32 @!p0 $0x28  }
0x2d0: {  	[tilespmem:s15], [sflag:$0x1] =	stream.indirect.gather @!p0 [hbm4b:s3+s2], $0x1, s8, s2, $0xb8;
	v63 =	vld [tilespmem:$0x0]  }
0x2d1: {  	s15 =	simm.s32 @!p0 $0x100  }
0x2d2: {  	[tilespmem:s15], [sflag:$0x1] =	stream.indirect.gather @!p0 [hbm4b:s5+s2], $0x1, s8, s2, $0xb8;
	v63 =	vld [tilespmem:$0x0]  }
0x2d3: {  	s8 =	simm.s32 @!p0 $0x5  }
0x2d4: {  	_ =	swait.ge @!p0 [sflag:s8], $0x1400  }
0x2d5: {  	[sflag:s8] =	ssyncset.done @!p0 $0x0  }
0x2d6: {  	[sflag:s8] =	ssyncadd.s32 @!p0 $0xFFFFEC00  }
0x2d7: {  	_ =	swait.ge @!p0 [sflag:s8], $0x1400  }
0x2d8: {  	[sflag:s8] =	ssyncset.done @!p0 $0x0  }
0x2d9: {  	[sflag:s8] =	ssyncadd.s32 @!p0 $0xFFFFEC00  }
0x2da: {  	_ =	swait.ge @!p0 [sflag:s8], $0x1400  }
0x2db: {  	[sflag:s8] =	ssyncset.done @!p0 $0x0  }
0x2dc: {  	[sflag:s8] =	ssyncadd.s32 @!p0 $0xFFFFEC00;
	s8 =	simm.s32 @!p0 $0x1  }
0x2dd: {  	_ =	swait.ge @!p0 [sflag:s8], $0x28  }
0x2de: {  	[sflag:s8] =	ssyncset.done @!p0 $0x0  }
0x2df: {  	[sflag:s8] =	ssyncadd.s32 @!p0 $0xFFFFFFD8  }
0x2e0: {  	_ =	swait.ge @!p0 [sflag:s8], $0x28  }
0x2e1: {  	[sflag:s8] =	ssyncset.done @!p0 $0x0  }
0x2e2: {  	[sflag:s8] =	ssyncadd.s32 @!p0 $0xFFFFFFD8;
	s8 =	simm.s32 @!p0 $0xC00  }
0x2e3: {  	[tilespmem:s8], [sflag:$0x4] =	stream.indirect.gather @!p0 [hbm4b:s0+s2], $0x80, s4, s2, $0xb8;
	v63 =	vld [tilespmem:$0x0]  }
0x2e4: {  	s4 =	simm.s32 @!p0 $0x2000  }
0x2e5: {  	[tilespmem:s4], [sflag:$0x4] =	stream.indirect.gather @!p0 [hbm4b:s1+s2], $0x80, s14, s2, $0xb8;
	v63 =	vld [tilespmem:$0x0]  }
0x2e6: {  	s4 =	simm.s32 @!p0 $0x3400;
	s14 =	simm.s32 $0x0  }
0x2e7: {  	[tilespmem:s4], [sflag:$0x4] =	stream.indirect.gather @!p0 [hbm4b:s11+s2], $0x80, s15, s2, $0xb8;
	v63 =	vld [tilespmem:$0x0]  }
0x2e8: {  	v4 =	vld [tilespmem:s14+$0x7000]  }
0x2e9: {  	v3 =	vld [tilespmem:s14+$0x7010]  }
0x2ea: {  	v2 =	vld [tilespmem:s14+$0x7020]  }
0x2eb: {  	v1 =	vld [tilespmem:s14+$0x7030]  }
0x2ec: {  	v11 =	vld [tilespmem:s14+$0x5C00]  }
0x2ed: {  	v16 =	vld [tilespmem:s14+$0x5C10]  }
0x2ee: {  	v10 =	vld [tilespmem:s14+$0x5C20]  }
0x2ef: {  	v9 =	vld [tilespmem:s14+$0x5C30]  }
0x2f0: {  	v8 =	vld [tilespmem:s14+$0x5C40]  }
0x2f1: {  	v7 =	vld [tilespmem:s14+$0x5C50]  }
0x2f2: {  	v6 =	vld [tilespmem:s14+$0x5C60]  }
0x2f3: {  	v5 =	vld [tilespmem:s14+$0x5C70]  }
0x2f4: {  	v17 =	vld [tilespmem:s14+$0x4800]  }
0x2f5: {  	v18 =	vld [tilespmem:s14+$0x4810]  }
0x2f6: {  	v15 =	vld [tilespmem:s14+$0x4820]  }
0x2f7: {  	v14 =	vld [tilespmem:s14+$0x4830]  }
0x2f8: {  	v13 =	vld [tilespmem:s14+$0x4840]  }
0x2f9: {  	v12 =	vld [tilespmem:s14+$0x4850];
	v17 =	vmul.f32 v11, v17  }
0x2fa: {  	s15 =	simm.s32 $0x200;
	v16 =	vmul.f32 v16, v18;
	v11 =	vld [tilespmem:s14+$0x4860]  }
.LBB2_18:
0x2fb: {  	p1 =	sne.s32 s15, $0x4E00;
	v17 =	vsub.f32 $0.0e+00, v17;
	v10 =	vmul.f32 v10, v15;
	v15 =	vld [tilespmem:s14+$0x4870]  }
0x2fc: {  	v16 =	vsub.f32 $0.0e+00, v16;
	v9 =	vmul.f32 v9, v14;
	v14 =	vld [tilespmem:s14+$0x7040]  }
0x2fd: {  	v4 =	vmul.f32 v17, v4;
	v10 =	vsub.f32 $0.0e+00, v10;
	v8 =	vmul.f32 v8, v13;
	v13 =	vld [tilespmem:s14+$0x7050]  }
0x2fe: {  	v3 =	vmul.f32 v16, v3;
	v9 =	vsub.f32 $0.0e+00, v9;
	v7 =	vmul.f32 v7, v12;
	v12 =	vld [tilespmem:s14+$0x7060]  }
0x2ff: {  	s2 =	sshra.s32 s15, $0x2;
	[tilespmem:s14+$0x4800] =	vst v4;
	v2 =	vmul.f32 v10, v2;
	v8 =	vsub.f32 $0.0e+00, v8;
	v6 =	vmul.f32 v6, v11;
	v10 =	vld [tilespmem:s14+$0x7070]  }
0x300: {  	v4 =	vld [tilespmem:s2+$0x7000];
	[tilespmem:s14+$0x4810] =	vst v3;
	v1 =	vmul.f32 v9, v1;
	v7 =	vsub.f32 $0.0e+00, v7;
	v5 =	vmul.f32 v5, v15  }
0x301: {  	v3 =	vld [tilespmem:s2+$0x7010];
	[tilespmem:s14+$0x4820] =	vst v2;
	v8 =	vmul.f32 v8, v14;
	v6 =	vsub.f32 $0.0e+00, v6  }
0x302: {  	v2 =	vld [tilespmem:s2+$0x7020];
	[tilespmem:s14+$0x4830] =	vst v1;
	v7 =	vmul.f32 v7, v13;
	v5 =	vsub.f32 $0.0e+00, v5  }
0x303: {  	v1 =	vld [tilespmem:s2+$0x7030];
	[tilespmem:s14+$0x4840] =	vst v8;
	v6 =	vmul.f32 v6, v12  }
0x304: {  	v11 =	vld [tilespmem:s2+$0x5C00];
	[tilespmem:s14+$0x4850] =	vst v7;
	v5 =	vmul.f32 v5, v10  }
0x305: {  	v16 =	vld [tilespmem:s2+$0x5C10];
	[tilespmem:s14+$0x4860] =	vst v6  }
0x306: {  	v10 =	vld [tilespmem:s2+$0x5C20];
	[tilespmem:s14+$0x4870] =	vst v5;
	s14 =	smov.u32 s2  }
0x307: {  	v9 =	vld [tilespmem:s14+$0x5C30]  }
0x308: {  	v8 =	vld [tilespmem:s14+$0x5C40]  }
0x309: {  	v7 =	vld [tilespmem:s14+$0x5C50]  }
0x30a: {  	v6 =	vld [tilespmem:s14+$0x5C60]  }
0x30b: {  	v5 =	vld [tilespmem:s14+$0x5C70]  }
0x30c: {  	v12 =	vld [tilespmem:s14+$0x4800]  }
0x30d: {  	v18 =	vld [tilespmem:s14+$0x4810]  }
.Ltmp8:
0x30e: {  	v15 =	vld [tilespmem:s14+$0x4820];
	(pc) =	sbr.rel @p1 .LBB2_18-.Ltmp8, $4  }
0x30f: {  	v14 =	vld [tilespmem:s14+$0x4830]  }
0x310: {  	v13 =	vld [tilespmem:s14+$0x4840]  }
0x311: {  	v17 =	vmul.f32 v11, v12;
	v12 =	vld [tilespmem:s14+$0x4850]  }
0x312: {  	s15 =	sadd.s32 $0x200, s15;
	v16 =	vmul.f32 v16, v18;
	v11 =	vld [tilespmem:s14+$0x4860]  }
0x313: {  	v17 =	vsub.f32 $0.0e+00, v17;
	v18 =	vld [tilespmem:s14+$0x4870];
	v10 =	vmul.f32 v10, v15  }
0x314: {  	v56 =	vld [tilespmem:s14+$0x7040];
	v9 =	vmul.f32 v9, v14;
	v57 =	vsub.f32 $0.0e+00, v16  }
0x315: {  	v58 =	vld [tilespmem:s14+$0x7050];
	v4 =	vmul.f32 v17, v4;
	v10 =	vsub.f32 $0.0e+00, v10;
	v8 =	vmul.f32 v8, v13  }
0x316: {  	v59 =	vld [tilespmem:s14+$0x7060];
	v3 =	vmul.f32 v57, v3;
	v9 =	vsub.f32 $0.0e+00, v9;
	v7 =	vmul.f32 v7, v12  }
0x317: {  	v61 =	vld [tilespmem:s14+$0x7070];
	[tilespmem:s14+$0x4800] =	vst v4;
	v2 =	vmul.f32 v10, v2;
	v60 =	vsub.f32 $0.0e+00, v8;
	v6 =	vmul.f32 v6, v11  }
0x318: {  	[tilespmem:s14+$0x4810] =	vst v3;
	v1 =	vmul.f32 v9, v1;
	v3 =	vsub.f32 $0.0e+00, v7;
	v5 =	vmul.f32 v5, v18  }
0x319: {  	[tilespmem:s14+$0x4820] =	vst v2;
	v2 =	vmul.f32 v60, v56;
	v62 =	vsub.f32 $0.0e+00, v6  }
0x31a: {  	[tilespmem:s14+$0x4830] =	vst v1;
	v1 =	vmul.f32 v3, v58;
	v3 =	vsub.f32 $0.0e+00, v5  }
0x31b: {  	[tilespmem:s14+$0x4840] =	vst v2;
	v2 =	vmul.f32 v62, v59  }
0x31c: {  	[tilespmem:s14+$0x4850] =	vst v1;
	v1 =	vmul.f32 v3, v61  }
0x31d: {  	[tilespmem:s14+$0x4860] =	vst v2  }
.Ltmp9:
0x31e: {  	s2 =	simm.s32 $0x580;
	s4 =	simm.s32 $0x4800;
	[tilespmem:s14+$0x4870] =	vst v1;
	(pc) =	sbr.rel @p0 .LBB2_21-.Ltmp9, $4  }
0x31f: {  	[spmem:s9] =	stream.indirect.scatter.add.f32 [tilespmem:s4], [sflag:$0x9], $0x80, s2, s20, $0xb8;
	v63 =	vld [tilespmem:$0x0]  }
0x320: {  	_ =	swait.ge [sflag:s7], $0x1400  }
0x321: {  	[sflag:s7] =	ssyncset.done $0x0  }
0x322: {  	[sflag:s7] =	ssyncadd.s32 $0xFFFFEC00  }
0x323: {  	s4 =	sld [smem:$0x7EC]  }
0x324: {  	s2 =	smul.u32 $0x50, s24;
	_ =	sdelay $0x1  }
0x325: {  	s2 =	sadd.s32 s2, s4  }
0x326: {  	s14 =	rddreg [dreg:$0x7];
	s2 =	sshrl.u32 s2, $0x3  }
0x327: {  	s15 =	sld [smem:$0x7EB];
	s4 =	sadd.s32 s14, s2  }
0x328: {  	[tilespmem:s12], [sflag:$0x8] =	stream.linear.gather [hbm4b:s4+s10], $0x28, $0x38;
	v63 =	vld [tilespmem:$0x0]  }
.Ltmp10:
0x329: {  	_ = 	snop;
	(pc) =	sbr.rel .LBB2_15-.Ltmp10, $4  }
0x32a: {  	s4 =	sadd.s32 s15, s2  }
0x32b: {  	[tilespmem:s25], [sflag:$0x8] =	stream.linear.gather [hbm4b:s4+s10], $0x28, $0x38;
	v63 =	vld [tilespmem:$0x0]  }
0x32c: {  	s8 =	simm.s32 $0x600;
	s24 =	sadd.s32 $0x1, s24;
	s2 =	sadd.s32 s13, s2  }
0x32d: {  	[tilespmem:s8], [sflag:$0x8] =	stream.linear.gather [hbm4b:s2+s10], $0x28, $0x38;
	v63 =	vld [tilespmem:$0x0]  }
.LBB2_21:
0x32e: {  	[bflag:$0x0] =	sbarrier.arrive $0xFFFF  }
0x32f: {  	s8 =	sld [smem:$0x7FD];
	_ =	sdelay $0x2  }
0x330: {  	[tilespmem:s6], [sflag:$0xA] =	stream.linear.gather [spmem:s8], $0x1400, $0x38;
	v63 =	vld [tilespmem:$0x0]  }
0x331: {  	_ =	swait.ge [sflag:s23], $0x1400  }
0x332: {  	[sflag:s23] =	ssyncset.done $0x0  }
0x333: {  	s2 =	sadd.s32 $0x0, s19;
	[sflag:s23] =	ssyncadd.s32 $0xFFFFEC00  }
0x334: {  	[hbm4b:s2+s10] =	stream.linear.scatter [tilespmem:s6], [sflag:s21], $0x1400, $0x38;
	v63 =	vld [tilespmem:$0x0]  }
0x335: {  	_ =	swait.ge [sflag:s21], $0x1400  }
0x336: {  	s14 =	smov.u32 s8;
	s2 =	simm.s32 $0x280;
	[sflag:s21] =	ssyncset.done $0x0  }
.LBB2_22:
0x337: {  	p0 =	sne.s32 s2, $0x2580;
	[sflag:s21] =	ssyncadd.s32 $0xFFFFEC00;
	s14 =	sadd.s32 $0x1400, s14  }
0x338: {  	[tilespmem:s6], [sflag:$0xA] =	stream.linear.gather [spmem:s14], $0x1400, $0x38;
	v63 =	vld [tilespmem:$0x0]  }
0x339: {  	s4 =	smov.u32 s2;
	s2 =	sadd.s32 $0x280, s2;
	_ =	swait.ge [sflag:s23], $0x1400  }
.Ltmp11:
0x33a: {  	[sflag:s23] =	ssyncset.done $0x0;
	(pc) =	sbr.rel @p0 .LBB2_22-.Ltmp11, $4  }
0x33b: {  	s4 =	sadd.s32 s4, s19;
	[sflag:s23] =	ssyncadd.s32 $0xFFFFEC00  }
0x33c: {  	[hbm4b:s4+s10] =	stream.linear.scatter [tilespmem:s6], [sflag:s21], $0x1400, $0x38;
	v63 =	vld [tilespmem:$0x0]  }
0x33d: {  	_ =	swait.ge [sflag:s21], $0x1400  }
0x33e: {  	[sflag:s21] =	ssyncset.done $0x0  }
0x33f: {  	s4 =	sld [smem:$0x7EA]  }
0x340: {  	s2 =	sld [smem:$0x7ED];
	_ =	sdelay $0x1  }
0x341: {  	s4 =	sadd.s32 $0x1, s4  }
0x342: {  	p0 =	sne.s32 s4, s2  }
.Ltmp12:
0x343: {  	_ = 	snop;
	(pc) =	sbr.rel @p0 .LBB2_1-.Ltmp12, $2  }
0x344: {  	_ =	sdelay $0x2  }
0x345: {  	[sflag:s21] =	ssyncadd.s32 $0xFFFFEC00  }
0x346: {  	_ =	sfence.sel $0x180000  }
0x347: {  	[bflag:$0x0] =	sbarrier.arrive $0xFFFF  }
0x348: {  	_ =	strace $0x90000047  }
0x349: {  	s0 =	stileid.u32;
	[bflag:$0x2] =	sbarrier.arrive $0xFFFF  }
0x34a: {  	p0 =	sne.s32 s0, $0x0;
	s0 =	rddreg [dreg:$0x9]  }
0x34b: {  	s0 =	sadd.s32 @!p0 $0x100000, s0  }
0x34c: {  	[sflag:s0] =	ssyncadd.tile.s32 @!p0 $0x1;
	_ =	shalt  }
.Lfunc_end2:
_tile_overlayer_lowered:
.L_overlay_start_2:
0x34d: {  	(tag) =	ssettag $0x2  }
0x34e: {  	s0 =	rddreg [dreg:$0x0];
	s2 =	stileid.u32  }
0x34f: {  	s1 =	rddreg [dreg:$0x1];
	p0 =	sne.s32 s2, $0x0  }
0x350: {  	s3 =	rddreg [dreg:$0x2];
	[bflag:$0x3] =	sbarrier.arrive $0xFFFF;
	s2 =	simm.s32 @!p0 $0x1C09  }
0x351: {  	[timem:s3], [sflag:s2] =	dma.local @!p0 [hbm:s0], s1  }
0x352: {  	s0 =	simm.s32 @!p0 $0x9  }
0x353: {  	_ =	swait.ge @!p0 [sflag:s0], s1  }
0x354: {  	s1 =	ssub.s32 @!p0 $0x0, s1;
	[sflag:s0] =	ssyncset.done @!p0 $0x0  }
0x355: {  	[sflag:s0] =	ssyncadd.s32 @!p0 s1  }
0x356: {  	[bflag:$0x3] =	sbarrier.arrive $0xFFFF  }
0x357: {  	_ =	shalt  }

</sc_bundles>
